<compile_context>
chip_gen: v7x
topology: tpu7x:2x2x1
jax: 0.10.2.dev20260603
libtpu: 0.0.44.dev20260713+nightly
codegen_flags: <defaults>
</compile_context>

<pallas_src>
import functools

import jax
import jax.numpy as jnp
from jax import lax
from jax.experimental import pallas as pl
from jax.experimental.pallas import tpu as pltpu
from jax.experimental.pallas import tpu_sc as plsc

B = 16384
D = 32
NC = 2
NS = 16
NW = NC * NS
BPW = B // NW
ICHUNK = 128
NCHUNK = BPW // ICHUNK
NBUF = 16

_MESH = plsc.VectorSubcoreMesh(core_axis_name="c", subcore_axis_name="s",
                               num_cores=NC, num_subcores=NS)


def _body(uid_hbm, mid_hbm, ut_hbm, mtf_hbm, wb_hbm, out_hbm,
          uidx_v, midx_v, mrows_v, tiles_v, wb_v, out_v,
          msem, *sems):
    wid = lax.axis_index("s") * NC + lax.axis_index("c")
    base = wid * BPW

    pltpu.sync_copy(uid_hbm.at[pl.ds(wid * NCHUNK, NCHUNK), :], uidx_v)
    pltpu.sync_copy(mid_hbm.at[pl.ds(wid * NCHUNK, NCHUNK), :], midx_v)
    pltpu.sync_copy(wb_hbm, wb_v)

    w0 = wb_v[pl.ds(0, 16)]
    w1 = wb_v[pl.ds(16, 16)]
    bias = wb_v[pl.ds(32, 16)]

    d_lo = lax.iota(jnp.int32, 16)

    def load_ids(ref, g):
        return ref[g // 8, pl.ds((g % 8) * 16, 16)]

    def fire(uid, slot):
        cb = pl.multiple_of((uid >> 7) * 128, 128)
        pltpu.async_copy(ut_hbm.at[:, pl.ds(cb, 128)],
                         tiles_v.at[slot], sems[slot])

    def extract(uid, i, slot):
        lane = jnp.full((16,), uid & 127, jnp.int32)
        slot_v = jnp.full((16,), slot, jnp.int32)
        cb = pl.multiple_of((uid >> 7) * 128, 128)
        pltpu.make_async_copy(ut_hbm.at[:, pl.ds(cb, 128)],
                              tiles_v.at[slot], sems[slot]).wait()
        u0 = plsc.load_gather(tiles_v, [slot_v, d_lo, lane])
        u1 = plsc.load_gather(tiles_v, [slot_v, d_lo + 16, lane])
        m0 = mrows_v[pl.ds(i * D, 16)]
        m1 = mrows_v[pl.ds(i * D + 16, 16)]
        t = (u0 * w0) * m0 + (u1 * w1) * m1
        mrows_v[pl.ds(i * D, 16)] = plsc.cumsum(t)

    NGRP = BPW // 16
    ids0 = load_ids(uidx_v, 0)
    for k in range(NBUF):
        fire(ids0[k], k)

    def movie_group(g, _):
        mids = load_ids(midx_v, g)
        for k in range(16):
            i = g * 16 + k
            row = mids[k] * D
            pltpu.async_copy(mtf_hbm.at[pl.ds(row, D)],
                             mrows_v.at[pl.ds(i * D, D)], msem)

        @pl.when(g >= 4)
        def _():
            pltpu.make_async_copy(mtf_hbm.at[pl.ds(0, 16 * D)],
                                  mrows_v.at[pl.ds(0, 16 * D)], msem).wait()
        return 0

    lax.fori_loop(0, BPW // 16, movie_group, 0)
    pltpu.make_async_copy(mtf_hbm.at[pl.ds(0, 4 * 16 * D)],
                          mrows_v.at[pl.ds(0, 4 * 16 * D)], msem).wait()

    def step(g, _):
        ids_g = load_ids(uidx_v, g)
        for k in range(16):
            extract(ids_g[k], g * 16 + k, k)

            @pl.when(g + 1 < NGRP)
            def _():
                ids_n = load_ids(uidx_v, jnp.minimum(g + 1, NGRP - 1))
                fire(ids_n[k], k)
        return 0

    lax.fori_loop(0, NGRP, step, 0)

    lanes = lax.iota(jnp.int32, 16)

    def collect(c, _):
        g = plsc.load_gather(mrows_v, [(c * 16 + lanes) * D + 15])
        out_v[pl.ds(c * 16, 16)] = g + bias
        return 0

    lax.fori_loop(0, BPW // 16, collect, 0, unroll=4)

    pltpu.sync_copy(out_v, out_hbm.at[pl.ds(base, BPW)])


@jax.jit
def _run(user_id, movie_id, user_table_t, movie_table_f, wb):
    f = pl.kernel(
        _body,
        out_type=jax.ShapeDtypeStruct((B,), jnp.float32),
        mesh=_MESH,
        compiler_params=pltpu.CompilerParams(needs_layout_passes=False,
                                             use_tc_tiling_on_sc=True),
        scratch_types=[
            pltpu.VMEM((NCHUNK, ICHUNK), jnp.int32),
            pltpu.VMEM((NCHUNK, ICHUNK), jnp.int32),
            pltpu.VMEM((BPW * D,), jnp.float32),
            pltpu.VMEM((NBUF, 32, 128), jnp.float32),
            pltpu.VMEM((48,), jnp.float32),
            pltpu.VMEM((BPW,), jnp.float32),
            pltpu.SemaphoreType.DMA,
        ] + [pltpu.SemaphoreType.DMA] * NBUF,
    )
    return f(user_id, movie_id, user_table_t, movie_table_f, wb)


def kernel(user_id, movie_id, user_table, movie_table, dense_w, dense_b):
    wb = jnp.concatenate(
        [dense_w.reshape(D), jnp.broadcast_to(dense_b, (16,))])
    out = _run(user_id.reshape(NW * NCHUNK, ICHUNK),
               movie_id.reshape(NW * NCHUNK, ICHUNK),
               user_table.T, movie_table.reshape(-1), wb)
    return out.reshape(B, 1)

# --- scband reference (transcript-rebuilt; emitter-appended) ---
"""Pipeline reference for scband-movie-lens-model-22213570854978 (READ-ONLY COPY).

The authoritative reference and input builder live on the scoring server;
editing this copy changes nothing except your own understanding.
"""

import jax, jax.numpy as jnp
import numpy as np

NUM_USERS = 1000000
NUM_MOVIES = 100000
EMBED_DIM = 32
BATCH = 16384


def setup_inputs(seed: int = 0) -> dict:
    key = jax.random.key(seed)
    k1, k2, k3, k4, k5, k6 = jax.random.split(key, 6)
    user_id = jax.random.randint(k1, (BATCH,), 0, NUM_USERS, dtype=jnp.int32)
    movie_id = jax.random.randint(k2, (BATCH,), 0, NUM_MOVIES, dtype=jnp.int32)
    user_table = jax.random.normal(k3, (NUM_USERS, EMBED_DIM), dtype=jnp.float32) * 0.05
    movie_table = jax.random.normal(k4, (NUM_MOVIES, EMBED_DIM), dtype=jnp.float32) * 0.05
    dense_w = jax.random.normal(k5, (EMBED_DIM, 1), dtype=jnp.float32) * 0.05
    dense_b = jnp.zeros((1,), dtype=jnp.float32)
    return {
        "user_id": user_id,
        "movie_id": movie_id,
        "user_table": user_table,
        "movie_table": movie_table,
        "dense_w": dense_w,
        "dense_b": dense_b,
    }


def reference(user_id, movie_id, user_table, movie_table, dense_w, dense_b):
    # StringLookup is an identity remapping here: ids are already integer
    # indices in [0, vocab). Embedding lookup = row gather.
    user_vector = jnp.take(user_table, user_id, axis=0)    # [B, D]
    movie_vector = jnp.take(movie_table, movie_id, axis=0)  # [B, D]
    interaction = user_vector * movie_vector                 # [B, D]
    out = interaction @ dense_w + dense_b                    # [B, 1]
    return out

if __name__ == "__main__":
    import jax
    _d = setup_inputs()
    print(jax.jit(kernel)(*tuple(_d.values())))

</pallas_src>

<mosaic_0001>
#map = affine_map<(d0, d1) -> (0, 0)>
#map1 = affine_map<(d0, d1) -> (0)>
module attributes {stable_mosaic.version = 14 : i64} {
  func.func @_body(%arg0: i32, %arg1: i32, %arg2: memref<128x128xi32, #tpu.memory_space<hbm>>, %arg3: memref<128x128xi32, #tpu.memory_space<hbm>>, %arg4: memref<32x1000000xf32, #tpu.memory_space<hbm>>, %arg5: memref<3200000xf32, #tpu.memory_space<hbm>>, %arg6: memref<48xf32, #tpu.memory_space<hbm>>, %arg7: memref<16384xf32, #tpu.memory_space<hbm>>, %arg8: memref<4x128xi32, #tpu.memory_space<vmem>>, %arg9: memref<4x128xi32, #tpu.memory_space<vmem>>, %arg10: memref<16384xf32, #tpu.memory_space<vmem>>, %arg11: memref<16x32x128xf32, #tpu.memory_space<vmem>>, %arg12: memref<48xf32, #tpu.memory_space<vmem>>, %arg13: memref<512xf32, #tpu.memory_space<vmem>>, %arg14: memref<!tpu.dma_semaphore, #tpu.memory_space<semaphore_mem>>, %arg15: memref<!tpu.dma_semaphore, #tpu.memory_space<semaphore_mem>>, %arg16: memref<!tpu.dma_semaphore, #tpu.memory_space<semaphore_mem>>, %arg17: memref<!tpu.dma_semaphore, #tpu.memory_space<semaphore_mem>>, %arg18: memref<!tpu.dma_semaphore, #tpu.memory_space<semaphore_mem>>, %arg19: memref<!tpu.dma_semaphore, #tpu.memory_space<semaphore_mem>>, %arg20: memref<!tpu.dma_semaphore, #tpu.memory_space<semaphore_mem>>, %arg21: memref<!tpu.dma_semaphore, #tpu.memory_space<semaphore_mem>>, %arg22: memref<!tpu.dma_semaphore, #tpu.memory_space<semaphore_mem>>, %arg23: memref<!tpu.dma_semaphore, #tpu.memory_space<semaphore_mem>>, %arg24: memref<!tpu.dma_semaphore, #tpu.memory_space<semaphore_mem>>, %arg25: memref<!tpu.dma_semaphore, #tpu.memory_space<semaphore_mem>>, %arg26: memref<!tpu.dma_semaphore, #tpu.memory_space<semaphore_mem>>, %arg27: memref<!tpu.dma_semaphore, #tpu.memory_space<semaphore_mem>>, %arg28: memref<!tpu.dma_semaphore, #tpu.memory_space<semaphore_mem>>, %arg29: memref<!tpu.dma_semaphore, #tpu.memory_space<semaphore_mem>>, %arg30: memref<!tpu.dma_semaphore, #tpu.memory_space<semaphore_mem>>) attributes {dimension_semantics = [#tpu.dimension_semantics<core_parallel>, #tpu.dimension_semantics<subcore_parallel>], iteration_bounds = array<i64: 2, 16>, scalar_prefetch = 0 : i64, scratch_operands = 23 : i64, tpu.core_type = #tpu.core_type<sc_vector_subcore>, window_params = [{transform_indices = #map}, {transform_indices = #map}, {transform_indices = #map}, {transform_indices = #map1}, {transform_indices = #map1}, {transform_indices = #map1}]} {
    %mul3A = arith.constant 2 : i32
    %mul3A_0 = arith.muli %arg1, %mul3A : i32
    %add3A = arith.addi %mul3A_0, %arg0 : i32
    %mul3A_1 = arith.constant 512 : i32
    %mul3A_2 = arith.muli %add3A, %mul3A_1 : i32
    %mul3A_3 = arith.constant 4 : i32
    %mul3A_4 = arith.muli %add3A, %mul3A_3 : i32
    "tpu.region"() ({
      %run_scoped3A = tpu.sem_alloc : memref<!tpu.dma_semaphore, #tpu.memory_space<semaphore_mem>>
      %dma_start3A_359 = arith.constant 0 : i32
      %dma_start3A_360 = tpu.memref_slice %arg2[%mul3A_4, %dma_start3A_359] : memref<128x128xi32, #tpu.memory_space<hbm>> -> memref<4x128xi32, #tpu.memory_space<hbm>>
      %dma_start3A_361 = arith.constant 0 : i32
      %dma_start3A_362 = tpu.memref_slice %arg2[%mul3A_4, %dma_start3A_361] : memref<128x128xi32, #tpu.memory_space<hbm>> -> memref<4x128xi32, #tpu.memory_space<hbm>>
      tpu.enqueue_dma source(%dma_start3A_362 : memref<4x128xi32, #tpu.memory_space<hbm>>) target(%arg8 : memref<4x128xi32, #tpu.memory_space<vmem>>) target_semaphore(%run_scoped3A : memref<!tpu.dma_semaphore, #tpu.memory_space<semaphore_mem>>)
      %dma_wait3A_363 = arith.constant 0 : i32
      %dma_wait3A_364 = tpu.memref_slice %arg2[%mul3A_4, %dma_wait3A_363] : memref<128x128xi32, #tpu.memory_space<hbm>> -> memref<4x128xi32, #tpu.memory_space<hbm>>
      %dma_wait3A_365 = arith.constant 0 : i32
      %dma_wait3A_366 = tpu.memref_slice %arg2[%mul3A_4, %dma_wait3A_365] : memref<128x128xi32, #tpu.memory_space<hbm>> -> memref<4x128xi32, #tpu.memory_space<hbm>>
      tpu.wait_dma2 semaphore(%run_scoped3A : memref<!tpu.dma_semaphore, #tpu.memory_space<semaphore_mem>>) src(%dma_wait3A_366 : memref<4x128xi32, #tpu.memory_space<hbm>>) dst(%arg8 : memref<4x128xi32, #tpu.memory_space<vmem>>)
      tpu.yield
    }) : () -> ()
    %mul3A_5 = arith.constant 4 : i32
    %mul3A_6 = arith.muli %add3A, %mul3A_5 : i32
    "tpu.region"() ({
      %run_scoped3A = tpu.sem_alloc : memref<!tpu.dma_semaphore, #tpu.memory_space<semaphore_mem>>
      %dma_start3A_359 = arith.constant 0 : i32
      %dma_start3A_360 = tpu.memref_slice %arg3[%mul3A_6, %dma_start3A_359] : memref<128x128xi32, #tpu.memory_space<hbm>> -> memref<4x128xi32, #tpu.memory_space<hbm>>
      %dma_start3A_361 = arith.constant 0 : i32
      %dma_start3A_362 = tpu.memref_slice %arg3[%mul3A_6, %dma_start3A_361] : memref<128x128xi32, #tpu.memory_space<hbm>> -> memref<4x128xi32, #tpu.memory_space<hbm>>
      tpu.enqueue_dma source(%dma_start3A_362 : memref<4x128xi32, #tpu.memory_space<hbm>>) target(%arg9 : memref<4x128xi32, #tpu.memory_space<vmem>>) target_semaphore(%run_scoped3A : memref<!tpu.dma_semaphore, #tpu.memory_space<semaphore_mem>>)
      %dma_wait3A_363 = arith.constant 0 : i32
      %dma_wait3A_364 = tpu.memref_slice %arg3[%mul3A_6, %dma_wait3A_363] : memref<128x128xi32, #tpu.memory_space<hbm>> -> memref<4x128xi32, #tpu.memory_space<hbm>>
      %dma_wait3A_365 = arith.constant 0 : i32
      %dma_wait3A_366 = tpu.memref_slice %arg3[%mul3A_6, %dma_wait3A_365] : memref<128x128xi32, #tpu.memory_space<hbm>> -> memref<4x128xi32, #tpu.memory_space<hbm>>
      tpu.wait_dma2 semaphore(%run_scoped3A : memref<!tpu.dma_semaphore, #tpu.memory_space<semaphore_mem>>) src(%dma_wait3A_366 : memref<4x128xi32, #tpu.memory_space<hbm>>) dst(%arg9 : memref<4x128xi32, #tpu.memory_space<vmem>>)
      tpu.yield
    }) : () -> ()
    "tpu.region"() ({
      %run_scoped3A = tpu.sem_alloc : memref<!tpu.dma_semaphore, #tpu.memory_space<semaphore_mem>>
      tpu.enqueue_dma source(%arg6 : memref<48xf32, #tpu.memory_space<hbm>>) target(%arg12 : memref<48xf32, #tpu.memory_space<vmem>>) target_semaphore(%run_scoped3A : memref<!tpu.dma_semaphore, #tpu.memory_space<semaphore_mem>>)
      tpu.wait_dma2 semaphore(%run_scoped3A : memref<!tpu.dma_semaphore, #tpu.memory_space<semaphore_mem>>) src(%arg6 : memref<48xf32, #tpu.memory_space<hbm>>) dst(%arg12 : memref<48xf32, #tpu.memory_space<vmem>>)
      tpu.yield
    }) : () -> ()
    %get3A = arith.constant 0 : index
    %get3A_7 = tpu.vector_load %arg12[%get3A] {strides = array<i32>} : memref<48xf32, #tpu.memory_space<vmem>>, vector<16xf32>,
    %get3A_8 = arith.constant 16 : index
    %get3A_9 = tpu.vector_load %arg12[%get3A_8] {strides = array<i32>} : memref<48xf32, #tpu.memory_space<vmem>>, vector<16xf32>,
    %get3A_10 = arith.constant 32 : index
    %get3A_11 = tpu.vector_load %arg12[%get3A_10] {strides = array<i32>} : memref<48xf32, #tpu.memory_space<vmem>>, vector<16xf32>,
    %iota3A = tpu.iota {dimensions = array<i32: 0>} : vector<16xi32>
    %get3A_12 = arith.constant 0 : i32
    %get3A_13 = arith.index_cast %get3A_12 : i32 to index
    %get3A_14 = arith.constant 0 : index
    %get3A_15 = tpu.vector_load %arg8[%get3A_13, %get3A_14] {strides = array<i32>} : memref<4x128xi32, #tpu.memory_space<vmem>>, vector<16xi32>,
    %slice3A = vector.extract_strided_slice %get3A_15 {offsets = [0], sizes = [1], strides = [1]} : vector<16xi32> to vector<1xi32>
    %squeeze3A = vector.extract %slice3A[0] : i32 from vector<1xi32>
    %shift_right_arithmetic3A = arith.constant 7 : i32
    %shift_right_arithmetic3A_16 = arith.shrsi %squeeze3A, %shift_right_arithmetic3A : i32
    %mul3A_17 = arith.constant 128 : i32
    %mul3A_18 = arith.muli %shift_right_arithmetic3A_16, %mul3A_17 : i32
    %multiple_of3A = tpu.assume_multiple %mul3A_18, 128 : i32
    %dma_start3A = arith.constant 0 : i32
    %dma_start3A_19 = arith.constant 0 : i32
    %dma_start3A_20 = arith.constant 0 : i32
    %dma_start3A_21 = tpu.memref_slice %arg11[%dma_start3A, %dma_start3A_19, %dma_start3A_20] : memref<16x32x128xf32, #tpu.memory_space<vmem>> -> memref<1x32x128xf32, #tpu.memory_space<vmem>>
    %dma_start3A_22 = tpu.memref_squeeze %dma_start3A_21 : memref<1x32x128xf32, #tpu.memory_space<vmem>> -> memref<32x128xf32, #tpu.memory_space<vmem>>
    %dma_start3A_23 = arith.constant 0 : i32
    %dma_start3A_24 = tpu.memref_slice %arg4[%dma_start3A_23, %multiple_of3A] : memref<32x1000000xf32, #tpu.memory_space<hbm>> -> memref<32x128xf32, #tpu.memory_space<hbm>>
    %dma_start3A_25 = arith.constant 0 : i32
    %dma_start3A_26 = arith.constant 0 : i32
    %dma_start3A_27 = tpu.memref_slice %arg11[%dma_start3A, %dma_start3A_25, %dma_start3A_26] : memref<16x32x128xf32, #tpu.memory_space<vmem>> -> memref<1x32x128xf32, #tpu.memory_space<vmem>>
    %dma_start3A_28 = tpu.memref_squeeze %dma_start3A_27 : memref<1x32x128xf32, #tpu.memory_space<vmem>> -> memref<32x128xf32, #tpu.memory_space<vmem>>
    %dma_start3A_29 = arith.constant 0 : i32
    %dma_start3A_30 = tpu.memref_slice %arg4[%dma_start3A_29, %multiple_of3A] : memref<32x1000000xf32, #tpu.memory_space<hbm>> -> memref<32x128xf32, #tpu.memory_space<hbm>>
    tpu.enqueue_dma source(%dma_start3A_30 : memref<32x128xf32, #tpu.memory_space<hbm>>) target(%dma_start3A_28 : memref<32x128xf32, #tpu.memory_space<vmem>>) target_semaphore(%arg15 : memref<!tpu.dma_semaphore, #tpu.memory_space<semaphore_mem>>)
    %slice3A_31 = vector.extract_strided_slice %get3A_15 {offsets = [1], sizes = [1], strides = [1]} : vector<16xi32> to vector<1xi32>
    %squeeze3A_32 = vector.extract %slice3A_31[0] : i32 from vector<1xi32>
    %shift_right_arithmetic3A_33 = arith.constant 7 : i32
    %shift_right_arithmetic3A_34 = arith.shrsi %squeeze3A_32, %shift_right_arithmetic3A_33 : i32
    %mul3A_35 = arith.constant 128 : i32
    %mul3A_36 = arith.muli %shift_right_arithmetic3A_34, %mul3A_35 : i32
    %multiple_of3A_37 = tpu.assume_multiple %mul3A_36, 128 : i32
    %dma_start3A_38 = arith.constant 1 : i32
    %dma_start3A_39 = arith.constant 0 : i32
    %dma_start3A_40 = arith.constant 0 : i32
    %dma_start3A_41 = tpu.memref_slice %arg11[%dma_start3A_38, %dma_start3A_39, %dma_start3A_40] : memref<16x32x128xf32, #tpu.memory_space<vmem>> -> memref<1x32x128xf32, #tpu.memory_space<vmem>>
    %dma_start3A_42 = tpu.memref_squeeze %dma_start3A_41 : memref<1x32x128xf32, #tpu.memory_space<vmem>> -> memref<32x128xf32, #tpu.memory_space<vmem>>
    %dma_start3A_43 = arith.constant 0 : i32
    %dma_start3A_44 = tpu.memref_slice %arg4[%dma_start3A_43, %multiple_of3A_37] : memref<32x1000000xf32, #tpu.memory_space<hbm>> -> memref<32x128xf32, #tpu.memory_space<hbm>>
    %dma_start3A_45 = arith.constant 0 : i32
    %dma_start3A_46 = arith.constant 0 : i32
    %dma_start3A_47 = tpu.memref_slice %arg11[%dma_start3A_38, %dma_start3A_45, %dma_start3A_46] : memref<16x32x128xf32, #tpu.memory_space<vmem>> -> memref<1x32x128xf32, #tpu.memory_space<vmem>>
    %dma_start3A_48 = tpu.memref_squeeze %dma_start3A_47 : memref<1x32x128xf32, #tpu.memory_space<vmem>> -> memref<32x128xf32, #tpu.memory_space<vmem>>
    %dma_start3A_49 = arith.constant 0 : i32
    %dma_start3A_50 = tpu.memref_slice %arg4[%dma_start3A_49, %multiple_of3A_37] : memref<32x1000000xf32, #tpu.memory_space<hbm>> -> memref<32x128xf32, #tpu.memory_space<hbm>>
    tpu.enqueue_dma source(%dma_start3A_50 : memref<32x128xf32, #tpu.memory_space<hbm>>) target(%dma_start3A_48 : memref<32x128xf32, #tpu.memory_space<vmem>>) target_semaphore(%arg16 : memref<!tpu.dma_semaphore, #tpu.memory_space<semaphore_mem>>)
    %slice3A_51 = vector.extract_strided_slice %get3A_15 {offsets = [2], sizes = [1], strides = [1]} : vector<16xi32> to vector<1xi32>
    %squeeze3A_52 = vector.extract %slice3A_51[0] : i32 from vector<1xi32>
    %shift_right_arithmetic3A_53 = arith.constant 7 : i32
    %shift_right_arithmetic3A_54 = arith.shrsi %squeeze3A_52, %shift_right_arithmetic3A_53 : i32
    %mul3A_55 = arith.constant 128 : i32
    %mul3A_56 = arith.muli %shift_right_arithmetic3A_54, %mul3A_55 : i32
    %multiple_of3A_57 = tpu.assume_multiple %mul3A_56, 128 : i32
    %dma_start3A_58 = arith.constant 2 : i32
    %dma_start3A_59 = arith.constant 0 : i32
    %dma_start3A_60 = arith.constant 0 : i32
    %dma_start3A_61 = tpu.memref_slice %arg11[%dma_start3A_58, %dma_start3A_59, %dma_start3A_60] : memref<16x32x128xf32, #tpu.memory_space<vmem>> -> memref<1x32x128xf32, #tpu.memory_space<vmem>>
    %dma_start3A_62 = tpu.memref_squeeze %dma_start3A_61 : memref<1x32x128xf32, #tpu.memory_space<vmem>> -> memref<32x128xf32, #tpu.memory_space<vmem>>
    %dma_start3A_63 = arith.constant 0 : i32
    %dma_start3A_64 = tpu.memref_slice %arg4[%dma_start3A_63, %multiple_of3A_57] : memref<32x1000000xf32, #tpu.memory_space<hbm>> -> memref<32x128xf32, #tpu.memory_space<hbm>>
    %dma_start3A_65 = arith.constant 0 : i32
    %dma_start3A_66 = arith.constant 0 : i32
    %dma_start3A_67 = tpu.memref_slice %arg11[%dma_start3A_58, %dma_start3A_65, %dma_start3A_66] : memref<16x32x128xf32, #tpu.memory_space<vmem>> -> memref<1x32x128xf32, #tpu.memory_space<vmem>>
    %dma_start3A_68 = tpu.memref_squeeze %dma_start3A_67 : memref<1x32x128xf32, #tpu.memory_space<vmem>> -> memref<32x128xf32, #tpu.memory_space<vmem>>
    %dma_start3A_69 = arith.constant 0 : i32
    %dma_start3A_70 = tpu.memref_slice %arg4[%dma_start3A_69, %multiple_of3A_57] : memref<32x1000000xf32, #tpu.memory_space<hbm>> -> memref<32x128xf32, #tpu.memory_space<hbm>>
    tpu.enqueue_dma source(%dma_start3A_70 : memref<32x128xf32, #tpu.memory_space<hbm>>) target(%dma_start3A_68 : memref<32x128xf32, #tpu.memory_space<vmem>>) target_semaphore(%arg17 : memref<!tpu.dma_semaphore, #tpu.memory_space<semaphore_mem>>)
    %slice3A_71 = vector.extract_strided_slice %get3A_15 {offsets = [3], sizes = [1], strides = [1]} : vector<16xi32> to vector<1xi32>
    %squeeze3A_72 = vector.extract %slice3A_71[0] : i32 from vector<1xi32>
    %shift_right_arithmetic3A_73 = arith.constant 7 : i32
    %shift_right_arithmetic3A_74 = arith.shrsi %squeeze3A_72, %shift_right_arithmetic3A_73 : i32
    %mul3A_75 = arith.constant 128 : i32
    %mul3A_76 = arith.muli %shift_right_arithmetic3A_74, %mul3A_75 : i32
    %multiple_of3A_77 = tpu.assume_multiple %mul3A_76, 128 : i32
    %dma_start3A_78 = arith.constant 3 : i32
    %dma_start3A_79 = arith.constant 0 : i32
    %dma_start3A_80 = arith.constant 0 : i32
    %dma_start3A_81 = tpu.memref_slice %arg11[%dma_start3A_78, %dma_start3A_79, %dma_start3A_80] : memref<16x32x128xf32, #tpu.memory_space<vmem>> -> memref<1x32x128xf32, #tpu.memory_space<vmem>>
    %dma_start3A_82 = tpu.memref_squeeze %dma_start3A_81 : memref<1x32x128xf32, #tpu.memory_space<vmem>> -> memref<32x128xf32, #tpu.memory_space<vmem>>
    %dma_start3A_83 = arith.constant 0 : i32
    %dma_start3A_84 = tpu.memref_slice %arg4[%dma_start3A_83, %multiple_of3A_77] : memref<32x1000000xf32, #tpu.memory_space<hbm>> -> memref<32x128xf32, #tpu.memory_space<hbm>>
    %dma_start3A_85 = arith.constant 0 : i32
    %dma_start3A_86 = arith.constant 0 : i32
    %dma_start3A_87 = tpu.memref_slice %arg11[%dma_start3A_78, %dma_start3A_85, %dma_start3A_86] : memref<16x32x128xf32, #tpu.memory_space<vmem>> -> memref<1x32x128xf32, #tpu.memory_space<vmem>>
    %dma_start3A_88 = tpu.memref_squeeze %dma_start3A_87 : memref<1x32x128xf32, #tpu.memory_space<vmem>> -> memref<32x128xf32, #tpu.memory_space<vmem>>
    %dma_start3A_89 = arith.constant 0 : i32
    %dma_start3A_90 = tpu.memref_slice %arg4[%dma_start3A_89, %multiple_of3A_77] : memref<32x1000000xf32, #tpu.memory_space<hbm>> -> memref<32x128xf32, #tpu.memory_space<hbm>>
    tpu.enqueue_dma source(%dma_start3A_90 : memref<32x128xf32, #tpu.memory_space<hbm>>) target(%dma_start3A_88 : memref<32x128xf32, #tpu.memory_space<vmem>>) target_semaphore(%arg18 : memref<!tpu.dma_semaphore, #tpu.memory_space<semaphore_mem>>)
    %slice3A_91 = vector.extract_strided_slice %get3A_15 {offsets = [4], sizes = [1], strides = [1]} : vector<16xi32> to vector<1xi32>
    %squeeze3A_92 = vector.extract %slice3A_91[0] : i32 from vector<1xi32>
    %shift_right_arithmetic3A_93 = arith.constant 7 : i32
    %shift_right_arithmetic3A_94 = arith.shrsi %squeeze3A_92, %shift_right_arithmetic3A_93 : i32
    %mul3A_95 = arith.constant 128 : i32
    %mul3A_96 = arith.muli %shift_right_arithmetic3A_94, %mul3A_95 : i32
    %multiple_of3A_97 = tpu.assume_multiple %mul3A_96, 128 : i32
    %dma_start3A_98 = arith.constant 4 : i32
    %dma_start3A_99 = arith.constant 0 : i32
    %dma_start3A_100 = arith.constant 0 : i32
    %dma_start3A_101 = tpu.memref_slice %arg11[%dma_start3A_98, %dma_start3A_99, %dma_start3A_100] : memref<16x32x128xf32, #tpu.memory_space<vmem>> -> memref<1x32x128xf32, #tpu.memory_space<vmem>>
    %dma_start3A_102 = tpu.memref_squeeze %dma_start3A_101 : memref<1x32x128xf32, #tpu.memory_space<vmem>> -> memref<32x128xf32, #tpu.memory_space<vmem>>
    %dma_start3A_103 = arith.constant 0 : i32
    %dma_start3A_104 = tpu.memref_slice %arg4[%dma_start3A_103, %multiple_of3A_97] : memref<32x1000000xf32, #tpu.memory_space<hbm>> -> memref<32x128xf32, #tpu.memory_space<hbm>>
    %dma_start3A_105 = arith.constant 0 : i32
    %dma_start3A_106 = arith.constant 0 : i32
    %dma_start3A_107 = tpu.memref_slice %arg11[%dma_start3A_98, %dma_start3A_105, %dma_start3A_106] : memref<16x32x128xf32, #tpu.memory_space<vmem>> -> memref<1x32x128xf32, #tpu.memory_space<vmem>>
    %dma_start3A_108 = tpu.memref_squeeze %dma_start3A_107 : memref<1x32x128xf32, #tpu.memory_space<vmem>> -> memref<32x128xf32, #tpu.memory_space<vmem>>
    %dma_start3A_109 = arith.constant 0 : i32
    %dma_start3A_110 = tpu.memref_slice %arg4[%dma_start3A_109, %multiple_of3A_97] : memref<32x1000000xf32, #tpu.memory_space<hbm>> -> memref<32x128xf32, #tpu.memory_space<hbm>>
    tpu.enqueue_dma source(%dma_start3A_110 : memref<32x128xf32, #tpu.memory_space<hbm>>) target(%dma_start3A_108 : memref<32x128xf32, #tpu.memory_space<vmem>>) target_semaphore(%arg19 : memref<!tpu.dma_semaphore, #tpu.memory_space<semaphore_mem>>)
    %slice3A_111 = vector.extract_strided_slice %get3A_15 {offsets = [5], sizes = [1], strides = [1]} : vector<16xi32> to vector<1xi32>
    %squeeze3A_112 = vector.extract %slice3A_111[0] : i32 from vector<1xi32>
    %shift_right_arithmetic3A_113 = arith.constant 7 : i32
    %shift_right_arithmetic3A_114 = arith.shrsi %squeeze3A_112, %shift_right_arithmetic3A_113 : i32
    %mul3A_115 = arith.constant 128 : i32
    %mul3A_116 = arith.muli %shift_right_arithmetic3A_114, %mul3A_115 : i32
    %multiple_of3A_117 = tpu.assume_multiple %mul3A_116, 128 : i32
    %dma_start3A_118 = arith.constant 5 : i32
    %dma_start3A_119 = arith.constant 0 : i32
    %dma_start3A_120 = arith.constant 0 : i32
    %dma_start3A_121 = tpu.memref_slice %arg11[%dma_start3A_118, %dma_start3A_119, %dma_start3A_120] : memref<16x32x128xf32, #tpu.memory_space<vmem>> -> memref<1x32x128xf32, #tpu.memory_space<vmem>>
    %dma_start3A_122 = tpu.memref_squeeze %dma_start3A_121 : memref<1x32x128xf32, #tpu.memory_space<vmem>> -> memref<32x128xf32, #tpu.memory_space<vmem>>
    %dma_start3A_123 = arith.constant 0 : i32
    %dma_start3A_124 = tpu.memref_slice %arg4[%dma_start3A_123, %multiple_of3A_117] : memref<32x1000000xf32, #tpu.memory_space<hbm>> -> memref<32x128xf32, #tpu.memory_space<hbm>>
    %dma_start3A_125 = arith.constant 0 : i32
    %dma_start3A_126 = arith.constant 0 : i32
    %dma_start3A_127 = tpu.memref_slice %arg11[%dma_start3A_118, %dma_start3A_125, %dma_start3A_126] : memref<16x32x128xf32, #tpu.memory_space<vmem>> -> memref<1x32x128xf32, #tpu.memory_space<vmem>>
    %dma_start3A_128 = tpu.memref_squeeze %dma_start3A_127 : memref<1x32x128xf32, #tpu.memory_space<vmem>> -> memref<32x128xf32, #tpu.memory_space<vmem>>
    %dma_start3A_129 = arith.constant 0 : i32
    %dma_start3A_130 = tpu.memref_slice %arg4[%dma_start3A_129, %multiple_of3A_117] : memref<32x1000000xf32, #tpu.memory_space<hbm>> -> memref<32x128xf32, #tpu.memory_space<hbm>>
    tpu.enqueue_dma source(%dma_start3A_130 : memref<32x128xf32, #tpu.memory_space<hbm>>) target(%dma_start3A_128 : memref<32x128xf32, #tpu.memory_space<vmem>>) target_semaphore(%arg20 : memref<!tpu.dma_semaphore, #tpu.memory_space<semaphore_mem>>)
    %slice3A_131 = vector.extract_strided_slice %get3A_15 {offsets = [6], sizes = [1], strides = [1]} : vector<16xi32> to vector<1xi32>
    %squeeze3A_132 = vector.extract %slice3A_131[0] : i32 from vector<1xi32>
    %shift_right_arithmetic3A_133 = arith.constant 7 : i32
    %shift_right_arithmetic3A_134 = arith.shrsi %squeeze3A_132, %shift_right_arithmetic3A_133 : i32
    %mul3A_135 = arith.constant 128 : i32
    %mul3A_136 = arith.muli %shift_right_arithmetic3A_134, %mul3A_135 : i32
    %multiple_of3A_137 = tpu.assume_multiple %mul3A_136, 128 : i32
    %dma_start3A_138 = arith.constant 6 : i32
    %dma_start3A_139 = arith.constant 0 : i32
    %dma_start3A_140 = arith.constant 0 : i32
    %dma_start3A_141 = tpu.memref_slice %arg11[%dma_start3A_138, %dma_start3A_139, %dma_start3A_140] : memref<16x32x128xf32, #tpu.memory_space<vmem>> -> memref<1x32x128xf32, #tpu.memory_space<vmem>>
    %dma_start3A_142 = tpu.memref_squeeze %dma_start3A_141 : memref<1x32x128xf32, #tpu.memory_space<vmem>> -> memref<32x128xf32, #tpu.memory_space<vmem>>
    %dma_start3A_143 = arith.constant 0 : i32
    %dma_start3A_144 = tpu.memref_slice %arg4[%dma_start3A_143, %multiple_of3A_137] : memref<32x1000000xf32, #tpu.memory_space<hbm>> -> memref<32x128xf32, #tpu.memory_space<hbm>>
    %dma_start3A_145 = arith.constant 0 : i32
    %dma_start3A_146 = arith.constant 0 : i32
    %dma_start3A_147 = tpu.memref_slice %arg11[%dma_start3A_138, %dma_start3A_145, %dma_start3A_146] : memref<16x32x128xf32, #tpu.memory_space<vmem>> -> memref<1x32x128xf32, #tpu.memory_space<vmem>>
    %dma_start3A_148 = tpu.memref_squeeze %dma_start3A_147 : memref<1x32x128xf32, #tpu.memory_space<vmem>> -> memref<32x128xf32, #tpu.memory_space<vmem>>
    %dma_start3A_149 = arith.constant 0 : i32
    %dma_start3A_150 = tpu.memref_slice %arg4[%dma_start3A_149, %multiple_of3A_137] : memref<32x1000000xf32, #tpu.memory_space<hbm>> -> memref<32x128xf32, #tpu.memory_space<hbm>>
    tpu.enqueue_dma source(%dma_start3A_150 : memref<32x128xf32, #tpu.memory_space<hbm>>) target(%dma_start3A_148 : memref<32x128xf32, #tpu.memory_space<vmem>>) target_semaphore(%arg21 : memref<!tpu.dma_semaphore, #tpu.memory_space<semaphore_mem>>)
    %slice3A_151 = vector.extract_strided_slice %get3A_15 {offsets = [7], sizes = [1], strides = [1]} : vector<16xi32> to vector<1xi32>
    %squeeze3A_152 = vector.extract %slice3A_151[0] : i32 from vector<1xi32>
    %shift_right_arithmetic3A_153 = arith.constant 7 : i32
    %shift_right_arithmetic3A_154 = arith.shrsi %squeeze3A_152, %shift_right_arithmetic3A_153 : i32
    %mul3A_155 = arith.constant 128 : i32
    %mul3A_156 = arith.muli %shift_right_arithmetic3A_154, %mul3A_155 : i32
    %multiple_of3A_157 = tpu.assume_multiple %mul3A_156, 128 : i32
    %dma_start3A_158 = arith.constant 7 : i32
    %dma_start3A_159 = arith.constant 0 : i32
    %dma_start3A_160 = arith.constant 0 : i32
    %dma_start3A_161 = tpu.memref_slice %arg11[%dma_start3A_158, %dma_start3A_159, %dma_start3A_160] : memref<16x32x128xf32, #tpu.memory_space<vmem>> -> memref<1x32x128xf32, #tpu.memory_space<vmem>>
    %dma_start3A_162 = tpu.memref_squeeze %dma_start3A_161 : memref<1x32x128xf32, #tpu.memory_space<vmem>> -> memref<32x128xf32, #tpu.memory_space<vmem>>
    %dma_start3A_163 = arith.constant 0 : i32
    %dma_start3A_164 = tpu.memref_slice %arg4[%dma_start3A_163, %multiple_of3A_157] : memref<32x1000000xf32, #tpu.memory_space<hbm>> -> memref<32x128xf32, #tpu.memory_space<hbm>>
    %dma_start3A_165 = arith.constant 0 : i32
    %dma_start3A_166 = arith.constant 0 : i32
    %dma_start3A_167 = tpu.memref_slice %arg11[%dma_start3A_158, %dma_start3A_165, %dma_start3A_166] : memref<16x32x128xf32, #tpu.memory_space<vmem>> -> memref<1x32x128xf32, #tpu.memory_space<vmem>>
    %dma_start3A_168 = tpu.memref_squeeze %dma_start3A_167 : memref<1x32x128xf32, #tpu.memory_space<vmem>> -> memref<32x128xf32, #tpu.memory_space<vmem>>
    %dma_start3A_169 = arith.constant 0 : i32
    %dma_start3A_170 = tpu.memref_slice %arg4[%dma_start3A_169, %multiple_of3A_157] : memref<32x1000000xf32, #tpu.memory_space<hbm>> -> memref<32x128xf32, #tpu.memory_space<hbm>>
    tpu.enqueue_dma source(%dma_start3A_170 : memref<32x128xf32, #tpu.memory_space<hbm>>) target(%dma_start3A_168 : memref<32x128xf32, #tpu.memory_space<vmem>>) target_semaphore(%arg22 : memref<!tpu.dma_semaphore, #tpu.memory_space<semaphore_mem>>)
    %slice3A_171 = vector.extract_strided_slice %get3A_15 {offsets = [8], sizes = [1], strides = [1]} : vector<16xi32> to vector<1xi32>
    %squeeze3A_172 = vector.extract %slice3A_171[0] : i32 from vector<1xi32>
    %shift_right_arithmetic3A_173 = arith.constant 7 : i32
    %shift_right_arithmetic3A_174 = arith.shrsi %squeeze3A_172, %shift_right_arithmetic3A_173 : i32
    %mul3A_175 = arith.constant 128 : i32
    %mul3A_176 = arith.muli %shift_right_arithmetic3A_174, %mul3A_175 : i32
    %multiple_of3A_177 = tpu.assume_multiple %mul3A_176, 128 : i32
    %dma_start3A_178 = arith.constant 8 : i32
    %dma_start3A_179 = arith.constant 0 : i32
    %dma_start3A_180 = arith.constant 0 : i32
    %dma_start3A_181 = tpu.memref_slice %arg11[%dma_start3A_178, %dma_start3A_179, %dma_start3A_180] : memref<16x32x128xf32, #tpu.memory_space<vmem>> -> memref<1x32x128xf32, #tpu.memory_space<vmem>>
    %dma_start3A_182 = tpu.memref_squeeze %dma_start3A_181 : memref<1x32x128xf32, #tpu.memory_space<vmem>> -> memref<32x128xf32, #tpu.memory_space<vmem>>
    %dma_start3A_183 = arith.constant 0 : i32
    %dma_start3A_184 = tpu.memref_slice %arg4[%dma_start3A_183, %multiple_of3A_177] : memref<32x1000000xf32, #tpu.memory_space<hbm>> -> memref<32x128xf32, #tpu.memory_space<hbm>>
    %dma_start3A_185 = arith.constant 0 : i32
    %dma_start3A_186 = arith.constant 0 : i32
    %dma_start3A_187 = tpu.memref_slice %arg11[%dma_start3A_178, %dma_start3A_185, %dma_start3A_186] : memref<16x32x128xf32, #tpu.memory_space<vmem>> -> memref<1x32x128xf32, #tpu.memory_space<vmem>>
    %dma_start3A_188 = tpu.memref_squeeze %dma_start3A_187 : memref<1x32x128xf32, #tpu.memory_space<vmem>> -> memref<32x128xf32, #tpu.memory_space<vmem>>
    %dma_start3A_189 = arith.constant 0 : i32
    %dma_start3A_190 = tpu.memref_slice %arg4[%dma_start3A_189, %multiple_of3A_177] : memref<32x1000000xf32, #tpu.memory_space<hbm>> -> memref<32x128xf32, #tpu.memory_space<hbm>>
    tpu.enqueue_dma source(%dma_start3A_190 : memref<32x128xf32, #tpu.memory_space<hbm>>) target(%dma_start3A_188 : memref<32x128xf32, #tpu.memory_space<vmem>>) target_semaphore(%arg23 : memref<!tpu.dma_semaphore, #tpu.memory_space<semaphore_mem>>)
    %slice3A_191 = vector.extract_strided_slice %get3A_15 {offsets = [9], sizes = [1], strides = [1]} : vector<16xi32> to vector<1xi32>
    %squeeze3A_192 = vector.extract %slice3A_191[0] : i32 from vector<1xi32>
    %shift_right_arithmetic3A_193 = arith.constant 7 : i32
    %shift_right_arithmetic3A_194 = arith.shrsi %squeeze3A_192, %shift_right_arithmetic3A_193 : i32
    %mul3A_195 = arith.constant 128 : i32
    %mul3A_196 = arith.muli %shift_right_arithmetic3A_194, %mul3A_195 : i32
    %multiple_of3A_197 = tpu.assume_multiple %mul3A_196, 128 : i32
    %dma_start3A_198 = arith.constant 9 : i32
    %dma_start3A_199 = arith.constant 0 : i32
    %dma_start3A_200 = arith.constant 0 : i32
    %dma_start3A_201 = tpu.memref_slice %arg11[%dma_start3A_198, %dma_start3A_199, %dma_start3A_200] : memref<16x32x128xf32, #tpu.memory_space<vmem>> -> memref<1x32x128xf32, #tpu.memory_space<vmem>>
    %dma_start3A_202 = tpu.memref_squeeze %dma_start3A_201 : memref<1x32x128xf32, #tpu.memory_space<vmem>> -> memref<32x128xf32, #tpu.memory_space<vmem>>
    %dma_start3A_203 = arith.constant 0 : i32
    %dma_start3A_204 = tpu.memref_slice %arg4[%dma_start3A_203, %multiple_of3A_197] : memref<32x1000000xf32, #tpu.memory_space<hbm>> -> memref<32x128xf32, #tpu.memory_space<hbm>>
    %dma_start3A_205 = arith.constant 0 : i32
    %dma_start3A_206 = arith.constant 0 : i32
    %dma_start3A_207 = tpu.memref_slice %arg11[%dma_start3A_198, %dma_start3A_205, %dma_start3A_206] : memref<16x32x128xf32, #tpu.memory_space<vmem>> -> memref<1x32x128xf32, #tpu.memory_space<vmem>>
    %dma_start3A_208 = tpu.memref_squeeze %dma_start3A_207 : memref<1x32x128xf32, #tpu.memory_space<vmem>> -> memref<32x128xf32, #tpu.memory_space<vmem>>
    %dma_start3A_209 = arith.constant 0 : i32
    %dma_start3A_210 = tpu.memref_slice %arg4[%dma_start3A_209, %multiple_of3A_197] : memref<32x1000000xf32, #tpu.memory_space<hbm>> -> memref<32x128xf32, #tpu.memory_space<hbm>>
    tpu.enqueue_dma source(%dma_start3A_210 : memref<32x128xf32, #tpu.memory_space<hbm>>) target(%dma_start3A_208 : memref<32x128xf32, #tpu.memory_space<vmem>>) target_semaphore(%arg24 : memref<!tpu.dma_semaphore, #tpu.memory_space<semaphore_mem>>)
    %slice3A_211 = vector.extract_strided_slice %get3A_15 {offsets = [10], sizes = [1], strides = [1]} : vector<16xi32> to vector<1xi32>
    %squeeze3A_212 = vector.extract %slice3A_211[0] : i32 from vector<1xi32>
    %shift_right_arithmetic3A_213 = arith.constant 7 : i32
    %shift_right_arithmetic3A_214 = arith.shrsi %squeeze3A_212, %shift_right_arithmetic3A_213 : i32
    %mul3A_215 = arith.constant 128 : i32
    %mul3A_216 = arith.muli %shift_right_arithmetic3A_214, %mul3A_215 : i32
    %multiple_of3A_217 = tpu.assume_multiple %mul3A_216, 128 : i32
    %dma_start3A_218 = arith.constant 10 : i32
    %dma_start3A_219 = arith.constant 0 : i32
    %dma_start3A_220 = arith.constant 0 : i32
    %dma_start3A_221 = tpu.memref_slice %arg11[%dma_start3A_218, %dma_start3A_219, %dma_start3A_220] : memref<16x32x128xf32, #tpu.memory_space<vmem>> -> memref<1x32x128xf32, #tpu.memory_space<vmem>>
    %dma_start3A_222 = tpu.memref_squeeze %dma_start3A_221 : memref<1x32x128xf32, #tpu.memory_space<vmem>> -> memref<32x128xf32, #tpu.memory_space<vmem>>
    %dma_start3A_223 = arith.constant 0 : i32
    %dma_start3A_224 = tpu.memref_slice %arg4[%dma_start3A_223, %multiple_of3A_217] : memref<32x1000000xf32, #tpu.memory_space<hbm>> -> memref<32x128xf32, #tpu.memory_space<hbm>>
    %dma_start3A_225 = arith.constant 0 : i32
    %dma_start3A_226 = arith.constant 0 : i32
    %dma_start3A_227 = tpu.memref_slice %arg11[%dma_start3A_218, %dma_start3A_225, %dma_start3A_226] : memref<16x32x128xf32, #tpu.memory_space<vmem>> -> memref<1x32x128xf32, #tpu.memory_space<vmem>>
    %dma_start3A_228 = tpu.memref_squeeze %dma_start3A_227 : memref<1x32x128xf32, #tpu.memory_space<vmem>> -> memref<32x128xf32, #tpu.memory_space<vmem>>
    %dma_start3A_229 = arith.constant 0 : i32
    %dma_start3A_230 = tpu.memref_slice %arg4[%dma_start3A_229, %multiple_of3A_217] : memref<32x1000000xf32, #tpu.memory_space<hbm>> -> memref<32x128xf32, #tpu.memory_space<hbm>>
    tpu.enqueue_dma source(%dma_start3A_230 : memref<32x128xf32, #tpu.memory_space<hbm>>) target(%dma_start3A_228 : memref<32x128xf32, #tpu.memory_space<vmem>>) target_semaphore(%arg25 : memref<!tpu.dma_semaphore, #tpu.memory_space<semaphore_mem>>)
    %slice3A_231 = vector.extract_strided_slice %get3A_15 {offsets = [11], sizes = [1], strides = [1]} : vector<16xi32> to vector<1xi32>
    %squeeze3A_232 = vector.extract %slice3A_231[0] : i32 from vector<1xi32>
    %shift_right_arithmetic3A_233 = arith.constant 7 : i32
    %shift_right_arithmetic3A_234 = arith.shrsi %squeeze3A_232, %shift_right_arithmetic3A_233 : i32
    %mul3A_235 = arith.constant 128 : i32
    %mul3A_236 = arith.muli %shift_right_arithmetic3A_234, %mul3A_235 : i32
    %multiple_of3A_237 = tpu.assume_multiple %mul3A_236, 128 : i32
    %dma_start3A_238 = arith.constant 11 : i32
    %dma_start3A_239 = arith.constant 0 : i32
    %dma_start3A_240 = arith.constant 0 : i32
    %dma_start3A_241 = tpu.memref_slice %arg11[%dma_start3A_238, %dma_start3A_239, %dma_start3A_240] : memref<16x32x128xf32, #tpu.memory_space<vmem>> -> memref<1x32x128xf32, #tpu.memory_space<vmem>>
    %dma_start3A_242 = tpu.memref_squeeze %dma_start3A_241 : memref<1x32x128xf32, #tpu.memory_space<vmem>> -> memref<32x128xf32, #tpu.memory_space<vmem>>
    %dma_start3A_243 = arith.constant 0 : i32
    %dma_start3A_244 = tpu.memref_slice %arg4[%dma_start3A_243, %multiple_of3A_237] : memref<32x1000000xf32, #tpu.memory_space<hbm>> -> memref<32x128xf32, #tpu.memory_space<hbm>>
    %dma_start3A_245 = arith.constant 0 : i32
    %dma_start3A_246 = arith.constant 0 : i32
    %dma_start3A_247 = tpu.memref_slice %arg11[%dma_start3A_238, %dma_start3A_245, %dma_start3A_246] : memref<16x32x128xf32, #tpu.memory_space<vmem>> -> memref<1x32x128xf32, #tpu.memory_space<vmem>>
    %dma_start3A_248 = tpu.memref_squeeze %dma_start3A_247 : memref<1x32x128xf32, #tpu.memory_space<vmem>> -> memref<32x128xf32, #tpu.memory_space<vmem>>
    %dma_start3A_249 = arith.constant 0 : i32
    %dma_start3A_250 = tpu.memref_slice %arg4[%dma_start3A_249, %multiple_of3A_237] : memref<32x1000000xf32, #tpu.memory_space<hbm>> -> memref<32x128xf32, #tpu.memory_space<hbm>>
    tpu.enqueue_dma source(%dma_start3A_250 : memref<32x128xf32, #tpu.memory_space<hbm>>) target(%dma_start3A_248 : memref<32x128xf32, #tpu.memory_space<vmem>>) target_semaphore(%arg26 : memref<!tpu.dma_semaphore, #tpu.memory_space<semaphore_mem>>)
    %slice3A_251 = vector.extract_strided_slice %get3A_15 {offsets = [12], sizes = [1], strides = [1]} : vector<16xi32> to vector<1xi32>
    %squeeze3A_252 = vector.extract %slice3A_251[0] : i32 from vector<1xi32>
    %shift_right_arithmetic3A_253 = arith.constant 7 : i32
    %shift_right_arithmetic3A_254 = arith.shrsi %squeeze3A_252, %shift_right_arithmetic3A_253 : i32
    %mul3A_255 = arith.constant 128 : i32
    %mul3A_256 = arith.muli %shift_right_arithmetic3A_254, %mul3A_255 : i32
    %multiple_of3A_257 = tpu.assume_multiple %mul3A_256, 128 : i32
    %dma_start3A_258 = arith.constant 12 : i32
    %dma_start3A_259 = arith.constant 0 : i32
    %dma_start3A_260 = arith.constant 0 : i32
    %dma_start3A_261 = tpu.memref_slice %arg11[%dma_start3A_258, %dma_start3A_259, %dma_start3A_260] : memref<16x32x128xf32, #tpu.memory_space<vmem>> -> memref<1x32x128xf32, #tpu.memory_space<vmem>>
    %dma_start3A_262 = tpu.memref_squeeze %dma_start3A_261 : memref<1x32x128xf32, #tpu.memory_space<vmem>> -> memref<32x128xf32, #tpu.memory_space<vmem>>
    %dma_start3A_263 = arith.constant 0 : i32
    %dma_start3A_264 = tpu.memref_slice %arg4[%dma_start3A_263, %multiple_of3A_257] : memref<32x1000000xf32, #tpu.memory_space<hbm>> -> memref<32x128xf32, #tpu.memory_space<hbm>>
    %dma_start3A_265 = arith.constant 0 : i32
    %dma_start3A_266 = arith.constant 0 : i32
    %dma_start3A_267 = tpu.memref_slice %arg11[%dma_start3A_258, %dma_start3A_265, %dma_start3A_266] : memref<16x32x128xf32, #tpu.memory_space<vmem>> -> memref<1x32x128xf32, #tpu.memory_space<vmem>>
    %dma_start3A_268 = tpu.memref_squeeze %dma_start3A_267 : memref<1x32x128xf32, #tpu.memory_space<vmem>> -> memref<32x128xf32, #tpu.memory_space<vmem>>
    %dma_start3A_269 = arith.constant 0 : i32
    %dma_start3A_270 = tpu.memref_slice %arg4[%dma_start3A_269, %multiple_of3A_257] : memref<32x1000000xf32, #tpu.memory_space<hbm>> -> memref<32x128xf32, #tpu.memory_space<hbm>>
    tpu.enqueue_dma source(%dma_start3A_270 : memref<32x128xf32, #tpu.memory_space<hbm>>) target(%dma_start3A_268 : memref<32x128xf32, #tpu.memory_space<vmem>>) target_semaphore(%arg27 : memref<!tpu.dma_semaphore, #tpu.memory_space<semaphore_mem>>)
    %slice3A_271 = vector.extract_strided_slice %get3A_15 {offsets = [13], sizes = [1], strides = [1]} : vector<16xi32> to vector<1xi32>
    %squeeze3A_272 = vector.extract %slice3A_271[0] : i32 from vector<1xi32>
    %shift_right_arithmetic3A_273 = arith.constant 7 : i32
    %shift_right_arithmetic3A_274 = arith.shrsi %squeeze3A_272, %shift_right_arithmetic3A_273 : i32
    %mul3A_275 = arith.constant 128 : i32
    %mul3A_276 = arith.muli %shift_right_arithmetic3A_274, %mul3A_275 : i32
    %multiple_of3A_277 = tpu.assume_multiple %mul3A_276, 128 : i32
    %dma_start3A_278 = arith.constant 13 : i32
    %dma_start3A_279 = arith.constant 0 : i32
    %dma_start3A_280 = arith.constant 0 : i32
    %dma_start3A_281 = tpu.memref_slice %arg11[%dma_start3A_278, %dma_start3A_279, %dma_start3A_280] : memref<16x32x128xf32, #tpu.memory_space<vmem>> -> memref<1x32x128xf32, #tpu.memory_space<vmem>>
    %dma_start3A_282 = tpu.memref_squeeze %dma_start3A_281 : memref<1x32x128xf32, #tpu.memory_space<vmem>> -> memref<32x128xf32, #tpu.memory_space<vmem>>
    %dma_start3A_283 = arith.constant 0 : i32
    %dma_start3A_284 = tpu.memref_slice %arg4[%dma_start3A_283, %multiple_of3A_277] : memref<32x1000000xf32, #tpu.memory_space<hbm>> -> memref<32x128xf32, #tpu.memory_space<hbm>>
    %dma_start3A_285 = arith.constant 0 : i32
    %dma_start3A_286 = arith.constant 0 : i32
    %dma_start3A_287 = tpu.memref_slice %arg11[%dma_start3A_278, %dma_start3A_285, %dma_start3A_286] : memref<16x32x128xf32, #tpu.memory_space<vmem>> -> memref<1x32x128xf32, #tpu.memory_space<vmem>>
    %dma_start3A_288 = tpu.memref_squeeze %dma_start3A_287 : memref<1x32x128xf32, #tpu.memory_space<vmem>> -> memref<32x128xf32, #tpu.memory_space<vmem>>
    %dma_start3A_289 = arith.constant 0 : i32
    %dma_start3A_290 = tpu.memref_slice %arg4[%dma_start3A_289, %multiple_of3A_277] : memref<32x1000000xf32, #tpu.memory_space<hbm>> -> memref<32x128xf32, #tpu.memory_space<hbm>>
    tpu.enqueue_dma source(%dma_start3A_290 : memref<32x128xf32, #tpu.memory_space<hbm>>) target(%dma_start3A_288 : memref<32x128xf32, #tpu.memory_space<vmem>>) target_semaphore(%arg28 : memref<!tpu.dma_semaphore, #tpu.memory_space<semaphore_mem>>)
    %slice3A_291 = vector.extract_strided_slice %get3A_15 {offsets = [14], sizes = [1], strides = [1]} : vector<16xi32> to vector<1xi32>
    %squeeze3A_292 = vector.extract %slice3A_291[0] : i32 from vector<1xi32>
    %shift_right_arithmetic3A_293 = arith.constant 7 : i32
    %shift_right_arithmetic3A_294 = arith.shrsi %squeeze3A_292, %shift_right_arithmetic3A_293 : i32
    %mul3A_295 = arith.constant 128 : i32
    %mul3A_296 = arith.muli %shift_right_arithmetic3A_294, %mul3A_295 : i32
    %multiple_of3A_297 = tpu.assume_multiple %mul3A_296, 128 : i32
    %dma_start3A_298 = arith.constant 14 : i32
    %dma_start3A_299 = arith.constant 0 : i32
    %dma_start3A_300 = arith.constant 0 : i32
    %dma_start3A_301 = tpu.memref_slice %arg11[%dma_start3A_298, %dma_start3A_299, %dma_start3A_300] : memref<16x32x128xf32, #tpu.memory_space<vmem>> -> memref<1x32x128xf32, #tpu.memory_space<vmem>>
    %dma_start3A_302 = tpu.memref_squeeze %dma_start3A_301 : memref<1x32x128xf32, #tpu.memory_space<vmem>> -> memref<32x128xf32, #tpu.memory_space<vmem>>
    %dma_start3A_303 = arith.constant 0 : i32
    %dma_start3A_304 = tpu.memref_slice %arg4[%dma_start3A_303, %multiple_of3A_297] : memref<32x1000000xf32, #tpu.memory_space<hbm>> -> memref<32x128xf32, #tpu.memory_space<hbm>>
    %dma_start3A_305 = arith.constant 0 : i32
    %dma_start3A_306 = arith.constant 0 : i32
    %dma_start3A_307 = tpu.memref_slice %arg11[%dma_start3A_298, %dma_start3A_305, %dma_start3A_306] : memref<16x32x128xf32, #tpu.memory_space<vmem>> -> memref<1x32x128xf32, #tpu.memory_space<vmem>>
    %dma_start3A_308 = tpu.memref_squeeze %dma_start3A_307 : memref<1x32x128xf32, #tpu.memory_space<vmem>> -> memref<32x128xf32, #tpu.memory_space<vmem>>
    %dma_start3A_309 = arith.constant 0 : i32
    %dma_start3A_310 = tpu.memref_slice %arg4[%dma_start3A_309, %multiple_of3A_297] : memref<32x1000000xf32, #tpu.memory_space<hbm>> -> memref<32x128xf32, #tpu.memory_space<hbm>>
    tpu.enqueue_dma source(%dma_start3A_310 : memref<32x128xf32, #tpu.memory_space<hbm>>) target(%dma_start3A_308 : memref<32x128xf32, #tpu.memory_space<vmem>>) target_semaphore(%arg29 : memref<!tpu.dma_semaphore, #tpu.memory_space<semaphore_mem>>)
    %slice3A_311 = vector.extract_strided_slice %get3A_15 {offsets = [15], sizes = [1], strides = [1]} : vector<16xi32> to vector<1xi32>
    %squeeze3A_312 = vector.extract %slice3A_311[0] : i32 from vector<1xi32>
    %shift_right_arithmetic3A_313 = arith.constant 7 : i32
    %shift_right_arithmetic3A_314 = arith.shrsi %squeeze3A_312, %shift_right_arithmetic3A_313 : i32
    %mul3A_315 = arith.constant 128 : i32
    %mul3A_316 = arith.muli %shift_right_arithmetic3A_314, %mul3A_315 : i32
    %multiple_of3A_317 = tpu.assume_multiple %mul3A_316, 128 : i32
    %dma_start3A_318 = arith.constant 15 : i32
    %dma_start3A_319 = arith.constant 0 : i32
    %dma_start3A_320 = arith.constant 0 : i32
    %dma_start3A_321 = tpu.memref_slice %arg11[%dma_start3A_318, %dma_start3A_319, %dma_start3A_320] : memref<16x32x128xf32, #tpu.memory_space<vmem>> -> memref<1x32x128xf32, #tpu.memory_space<vmem>>
    %dma_start3A_322 = tpu.memref_squeeze %dma_start3A_321 : memref<1x32x128xf32, #tpu.memory_space<vmem>> -> memref<32x128xf32, #tpu.memory_space<vmem>>
    %dma_start3A_323 = arith.constant 0 : i32
    %dma_start3A_324 = tpu.memref_slice %arg4[%dma_start3A_323, %multiple_of3A_317] : memref<32x1000000xf32, #tpu.memory_space<hbm>> -> memref<32x128xf32, #tpu.memory_space<hbm>>
    %dma_start3A_325 = arith.constant 0 : i32
    %dma_start3A_326 = arith.constant 0 : i32
    %dma_start3A_327 = tpu.memref_slice %arg11[%dma_start3A_318, %dma_start3A_325, %dma_start3A_326] : memref<16x32x128xf32, #tpu.memory_space<vmem>> -> memref<1x32x128xf32, #tpu.memory_space<vmem>>
    %dma_start3A_328 = tpu.memref_squeeze %dma_start3A_327 : memref<1x32x128xf32, #tpu.memory_space<vmem>> -> memref<32x128xf32, #tpu.memory_space<vmem>>
    %dma_start3A_329 = arith.constant 0 : i32
    %dma_start3A_330 = tpu.memref_slice %arg4[%dma_start3A_329, %multiple_of3A_317] : memref<32x1000000xf32, #tpu.memory_space<hbm>> -> memref<32x128xf32, #tpu.memory_space<hbm>>
    tpu.enqueue_dma source(%dma_start3A_330 : memref<32x128xf32, #tpu.memory_space<hbm>>) target(%dma_start3A_328 : memref<32x128xf32, #tpu.memory_space<vmem>>) target_semaphore(%arg30 : memref<!tpu.dma_semaphore, #tpu.memory_space<semaphore_mem>>)
    %scan3A = arith.constant 0 : i32
    %scan3A_331 = arith.constant 0 : i32
    %scan3A_332 = arith.constant 32 : i32
    %scan3A_333 = arith.addi %scan3A_331, %scan3A_332 : i32
    %scan3A_334 = arith.constant 1 : i32
    %scan3A_335 = scf.for %scan3A_359 = %scan3A_331 to %scan3A_333 step %scan3A_334 iter_args(%scan3A_360 = %scan3A) -> (i32)  : i32 {
      %jit3A = arith.constant 8 : i32
      %div3A = arith.divsi %scan3A_359, %jit3A : i32
      %sign3A = arith.constant 0 : i32
      %sign3A_361 = arith.cmpi sgt, %scan3A_359, %sign3A : i32
      %sign3A_362 = arith.extui %sign3A_361 : i1 to i32
      %sign3A_363 = arith.constant 0 : i32
      %sign3A_364 = arith.cmpi slt, %scan3A_359, %sign3A_363 : i32
      %sign3A_365 = arith.extui %sign3A_364 : i1 to i32
      %sign3A_366 = arith.subi %sign3A_362, %sign3A_365 : i32
      %sign3A_367 = arith.constant 0 : i32
      %sign3A_368 = arith.cmpi sgt, %jit3A, %sign3A_367 : i32
      %sign3A_369 = arith.extui %sign3A_368 : i1 to i32
      %sign3A_370 = arith.constant 0 : i32
      %sign3A_371 = arith.cmpi slt, %jit3A, %sign3A_370 : i32
      %sign3A_372 = arith.extui %sign3A_371 : i1 to i32
      %sign3A_373 = arith.subi %sign3A_369, %sign3A_372 : i32
      %ne3A = arith.cmpi ne, %sign3A_366, %sign3A_373 : i32
      %rem3A = arith.remsi %scan3A_359, %jit3A : i32
      %ne3A_374 = arith.constant 0 : i32
      %ne3A_375 = arith.cmpi ne, %rem3A, %ne3A_374 : i32
      %and3A = arith.andi %ne3A, %ne3A_375 : i1
      %sub3A = arith.constant 1 : i32
      %sub3A_376 = arith.subi %div3A, %sub3A : i32
      %select_n3A = arith.select %and3A, %sub3A_376, %div3A : i32
      %jit3A_377 = arith.constant 8 : i32
      %eq3A = arith.constant 0 : i32
      %eq3A_378 = arith.cmpi eq, %jit3A_377, %eq3A : i32
      %jit3A_379 = arith.constant 1 : i32
      %select_n3A_380 = arith.select %eq3A_378, %jit3A_379, %jit3A_377 : i32
      %rem3A_381 = arith.remsi %scan3A_359, %select_n3A_380 : i32
      %ne3A_382 = arith.constant 0 : i32
      %ne3A_383 = arith.cmpi ne, %rem3A_381, %ne3A_382 : i32
      %lt3A = arith.constant 0 : i32
      %lt3A_384 = arith.cmpi slt, %rem3A_381, %lt3A : i32
      %lt3A_385 = arith.constant 0 : i32
      %lt3A_386 = arith.cmpi slt, %select_n3A_380, %lt3A_385 : i32
      %ne3A_387 = arith.xori %lt3A_384, %lt3A_386 : i1
      %and3A_388 = arith.andi %ne3A_387, %ne3A_383 : i1
      %add3A_389 = arith.addi %rem3A_381, %select_n3A_380 : i32
      %select_n3A_390 = arith.select %and3A_388, %add3A_389, %rem3A_381 : i32
      %mul3A_391 = arith.constant 16 : i32
      %mul3A_392 = arith.muli %select_n3A_390, %mul3A_391 : i32
      %get3A_393 = arith.index_cast %select_n3A : i32 to index
      %get3A_394 = arith.index_cast %mul3A_392 : i32 to index
      %get3A_395 = tpu.vector_load %arg9[%get3A_393, %get3A_394] {strides = array<i32>} : memref<4x128xi32, #tpu.memory_space<vmem>>, vector<16xi32>,
      %mul3A_396 = arith.constant 16 : i32
      %mul3A_397 = arith.muli %scan3A_359, %mul3A_396 : i32
      %add3A_398 = arith.constant 0 : i32
      %add3A_399 = arith.addi %mul3A_397, %add3A_398 : i32
      %slice3A_400 = vector.extract_strided_slice %get3A_395 {offsets = [0], sizes = [1], strides = [1]} : vector<16xi32> to vector<1xi32>
      %squeeze3A_401 = vector.extract %slice3A_400[0] : i32 from vector<1xi32>
      %mul3A_402 = arith.constant 32 : i32
      %mul3A_403 = arith.muli %squeeze3A_401, %mul3A_402 : i32
      %mul3A_404 = arith.constant 32 : i32
      %mul3A_405 = arith.muli %add3A_399, %mul3A_404 : i32
      %dma_start3A_406 = tpu.memref_slice %arg10[%mul3A_405] : memref<16384xf32, #tpu.memory_space<vmem>> -> memref<32xf32, #tpu.memory_space<vmem>>
      %dma_start3A_407 = tpu.memref_slice %arg5[%mul3A_403] : memref<3200000xf32, #tpu.memory_space<hbm>> -> memref<32xf32, #tpu.memory_space<hbm>>
      %dma_start3A_408 = tpu.memref_slice %arg10[%mul3A_405] : memref<16384xf32, #tpu.memory_space<vmem>> -> memref<32xf32, #tpu.memory_space<vmem>>
      %dma_start3A_409 = tpu.memref_slice %arg5[%mul3A_403] : memref<3200000xf32, #tpu.memory_space<hbm>> -> memref<32xf32, #tpu.memory_space<hbm>>
      tpu.enqueue_dma source(%dma_start3A_409 : memref<32xf32, #tpu.memory_space<hbm>>) target(%dma_start3A_408 : memref<32xf32, #tpu.memory_space<vmem>>) target_semaphore(%arg14 : memref<!tpu.dma_semaphore, #tpu.memory_space<semaphore_mem>>)
      %mul3A_410 = arith.constant 16 : i32
      %mul3A_411 = arith.muli %scan3A_359, %mul3A_410 : i32
      %add3A_412 = arith.constant 1 : i32
      %add3A_413 = arith.addi %mul3A_411, %add3A_412 : i32
      %slice3A_414 = vector.extract_strided_slice %get3A_395 {offsets = [1], sizes = [1], strides = [1]} : vector<16xi32> to vector<1xi32>
      %squeeze3A_415 = vector.extract %slice3A_414[0] : i32 from vector<1xi32>
      %mul3A_416 = arith.constant 32 : i32
      %mul3A_417 = arith.muli %squeeze3A_415, %mul3A_416 : i32
      %mul3A_418 = arith.constant 32 : i32
      %mul3A_419 = arith.muli %add3A_413, %mul3A_418 : i32
      %dma_start3A_420 = tpu.memref_slice %arg10[%mul3A_419] : memref<16384xf32, #tpu.memory_space<vmem>> -> memref<32xf32, #tpu.memory_space<vmem>>
      %dma_start3A_421 = tpu.memref_slice %arg5[%mul3A_417] : memref<3200000xf32, #tpu.memory_space<hbm>> -> memref<32xf32, #tpu.memory_space<hbm>>
      %dma_start3A_422 = tpu.memref_slice %arg10[%mul3A_419] : memref<16384xf32, #tpu.memory_space<vmem>> -> memref<32xf32, #tpu.memory_space<vmem>>
      %dma_start3A_423 = tpu.memref_slice %arg5[%mul3A_417] : memref<3200000xf32, #tpu.memory_space<hbm>> -> memref<32xf32, #tpu.memory_space<hbm>>
      tpu.enqueue_dma source(%dma_start3A_423 : memref<32xf32, #tpu.memory_space<hbm>>) target(%dma_start3A_422 : memref<32xf32, #tpu.memory_space<vmem>>) target_semaphore(%arg14 : memref<!tpu.dma_semaphore, #tpu.memory_space<semaphore_mem>>)
      %mul3A_424 = arith.constant 16 : i32
      %mul3A_425 = arith.muli %scan3A_359, %mul3A_424 : i32
      %add3A_426 = arith.constant 2 : i32
      %add3A_427 = arith.addi %mul3A_425, %add3A_426 : i32
      %slice3A_428 = vector.extract_strided_slice %get3A_395 {offsets = [2], sizes = [1], strides = [1]} : vector<16xi32> to vector<1xi32>
      %squeeze3A_429 = vector.extract %slice3A_428[0] : i32 from vector<1xi32>
      %mul3A_430 = arith.constant 32 : i32
      %mul3A_431 = arith.muli %squeeze3A_429, %mul3A_430 : i32
      %mul3A_432 = arith.constant 32 : i32
      %mul3A_433 = arith.muli %add3A_427, %mul3A_432 : i32
      %dma_start3A_434 = tpu.memref_slice %arg10[%mul3A_433] : memref<16384xf32, #tpu.memory_space<vmem>> -> memref<32xf32, #tpu.memory_space<vmem>>
      %dma_start3A_435 = tpu.memref_slice %arg5[%mul3A_431] : memref<3200000xf32, #tpu.memory_space<hbm>> -> memref<32xf32, #tpu.memory_space<hbm>>
      %dma_start3A_436 = tpu.memref_slice %arg10[%mul3A_433] : memref<16384xf32, #tpu.memory_space<vmem>> -> memref<32xf32, #tpu.memory_space<vmem>>
      %dma_start3A_437 = tpu.memref_slice %arg5[%mul3A_431] : memref<3200000xf32, #tpu.memory_space<hbm>> -> memref<32xf32, #tpu.memory_space<hbm>>
      tpu.enqueue_dma source(%dma_start3A_437 : memref<32xf32, #tpu.memory_space<hbm>>) target(%dma_start3A_436 : memref<32xf32, #tpu.memory_space<vmem>>) target_semaphore(%arg14 : memref<!tpu.dma_semaphore, #tpu.memory_space<semaphore_mem>>)
      %mul3A_438 = arith.constant 16 : i32
      %mul3A_439 = arith.muli %scan3A_359, %mul3A_438 : i32
      %add3A_440 = arith.constant 3 : i32
      %add3A_441 = arith.addi %mul3A_439, %add3A_440 : i32
      %slice3A_442 = vector.extract_strided_slice %get3A_395 {offsets = [3], sizes = [1], strides = [1]} : vector<16xi32> to vector<1xi32>
      %squeeze3A_443 = vector.extract %slice3A_442[0] : i32 from vector<1xi32>
      %mul3A_444 = arith.constant 32 : i32
      %mul3A_445 = arith.muli %squeeze3A_443, %mul3A_444 : i32
      %mul3A_446 = arith.constant 32 : i32
      %mul3A_447 = arith.muli %add3A_441, %mul3A_446 : i32
      %dma_start3A_448 = tpu.memref_slice %arg10[%mul3A_447] : memref<16384xf32, #tpu.memory_space<vmem>> -> memref<32xf32, #tpu.memory_space<vmem>>
      %dma_start3A_449 = tpu.memref_slice %arg5[%mul3A_445] : memref<3200000xf32, #tpu.memory_space<hbm>> -> memref<32xf32, #tpu.memory_space<hbm>>
      %dma_start3A_450 = tpu.memref_slice %arg10[%mul3A_447] : memref<16384xf32, #tpu.memory_space<vmem>> -> memref<32xf32, #tpu.memory_space<vmem>>
      %dma_start3A_451 = tpu.memref_slice %arg5[%mul3A_445] : memref<3200000xf32, #tpu.memory_space<hbm>> -> memref<32xf32, #tpu.memory_space<hbm>>
      tpu.enqueue_dma source(%dma_start3A_451 : memref<32xf32, #tpu.memory_space<hbm>>) target(%dma_start3A_450 : memref<32xf32, #tpu.memory_space<vmem>>) target_semaphore(%arg14 : memref<!tpu.dma_semaphore, #tpu.memory_space<semaphore_mem>>)
      %mul3A_452 = arith.constant 16 : i32
      %mul3A_453 = arith.muli %scan3A_359, %mul3A_452 : i32
      %add3A_454 = arith.constant 4 : i32
      %add3A_455 = arith.addi %mul3A_453, %add3A_454 : i32
      %slice3A_456 = vector.extract_strided_slice %get3A_395 {offsets = [4], sizes = [1], strides = [1]} : vector<16xi32> to vector<1xi32>
      %squeeze3A_457 = vector.extract %slice3A_456[0] : i32 from vector<1xi32>
      %mul3A_458 = arith.constant 32 : i32
      %mul3A_459 = arith.muli %squeeze3A_457, %mul3A_458 : i32
      %mul3A_460 = arith.constant 32 : i32
      %mul3A_461 = arith.muli %add3A_455, %mul3A_460 : i32
      %dma_start3A_462 = tpu.memref_slice %arg10[%mul3A_461] : memref<16384xf32, #tpu.memory_space<vmem>> -> memref<32xf32, #tpu.memory_space<vmem>>
      %dma_start3A_463 = tpu.memref_slice %arg5[%mul3A_459] : memref<3200000xf32, #tpu.memory_space<hbm>> -> memref<32xf32, #tpu.memory_space<hbm>>
      %dma_start3A_464 = tpu.memref_slice %arg10[%mul3A_461] : memref<16384xf32, #tpu.memory_space<vmem>> -> memref<32xf32, #tpu.memory_space<vmem>>
      %dma_start3A_465 = tpu.memref_slice %arg5[%mul3A_459] : memref<3200000xf32, #tpu.memory_space<hbm>> -> memref<32xf32, #tpu.memory_space<hbm>>
      tpu.enqueue_dma source(%dma_start3A_465 : memref<32xf32, #tpu.memory_space<hbm>>) target(%dma_start3A_464 : memref<32xf32, #tpu.memory_space<vmem>>) target_semaphore(%arg14 : memref<!tpu.dma_semaphore, #tpu.memory_space<semaphore_mem>>)
      %mul3A_466 = arith.constant 16 : i32
      %mul3A_467 = arith.muli %scan3A_359, %mul3A_466 : i32
      %add3A_468 = arith.constant 5 : i32
      %add3A_469 = arith.addi %mul3A_467, %add3A_468 : i32
      %slice3A_470 = vector.extract_strided_slice %get3A_395 {offsets = [5], sizes = [1], strides = [1]} : vector<16xi32> to vector<1xi32>
      %squeeze3A_471 = vector.extract %slice3A_470[0] : i32 from vector<1xi32>
      %mul3A_472 = arith.constant 32 : i32
      %mul3A_473 = arith.muli %squeeze3A_471, %mul3A_472 : i32
      %mul3A_474 = arith.constant 32 : i32
      %mul3A_475 = arith.muli %add3A_469, %mul3A_474 : i32
      %dma_start3A_476 = tpu.memref_slice %arg10[%mul3A_475] : memref<16384xf32, #tpu.memory_space<vmem>> -> memref<32xf32, #tpu.memory_space<vmem>>
      %dma_start3A_477 = tpu.memref_slice %arg5[%mul3A_473] : memref<3200000xf32, #tpu.memory_space<hbm>> -> memref<32xf32, #tpu.memory_space<hbm>>
      %dma_start3A_478 = tpu.memref_slice %arg10[%mul3A_475] : memref<16384xf32, #tpu.memory_space<vmem>> -> memref<32xf32, #tpu.memory_space<vmem>>
      %dma_start3A_479 = tpu.memref_slice %arg5[%mul3A_473] : memref<3200000xf32, #tpu.memory_space<hbm>> -> memref<32xf32, #tpu.memory_space<hbm>>
      tpu.enqueue_dma source(%dma_start3A_479 : memref<32xf32, #tpu.memory_space<hbm>>) target(%dma_start3A_478 : memref<32xf32, #tpu.memory_space<vmem>>) target_semaphore(%arg14 : memref<!tpu.dma_semaphore, #tpu.memory_space<semaphore_mem>>)
      %mul3A_480 = arith.constant 16 : i32
      %mul3A_481 = arith.muli %scan3A_359, %mul3A_480 : i32
      %add3A_482 = arith.constant 6 : i32
      %add3A_483 = arith.addi %mul3A_481, %add3A_482 : i32
      %slice3A_484 = vector.extract_strided_slice %get3A_395 {offsets = [6], sizes = [1], strides = [1]} : vector<16xi32> to vector<1xi32>
      %squeeze3A_485 = vector.extract %slice3A_484[0] : i32 from vector<1xi32>
      %mul3A_486 = arith.constant 32 : i32
      %mul3A_487 = arith.muli %squeeze3A_485, %mul3A_486 : i32
      %mul3A_488 = arith.constant 32 : i32
      %mul3A_489 = arith.muli %add3A_483, %mul3A_488 : i32
      %dma_start3A_490 = tpu.memref_slice %arg10[%mul3A_489] : memref<16384xf32, #tpu.memory_space<vmem>> -> memref<32xf32, #tpu.memory_space<vmem>>
      %dma_start3A_491 = tpu.memref_slice %arg5[%mul3A_487] : memref<3200000xf32, #tpu.memory_space<hbm>> -> memref<32xf32, #tpu.memory_space<hbm>>
      %dma_start3A_492 = tpu.memref_slice %arg10[%mul3A_489] : memref<16384xf32, #tpu.memory_space<vmem>> -> memref<32xf32, #tpu.memory_space<vmem>>
      %dma_start3A_493 = tpu.memref_slice %arg5[%mul3A_487] : memref<3200000xf32, #tpu.memory_space<hbm>> -> memref<32xf32, #tpu.memory_space<hbm>>
      tpu.enqueue_dma source(%dma_start3A_493 : memref<32xf32, #tpu.memory_space<hbm>>) target(%dma_start3A_492 : memref<32xf32, #tpu.memory_space<vmem>>) target_semaphore(%arg14 : memref<!tpu.dma_semaphore, #tpu.memory_space<semaphore_mem>>)
      %mul3A_494 = arith.constant 16 : i32
      %mul3A_495 = arith.muli %scan3A_359, %mul3A_494 : i32
      %add3A_496 = arith.constant 7 : i32
      %add3A_497 = arith.addi %mul3A_495, %add3A_496 : i32
      %slice3A_498 = vector.extract_strided_slice %get3A_395 {offsets = [7], sizes = [1], strides = [1]} : vector<16xi32> to vector<1xi32>
      %squeeze3A_499 = vector.extract %slice3A_498[0] : i32 from vector<1xi32>
      %mul3A_500 = arith.constant 32 : i32
      %mul3A_501 = arith.muli %squeeze3A_499, %mul3A_500 : i32
      %mul3A_502 = arith.constant 32 : i32
      %mul3A_503 = arith.muli %add3A_497, %mul3A_502 : i32
      %dma_start3A_504 = tpu.memref_slice %arg10[%mul3A_503] : memref<16384xf32, #tpu.memory_space<vmem>> -> memref<32xf32, #tpu.memory_space<vmem>>
      %dma_start3A_505 = tpu.memref_slice %arg5[%mul3A_501] : memref<3200000xf32, #tpu.memory_space<hbm>> -> memref<32xf32, #tpu.memory_space<hbm>>
      %dma_start3A_506 = tpu.memref_slice %arg10[%mul3A_503] : memref<16384xf32, #tpu.memory_space<vmem>> -> memref<32xf32, #tpu.memory_space<vmem>>
      %dma_start3A_507 = tpu.memref_slice %arg5[%mul3A_501] : memref<3200000xf32, #tpu.memory_space<hbm>> -> memref<32xf32, #tpu.memory_space<hbm>>
      tpu.enqueue_dma source(%dma_start3A_507 : memref<32xf32, #tpu.memory_space<hbm>>) target(%dma_start3A_506 : memref<32xf32, #tpu.memory_space<vmem>>) target_semaphore(%arg14 : memref<!tpu.dma_semaphore, #tpu.memory_space<semaphore_mem>>)
      %mul3A_508 = arith.constant 16 : i32
      %mul3A_509 = arith.muli %scan3A_359, %mul3A_508 : i32
      %add3A_510 = arith.constant 8 : i32
      %add3A_511 = arith.addi %mul3A_509, %add3A_510 : i32
      %slice3A_512 = vector.extract_strided_slice %get3A_395 {offsets = [8], sizes = [1], strides = [1]} : vector<16xi32> to vector<1xi32>
      %squeeze3A_513 = vector.extract %slice3A_512[0] : i32 from vector<1xi32>
      %mul3A_514 = arith.constant 32 : i32
      %mul3A_515 = arith.muli %squeeze3A_513, %mul3A_514 : i32
      %mul3A_516 = arith.constant 32 : i32
      %mul3A_517 = arith.muli %add3A_511, %mul3A_516 : i32
      %dma_start3A_518 = tpu.memref_slice %arg10[%mul3A_517] : memref<16384xf32, #tpu.memory_space<vmem>> -> memref<32xf32, #tpu.memory_space<vmem>>
      %dma_start3A_519 = tpu.memref_slice %arg5[%mul3A_515] : memref<3200000xf32, #tpu.memory_space<hbm>> -> memref<32xf32, #tpu.memory_space<hbm>>
      %dma_start3A_520 = tpu.memref_slice %arg10[%mul3A_517] : memref<16384xf32, #tpu.memory_space<vmem>> -> memref<32xf32, #tpu.memory_space<vmem>>
      %dma_start3A_521 = tpu.memref_slice %arg5[%mul3A_515] : memref<3200000xf32, #tpu.memory_space<hbm>> -> memref<32xf32, #tpu.memory_space<hbm>>
      tpu.enqueue_dma source(%dma_start3A_521 : memref<32xf32, #tpu.memory_space<hbm>>) target(%dma_start3A_520 : memref<32xf32, #tpu.memory_space<vmem>>) target_semaphore(%arg14 : memref<!tpu.dma_semaphore, #tpu.memory_space<semaphore_mem>>)
      %mul3A_522 = arith.constant 16 : i32
      %mul3A_523 = arith.muli %scan3A_359, %mul3A_522 : i32
      %add3A_524 = arith.constant 9 : i32
      %add3A_525 = arith.addi %mul3A_523, %add3A_524 : i32
      %slice3A_526 = vector.extract_strided_slice %get3A_395 {offsets = [9], sizes = [1], strides = [1]} : vector<16xi32> to vector<1xi32>
      %squeeze3A_527 = vector.extract %slice3A_526[0] : i32 from vector<1xi32>
      %mul3A_528 = arith.constant 32 : i32
      %mul3A_529 = arith.muli %squeeze3A_527, %mul3A_528 : i32
      %mul3A_530 = arith.constant 32 : i32
      %mul3A_531 = arith.muli %add3A_525, %mul3A_530 : i32
      %dma_start3A_532 = tpu.memref_slice %arg10[%mul3A_531] : memref<16384xf32, #tpu.memory_space<vmem>> -> memref<32xf32, #tpu.memory_space<vmem>>
      %dma_start3A_533 = tpu.memref_slice %arg5[%mul3A_529] : memref<3200000xf32, #tpu.memory_space<hbm>> -> memref<32xf32, #tpu.memory_space<hbm>>
      %dma_start3A_534 = tpu.memref_slice %arg10[%mul3A_531] : memref<16384xf32, #tpu.memory_space<vmem>> -> memref<32xf32, #tpu.memory_space<vmem>>
      %dma_start3A_535 = tpu.memref_slice %arg5[%mul3A_529] : memref<3200000xf32, #tpu.memory_space<hbm>> -> memref<32xf32, #tpu.memory_space<hbm>>
      tpu.enqueue_dma source(%dma_start3A_535 : memref<32xf32, #tpu.memory_space<hbm>>) target(%dma_start3A_534 : memref<32xf32, #tpu.memory_space<vmem>>) target_semaphore(%arg14 : memref<!tpu.dma_semaphore, #tpu.memory_space<semaphore_mem>>)
      %mul3A_536 = arith.constant 16 : i32
      %mul3A_537 = arith.muli %scan3A_359, %mul3A_536 : i32
      %add3A_538 = arith.constant 10 : i32
      %add3A_539 = arith.addi %mul3A_537, %add3A_538 : i32
      %slice3A_540 = vector.extract_strided_slice %get3A_395 {offsets = [10], sizes = [1], strides = [1]} : vector<16xi32> to vector<1xi32>
      %squeeze3A_541 = vector.extract %slice3A_540[0] : i32 from vector<1xi32>
      %mul3A_542 = arith.constant 32 : i32
      %mul3A_543 = arith.muli %squeeze3A_541, %mul3A_542 : i32
      %mul3A_544 = arith.constant 32 : i32
      %mul3A_545 = arith.muli %add3A_539, %mul3A_544 : i32
      %dma_start3A_546 = tpu.memref_slice %arg10[%mul3A_545] : memref<16384xf32, #tpu.memory_space<vmem>> -> memref<32xf32, #tpu.memory_space<vmem>>
      %dma_start3A_547 = tpu.memref_slice %arg5[%mul3A_543] : memref<3200000xf32, #tpu.memory_space<hbm>> -> memref<32xf32, #tpu.memory_space<hbm>>
      %dma_start3A_548 = tpu.memref_slice %arg10[%mul3A_545] : memref<16384xf32, #tpu.memory_space<vmem>> -> memref<32xf32, #tpu.memory_space<vmem>>
      %dma_start3A_549 = tpu.memref_slice %arg5[%mul3A_543] : memref<3200000xf32, #tpu.memory_space<hbm>> -> memref<32xf32, #tpu.memory_space<hbm>>
      tpu.enqueue_dma source(%dma_start3A_549 : memref<32xf32, #tpu.memory_space<hbm>>) target(%dma_start3A_548 : memref<32xf32, #tpu.memory_space<vmem>>) target_semaphore(%arg14 : memref<!tpu.dma_semaphore, #tpu.memory_space<semaphore_mem>>)
      %mul3A_550 = arith.constant 16 : i32
      %mul3A_551 = arith.muli %scan3A_359, %mul3A_550 : i32
      %add3A_552 = arith.constant 11 : i32
      %add3A_553 = arith.addi %mul3A_551, %add3A_552 : i32
      %slice3A_554 = vector.extract_strided_slice %get3A_395 {offsets = [11], sizes = [1], strides = [1]} : vector<16xi32> to vector<1xi32>
      %squeeze3A_555 = vector.extract %slice3A_554[0] : i32 from vector<1xi32>
      %mul3A_556 = arith.constant 32 : i32
      %mul3A_557 = arith.muli %squeeze3A_555, %mul3A_556 : i32
      %mul3A_558 = arith.constant 32 : i32
      %mul3A_559 = arith.muli %add3A_553, %mul3A_558 : i32
      %dma_start3A_560 = tpu.memref_slice %arg10[%mul3A_559] : memref<16384xf32, #tpu.memory_space<vmem>> -> memref<32xf32, #tpu.memory_space<vmem>>
      %dma_start3A_561 = tpu.memref_slice %arg5[%mul3A_557] : memref<3200000xf32, #tpu.memory_space<hbm>> -> memref<32xf32, #tpu.memory_space<hbm>>
      %dma_start3A_562 = tpu.memref_slice %arg10[%mul3A_559] : memref<16384xf32, #tpu.memory_space<vmem>> -> memref<32xf32, #tpu.memory_space<vmem>>
      %dma_start3A_563 = tpu.memref_slice %arg5[%mul3A_557] : memref<3200000xf32, #tpu.memory_space<hbm>> -> memref<32xf32, #tpu.memory_space<hbm>>
      tpu.enqueue_dma source(%dma_start3A_563 : memref<32xf32, #tpu.memory_space<hbm>>) target(%dma_start3A_562 : memref<32xf32, #tpu.memory_space<vmem>>) target_semaphore(%arg14 : memref<!tpu.dma_semaphore, #tpu.memory_space<semaphore_mem>>)
      %mul3A_564 = arith.constant 16 : i32
      %mul3A_565 = arith.muli %scan3A_359, %mul3A_564 : i32
      %add3A_566 = arith.constant 12 : i32
      %add3A_567 = arith.addi %mul3A_565, %add3A_566 : i32
      %slice3A_568 = vector.extract_strided_slice %get3A_395 {offsets = [12], sizes = [1], strides = [1]} : vector<16xi32> to vector<1xi32>
      %squeeze3A_569 = vector.extract %slice3A_568[0] : i32 from vector<1xi32>
      %mul3A_570 = arith.constant 32 : i32
      %mul3A_571 = arith.muli %squeeze3A_569, %mul3A_570 : i32
      %mul3A_572 = arith.constant 32 : i32
      %mul3A_573 = arith.muli %add3A_567, %mul3A_572 : i32
      %dma_start3A_574 = tpu.memref_slice %arg10[%mul3A_573] : memref<16384xf32, #tpu.memory_space<vmem>> -> memref<32xf32, #tpu.memory_space<vmem>>
      %dma_start3A_575 = tpu.memref_slice %arg5[%mul3A_571] : memref<3200000xf32, #tpu.memory_space<hbm>> -> memref<32xf32, #tpu.memory_space<hbm>>
      %dma_start3A_576 = tpu.memref_slice %arg10[%mul3A_573] : memref<16384xf32, #tpu.memory_space<vmem>> -> memref<32xf32, #tpu.memory_space<vmem>>
      %dma_start3A_577 = tpu.memref_slice %arg5[%mul3A_571] : memref<3200000xf32, #tpu.memory_space<hbm>> -> memref<32xf32, #tpu.memory_space<hbm>>
      tpu.enqueue_dma source(%dma_start3A_577 : memref<32xf32, #tpu.memory_space<hbm>>) target(%dma_start3A_576 : memref<32xf32, #tpu.memory_space<vmem>>) target_semaphore(%arg14 : memref<!tpu.dma_semaphore, #tpu.memory_space<semaphore_mem>>)
      %mul3A_578 = arith.constant 16 : i32
      %mul3A_579 = arith.muli %scan3A_359, %mul3A_578 : i32
      %add3A_580 = arith.constant 13 : i32
      %add3A_581 = arith.addi %mul3A_579, %add3A_580 : i32
      %slice3A_582 = vector.extract_strided_slice %get3A_395 {offsets = [13], sizes = [1], strides = [1]} : vector<16xi32> to vector<1xi32>
      %squeeze3A_583 = vector.extract %slice3A_582[0] : i32 from vector<1xi32>
      %mul3A_584 = arith.constant 32 : i32
      %mul3A_585 = arith.muli %squeeze3A_583, %mul3A_584 : i32
      %mul3A_586 = arith.constant 32 : i32
      %mul3A_587 = arith.muli %add3A_581, %mul3A_586 : i32
      %dma_start3A_588 = tpu.memref_slice %arg10[%mul3A_587] : memref<16384xf32, #tpu.memory_space<vmem>> -> memref<32xf32, #tpu.memory_space<vmem>>
      %dma_start3A_589 = tpu.memref_slice %arg5[%mul3A_585] : memref<3200000xf32, #tpu.memory_space<hbm>> -> memref<32xf32, #tpu.memory_space<hbm>>
      %dma_start3A_590 = tpu.memref_slice %arg10[%mul3A_587] : memref<16384xf32, #tpu.memory_space<vmem>> -> memref<32xf32, #tpu.memory_space<vmem>>
      %dma_start3A_591 = tpu.memref_slice %arg5[%mul3A_585] : memref<3200000xf32, #tpu.memory_space<hbm>> -> memref<32xf32, #tpu.memory_space<hbm>>
      tpu.enqueue_dma source(%dma_start3A_591 : memref<32xf32, #tpu.memory_space<hbm>>) target(%dma_start3A_590 : memref<32xf32, #tpu.memory_space<vmem>>) target_semaphore(%arg14 : memref<!tpu.dma_semaphore, #tpu.memory_space<semaphore_mem>>)
      %mul3A_592 = arith.constant 16 : i32
      %mul3A_593 = arith.muli %scan3A_359, %mul3A_592 : i32
      %add3A_594 = arith.constant 14 : i32
      %add3A_595 = arith.addi %mul3A_593, %add3A_594 : i32
      %slice3A_596 = vector.extract_strided_slice %get3A_395 {offsets = [14], sizes = [1], strides = [1]} : vector<16xi32> to vector<1xi32>
      %squeeze3A_597 = vector.extract %slice3A_596[0] : i32 from vector<1xi32>
      %mul3A_598 = arith.constant 32 : i32
      %mul3A_599 = arith.muli %squeeze3A_597, %mul3A_598 : i32
      %mul3A_600 = arith.constant 32 : i32
      %mul3A_601 = arith.muli %add3A_595, %mul3A_600 : i32
      %dma_start3A_602 = tpu.memref_slice %arg10[%mul3A_601] : memref<16384xf32, #tpu.memory_space<vmem>> -> memref<32xf32, #tpu.memory_space<vmem>>
      %dma_start3A_603 = tpu.memref_slice %arg5[%mul3A_599] : memref<3200000xf32, #tpu.memory_space<hbm>> -> memref<32xf32, #tpu.memory_space<hbm>>
      %dma_start3A_604 = tpu.memref_slice %arg10[%mul3A_601] : memref<16384xf32, #tpu.memory_space<vmem>> -> memref<32xf32, #tpu.memory_space<vmem>>
      %dma_start3A_605 = tpu.memref_slice %arg5[%mul3A_599] : memref<3200000xf32, #tpu.memory_space<hbm>> -> memref<32xf32, #tpu.memory_space<hbm>>
      tpu.enqueue_dma source(%dma_start3A_605 : memref<32xf32, #tpu.memory_space<hbm>>) target(%dma_start3A_604 : memref<32xf32, #tpu.memory_space<vmem>>) target_semaphore(%arg14 : memref<!tpu.dma_semaphore, #tpu.memory_space<semaphore_mem>>)
      %mul3A_606 = arith.constant 16 : i32
      %mul3A_607 = arith.muli %scan3A_359, %mul3A_606 : i32
      %add3A_608 = arith.constant 15 : i32
      %add3A_609 = arith.addi %mul3A_607, %add3A_608 : i32
      %slice3A_610 = vector.extract_strided_slice %get3A_395 {offsets = [15], sizes = [1], strides = [1]} : vector<16xi32> to vector<1xi32>
      %squeeze3A_611 = vector.extract %slice3A_610[0] : i32 from vector<1xi32>
      %mul3A_612 = arith.constant 32 : i32
      %mul3A_613 = arith.muli %squeeze3A_611, %mul3A_612 : i32
      %mul3A_614 = arith.constant 32 : i32
      %mul3A_615 = arith.muli %add3A_609, %mul3A_614 : i32
      %dma_start3A_616 = tpu.memref_slice %arg10[%mul3A_615] : memref<16384xf32, #tpu.memory_space<vmem>> -> memref<32xf32, #tpu.memory_space<vmem>>
      %dma_start3A_617 = tpu.memref_slice %arg5[%mul3A_613] : memref<3200000xf32, #tpu.memory_space<hbm>> -> memref<32xf32, #tpu.memory_space<hbm>>
      %dma_start3A_618 = tpu.memref_slice %arg10[%mul3A_615] : memref<16384xf32, #tpu.memory_space<vmem>> -> memref<32xf32, #tpu.memory_space<vmem>>
      %dma_start3A_619 = tpu.memref_slice %arg5[%mul3A_613] : memref<3200000xf32, #tpu.memory_space<hbm>> -> memref<32xf32, #tpu.memory_space<hbm>>
      tpu.enqueue_dma source(%dma_start3A_619 : memref<32xf32, #tpu.memory_space<hbm>>) target(%dma_start3A_618 : memref<32xf32, #tpu.memory_space<vmem>>) target_semaphore(%arg14 : memref<!tpu.dma_semaphore, #tpu.memory_space<semaphore_mem>>)
      %ge3A = arith.constant 4 : i32
      %ge3A_620 = arith.cmpi sge, %scan3A_359, %ge3A : i32
      %convert_element_type3A = arith.extui %ge3A_620 : i1 to i32
      %cond3A = arith.constant 0 : i32
      %cond3A_621 = arith.cmpi ne, %convert_element_type3A, %cond3A : i32
      scf.if %cond3A_621 {
        %dma_wait3A_623 = arith.constant 0 : i32
        %dma_wait3A_624 = tpu.memref_slice %arg10[%dma_wait3A_623] : memref<16384xf32, #tpu.memory_space<vmem>> -> memref<512xf32, #tpu.memory_space<vmem>>
        %dma_wait3A_625 = arith.constant 0 : i32
        %dma_wait3A_626 = tpu.memref_slice %arg5[%dma_wait3A_625] : memref<3200000xf32, #tpu.memory_space<hbm>> -> memref<512xf32, #tpu.memory_space<hbm>>
        %dma_wait3A_627 = arith.constant 0 : i32
        %dma_wait3A_628 = tpu.memref_slice %arg10[%dma_wait3A_627] : memref<16384xf32, #tpu.memory_space<vmem>> -> memref<512xf32, #tpu.memory_space<vmem>>
        %dma_wait3A_629 = arith.constant 0 : i32
        %dma_wait3A_630 = tpu.memref_slice %arg5[%dma_wait3A_629] : memref<3200000xf32, #tpu.memory_space<hbm>> -> memref<512xf32, #tpu.memory_space<hbm>>
        tpu.wait_dma2 semaphore(%arg14 : memref<!tpu.dma_semaphore, #tpu.memory_space<semaphore_mem>>) src(%dma_wait3A_630 : memref<512xf32, #tpu.memory_space<hbm>>) dst(%dma_wait3A_628 : memref<512xf32, #tpu.memory_space<vmem>>)
      } else {
      }
      %scan3A_622 = arith.constant 0 : i32
      scf.yield %scan3A_622 : i32
    }
    %scan3A_336 = arith.constant 32 : i32
    %dma_wait3A = arith.constant 0 : i32
    %dma_wait3A_337 = tpu.memref_slice %arg10[%dma_wait3A] : memref<16384xf32, #tpu.memory_space<vmem>> -> memref<2048xf32, #tpu.memory_space<vmem>>
    %dma_wait3A_338 = arith.constant 0 : i32
    %dma_wait3A_339 = tpu.memref_slice %arg5[%dma_wait3A_338] : memref<3200000xf32, #tpu.memory_space<hbm>> -> memref<2048xf32, #tpu.memory_space<hbm>>
    %dma_wait3A_340 = arith.constant 0 : i32
    %dma_wait3A_341 = tpu.memref_slice %arg10[%dma_wait3A_340] : memref<16384xf32, #tpu.memory_space<vmem>> -> memref<2048xf32, #tpu.memory_space<vmem>>
    %dma_wait3A_342 = arith.constant 0 : i32
    %dma_wait3A_343 = tpu.memref_slice %arg5[%dma_wait3A_342] : memref<3200000xf32, #tpu.memory_space<hbm>> -> memref<2048xf32, #tpu.memory_space<hbm>>
    tpu.wait_dma2 semaphore(%arg14 : memref<!tpu.dma_semaphore, #tpu.memory_space<semaphore_mem>>) src(%dma_wait3A_343 : memref<2048xf32, #tpu.memory_space<hbm>>) dst(%dma_wait3A_341 : memref<2048xf32, #tpu.memory_space<vmem>>)
    %scan3A_344 = arith.constant 0 : i32
    %scan3A_345 = arith.constant 0 : i32
    %scan3A_346 = arith.constant 32 : i32
    %scan3A_347 = arith.addi %scan3A_345, %scan3A_346 : i32
    %scan3A_348 = arith.constant 1 : i32
    %scan3A_349 = scf.for %scan3A_359 = %scan3A_345 to %scan3A_347 step %scan3A_348 iter_args(%scan3A_360 = %scan3A_344) -> (i32)  : i32 {
      %jit3A = arith.constant 8 : i32
      %div3A = arith.divsi %scan3A_359, %jit3A : i32
      %sign3A = arith.constant 0 : i32
      %sign3A_361 = arith.cmpi sgt, %scan3A_359, %sign3A : i32
      %sign3A_362 = arith.extui %sign3A_361 : i1 to i32
      %sign3A_363 = arith.constant 0 : i32
      %sign3A_364 = arith.cmpi slt, %scan3A_359, %sign3A_363 : i32
      %sign3A_365 = arith.extui %sign3A_364 : i1 to i32
      %sign3A_366 = arith.subi %sign3A_362, %sign3A_365 : i32
      %sign3A_367 = arith.constant 0 : i32
      %sign3A_368 = arith.cmpi sgt, %jit3A, %sign3A_367 : i32
      %sign3A_369 = arith.extui %sign3A_368 : i1 to i32
      %sign3A_370 = arith.constant 0 : i32
      %sign3A_371 = arith.cmpi slt, %jit3A, %sign3A_370 : i32
      %sign3A_372 = arith.extui %sign3A_371 : i1 to i32
      %sign3A_373 = arith.subi %sign3A_369, %sign3A_372 : i32
      %ne3A = arith.cmpi ne, %sign3A_366, %sign3A_373 : i32
      %rem3A = arith.remsi %scan3A_359, %jit3A : i32
      %ne3A_374 = arith.constant 0 : i32
      %ne3A_375 = arith.cmpi ne, %rem3A, %ne3A_374 : i32
      %and3A = arith.andi %ne3A, %ne3A_375 : i1
      %sub3A = arith.constant 1 : i32
      %sub3A_376 = arith.subi %div3A, %sub3A : i32
      %select_n3A = arith.select %and3A, %sub3A_376, %div3A : i32
      %jit3A_377 = arith.constant 8 : i32
      %eq3A = arith.constant 0 : i32
      %eq3A_378 = arith.cmpi eq, %jit3A_377, %eq3A : i32
      %jit3A_379 = arith.constant 1 : i32
      %select_n3A_380 = arith.select %eq3A_378, %jit3A_379, %jit3A_377 : i32
      %rem3A_381 = arith.remsi %scan3A_359, %select_n3A_380 : i32
      %ne3A_382 = arith.constant 0 : i32
      %ne3A_383 = arith.cmpi ne, %rem3A_381, %ne3A_382 : i32
      %lt3A = arith.constant 0 : i32
      %lt3A_384 = arith.cmpi slt, %rem3A_381, %lt3A : i32
      %lt3A_385 = arith.constant 0 : i32
      %lt3A_386 = arith.cmpi slt, %select_n3A_380, %lt3A_385 : i32
      %ne3A_387 = arith.xori %lt3A_384, %lt3A_386 : i1
      %and3A_388 = arith.andi %ne3A_387, %ne3A_383 : i1
      %add3A_389 = arith.addi %rem3A_381, %select_n3A_380 : i32
      %select_n3A_390 = arith.select %and3A_388, %add3A_389, %rem3A_381 : i32
      %mul3A_391 = arith.constant 16 : i32
      %mul3A_392 = arith.muli %select_n3A_390, %mul3A_391 : i32
      %get3A_393 = arith.index_cast %select_n3A : i32 to index
      %get3A_394 = arith.index_cast %mul3A_392 : i32 to index
      %get3A_395 = tpu.vector_load %arg8[%get3A_393, %get3A_394] {strides = array<i32>} : memref<4x128xi32, #tpu.memory_space<vmem>>, vector<16xi32>,
      %slice3A_396 = vector.extract_strided_slice %get3A_395 {offsets = [0], sizes = [1], strides = [1]} : vector<16xi32> to vector<1xi32>
      %squeeze3A_397 = vector.extract %slice3A_396[0] : i32 from vector<1xi32>
      %mul3A_398 = arith.constant 16 : i32
      %mul3A_399 = arith.muli %scan3A_359, %mul3A_398 : i32
      %add3A_400 = arith.constant 0 : i32
      %add3A_401 = arith.addi %mul3A_399, %add3A_400 : i32
      %and3A_402 = arith.constant 127 : i32
      %and3A_403 = arith.andi %squeeze3A_397, %and3A_402 : i32
      %broadcast_in_dim3A = vector.broadcast %and3A_403 : i32 to vector<16xi32>
      %broadcast_in_dim3A_404 = arith.constant 0 : i32
      %broadcast_in_dim3A_405 = vector.broadcast %broadcast_in_dim3A_404 : i32 to vector<16xi32>
      %shift_right_arithmetic3A_406 = arith.constant 7 : i32
      %shift_right_arithmetic3A_407 = arith.shrsi %squeeze3A_397, %shift_right_arithmetic3A_406 : i32
      %mul3A_408 = arith.constant 128 : i32
      %mul3A_409 = arith.muli %shift_right_arithmetic3A_407, %mul3A_408 : i32
      %multiple_of3A_410 = tpu.assume_multiple %mul3A_409, 128 : i32
      %dma_wait3A_411 = arith.constant 0 : i32
      %dma_wait3A_412 = arith.constant 0 : i32
      %dma_wait3A_413 = arith.constant 0 : i32
      %dma_wait3A_414 = tpu.memref_slice %arg11[%dma_wait3A_411, %dma_wait3A_412, %dma_wait3A_413] : memref<16x32x128xf32, #tpu.memory_space<vmem>> -> memref<1x32x128xf32, #tpu.memory_space<vmem>>
      %dma_wait3A_415 = tpu.memref_squeeze %dma_wait3A_414 : memref<1x32x128xf32, #tpu.memory_space<vmem>> -> memref<32x128xf32, #tpu.memory_space<vmem>>
      %dma_wait3A_416 = arith.constant 0 : i32
      %dma_wait3A_417 = tpu.memref_slice %arg4[%dma_wait3A_416, %multiple_of3A_410] : memref<32x1000000xf32, #tpu.memory_space<hbm>> -> memref<32x128xf32, #tpu.memory_space<hbm>>
      %dma_wait3A_418 = arith.constant 0 : i32
      %dma_wait3A_419 = arith.constant 0 : i32
      %dma_wait3A_420 = tpu.memref_slice %arg11[%dma_wait3A_411, %dma_wait3A_418, %dma_wait3A_419] : memref<16x32x128xf32, #tpu.memory_space<vmem>> -> memref<1x32x128xf32, #tpu.memory_space<vmem>>
      %dma_wait3A_421 = tpu.memref_squeeze %dma_wait3A_420 : memref<1x32x128xf32, #tpu.memory_space<vmem>> -> memref<32x128xf32, #tpu.memory_space<vmem>>
      %dma_wait3A_422 = arith.constant 0 : i32
      %dma_wait3A_423 = tpu.memref_slice %arg4[%dma_wait3A_422, %multiple_of3A_410] : memref<32x1000000xf32, #tpu.memory_space<hbm>> -> memref<32x128xf32, #tpu.memory_space<hbm>>
      tpu.wait_dma2 semaphore(%arg15 : memref<!tpu.dma_semaphore, #tpu.memory_space<semaphore_mem>>) src(%dma_wait3A_423 : memref<32x128xf32, #tpu.memory_space<hbm>>) dst(%dma_wait3A_421 : memref<32x128xf32, #tpu.memory_space<vmem>>)
      %gather3A = tpu.vector_load_idx %arg11[%broadcast_in_dim3A_405, %iota3A, %broadcast_in_dim3A] : memref<16x32x128xf32, #tpu.memory_space<vmem>>[vector<16xi32>, vector<16xi32>, vector<16xi32>], vector<16xf32>,
      %add3A_424 = arith.constant 16 : i32
      %add3A_425 = vector.broadcast %add3A_424 : i32 to vector<16xi32>
      %add3A_426 = arith.addi %iota3A, %add3A_425 : vector<16xi32>
      %gather3A_427 = tpu.vector_load_idx %arg11[%broadcast_in_dim3A_405, %add3A_426, %broadcast_in_dim3A] : memref<16x32x128xf32, #tpu.memory_space<vmem>>[vector<16xi32>, vector<16xi32>, vector<16xi32>], vector<16xf32>,
      %mul3A_428 = arith.constant 32 : i32
      %mul3A_429 = arith.muli %add3A_401, %mul3A_428 : i32
      %get3A_430 = arith.index_cast %mul3A_429 : i32 to index
      %get3A_431 = tpu.vector_load %arg10[%get3A_430] {strides = array<i32>} : memref<16384xf32, #tpu.memory_space<vmem>>, vector<16xf32>,
      %mul3A_432 = arith.constant 32 : i32
      %mul3A_433 = arith.muli %add3A_401, %mul3A_432 : i32
      %add3A_434 = arith.constant 16 : i32
      %add3A_435 = arith.addi %mul3A_433, %add3A_434 : i32
      %get3A_436 = arith.index_cast %add3A_435 : i32 to index
      %get3A_437 = tpu.vector_load %arg10[%get3A_436] {strides = array<i32>} : memref<16384xf32, #tpu.memory_space<vmem>>, vector<16xf32>,
      %mul3A_438 = arith.mulf %gather3A, %get3A_7 : vector<16xf32>
      %mul3A_439 = arith.mulf %mul3A_438, %get3A_431 : vector<16xf32>
      %mul3A_440 = arith.mulf %gather3A_427, %get3A_9 : vector<16xf32>
      %mul3A_441 = arith.mulf %mul3A_440, %get3A_437 : vector<16xf32>
      %add3A_442 = arith.addf %mul3A_439, %mul3A_441 : vector<16xf32>
      %broadcast_in_dim3A_443 = arith.constant true
      %broadcast_in_dim3A_444 = vector.broadcast %broadcast_in_dim3A_443 : i1 to vector<16xi1>
      %masked_cumsum3A = tpu.scan <sum>, %add3A_442 masked %broadcast_in_dim3A_444 : vector<16xf32>, vector<16xi1> -> vector<16xf32>
      %mul3A_445 = arith.constant 32 : i32
      %mul3A_446 = arith.muli %add3A_401, %mul3A_445 : i32
      %swap3A = arith.index_cast %mul3A_446 : i32 to index
      %swap3A_447 = tpu.vector_load %arg10[%swap3A] {strides = array<i32>} : memref<16384xf32, #tpu.memory_space<vmem>>, vector<16xf32>,
      tpu.vector_store %arg10[%swap3A], %masked_cumsum3A {strides = array<i32>} : memref<16384xf32, #tpu.memory_space<vmem>>, vector<16xf32>,
      %add3A_448 = arith.constant 1 : i32
      %add3A_449 = arith.addi %scan3A_359, %add3A_448 : i32
      %lt3A_450 = arith.constant 32 : i32
      %lt3A_451 = arith.cmpi slt, %add3A_449, %lt3A_450 : i32
      %convert_element_type3A = arith.extui %lt3A_451 : i1 to i32
      %cond3A = arith.constant 0 : i32
      %cond3A_452 = arith.cmpi ne, %convert_element_type3A, %cond3A : i32
      scf.if %cond3A_452 {
        %add3A_1399 = arith.constant 1 : i32
        %add3A_1400 = arith.addi %scan3A_359, %add3A_1399 : i32
        %min3A = arith.constant 31 : i32
        %min3A_1401 = arith.minsi %add3A_1400, %min3A : i32
        %jit3A_1402 = arith.constant 8 : i32
        %div3A_1403 = arith.divsi %min3A_1401, %jit3A_1402 : i32
        %sign3A_1404 = arith.constant 0 : i32
        %sign3A_1405 = arith.cmpi sgt, %min3A_1401, %sign3A_1404 : i32
        %sign3A_1406 = arith.extui %sign3A_1405 : i1 to i32
        %sign3A_1407 = arith.constant 0 : i32
        %sign3A_1408 = arith.cmpi slt, %min3A_1401, %sign3A_1407 : i32
        %sign3A_1409 = arith.extui %sign3A_1408 : i1 to i32
        %sign3A_1410 = arith.subi %sign3A_1406, %sign3A_1409 : i32
        %sign3A_1411 = arith.constant 0 : i32
        %sign3A_1412 = arith.cmpi sgt, %jit3A_1402, %sign3A_1411 : i32
        %sign3A_1413 = arith.extui %sign3A_1412 : i1 to i32
        %sign3A_1414 = arith.constant 0 : i32
        %sign3A_1415 = arith.cmpi slt, %jit3A_1402, %sign3A_1414 : i32
        %sign3A_1416 = arith.extui %sign3A_1415 : i1 to i32
        %sign3A_1417 = arith.subi %sign3A_1413, %sign3A_1416 : i32
        %ne3A_1418 = arith.cmpi ne, %sign3A_1410, %sign3A_1417 : i32
        %rem3A_1419 = arith.remsi %min3A_1401, %jit3A_1402 : i32
        %ne3A_1420 = arith.constant 0 : i32
        %ne3A_1421 = arith.cmpi ne, %rem3A_1419, %ne3A_1420 : i32
        %and3A_1422 = arith.andi %ne3A_1418, %ne3A_1421 : i1
        %sub3A_1423 = arith.constant 1 : i32
        %sub3A_1424 = arith.subi %div3A_1403, %sub3A_1423 : i32
        %select_n3A_1425 = arith.select %and3A_1422, %sub3A_1424, %div3A_1403 : i32
        %jit3A_1426 = arith.constant 8 : i32
        %eq3A_1427 = arith.constant 0 : i32
        %eq3A_1428 = arith.cmpi eq, %jit3A_1426, %eq3A_1427 : i32
        %jit3A_1429 = arith.constant 1 : i32
        %select_n3A_1430 = arith.select %eq3A_1428, %jit3A_1429, %jit3A_1426 : i32
        %rem3A_1431 = arith.remsi %min3A_1401, %select_n3A_1430 : i32
        %ne3A_1432 = arith.constant 0 : i32
        %ne3A_1433 = arith.cmpi ne, %rem3A_1431, %ne3A_1432 : i32
        %lt3A_1434 = arith.constant 0 : i32
        %lt3A_1435 = arith.cmpi slt, %rem3A_1431, %lt3A_1434 : i32
        %lt3A_1436 = arith.constant 0 : i32
        %lt3A_1437 = arith.cmpi slt, %select_n3A_1430, %lt3A_1436 : i32
        %ne3A_1438 = arith.xori %lt3A_1435, %lt3A_1437 : i1
        %and3A_1439 = arith.andi %ne3A_1438, %ne3A_1433 : i1
        %add3A_1440 = arith.addi %rem3A_1431, %select_n3A_1430 : i32
        %select_n3A_1441 = arith.select %and3A_1439, %add3A_1440, %rem3A_1431 : i32
        %mul3A_1442 = arith.constant 16 : i32
        %mul3A_1443 = arith.muli %select_n3A_1441, %mul3A_1442 : i32
        %get3A_1444 = arith.index_cast %select_n3A_1425 : i32 to index
        %get3A_1445 = arith.index_cast %mul3A_1443 : i32 to index
        %get3A_1446 = tpu.vector_load %arg8[%get3A_1444, %get3A_1445] {strides = array<i32>} : memref<4x128xi32, #tpu.memory_space<vmem>>, vector<16xi32>,
        %slice3A_1447 = vector.extract_strided_slice %get3A_1446 {offsets = [0], sizes = [1], strides = [1]} : vector<16xi32> to vector<1xi32>
        %squeeze3A_1448 = vector.extract %slice3A_1447[0] : i32 from vector<1xi32>
        %shift_right_arithmetic3A_1449 = arith.constant 7 : i32
        %shift_right_arithmetic3A_1450 = arith.shrsi %squeeze3A_1448, %shift_right_arithmetic3A_1449 : i32
        %mul3A_1451 = arith.constant 128 : i32
        %mul3A_1452 = arith.muli %shift_right_arithmetic3A_1450, %mul3A_1451 : i32
        %multiple_of3A_1453 = tpu.assume_multiple %mul3A_1452, 128 : i32
        %dma_start3A_1454 = arith.constant 0 : i32
        %dma_start3A_1455 = arith.constant 0 : i32
        %dma_start3A_1456 = arith.constant 0 : i32
        %dma_start3A_1457 = tpu.memref_slice %arg11[%dma_start3A_1454, %dma_start3A_1455, %dma_start3A_1456] : memref<16x32x128xf32, #tpu.memory_space<vmem>> -> memref<1x32x128xf32, #tpu.memory_space<vmem>>
        %dma_start3A_1458 = tpu.memref_squeeze %dma_start3A_1457 : memref<1x32x128xf32, #tpu.memory_space<vmem>> -> memref<32x128xf32, #tpu.memory_space<vmem>>
        %dma_start3A_1459 = arith.constant 0 : i32
        %dma_start3A_1460 = tpu.memref_slice %arg4[%dma_start3A_1459, %multiple_of3A_1453] : memref<32x1000000xf32, #tpu.memory_space<hbm>> -> memref<32x128xf32, #tpu.memory_space<hbm>>
        %dma_start3A_1461 = arith.constant 0 : i32
        %dma_start3A_1462 = arith.constant 0 : i32
        %dma_start3A_1463 = tpu.memref_slice %arg11[%dma_start3A_1454, %dma_start3A_1461, %dma_start3A_1462] : memref<16x32x128xf32, #tpu.memory_space<vmem>> -> memref<1x32x128xf32, #tpu.memory_space<vmem>>
        %dma_start3A_1464 = tpu.memref_squeeze %dma_start3A_1463 : memref<1x32x128xf32, #tpu.memory_space<vmem>> -> memref<32x128xf32, #tpu.memory_space<vmem>>
        %dma_start3A_1465 = arith.constant 0 : i32
        %dma_start3A_1466 = tpu.memref_slice %arg4[%dma_start3A_1465, %multiple_of3A_1453] : memref<32x1000000xf32, #tpu.memory_space<hbm>> -> memref<32x128xf32, #tpu.memory_space<hbm>>
        tpu.enqueue_dma source(%dma_start3A_1466 : memref<32x128xf32, #tpu.memory_space<hbm>>) target(%dma_start3A_1464 : memref<32x128xf32, #tpu.memory_space<vmem>>) target_semaphore(%arg15 : memref<!tpu.dma_semaphore, #tpu.memory_space<semaphore_mem>>)
      } else {
      }
      %slice3A_453 = vector.extract_strided_slice %get3A_395 {offsets = [1], sizes = [1], strides = [1]} : vector<16xi32> to vector<1xi32>
      %squeeze3A_454 = vector.extract %slice3A_453[0] : i32 from vector<1xi32>
      %mul3A_455 = arith.constant 16 : i32
      %mul3A_456 = arith.muli %scan3A_359, %mul3A_455 : i32
      %add3A_457 = arith.constant 1 : i32
      %add3A_458 = arith.addi %mul3A_456, %add3A_457 : i32
      %and3A_459 = arith.constant 127 : i32
      %and3A_460 = arith.andi %squeeze3A_454, %and3A_459 : i32
      %broadcast_in_dim3A_461 = vector.broadcast %and3A_460 : i32 to vector<16xi32>
      %broadcast_in_dim3A_462 = arith.constant 1 : i32
      %broadcast_in_dim3A_463 = vector.broadcast %broadcast_in_dim3A_462 : i32 to vector<16xi32>
      %shift_right_arithmetic3A_464 = arith.constant 7 : i32
      %shift_right_arithmetic3A_465 = arith.shrsi %squeeze3A_454, %shift_right_arithmetic3A_464 : i32
      %mul3A_466 = arith.constant 128 : i32
      %mul3A_467 = arith.muli %shift_right_arithmetic3A_465, %mul3A_466 : i32
      %multiple_of3A_468 = tpu.assume_multiple %mul3A_467, 128 : i32
      %dma_wait3A_469 = arith.constant 1 : i32
      %dma_wait3A_470 = arith.constant 0 : i32
      %dma_wait3A_471 = arith.constant 0 : i32
      %dma_wait3A_472 = tpu.memref_slice %arg11[%dma_wait3A_469, %dma_wait3A_470, %dma_wait3A_471] : memref<16x32x128xf32, #tpu.memory_space<vmem>> -> memref<1x32x128xf32, #tpu.memory_space<vmem>>
      %dma_wait3A_473 = tpu.memref_squeeze %dma_wait3A_472 : memref<1x32x128xf32, #tpu.memory_space<vmem>> -> memref<32x128xf32, #tpu.memory_space<vmem>>
      %dma_wait3A_474 = arith.constant 0 : i32
      %dma_wait3A_475 = tpu.memref_slice %arg4[%dma_wait3A_474, %multiple_of3A_468] : memref<32x1000000xf32, #tpu.memory_space<hbm>> -> memref<32x128xf32, #tpu.memory_space<hbm>>
      %dma_wait3A_476 = arith.constant 0 : i32
      %dma_wait3A_477 = arith.constant 0 : i32
      %dma_wait3A_478 = tpu.memref_slice %arg11[%dma_wait3A_469, %dma_wait3A_476, %dma_wait3A_477] : memref<16x32x128xf32, #tpu.memory_space<vmem>> -> memref<1x32x128xf32, #tpu.memory_space<vmem>>
      %dma_wait3A_479 = tpu.memref_squeeze %dma_wait3A_478 : memref<1x32x128xf32, #tpu.memory_space<vmem>> -> memref<32x128xf32, #tpu.memory_space<vmem>>
      %dma_wait3A_480 = arith.constant 0 : i32
      %dma_wait3A_481 = tpu.memref_slice %arg4[%dma_wait3A_480, %multiple_of3A_468] : memref<32x1000000xf32, #tpu.memory_space<hbm>> -> memref<32x128xf32, #tpu.memory_space<hbm>>
      tpu.wait_dma2 semaphore(%arg16 : memref<!tpu.dma_semaphore, #tpu.memory_space<semaphore_mem>>) src(%dma_wait3A_481 : memref<32x128xf32, #tpu.memory_space<hbm>>) dst(%dma_wait3A_479 : memref<32x128xf32, #tpu.memory_space<vmem>>)
      %gather3A_482 = tpu.vector_load_idx %arg11[%broadcast_in_dim3A_463, %iota3A, %broadcast_in_dim3A_461] : memref<16x32x128xf32, #tpu.memory_space<vmem>>[vector<16xi32>, vector<16xi32>, vector<16xi32>], vector<16xf32>,
      %add3A_483 = arith.constant 16 : i32
      %add3A_484 = vector.broadcast %add3A_483 : i32 to vector<16xi32>
      %add3A_485 = arith.addi %iota3A, %add3A_484 : vector<16xi32>
      %gather3A_486 = tpu.vector_load_idx %arg11[%broadcast_in_dim3A_463, %add3A_485, %broadcast_in_dim3A_461] : memref<16x32x128xf32, #tpu.memory_space<vmem>>[vector<16xi32>, vector<16xi32>, vector<16xi32>], vector<16xf32>,
      %mul3A_487 = arith.constant 32 : i32
      %mul3A_488 = arith.muli %add3A_458, %mul3A_487 : i32
      %get3A_489 = arith.index_cast %mul3A_488 : i32 to index
      %get3A_490 = tpu.vector_load %arg10[%get3A_489] {strides = array<i32>} : memref<16384xf32, #tpu.memory_space<vmem>>, vector<16xf32>,
      %mul3A_491 = arith.constant 32 : i32
      %mul3A_492 = arith.muli %add3A_458, %mul3A_491 : i32
      %add3A_493 = arith.constant 16 : i32
      %add3A_494 = arith.addi %mul3A_492, %add3A_493 : i32
      %get3A_495 = arith.index_cast %add3A_494 : i32 to index
      %get3A_496 = tpu.vector_load %arg10[%get3A_495] {strides = array<i32>} : memref<16384xf32, #tpu.memory_space<vmem>>, vector<16xf32>,
      %mul3A_497 = arith.mulf %gather3A_482, %get3A_7 : vector<16xf32>
      %mul3A_498 = arith.mulf %mul3A_497, %get3A_490 : vector<16xf32>
      %mul3A_499 = arith.mulf %gather3A_486, %get3A_9 : vector<16xf32>
      %mul3A_500 = arith.mulf %mul3A_499, %get3A_496 : vector<16xf32>
      %add3A_501 = arith.addf %mul3A_498, %mul3A_500 : vector<16xf32>
      %broadcast_in_dim3A_502 = arith.constant true
      %broadcast_in_dim3A_503 = vector.broadcast %broadcast_in_dim3A_502 : i1 to vector<16xi1>
      %masked_cumsum3A_504 = tpu.scan <sum>, %add3A_501 masked %broadcast_in_dim3A_503 : vector<16xf32>, vector<16xi1> -> vector<16xf32>
      %mul3A_505 = arith.constant 32 : i32
      %mul3A_506 = arith.muli %add3A_458, %mul3A_505 : i32
      %swap3A_507 = arith.index_cast %mul3A_506 : i32 to index
      %swap3A_508 = tpu.vector_load %arg10[%swap3A_507] {strides = array<i32>} : memref<16384xf32, #tpu.memory_space<vmem>>, vector<16xf32>,
      tpu.vector_store %arg10[%swap3A_507], %masked_cumsum3A_504 {strides = array<i32>} : memref<16384xf32, #tpu.memory_space<vmem>>, vector<16xf32>,
      %add3A_509 = arith.constant 1 : i32
      %add3A_510 = arith.addi %scan3A_359, %add3A_509 : i32
      %lt3A_511 = arith.constant 32 : i32
      %lt3A_512 = arith.cmpi slt, %add3A_510, %lt3A_511 : i32
      %convert_element_type3A_513 = arith.extui %lt3A_512 : i1 to i32
      %cond3A_514 = arith.constant 0 : i32
      %cond3A_515 = arith.cmpi ne, %convert_element_type3A_513, %cond3A_514 : i32
      scf.if %cond3A_515 {
        %add3A_1399 = arith.constant 1 : i32
        %add3A_1400 = arith.addi %scan3A_359, %add3A_1399 : i32
        %min3A = arith.constant 31 : i32
        %min3A_1401 = arith.minsi %add3A_1400, %min3A : i32
        %jit3A_1402 = arith.constant 8 : i32
        %div3A_1403 = arith.divsi %min3A_1401, %jit3A_1402 : i32
        %sign3A_1404 = arith.constant 0 : i32
        %sign3A_1405 = arith.cmpi sgt, %min3A_1401, %sign3A_1404 : i32
        %sign3A_1406 = arith.extui %sign3A_1405 : i1 to i32
        %sign3A_1407 = arith.constant 0 : i32
        %sign3A_1408 = arith.cmpi slt, %min3A_1401, %sign3A_1407 : i32
        %sign3A_1409 = arith.extui %sign3A_1408 : i1 to i32
        %sign3A_1410 = arith.subi %sign3A_1406, %sign3A_1409 : i32
        %sign3A_1411 = arith.constant 0 : i32
        %sign3A_1412 = arith.cmpi sgt, %jit3A_1402, %sign3A_1411 : i32
        %sign3A_1413 = arith.extui %sign3A_1412 : i1 to i32
        %sign3A_1414 = arith.constant 0 : i32
        %sign3A_1415 = arith.cmpi slt, %jit3A_1402, %sign3A_1414 : i32
        %sign3A_1416 = arith.extui %sign3A_1415 : i1 to i32
        %sign3A_1417 = arith.subi %sign3A_1413, %sign3A_1416 : i32
        %ne3A_1418 = arith.cmpi ne, %sign3A_1410, %sign3A_1417 : i32
        %rem3A_1419 = arith.remsi %min3A_1401, %jit3A_1402 : i32
        %ne3A_1420 = arith.constant 0 : i32
        %ne3A_1421 = arith.cmpi ne, %rem3A_1419, %ne3A_1420 : i32
        %and3A_1422 = arith.andi %ne3A_1418, %ne3A_1421 : i1
        %sub3A_1423 = arith.constant 1 : i32
        %sub3A_1424 = arith.subi %div3A_1403, %sub3A_1423 : i32
        %select_n3A_1425 = arith.select %and3A_1422, %sub3A_1424, %div3A_1403 : i32
        %jit3A_1426 = arith.constant 8 : i32
        %eq3A_1427 = arith.constant 0 : i32
        %eq3A_1428 = arith.cmpi eq, %jit3A_1426, %eq3A_1427 : i32
        %jit3A_1429 = arith.constant 1 : i32
        %select_n3A_1430 = arith.select %eq3A_1428, %jit3A_1429, %jit3A_1426 : i32
        %rem3A_1431 = arith.remsi %min3A_1401, %select_n3A_1430 : i32
        %ne3A_1432 = arith.constant 0 : i32
        %ne3A_1433 = arith.cmpi ne, %rem3A_1431, %ne3A_1432 : i32
        %lt3A_1434 = arith.constant 0 : i32
        %lt3A_1435 = arith.cmpi slt, %rem3A_1431, %lt3A_1434 : i32
        %lt3A_1436 = arith.constant 0 : i32
        %lt3A_1437 = arith.cmpi slt, %select_n3A_1430, %lt3A_1436 : i32
        %ne3A_1438 = arith.xori %lt3A_1435, %lt3A_1437 : i1
        %and3A_1439 = arith.andi %ne3A_1438, %ne3A_1433 : i1
        %add3A_1440 = arith.addi %rem3A_1431, %select_n3A_1430 : i32
        %select_n3A_1441 = arith.select %and3A_1439, %add3A_1440, %rem3A_1431 : i32
        %mul3A_1442 = arith.constant 16 : i32
        %mul3A_1443 = arith.muli %select_n3A_1441, %mul3A_1442 : i32
        %get3A_1444 = arith.index_cast %select_n3A_1425 : i32 to index
        %get3A_1445 = arith.index_cast %mul3A_1443 : i32 to index
        %get3A_1446 = tpu.vector_load %arg8[%get3A_1444, %get3A_1445] {strides = array<i32>} : memref<4x128xi32, #tpu.memory_space<vmem>>, vector<16xi32>,
        %slice3A_1447 = vector.extract_strided_slice %get3A_1446 {offsets = [1], sizes = [1], strides = [1]} : vector<16xi32> to vector<1xi32>
        %squeeze3A_1448 = vector.extract %slice3A_1447[0] : i32 from vector<1xi32>
        %shift_right_arithmetic3A_1449 = arith.constant 7 : i32
        %shift_right_arithmetic3A_1450 = arith.shrsi %squeeze3A_1448, %shift_right_arithmetic3A_1449 : i32
        %mul3A_1451 = arith.constant 128 : i32
        %mul3A_1452 = arith.muli %shift_right_arithmetic3A_1450, %mul3A_1451 : i32
        %multiple_of3A_1453 = tpu.assume_multiple %mul3A_1452, 128 : i32
        %dma_start3A_1454 = arith.constant 1 : i32
        %dma_start3A_1455 = arith.constant 0 : i32
        %dma_start3A_1456 = arith.constant 0 : i32
        %dma_start3A_1457 = tpu.memref_slice %arg11[%dma_start3A_1454, %dma_start3A_1455, %dma_start3A_1456] : memref<16x32x128xf32, #tpu.memory_space<vmem>> -> memref<1x32x128xf32, #tpu.memory_space<vmem>>
        %dma_start3A_1458 = tpu.memref_squeeze %dma_start3A_1457 : memref<1x32x128xf32, #tpu.memory_space<vmem>> -> memref<32x128xf32, #tpu.memory_space<vmem>>
        %dma_start3A_1459 = arith.constant 0 : i32
        %dma_start3A_1460 = tpu.memref_slice %arg4[%dma_start3A_1459, %multiple_of3A_1453] : memref<32x1000000xf32, #tpu.memory_space<hbm>> -> memref<32x128xf32, #tpu.memory_space<hbm>>
        %dma_start3A_1461 = arith.constant 0 : i32
        %dma_start3A_1462 = arith.constant 0 : i32
        %dma_start3A_1463 = tpu.memref_slice %arg11[%dma_start3A_1454, %dma_start3A_1461, %dma_start3A_1462] : memref<16x32x128xf32, #tpu.memory_space<vmem>> -> memref<1x32x128xf32, #tpu.memory_space<vmem>>
        %dma_start3A_1464 = tpu.memref_squeeze %dma_start3A_1463 : memref<1x32x128xf32, #tpu.memory_space<vmem>> -> memref<32x128xf32, #tpu.memory_space<vmem>>
        %dma_start3A_1465 = arith.constant 0 : i32
        %dma_start3A_1466 = tpu.memref_slice %arg4[%dma_start3A_1465, %multiple_of3A_1453] : memref<32x1000000xf32, #tpu.memory_space<hbm>> -> memref<32x128xf32, #tpu.memory_space<hbm>>
        tpu.enqueue_dma source(%dma_start3A_1466 : memref<32x128xf32, #tpu.memory_space<hbm>>) target(%dma_start3A_1464 : memref<32x128xf32, #tpu.memory_space<vmem>>) target_semaphore(%arg16 : memref<!tpu.dma_semaphore, #tpu.memory_space<semaphore_mem>>)
      } else {
      }
      %slice3A_516 = vector.extract_strided_slice %get3A_395 {offsets = [2], sizes = [1], strides = [1]} : vector<16xi32> to vector<1xi32>
      %squeeze3A_517 = vector.extract %slice3A_516[0] : i32 from vector<1xi32>
      %mul3A_518 = arith.constant 16 : i32
      %mul3A_519 = arith.muli %scan3A_359, %mul3A_518 : i32
      %add3A_520 = arith.constant 2 : i32
      %add3A_521 = arith.addi %mul3A_519, %add3A_520 : i32
      %and3A_522 = arith.constant 127 : i32
      %and3A_523 = arith.andi %squeeze3A_517, %and3A_522 : i32
      %broadcast_in_dim3A_524 = vector.broadcast %and3A_523 : i32 to vector<16xi32>
      %broadcast_in_dim3A_525 = arith.constant 2 : i32
      %broadcast_in_dim3A_526 = vector.broadcast %broadcast_in_dim3A_525 : i32 to vector<16xi32>
      %shift_right_arithmetic3A_527 = arith.constant 7 : i32
      %shift_right_arithmetic3A_528 = arith.shrsi %squeeze3A_517, %shift_right_arithmetic3A_527 : i32
      %mul3A_529 = arith.constant 128 : i32
      %mul3A_530 = arith.muli %shift_right_arithmetic3A_528, %mul3A_529 : i32
      %multiple_of3A_531 = tpu.assume_multiple %mul3A_530, 128 : i32
      %dma_wait3A_532 = arith.constant 2 : i32
      %dma_wait3A_533 = arith.constant 0 : i32
      %dma_wait3A_534 = arith.constant 0 : i32
      %dma_wait3A_535 = tpu.memref_slice %arg11[%dma_wait3A_532, %dma_wait3A_533, %dma_wait3A_534] : memref<16x32x128xf32, #tpu.memory_space<vmem>> -> memref<1x32x128xf32, #tpu.memory_space<vmem>>
      %dma_wait3A_536 = tpu.memref_squeeze %dma_wait3A_535 : memref<1x32x128xf32, #tpu.memory_space<vmem>> -> memref<32x128xf32, #tpu.memory_space<vmem>>
      %dma_wait3A_537 = arith.constant 0 : i32
      %dma_wait3A_538 = tpu.memref_slice %arg4[%dma_wait3A_537, %multiple_of3A_531] : memref<32x1000000xf32, #tpu.memory_space<hbm>> -> memref<32x128xf32, #tpu.memory_space<hbm>>
      %dma_wait3A_539 = arith.constant 0 : i32
      %dma_wait3A_540 = arith.constant 0 : i32
      %dma_wait3A_541 = tpu.memref_slice %arg11[%dma_wait3A_532, %dma_wait3A_539, %dma_wait3A_540] : memref<16x32x128xf32, #tpu.memory_space<vmem>> -> memref<1x32x128xf32, #tpu.memory_space<vmem>>
      %dma_wait3A_542 = tpu.memref_squeeze %dma_wait3A_541 : memref<1x32x128xf32, #tpu.memory_space<vmem>> -> memref<32x128xf32, #tpu.memory_space<vmem>>
      %dma_wait3A_543 = arith.constant 0 : i32
      %dma_wait3A_544 = tpu.memref_slice %arg4[%dma_wait3A_543, %multiple_of3A_531] : memref<32x1000000xf32, #tpu.memory_space<hbm>> -> memref<32x128xf32, #tpu.memory_space<hbm>>
      tpu.wait_dma2 semaphore(%arg17 : memref<!tpu.dma_semaphore, #tpu.memory_space<semaphore_mem>>) src(%dma_wait3A_544 : memref<32x128xf32, #tpu.memory_space<hbm>>) dst(%dma_wait3A_542 : memref<32x128xf32, #tpu.memory_space<vmem>>)
      %gather3A_545 = tpu.vector_load_idx %arg11[%broadcast_in_dim3A_526, %iota3A, %broadcast_in_dim3A_524] : memref<16x32x128xf32, #tpu.memory_space<vmem>>[vector<16xi32>, vector<16xi32>, vector<16xi32>], vector<16xf32>,
      %add3A_546 = arith.constant 16 : i32
      %add3A_547 = vector.broadcast %add3A_546 : i32 to vector<16xi32>
      %add3A_548 = arith.addi %iota3A, %add3A_547 : vector<16xi32>
      %gather3A_549 = tpu.vector_load_idx %arg11[%broadcast_in_dim3A_526, %add3A_548, %broadcast_in_dim3A_524] : memref<16x32x128xf32, #tpu.memory_space<vmem>>[vector<16xi32>, vector<16xi32>, vector<16xi32>], vector<16xf32>,
      %mul3A_550 = arith.constant 32 : i32
      %mul3A_551 = arith.muli %add3A_521, %mul3A_550 : i32
      %get3A_552 = arith.index_cast %mul3A_551 : i32 to index
      %get3A_553 = tpu.vector_load %arg10[%get3A_552] {strides = array<i32>} : memref<16384xf32, #tpu.memory_space<vmem>>, vector<16xf32>,
      %mul3A_554 = arith.constant 32 : i32
      %mul3A_555 = arith.muli %add3A_521, %mul3A_554 : i32
      %add3A_556 = arith.constant 16 : i32
      %add3A_557 = arith.addi %mul3A_555, %add3A_556 : i32
      %get3A_558 = arith.index_cast %add3A_557 : i32 to index
      %get3A_559 = tpu.vector_load %arg10[%get3A_558] {strides = array<i32>} : memref<16384xf32, #tpu.memory_space<vmem>>, vector<16xf32>,
      %mul3A_560 = arith.mulf %gather3A_545, %get3A_7 : vector<16xf32>
      %mul3A_561 = arith.mulf %mul3A_560, %get3A_553 : vector<16xf32>
      %mul3A_562 = arith.mulf %gather3A_549, %get3A_9 : vector<16xf32>
      %mul3A_563 = arith.mulf %mul3A_562, %get3A_559 : vector<16xf32>
      %add3A_564 = arith.addf %mul3A_561, %mul3A_563 : vector<16xf32>
      %broadcast_in_dim3A_565 = arith.constant true
      %broadcast_in_dim3A_566 = vector.broadcast %broadcast_in_dim3A_565 : i1 to vector<16xi1>
      %masked_cumsum3A_567 = tpu.scan <sum>, %add3A_564 masked %broadcast_in_dim3A_566 : vector<16xf32>, vector<16xi1> -> vector<16xf32>
      %mul3A_568 = arith.constant 32 : i32
      %mul3A_569 = arith.muli %add3A_521, %mul3A_568 : i32
      %swap3A_570 = arith.index_cast %mul3A_569 : i32 to index
      %swap3A_571 = tpu.vector_load %arg10[%swap3A_570] {strides = array<i32>} : memref<16384xf32, #tpu.memory_space<vmem>>, vector<16xf32>,
      tpu.vector_store %arg10[%swap3A_570], %masked_cumsum3A_567 {strides = array<i32>} : memref<16384xf32, #tpu.memory_space<vmem>>, vector<16xf32>,
      %add3A_572 = arith.constant 1 : i32
      %add3A_573 = arith.addi %scan3A_359, %add3A_572 : i32
      %lt3A_574 = arith.constant 32 : i32
      %lt3A_575 = arith.cmpi slt, %add3A_573, %lt3A_574 : i32
      %convert_element_type3A_576 = arith.extui %lt3A_575 : i1 to i32
      %cond3A_577 = arith.constant 0 : i32
      %cond3A_578 = arith.cmpi ne, %convert_element_type3A_576, %cond3A_577 : i32
      scf.if %cond3A_578 {
        %add3A_1399 = arith.constant 1 : i32
        %add3A_1400 = arith.addi %scan3A_359, %add3A_1399 : i32
        %min3A = arith.constant 31 : i32
        %min3A_1401 = arith.minsi %add3A_1400, %min3A : i32
        %jit3A_1402 = arith.constant 8 : i32
        %div3A_1403 = arith.divsi %min3A_1401, %jit3A_1402 : i32
        %sign3A_1404 = arith.constant 0 : i32
        %sign3A_1405 = arith.cmpi sgt, %min3A_1401, %sign3A_1404 : i32
        %sign3A_1406 = arith.extui %sign3A_1405 : i1 to i32
        %sign3A_1407 = arith.constant 0 : i32
        %sign3A_1408 = arith.cmpi slt, %min3A_1401, %sign3A_1407 : i32
        %sign3A_1409 = arith.extui %sign3A_1408 : i1 to i32
        %sign3A_1410 = arith.subi %sign3A_1406, %sign3A_1409 : i32
        %sign3A_1411 = arith.constant 0 : i32
        %sign3A_1412 = arith.cmpi sgt, %jit3A_1402, %sign3A_1411 : i32
        %sign3A_1413 = arith.extui %sign3A_1412 : i1 to i32
        %sign3A_1414 = arith.constant 0 : i32
        %sign3A_1415 = arith.cmpi slt, %jit3A_1402, %sign3A_1414 : i32
        %sign3A_1416 = arith.extui %sign3A_1415 : i1 to i32
        %sign3A_1417 = arith.subi %sign3A_1413, %sign3A_1416 : i32
        %ne3A_1418 = arith.cmpi ne, %sign3A_1410, %sign3A_1417 : i32
        %rem3A_1419 = arith.remsi %min3A_1401, %jit3A_1402 : i32
        %ne3A_1420 = arith.constant 0 : i32
        %ne3A_1421 = arith.cmpi ne, %rem3A_1419, %ne3A_1420 : i32
        %and3A_1422 = arith.andi %ne3A_1418, %ne3A_1421 : i1
        %sub3A_1423 = arith.constant 1 : i32
        %sub3A_1424 = arith.subi %div3A_1403, %sub3A_1423 : i32
        %select_n3A_1425 = arith.select %and3A_1422, %sub3A_1424, %div3A_1403 : i32
        %jit3A_1426 = arith.constant 8 : i32
        %eq3A_1427 = arith.constant 0 : i32
        %eq3A_1428 = arith.cmpi eq, %jit3A_1426, %eq3A_1427 : i32
        %jit3A_1429 = arith.constant 1 : i32
        %select_n3A_1430 = arith.select %eq3A_1428, %jit3A_1429, %jit3A_1426 : i32
        %rem3A_1431 = arith.remsi %min3A_1401, %select_n3A_1430 : i32
        %ne3A_1432 = arith.constant 0 : i32
        %ne3A_1433 = arith.cmpi ne, %rem3A_1431, %ne3A_1432 : i32
        %lt3A_1434 = arith.constant 0 : i32
        %lt3A_1435 = arith.cmpi slt, %rem3A_1431, %lt3A_1434 : i32
        %lt3A_1436 = arith.constant 0 : i32
        %lt3A_1437 = arith.cmpi slt, %select_n3A_1430, %lt3A_1436 : i32
        %ne3A_1438 = arith.xori %lt3A_1435, %lt3A_1437 : i1
        %and3A_1439 = arith.andi %ne3A_1438, %ne3A_1433 : i1
        %add3A_1440 = arith.addi %rem3A_1431, %select_n3A_1430 : i32
        %select_n3A_1441 = arith.select %and3A_1439, %add3A_1440, %rem3A_1431 : i32
        %mul3A_1442 = arith.constant 16 : i32
        %mul3A_1443 = arith.muli %select_n3A_1441, %mul3A_1442 : i32
        %get3A_1444 = arith.index_cast %select_n3A_1425 : i32 to index
        %get3A_1445 = arith.index_cast %mul3A_1443 : i32 to index
        %get3A_1446 = tpu.vector_load %arg8[%get3A_1444, %get3A_1445] {strides = array<i32>} : memref<4x128xi32, #tpu.memory_space<vmem>>, vector<16xi32>,
        %slice3A_1447 = vector.extract_strided_slice %get3A_1446 {offsets = [2], sizes = [1], strides = [1]} : vector<16xi32> to vector<1xi32>
        %squeeze3A_1448 = vector.extract %slice3A_1447[0] : i32 from vector<1xi32>
        %shift_right_arithmetic3A_1449 = arith.constant 7 : i32
        %shift_right_arithmetic3A_1450 = arith.shrsi %squeeze3A_1448, %shift_right_arithmetic3A_1449 : i32
        %mul3A_1451 = arith.constant 128 : i32
        %mul3A_1452 = arith.muli %shift_right_arithmetic3A_1450, %mul3A_1451 : i32
        %multiple_of3A_1453 = tpu.assume_multiple %mul3A_1452, 128 : i32
        %dma_start3A_1454 = arith.constant 2 : i32
        %dma_start3A_1455 = arith.constant 0 : i32
        %dma_start3A_1456 = arith.constant 0 : i32
        %dma_start3A_1457 = tpu.memref_slice %arg11[%dma_start3A_1454, %dma_start3A_1455, %dma_start3A_1456] : memref<16x32x128xf32, #tpu.memory_space<vmem>> -> memref<1x32x128xf32, #tpu.memory_space<vmem>>
        %dma_start3A_1458 = tpu.memref_squeeze %dma_start3A_1457 : memref<1x32x128xf32, #tpu.memory_space<vmem>> -> memref<32x128xf32, #tpu.memory_space<vmem>>
        %dma_start3A_1459 = arith.constant 0 : i32
        %dma_start3A_1460 = tpu.memref_slice %arg4[%dma_start3A_1459, %multiple_of3A_1453] : memref<32x1000000xf32, #tpu.memory_space<hbm>> -> memref<32x128xf32, #tpu.memory_space<hbm>>
        %dma_start3A_1461 = arith.constant 0 : i32
        %dma_start3A_1462 = arith.constant 0 : i32
        %dma_start3A_1463 = tpu.memref_slice %arg11[%dma_start3A_1454, %dma_start3A_1461, %dma_start3A_1462] : memref<16x32x128xf32, #tpu.memory_space<vmem>> -> memref<1x32x128xf32, #tpu.memory_space<vmem>>
        %dma_start3A_1464 = tpu.memref_squeeze %dma_start3A_1463 : memref<1x32x128xf32, #tpu.memory_space<vmem>> -> memref<32x128xf32, #tpu.memory_space<vmem>>
        %dma_start3A_1465 = arith.constant 0 : i32
        %dma_start3A_1466 = tpu.memref_slice %arg4[%dma_start3A_1465, %multiple_of3A_1453] : memref<32x1000000xf32, #tpu.memory_space<hbm>> -> memref<32x128xf32, #tpu.memory_space<hbm>>
        tpu.enqueue_dma source(%dma_start3A_1466 : memref<32x128xf32, #tpu.memory_space<hbm>>) target(%dma_start3A_1464 : memref<32x128xf32, #tpu.memory_space<vmem>>) target_semaphore(%arg17 : memref<!tpu.dma_semaphore, #tpu.memory_space<semaphore_mem>>)
      } else {
      }
      %slice3A_579 = vector.extract_strided_slice %get3A_395 {offsets = [3], sizes = [1], strides = [1]} : vector<16xi32> to vector<1xi32>
      %squeeze3A_580 = vector.extract %slice3A_579[0] : i32 from vector<1xi32>
      %mul3A_581 = arith.constant 16 : i32
      %mul3A_582 = arith.muli %scan3A_359, %mul3A_581 : i32
      %add3A_583 = arith.constant 3 : i32
      %add3A_584 = arith.addi %mul3A_582, %add3A_583 : i32
      %and3A_585 = arith.constant 127 : i32
      %and3A_586 = arith.andi %squeeze3A_580, %and3A_585 : i32
      %broadcast_in_dim3A_587 = vector.broadcast %and3A_586 : i32 to vector<16xi32>
      %broadcast_in_dim3A_588 = arith.constant 3 : i32
      %broadcast_in_dim3A_589 = vector.broadcast %broadcast_in_dim3A_588 : i32 to vector<16xi32>
      %shift_right_arithmetic3A_590 = arith.constant 7 : i32
      %shift_right_arithmetic3A_591 = arith.shrsi %squeeze3A_580, %shift_right_arithmetic3A_590 : i32
      %mul3A_592 = arith.constant 128 : i32
      %mul3A_593 = arith.muli %shift_right_arithmetic3A_591, %mul3A_592 : i32
      %multiple_of3A_594 = tpu.assume_multiple %mul3A_593, 128 : i32
      %dma_wait3A_595 = arith.constant 3 : i32
      %dma_wait3A_596 = arith.constant 0 : i32
      %dma_wait3A_597 = arith.constant 0 : i32
      %dma_wait3A_598 = tpu.memref_slice %arg11[%dma_wait3A_595, %dma_wait3A_596, %dma_wait3A_597] : memref<16x32x128xf32, #tpu.memory_space<vmem>> -> memref<1x32x128xf32, #tpu.memory_space<vmem>>
      %dma_wait3A_599 = tpu.memref_squeeze %dma_wait3A_598 : memref<1x32x128xf32, #tpu.memory_space<vmem>> -> memref<32x128xf32, #tpu.memory_space<vmem>>
      %dma_wait3A_600 = arith.constant 0 : i32
      %dma_wait3A_601 = tpu.memref_slice %arg4[%dma_wait3A_600, %multiple_of3A_594] : memref<32x1000000xf32, #tpu.memory_space<hbm>> -> memref<32x128xf32, #tpu.memory_space<hbm>>
      %dma_wait3A_602 = arith.constant 0 : i32
      %dma_wait3A_603 = arith.constant 0 : i32
      %dma_wait3A_604 = tpu.memref_slice %arg11[%dma_wait3A_595, %dma_wait3A_602, %dma_wait3A_603] : memref<16x32x128xf32, #tpu.memory_space<vmem>> -> memref<1x32x128xf32, #tpu.memory_space<vmem>>
      %dma_wait3A_605 = tpu.memref_squeeze %dma_wait3A_604 : memref<1x32x128xf32, #tpu.memory_space<vmem>> -> memref<32x128xf32, #tpu.memory_space<vmem>>
      %dma_wait3A_606 = arith.constant 0 : i32
      %dma_wait3A_607 = tpu.memref_slice %arg4[%dma_wait3A_606, %multiple_of3A_594] : memref<32x1000000xf32, #tpu.memory_space<hbm>> -> memref<32x128xf32, #tpu.memory_space<hbm>>
      tpu.wait_dma2 semaphore(%arg18 : memref<!tpu.dma_semaphore, #tpu.memory_space<semaphore_mem>>) src(%dma_wait3A_607 : memref<32x128xf32, #tpu.memory_space<hbm>>) dst(%dma_wait3A_605 : memref<32x128xf32, #tpu.memory_space<vmem>>)
      %gather3A_608 = tpu.vector_load_idx %arg11[%broadcast_in_dim3A_589, %iota3A, %broadcast_in_dim3A_587] : memref<16x32x128xf32, #tpu.memory_space<vmem>>[vector<16xi32>, vector<16xi32>, vector<16xi32>], vector<16xf32>,
      %add3A_609 = arith.constant 16 : i32
      %add3A_610 = vector.broadcast %add3A_609 : i32 to vector<16xi32>
      %add3A_611 = arith.addi %iota3A, %add3A_610 : vector<16xi32>
      %gather3A_612 = tpu.vector_load_idx %arg11[%broadcast_in_dim3A_589, %add3A_611, %broadcast_in_dim3A_587] : memref<16x32x128xf32, #tpu.memory_space<vmem>>[vector<16xi32>, vector<16xi32>, vector<16xi32>], vector<16xf32>,
      %mul3A_613 = arith.constant 32 : i32
      %mul3A_614 = arith.muli %add3A_584, %mul3A_613 : i32
      %get3A_615 = arith.index_cast %mul3A_614 : i32 to index
      %get3A_616 = tpu.vector_load %arg10[%get3A_615] {strides = array<i32>} : memref<16384xf32, #tpu.memory_space<vmem>>, vector<16xf32>,
      %mul3A_617 = arith.constant 32 : i32
      %mul3A_618 = arith.muli %add3A_584, %mul3A_617 : i32
      %add3A_619 = arith.constant 16 : i32
      %add3A_620 = arith.addi %mul3A_618, %add3A_619 : i32
      %get3A_621 = arith.index_cast %add3A_620 : i32 to index
      %get3A_622 = tpu.vector_load %arg10[%get3A_621] {strides = array<i32>} : memref<16384xf32, #tpu.memory_space<vmem>>, vector<16xf32>,
      %mul3A_623 = arith.mulf %gather3A_608, %get3A_7 : vector<16xf32>
      %mul3A_624 = arith.mulf %mul3A_623, %get3A_616 : vector<16xf32>
      %mul3A_625 = arith.mulf %gather3A_612, %get3A_9 : vector<16xf32>
      %mul3A_626 = arith.mulf %mul3A_625, %get3A_622 : vector<16xf32>
      %add3A_627 = arith.addf %mul3A_624, %mul3A_626 : vector<16xf32>
      %broadcast_in_dim3A_628 = arith.constant true
      %broadcast_in_dim3A_629 = vector.broadcast %broadcast_in_dim3A_628 : i1 to vector<16xi1>
      %masked_cumsum3A_630 = tpu.scan <sum>, %add3A_627 masked %broadcast_in_dim3A_629 : vector<16xf32>, vector<16xi1> -> vector<16xf32>
      %mul3A_631 = arith.constant 32 : i32
      %mul3A_632 = arith.muli %add3A_584, %mul3A_631 : i32
      %swap3A_633 = arith.index_cast %mul3A_632 : i32 to index
      %swap3A_634 = tpu.vector_load %arg10[%swap3A_633] {strides = array<i32>} : memref<16384xf32, #tpu.memory_space<vmem>>, vector<16xf32>,
      tpu.vector_store %arg10[%swap3A_633], %masked_cumsum3A_630 {strides = array<i32>} : memref<16384xf32, #tpu.memory_space<vmem>>, vector<16xf32>,
      %add3A_635 = arith.constant 1 : i32
      %add3A_636 = arith.addi %scan3A_359, %add3A_635 : i32
      %lt3A_637 = arith.constant 32 : i32
      %lt3A_638 = arith.cmpi slt, %add3A_636, %lt3A_637 : i32
      %convert_element_type3A_639 = arith.extui %lt3A_638 : i1 to i32
      %cond3A_640 = arith.constant 0 : i32
      %cond3A_641 = arith.cmpi ne, %convert_element_type3A_639, %cond3A_640 : i32
      scf.if %cond3A_641 {
        %add3A_1399 = arith.constant 1 : i32
        %add3A_1400 = arith.addi %scan3A_359, %add3A_1399 : i32
        %min3A = arith.constant 31 : i32
        %min3A_1401 = arith.minsi %add3A_1400, %min3A : i32
        %jit3A_1402 = arith.constant 8 : i32
        %div3A_1403 = arith.divsi %min3A_1401, %jit3A_1402 : i32
        %sign3A_1404 = arith.constant 0 : i32
        %sign3A_1405 = arith.cmpi sgt, %min3A_1401, %sign3A_1404 : i32
        %sign3A_1406 = arith.extui %sign3A_1405 : i1 to i32
        %sign3A_1407 = arith.constant 0 : i32
        %sign3A_1408 = arith.cmpi slt, %min3A_1401, %sign3A_1407 : i32
        %sign3A_1409 = arith.extui %sign3A_1408 : i1 to i32
        %sign3A_1410 = arith.subi %sign3A_1406, %sign3A_1409 : i32
        %sign3A_1411 = arith.constant 0 : i32
        %sign3A_1412 = arith.cmpi sgt, %jit3A_1402, %sign3A_1411 : i32
        %sign3A_1413 = arith.extui %sign3A_1412 : i1 to i32
        %sign3A_1414 = arith.constant 0 : i32
        %sign3A_1415 = arith.cmpi slt, %jit3A_1402, %sign3A_1414 : i32
        %sign3A_1416 = arith.extui %sign3A_1415 : i1 to i32
        %sign3A_1417 = arith.subi %sign3A_1413, %sign3A_1416 : i32
        %ne3A_1418 = arith.cmpi ne, %sign3A_1410, %sign3A_1417 : i32
        %rem3A_1419 = arith.remsi %min3A_1401, %jit3A_1402 : i32
        %ne3A_1420 = arith.constant 0 : i32
        %ne3A_1421 = arith.cmpi ne, %rem3A_1419, %ne3A_1420 : i32
        %and3A_1422 = arith.andi %ne3A_1418, %ne3A_1421 : i1
        %sub3A_1423 = arith.constant 1 : i32
        %sub3A_1424 = arith.subi %div3A_1403, %sub3A_1423 : i32
        %select_n3A_1425 = arith.select %and3A_1422, %sub3A_1424, %div3A_1403 : i32
        %jit3A_1426 = arith.constant 8 : i32
        %eq3A_1427 = arith.constant 0 : i32
        %eq3A_1428 = arith.cmpi eq, %jit3A_1426, %eq3A_1427 : i32
        %jit3A_1429 = arith.constant 1 : i32
        %select_n3A_1430 = arith.select %eq3A_1428, %jit3A_1429, %jit3A_1426 : i32
        %rem3A_1431 = arith.remsi %min3A_1401, %select_n3A_1430 : i32
        %ne3A_1432 = arith.constant 0 : i32
        %ne3A_1433 = arith.cmpi ne, %rem3A_1431, %ne3A_1432 : i32
        %lt3A_1434 = arith.constant 0 : i32
        %lt3A_1435 = arith.cmpi slt, %rem3A_1431, %lt3A_1434 : i32
        %lt3A_1436 = arith.constant 0 : i32
        %lt3A_1437 = arith.cmpi slt, %select_n3A_1430, %lt3A_1436 : i32
        %ne3A_1438 = arith.xori %lt3A_1435, %lt3A_1437 : i1
        %and3A_1439 = arith.andi %ne3A_1438, %ne3A_1433 : i1
        %add3A_1440 = arith.addi %rem3A_1431, %select_n3A_1430 : i32
        %select_n3A_1441 = arith.select %and3A_1439, %add3A_1440, %rem3A_1431 : i32
        %mul3A_1442 = arith.constant 16 : i32
        %mul3A_1443 = arith.muli %select_n3A_1441, %mul3A_1442 : i32
        %get3A_1444 = arith.index_cast %select_n3A_1425 : i32 to index
        %get3A_1445 = arith.index_cast %mul3A_1443 : i32 to index
        %get3A_1446 = tpu.vector_load %arg8[%get3A_1444, %get3A_1445] {strides = array<i32>} : memref<4x128xi32, #tpu.memory_space<vmem>>, vector<16xi32>,
        %slice3A_1447 = vector.extract_strided_slice %get3A_1446 {offsets = [3], sizes = [1], strides = [1]} : vector<16xi32> to vector<1xi32>
        %squeeze3A_1448 = vector.extract %slice3A_1447[0] : i32 from vector<1xi32>
        %shift_right_arithmetic3A_1449 = arith.constant 7 : i32
        %shift_right_arithmetic3A_1450 = arith.shrsi %squeeze3A_1448, %shift_right_arithmetic3A_1449 : i32
        %mul3A_1451 = arith.constant 128 : i32
        %mul3A_1452 = arith.muli %shift_right_arithmetic3A_1450, %mul3A_1451 : i32
        %multiple_of3A_1453 = tpu.assume_multiple %mul3A_1452, 128 : i32
        %dma_start3A_1454 = arith.constant 3 : i32
        %dma_start3A_1455 = arith.constant 0 : i32
        %dma_start3A_1456 = arith.constant 0 : i32
        %dma_start3A_1457 = tpu.memref_slice %arg11[%dma_start3A_1454, %dma_start3A_1455, %dma_start3A_1456] : memref<16x32x128xf32, #tpu.memory_space<vmem>> -> memref<1x32x128xf32, #tpu.memory_space<vmem>>
        %dma_start3A_1458 = tpu.memref_squeeze %dma_start3A_1457 : memref<1x32x128xf32, #tpu.memory_space<vmem>> -> memref<32x128xf32, #tpu.memory_space<vmem>>
        %dma_start3A_1459 = arith.constant 0 : i32
        %dma_start3A_1460 = tpu.memref_slice %arg4[%dma_start3A_1459, %multiple_of3A_1453] : memref<32x1000000xf32, #tpu.memory_space<hbm>> -> memref<32x128xf32, #tpu.memory_space<hbm>>
        %dma_start3A_1461 = arith.constant 0 : i32
        %dma_start3A_1462 = arith.constant 0 : i32
        %dma_start3A_1463 = tpu.memref_slice %arg11[%dma_start3A_1454, %dma_start3A_1461, %dma_start3A_1462] : memref<16x32x128xf32, #tpu.memory_space<vmem>> -> memref<1x32x128xf32, #tpu.memory_space<vmem>>
        %dma_start3A_1464 = tpu.memref_squeeze %dma_start3A_1463 : memref<1x32x128xf32, #tpu.memory_space<vmem>> -> memref<32x128xf32, #tpu.memory_space<vmem>>
        %dma_start3A_1465 = arith.constant 0 : i32
        %dma_start3A_1466 = tpu.memref_slice %arg4[%dma_start3A_1465, %multiple_of3A_1453] : memref<32x1000000xf32, #tpu.memory_space<hbm>> -> memref<32x128xf32, #tpu.memory_space<hbm>>
        tpu.enqueue_dma source(%dma_start3A_1466 : memref<32x128xf32, #tpu.memory_space<hbm>>) target(%dma_start3A_1464 : memref<32x128xf32, #tpu.memory_space<vmem>>) target_semaphore(%arg18 : memref<!tpu.dma_semaphore, #tpu.memory_space<semaphore_mem>>)
      } else {
      }
      %slice3A_642 = vector.extract_strided_slice %get3A_395 {offsets = [4], sizes = [1], strides = [1]} : vector<16xi32> to vector<1xi32>
      %squeeze3A_643 = vector.extract %slice3A_642[0] : i32 from vector<1xi32>
      %mul3A_644 = arith.constant 16 : i32
      %mul3A_645 = arith.muli %scan3A_359, %mul3A_644 : i32
      %add3A_646 = arith.constant 4 : i32
      %add3A_647 = arith.addi %mul3A_645, %add3A_646 : i32
      %and3A_648 = arith.constant 127 : i32
      %and3A_649 = arith.andi %squeeze3A_643, %and3A_648 : i32
      %broadcast_in_dim3A_650 = vector.broadcast %and3A_649 : i32 to vector<16xi32>
      %broadcast_in_dim3A_651 = arith.constant 4 : i32
      %broadcast_in_dim3A_652 = vector.broadcast %broadcast_in_dim3A_651 : i32 to vector<16xi32>
      %shift_right_arithmetic3A_653 = arith.constant 7 : i32
      %shift_right_arithmetic3A_654 = arith.shrsi %squeeze3A_643, %shift_right_arithmetic3A_653 : i32
      %mul3A_655 = arith.constant 128 : i32
      %mul3A_656 = arith.muli %shift_right_arithmetic3A_654, %mul3A_655 : i32
      %multiple_of3A_657 = tpu.assume_multiple %mul3A_656, 128 : i32
      %dma_wait3A_658 = arith.constant 4 : i32
      %dma_wait3A_659 = arith.constant 0 : i32
      %dma_wait3A_660 = arith.constant 0 : i32
      %dma_wait3A_661 = tpu.memref_slice %arg11[%dma_wait3A_658, %dma_wait3A_659, %dma_wait3A_660] : memref<16x32x128xf32, #tpu.memory_space<vmem>> -> memref<1x32x128xf32, #tpu.memory_space<vmem>>
      %dma_wait3A_662 = tpu.memref_squeeze %dma_wait3A_661 : memref<1x32x128xf32, #tpu.memory_space<vmem>> -> memref<32x128xf32, #tpu.memory_space<vmem>>
      %dma_wait3A_663 = arith.constant 0 : i32
      %dma_wait3A_664 = tpu.memref_slice %arg4[%dma_wait3A_663, %multiple_of3A_657] : memref<32x1000000xf32, #tpu.memory_space<hbm>> -> memref<32x128xf32, #tpu.memory_space<hbm>>
      %dma_wait3A_665 = arith.constant 0 : i32
      %dma_wait3A_666 = arith.constant 0 : i32
      %dma_wait3A_667 = tpu.memref_slice %arg11[%dma_wait3A_658, %dma_wait3A_665, %dma_wait3A_666] : memref<16x32x128xf32, #tpu.memory_space<vmem>> -> memref<1x32x128xf32, #tpu.memory_space<vmem>>
      %dma_wait3A_668 = tpu.memref_squeeze %dma_wait3A_667 : memref<1x32x128xf32, #tpu.memory_space<vmem>> -> memref<32x128xf32, #tpu.memory_space<vmem>>
      %dma_wait3A_669 = arith.constant 0 : i32
      %dma_wait3A_670 = tpu.memref_slice %arg4[%dma_wait3A_669, %multiple_of3A_657] : memref<32x1000000xf32, #tpu.memory_space<hbm>> -> memref<32x128xf32, #tpu.memory_space<hbm>>
      tpu.wait_dma2 semaphore(%arg19 : memref<!tpu.dma_semaphore, #tpu.memory_space<semaphore_mem>>) src(%dma_wait3A_670 : memref<32x128xf32, #tpu.memory_space<hbm>>) dst(%dma_wait3A_668 : memref<32x128xf32, #tpu.memory_space<vmem>>)
      %gather3A_671 = tpu.vector_load_idx %arg11[%broadcast_in_dim3A_652, %iota3A, %broadcast_in_dim3A_650] : memref<16x32x128xf32, #tpu.memory_space<vmem>>[vector<16xi32>, vector<16xi32>, vector<16xi32>], vector<16xf32>,
      %add3A_672 = arith.constant 16 : i32
      %add3A_673 = vector.broadcast %add3A_672 : i32 to vector<16xi32>
      %add3A_674 = arith.addi %iota3A, %add3A_673 : vector<16xi32>
      %gather3A_675 = tpu.vector_load_idx %arg11[%broadcast_in_dim3A_652, %add3A_674, %broadcast_in_dim3A_650] : memref<16x32x128xf32, #tpu.memory_space<vmem>>[vector<16xi32>, vector<16xi32>, vector<16xi32>], vector<16xf32>,
      %mul3A_676 = arith.constant 32 : i32
      %mul3A_677 = arith.muli %add3A_647, %mul3A_676 : i32
      %get3A_678 = arith.index_cast %mul3A_677 : i32 to index
      %get3A_679 = tpu.vector_load %arg10[%get3A_678] {strides = array<i32>} : memref<16384xf32, #tpu.memory_space<vmem>>, vector<16xf32>,
      %mul3A_680 = arith.constant 32 : i32
      %mul3A_681 = arith.muli %add3A_647, %mul3A_680 : i32
      %add3A_682 = arith.constant 16 : i32
      %add3A_683 = arith.addi %mul3A_681, %add3A_682 : i32
      %get3A_684 = arith.index_cast %add3A_683 : i32 to index
      %get3A_685 = tpu.vector_load %arg10[%get3A_684] {strides = array<i32>} : memref<16384xf32, #tpu.memory_space<vmem>>, vector<16xf32>,
      %mul3A_686 = arith.mulf %gather3A_671, %get3A_7 : vector<16xf32>
      %mul3A_687 = arith.mulf %mul3A_686, %get3A_679 : vector<16xf32>
      %mul3A_688 = arith.mulf %gather3A_675, %get3A_9 : vector<16xf32>
      %mul3A_689 = arith.mulf %mul3A_688, %get3A_685 : vector<16xf32>
      %add3A_690 = arith.addf %mul3A_687, %mul3A_689 : vector<16xf32>
      %broadcast_in_dim3A_691 = arith.constant true
      %broadcast_in_dim3A_692 = vector.broadcast %broadcast_in_dim3A_691 : i1 to vector<16xi1>
      %masked_cumsum3A_693 = tpu.scan <sum>, %add3A_690 masked %broadcast_in_dim3A_692 : vector<16xf32>, vector<16xi1> -> vector<16xf32>
      %mul3A_694 = arith.constant 32 : i32
      %mul3A_695 = arith.muli %add3A_647, %mul3A_694 : i32
      %swap3A_696 = arith.index_cast %mul3A_695 : i32 to index
      %swap3A_697 = tpu.vector_load %arg10[%swap3A_696] {strides = array<i32>} : memref<16384xf32, #tpu.memory_space<vmem>>, vector<16xf32>,
      tpu.vector_store %arg10[%swap3A_696], %masked_cumsum3A_693 {strides = array<i32>} : memref<16384xf32, #tpu.memory_space<vmem>>, vector<16xf32>,
      %add3A_698 = arith.constant 1 : i32
      %add3A_699 = arith.addi %scan3A_359, %add3A_698 : i32
      %lt3A_700 = arith.constant 32 : i32
      %lt3A_701 = arith.cmpi slt, %add3A_699, %lt3A_700 : i32
      %convert_element_type3A_702 = arith.extui %lt3A_701 : i1 to i32
      %cond3A_703 = arith.constant 0 : i32
      %cond3A_704 = arith.cmpi ne, %convert_element_type3A_702, %cond3A_703 : i32
      scf.if %cond3A_704 {
        %add3A_1399 = arith.constant 1 : i32
        %add3A_1400 = arith.addi %scan3A_359, %add3A_1399 : i32
        %min3A = arith.constant 31 : i32
        %min3A_1401 = arith.minsi %add3A_1400, %min3A : i32
        %jit3A_1402 = arith.constant 8 : i32
        %div3A_1403 = arith.divsi %min3A_1401, %jit3A_1402 : i32
        %sign3A_1404 = arith.constant 0 : i32
        %sign3A_1405 = arith.cmpi sgt, %min3A_1401, %sign3A_1404 : i32
        %sign3A_1406 = arith.extui %sign3A_1405 : i1 to i32
        %sign3A_1407 = arith.constant 0 : i32
        %sign3A_1408 = arith.cmpi slt, %min3A_1401, %sign3A_1407 : i32
        %sign3A_1409 = arith.extui %sign3A_1408 : i1 to i32
        %sign3A_1410 = arith.subi %sign3A_1406, %sign3A_1409 : i32
        %sign3A_1411 = arith.constant 0 : i32
        %sign3A_1412 = arith.cmpi sgt, %jit3A_1402, %sign3A_1411 : i32
        %sign3A_1413 = arith.extui %sign3A_1412 : i1 to i32
        %sign3A_1414 = arith.constant 0 : i32
        %sign3A_1415 = arith.cmpi slt, %jit3A_1402, %sign3A_1414 : i32
        %sign3A_1416 = arith.extui %sign3A_1415 : i1 to i32
        %sign3A_1417 = arith.subi %sign3A_1413, %sign3A_1416 : i32
        %ne3A_1418 = arith.cmpi ne, %sign3A_1410, %sign3A_1417 : i32
        %rem3A_1419 = arith.remsi %min3A_1401, %jit3A_1402 : i32
        %ne3A_1420 = arith.constant 0 : i32
        %ne3A_1421 = arith.cmpi ne, %rem3A_1419, %ne3A_1420 : i32
        %and3A_1422 = arith.andi %ne3A_1418, %ne3A_1421 : i1
        %sub3A_1423 = arith.constant 1 : i32
        %sub3A_1424 = arith.subi %div3A_1403, %sub3A_1423 : i32
        %select_n3A_1425 = arith.select %and3A_1422, %sub3A_1424, %div3A_1403 : i32
        %jit3A_1426 = arith.constant 8 : i32
        %eq3A_1427 = arith.constant 0 : i32
        %eq3A_1428 = arith.cmpi eq, %jit3A_1426, %eq3A_1427 : i32
        %jit3A_1429 = arith.constant 1 : i32
        %select_n3A_1430 = arith.select %eq3A_1428, %jit3A_1429, %jit3A_1426 : i32
        %rem3A_1431 = arith.remsi %min3A_1401, %select_n3A_1430 : i32
        %ne3A_1432 = arith.constant 0 : i32
        %ne3A_1433 = arith.cmpi ne, %rem3A_1431, %ne3A_1432 : i32
        %lt3A_1434 = arith.constant 0 : i32
        %lt3A_1435 = arith.cmpi slt, %rem3A_1431, %lt3A_1434 : i32
        %lt3A_1436 = arith.constant 0 : i32
        %lt3A_1437 = arith.cmpi slt, %select_n3A_1430, %lt3A_1436 : i32
        %ne3A_1438 = arith.xori %lt3A_1435, %lt3A_1437 : i1
        %and3A_1439 = arith.andi %ne3A_1438, %ne3A_1433 : i1
        %add3A_1440 = arith.addi %rem3A_1431, %select_n3A_1430 : i32
        %select_n3A_1441 = arith.select %and3A_1439, %add3A_1440, %rem3A_1431 : i32
        %mul3A_1442 = arith.constant 16 : i32
        %mul3A_1443 = arith.muli %select_n3A_1441, %mul3A_1442 : i32
        %get3A_1444 = arith.index_cast %select_n3A_1425 : i32 to index
        %get3A_1445 = arith.index_cast %mul3A_1443 : i32 to index
        %get3A_1446 = tpu.vector_load %arg8[%get3A_1444, %get3A_1445] {strides = array<i32>} : memref<4x128xi32, #tpu.memory_space<vmem>>, vector<16xi32>,
        %slice3A_1447 = vector.extract_strided_slice %get3A_1446 {offsets = [4], sizes = [1], strides = [1]} : vector<16xi32> to vector<1xi32>
        %squeeze3A_1448 = vector.extract %slice3A_1447[0] : i32 from vector<1xi32>
        %shift_right_arithmetic3A_1449 = arith.constant 7 : i32
        %shift_right_arithmetic3A_1450 = arith.shrsi %squeeze3A_1448, %shift_right_arithmetic3A_1449 : i32
        %mul3A_1451 = arith.constant 128 : i32
        %mul3A_1452 = arith.muli %shift_right_arithmetic3A_1450, %mul3A_1451 : i32
        %multiple_of3A_1453 = tpu.assume_multiple %mul3A_1452, 128 : i32
        %dma_start3A_1454 = arith.constant 4 : i32
        %dma_start3A_1455 = arith.constant 0 : i32
        %dma_start3A_1456 = arith.constant 0 : i32
        %dma_start3A_1457 = tpu.memref_slice %arg11[%dma_start3A_1454, %dma_start3A_1455, %dma_start3A_1456] : memref<16x32x128xf32, #tpu.memory_space<vmem>> -> memref<1x32x128xf32, #tpu.memory_space<vmem>>
        %dma_start3A_1458 = tpu.memref_squeeze %dma_start3A_1457 : memref<1x32x128xf32, #tpu.memory_space<vmem>> -> memref<32x128xf32, #tpu.memory_space<vmem>>
        %dma_start3A_1459 = arith.constant 0 : i32
        %dma_start3A_1460 = tpu.memref_slice %arg4[%dma_start3A_1459, %multiple_of3A_1453] : memref<32x1000000xf32, #tpu.memory_space<hbm>> -> memref<32x128xf32, #tpu.memory_space<hbm>>
        %dma_start3A_1461 = arith.constant 0 : i32
        %dma_start3A_1462 = arith.constant 0 : i32
        %dma_start3A_1463 = tpu.memref_slice %arg11[%dma_start3A_1454, %dma_start3A_1461, %dma_start3A_1462] : memref<16x32x128xf32, #tpu.memory_space<vmem>> -> memref<1x32x128xf32, #tpu.memory_space<vmem>>
        %dma_start3A_1464 = tpu.memref_squeeze %dma_start3A_1463 : memref<1x32x128xf32, #tpu.memory_space<vmem>> -> memref<32x128xf32, #tpu.memory_space<vmem>>
        %dma_start3A_1465 = arith.constant 0 : i32
        %dma_start3A_1466 = tpu.memref_slice %arg4[%dma_start3A_1465, %multiple_of3A_1453] : memref<32x1000000xf32, #tpu.memory_space<hbm>> -> memref<32x128xf32, #tpu.memory_space<hbm>>
        tpu.enqueue_dma source(%dma_start3A_1466 : memref<32x128xf32, #tpu.memory_space<hbm>>) target(%dma_start3A_1464 : memref<32x128xf32, #tpu.memory_space<vmem>>) target_semaphore(%arg19 : memref<!tpu.dma_semaphore, #tpu.memory_space<semaphore_mem>>)
      } else {
      }
      %slice3A_705 = vector.extract_strided_slice %get3A_395 {offsets = [5], sizes = [1], strides = [1]} : vector<16xi32> to vector<1xi32>
      %squeeze3A_706 = vector.extract %slice3A_705[0] : i32 from vector<1xi32>
      %mul3A_707 = arith.constant 16 : i32
      %mul3A_708 = arith.muli %scan3A_359, %mul3A_707 : i32
      %add3A_709 = arith.constant 5 : i32
      %add3A_710 = arith.addi %mul3A_708, %add3A_709 : i32
      %and3A_711 = arith.constant 127 : i32
      %and3A_712 = arith.andi %squeeze3A_706, %and3A_711 : i32
      %broadcast_in_dim3A_713 = vector.broadcast %and3A_712 : i32 to vector<16xi32>
      %broadcast_in_dim3A_714 = arith.constant 5 : i32
      %broadcast_in_dim3A_715 = vector.broadcast %broadcast_in_dim3A_714 : i32 to vector<16xi32>
      %shift_right_arithmetic3A_716 = arith.constant 7 : i32
      %shift_right_arithmetic3A_717 = arith.shrsi %squeeze3A_706, %shift_right_arithmetic3A_716 : i32
      %mul3A_718 = arith.constant 128 : i32
      %mul3A_719 = arith.muli %shift_right_arithmetic3A_717, %mul3A_718 : i32
      %multiple_of3A_720 = tpu.assume_multiple %mul3A_719, 128 : i32
      %dma_wait3A_721 = arith.constant 5 : i32
      %dma_wait3A_722 = arith.constant 0 : i32
      %dma_wait3A_723 = arith.constant 0 : i32
      %dma_wait3A_724 = tpu.memref_slice %arg11[%dma_wait3A_721, %dma_wait3A_722, %dma_wait3A_723] : memref<16x32x128xf32, #tpu.memory_space<vmem>> -> memref<1x32x128xf32, #tpu.memory_space<vmem>>
      %dma_wait3A_725 = tpu.memref_squeeze %dma_wait3A_724 : memref<1x32x128xf32, #tpu.memory_space<vmem>> -> memref<32x128xf32, #tpu.memory_space<vmem>>
      %dma_wait3A_726 = arith.constant 0 : i32
      %dma_wait3A_727 = tpu.memref_slice %arg4[%dma_wait3A_726, %multiple_of3A_720] : memref<32x1000000xf32, #tpu.memory_space<hbm>> -> memref<32x128xf32, #tpu.memory_space<hbm>>
      %dma_wait3A_728 = arith.constant 0 : i32
      %dma_wait3A_729 = arith.constant 0 : i32
      %dma_wait3A_730 = tpu.memref_slice %arg11[%dma_wait3A_721, %dma_wait3A_728, %dma_wait3A_729] : memref<16x32x128xf32, #tpu.memory_space<vmem>> -> memref<1x32x128xf32, #tpu.memory_space<vmem>>
      %dma_wait3A_731 = tpu.memref_squeeze %dma_wait3A_730 : memref<1x32x128xf32, #tpu.memory_space<vmem>> -> memref<32x128xf32, #tpu.memory_space<vmem>>
      %dma_wait3A_732 = arith.constant 0 : i32
      %dma_wait3A_733 = tpu.memref_slice %arg4[%dma_wait3A_732, %multiple_of3A_720] : memref<32x1000000xf32, #tpu.memory_space<hbm>> -> memref<32x128xf32, #tpu.memory_space<hbm>>
      tpu.wait_dma2 semaphore(%arg20 : memref<!tpu.dma_semaphore, #tpu.memory_space<semaphore_mem>>) src(%dma_wait3A_733 : memref<32x128xf32, #tpu.memory_space<hbm>>) dst(%dma_wait3A_731 : memref<32x128xf32, #tpu.memory_space<vmem>>)
      %gather3A_734 = tpu.vector_load_idx %arg11[%broadcast_in_dim3A_715, %iota3A, %broadcast_in_dim3A_713] : memref<16x32x128xf32, #tpu.memory_space<vmem>>[vector<16xi32>, vector<16xi32>, vector<16xi32>], vector<16xf32>,
      %add3A_735 = arith.constant 16 : i32
      %add3A_736 = vector.broadcast %add3A_735 : i32 to vector<16xi32>
      %add3A_737 = arith.addi %iota3A, %add3A_736 : vector<16xi32>
      %gather3A_738 = tpu.vector_load_idx %arg11[%broadcast_in_dim3A_715, %add3A_737, %broadcast_in_dim3A_713] : memref<16x32x128xf32, #tpu.memory_space<vmem>>[vector<16xi32>, vector<16xi32>, vector<16xi32>], vector<16xf32>,
      %mul3A_739 = arith.constant 32 : i32
      %mul3A_740 = arith.muli %add3A_710, %mul3A_739 : i32
      %get3A_741 = arith.index_cast %mul3A_740 : i32 to index
      %get3A_742 = tpu.vector_load %arg10[%get3A_741] {strides = array<i32>} : memref<16384xf32, #tpu.memory_space<vmem>>, vector<16xf32>,
      %mul3A_743 = arith.constant 32 : i32
      %mul3A_744 = arith.muli %add3A_710, %mul3A_743 : i32
      %add3A_745 = arith.constant 16 : i32
      %add3A_746 = arith.addi %mul3A_744, %add3A_745 : i32
      %get3A_747 = arith.index_cast %add3A_746 : i32 to index
      %get3A_748 = tpu.vector_load %arg10[%get3A_747] {strides = array<i32>} : memref<16384xf32, #tpu.memory_space<vmem>>, vector<16xf32>,
      %mul3A_749 = arith.mulf %gather3A_734, %get3A_7 : vector<16xf32>
      %mul3A_750 = arith.mulf %mul3A_749, %get3A_742 : vector<16xf32>
      %mul3A_751 = arith.mulf %gather3A_738, %get3A_9 : vector<16xf32>
      %mul3A_752 = arith.mulf %mul3A_751, %get3A_748 : vector<16xf32>
      %add3A_753 = arith.addf %mul3A_750, %mul3A_752 : vector<16xf32>
      %broadcast_in_dim3A_754 = arith.constant true
      %broadcast_in_dim3A_755 = vector.broadcast %broadcast_in_dim3A_754 : i1 to vector<16xi1>
      %masked_cumsum3A_756 = tpu.scan <sum>, %add3A_753 masked %broadcast_in_dim3A_755 : vector<16xf32>, vector<16xi1> -> vector<16xf32>
      %mul3A_757 = arith.constant 32 : i32
      %mul3A_758 = arith.muli %add3A_710, %mul3A_757 : i32
      %swap3A_759 = arith.index_cast %mul3A_758 : i32 to index
      %swap3A_760 = tpu.vector_load %arg10[%swap3A_759] {strides = array<i32>} : memref<16384xf32, #tpu.memory_space<vmem>>, vector<16xf32>,
      tpu.vector_store %arg10[%swap3A_759], %masked_cumsum3A_756 {strides = array<i32>} : memref<16384xf32, #tpu.memory_space<vmem>>, vector<16xf32>,
      %add3A_761 = arith.constant 1 : i32
      %add3A_762 = arith.addi %scan3A_359, %add3A_761 : i32
      %lt3A_763 = arith.constant 32 : i32
      %lt3A_764 = arith.cmpi slt, %add3A_762, %lt3A_763 : i32
      %convert_element_type3A_765 = arith.extui %lt3A_764 : i1 to i32
      %cond3A_766 = arith.constant 0 : i32
      %cond3A_767 = arith.cmpi ne, %convert_element_type3A_765, %cond3A_766 : i32
      scf.if %cond3A_767 {
        %add3A_1399 = arith.constant 1 : i32
        %add3A_1400 = arith.addi %scan3A_359, %add3A_1399 : i32
        %min3A = arith.constant 31 : i32
        %min3A_1401 = arith.minsi %add3A_1400, %min3A : i32
        %jit3A_1402 = arith.constant 8 : i32
        %div3A_1403 = arith.divsi %min3A_1401, %jit3A_1402 : i32
        %sign3A_1404 = arith.constant 0 : i32
        %sign3A_1405 = arith.cmpi sgt, %min3A_1401, %sign3A_1404 : i32
        %sign3A_1406 = arith.extui %sign3A_1405 : i1 to i32
        %sign3A_1407 = arith.constant 0 : i32
        %sign3A_1408 = arith.cmpi slt, %min3A_1401, %sign3A_1407 : i32
        %sign3A_1409 = arith.extui %sign3A_1408 : i1 to i32
        %sign3A_1410 = arith.subi %sign3A_1406, %sign3A_1409 : i32
        %sign3A_1411 = arith.constant 0 : i32
        %sign3A_1412 = arith.cmpi sgt, %jit3A_1402, %sign3A_1411 : i32
        %sign3A_1413 = arith.extui %sign3A_1412 : i1 to i32
        %sign3A_1414 = arith.constant 0 : i32
        %sign3A_1415 = arith.cmpi slt, %jit3A_1402, %sign3A_1414 : i32
        %sign3A_1416 = arith.extui %sign3A_1415 : i1 to i32
        %sign3A_1417 = arith.subi %sign3A_1413, %sign3A_1416 : i32
        %ne3A_1418 = arith.cmpi ne, %sign3A_1410, %sign3A_1417 : i32
        %rem3A_1419 = arith.remsi %min3A_1401, %jit3A_1402 : i32
        %ne3A_1420 = arith.constant 0 : i32
        %ne3A_1421 = arith.cmpi ne, %rem3A_1419, %ne3A_1420 : i32
        %and3A_1422 = arith.andi %ne3A_1418, %ne3A_1421 : i1
        %sub3A_1423 = arith.constant 1 : i32
        %sub3A_1424 = arith.subi %div3A_1403, %sub3A_1423 : i32
        %select_n3A_1425 = arith.select %and3A_1422, %sub3A_1424, %div3A_1403 : i32
        %jit3A_1426 = arith.constant 8 : i32
        %eq3A_1427 = arith.constant 0 : i32
        %eq3A_1428 = arith.cmpi eq, %jit3A_1426, %eq3A_1427 : i32
        %jit3A_1429 = arith.constant 1 : i32
        %select_n3A_1430 = arith.select %eq3A_1428, %jit3A_1429, %jit3A_1426 : i32
        %rem3A_1431 = arith.remsi %min3A_1401, %select_n3A_1430 : i32
        %ne3A_1432 = arith.constant 0 : i32
        %ne3A_1433 = arith.cmpi ne, %rem3A_1431, %ne3A_1432 : i32
        %lt3A_1434 = arith.constant 0 : i32
        %lt3A_1435 = arith.cmpi slt, %rem3A_1431, %lt3A_1434 : i32
        %lt3A_1436 = arith.constant 0 : i32
        %lt3A_1437 = arith.cmpi slt, %select_n3A_1430, %lt3A_1436 : i32
        %ne3A_1438 = arith.xori %lt3A_1435, %lt3A_1437 : i1
        %and3A_1439 = arith.andi %ne3A_1438, %ne3A_1433 : i1
        %add3A_1440 = arith.addi %rem3A_1431, %select_n3A_1430 : i32
        %select_n3A_1441 = arith.select %and3A_1439, %add3A_1440, %rem3A_1431 : i32
        %mul3A_1442 = arith.constant 16 : i32
        %mul3A_1443 = arith.muli %select_n3A_1441, %mul3A_1442 : i32
        %get3A_1444 = arith.index_cast %select_n3A_1425 : i32 to index
        %get3A_1445 = arith.index_cast %mul3A_1443 : i32 to index
        %get3A_1446 = tpu.vector_load %arg8[%get3A_1444, %get3A_1445] {strides = array<i32>} : memref<4x128xi32, #tpu.memory_space<vmem>>, vector<16xi32>,
        %slice3A_1447 = vector.extract_strided_slice %get3A_1446 {offsets = [5], sizes = [1], strides = [1]} : vector<16xi32> to vector<1xi32>
        %squeeze3A_1448 = vector.extract %slice3A_1447[0] : i32 from vector<1xi32>
        %shift_right_arithmetic3A_1449 = arith.constant 7 : i32
        %shift_right_arithmetic3A_1450 = arith.shrsi %squeeze3A_1448, %shift_right_arithmetic3A_1449 : i32
        %mul3A_1451 = arith.constant 128 : i32
        %mul3A_1452 = arith.muli %shift_right_arithmetic3A_1450, %mul3A_1451 : i32
        %multiple_of3A_1453 = tpu.assume_multiple %mul3A_1452, 128 : i32
        %dma_start3A_1454 = arith.constant 5 : i32
        %dma_start3A_1455 = arith.constant 0 : i32
        %dma_start3A_1456 = arith.constant 0 : i32
        %dma_start3A_1457 = tpu.memref_slice %arg11[%dma_start3A_1454, %dma_start3A_1455, %dma_start3A_1456] : memref<16x32x128xf32, #tpu.memory_space<vmem>> -> memref<1x32x128xf32, #tpu.memory_space<vmem>>
        %dma_start3A_1458 = tpu.memref_squeeze %dma_start3A_1457 : memref<1x32x128xf32, #tpu.memory_space<vmem>> -> memref<32x128xf32, #tpu.memory_space<vmem>>
        %dma_start3A_1459 = arith.constant 0 : i32
        %dma_start3A_1460 = tpu.memref_slice %arg4[%dma_start3A_1459, %multiple_of3A_1453] : memref<32x1000000xf32, #tpu.memory_space<hbm>> -> memref<32x128xf32, #tpu.memory_space<hbm>>
        %dma_start3A_1461 = arith.constant 0 : i32
        %dma_start3A_1462 = arith.constant 0 : i32
        %dma_start3A_1463 = tpu.memref_slice %arg11[%dma_start3A_1454, %dma_start3A_1461, %dma_start3A_1462] : memref<16x32x128xf32, #tpu.memory_space<vmem>> -> memref<1x32x128xf32, #tpu.memory_space<vmem>>
        %dma_start3A_1464 = tpu.memref_squeeze %dma_start3A_1463 : memref<1x32x128xf32, #tpu.memory_space<vmem>> -> memref<32x128xf32, #tpu.memory_space<vmem>>
        %dma_start3A_1465 = arith.constant 0 : i32
        %dma_start3A_1466 = tpu.memref_slice %arg4[%dma_start3A_1465, %multiple_of3A_1453] : memref<32x1000000xf32, #tpu.memory_space<hbm>> -> memref<32x128xf32, #tpu.memory_space<hbm>>
        tpu.enqueue_dma source(%dma_start3A_1466 : memref<32x128xf32, #tpu.memory_space<hbm>>) target(%dma_start3A_1464 : memref<32x128xf32, #tpu.memory_space<vmem>>) target_semaphore(%arg20 : memref<!tpu.dma_semaphore, #tpu.memory_space<semaphore_mem>>)
      } else {
      }
      %slice3A_768 = vector.extract_strided_slice %get3A_395 {offsets = [6], sizes = [1], strides = [1]} : vector<16xi32> to vector<1xi32>
      %squeeze3A_769 = vector.extract %slice3A_768[0] : i32 from vector<1xi32>
      %mul3A_770 = arith.constant 16 : i32
      %mul3A_771 = arith.muli %scan3A_359, %mul3A_770 : i32
      %add3A_772 = arith.constant 6 : i32
      %add3A_773 = arith.addi %mul3A_771, %add3A_772 : i32
      %and3A_774 = arith.constant 127 : i32
      %and3A_775 = arith.andi %squeeze3A_769, %and3A_774 : i32
      %broadcast_in_dim3A_776 = vector.broadcast %and3A_775 : i32 to vector<16xi32>
      %broadcast_in_dim3A_777 = arith.constant 6 : i32
      %broadcast_in_dim3A_778 = vector.broadcast %broadcast_in_dim3A_777 : i32 to vector<16xi32>
      %shift_right_arithmetic3A_779 = arith.constant 7 : i32
      %shift_right_arithmetic3A_780 = arith.shrsi %squeeze3A_769, %shift_right_arithmetic3A_779 : i32
      %mul3A_781 = arith.constant 128 : i32
      %mul3A_782 = arith.muli %shift_right_arithmetic3A_780, %mul3A_781 : i32
      %multiple_of3A_783 = tpu.assume_multiple %mul3A_782, 128 : i32
      %dma_wait3A_784 = arith.constant 6 : i32
      %dma_wait3A_785 = arith.constant 0 : i32
      %dma_wait3A_786 = arith.constant 0 : i32
      %dma_wait3A_787 = tpu.memref_slice %arg11[%dma_wait3A_784, %dma_wait3A_785, %dma_wait3A_786] : memref<16x32x128xf32, #tpu.memory_space<vmem>> -> memref<1x32x128xf32, #tpu.memory_space<vmem>>
      %dma_wait3A_788 = tpu.memref_squeeze %dma_wait3A_787 : memref<1x32x128xf32, #tpu.memory_space<vmem>> -> memref<32x128xf32, #tpu.memory_space<vmem>>
      %dma_wait3A_789 = arith.constant 0 : i32
      %dma_wait3A_790 = tpu.memref_slice %arg4[%dma_wait3A_789, %multiple_of3A_783] : memref<32x1000000xf32, #tpu.memory_space<hbm>> -> memref<32x128xf32, #tpu.memory_space<hbm>>
      %dma_wait3A_791 = arith.constant 0 : i32
      %dma_wait3A_792 = arith.constant 0 : i32
      %dma_wait3A_793 = tpu.memref_slice %arg11[%dma_wait3A_784, %dma_wait3A_791, %dma_wait3A_792] : memref<16x32x128xf32, #tpu.memory_space<vmem>> -> memref<1x32x128xf32, #tpu.memory_space<vmem>>
      %dma_wait3A_794 = tpu.memref_squeeze %dma_wait3A_793 : memref<1x32x128xf32, #tpu.memory_space<vmem>> -> memref<32x128xf32, #tpu.memory_space<vmem>>
      %dma_wait3A_795 = arith.constant 0 : i32
      %dma_wait3A_796 = tpu.memref_slice %arg4[%dma_wait3A_795, %multiple_of3A_783] : memref<32x1000000xf32, #tpu.memory_space<hbm>> -> memref<32x128xf32, #tpu.memory_space<hbm>>
      tpu.wait_dma2 semaphore(%arg21 : memref<!tpu.dma_semaphore, #tpu.memory_space<semaphore_mem>>) src(%dma_wait3A_796 : memref<32x128xf32, #tpu.memory_space<hbm>>) dst(%dma_wait3A_794 : memref<32x128xf32, #tpu.memory_space<vmem>>)
      %gather3A_797 = tpu.vector_load_idx %arg11[%broadcast_in_dim3A_778, %iota3A, %broadcast_in_dim3A_776] : memref<16x32x128xf32, #tpu.memory_space<vmem>>[vector<16xi32>, vector<16xi32>, vector<16xi32>], vector<16xf32>,
      %add3A_798 = arith.constant 16 : i32
      %add3A_799 = vector.broadcast %add3A_798 : i32 to vector<16xi32>
      %add3A_800 = arith.addi %iota3A, %add3A_799 : vector<16xi32>
      %gather3A_801 = tpu.vector_load_idx %arg11[%broadcast_in_dim3A_778, %add3A_800, %broadcast_in_dim3A_776] : memref<16x32x128xf32, #tpu.memory_space<vmem>>[vector<16xi32>, vector<16xi32>, vector<16xi32>], vector<16xf32>,
      %mul3A_802 = arith.constant 32 : i32
      %mul3A_803 = arith.muli %add3A_773, %mul3A_802 : i32
      %get3A_804 = arith.index_cast %mul3A_803 : i32 to index
      %get3A_805 = tpu.vector_load %arg10[%get3A_804] {strides = array<i32>} : memref<16384xf32, #tpu.memory_space<vmem>>, vector<16xf32>,
      %mul3A_806 = arith.constant 32 : i32
      %mul3A_807 = arith.muli %add3A_773, %mul3A_806 : i32
      %add3A_808 = arith.constant 16 : i32
      %add3A_809 = arith.addi %mul3A_807, %add3A_808 : i32
      %get3A_810 = arith.index_cast %add3A_809 : i32 to index
      %get3A_811 = tpu.vector_load %arg10[%get3A_810] {strides = array<i32>} : memref<16384xf32, #tpu.memory_space<vmem>>, vector<16xf32>,
      %mul3A_812 = arith.mulf %gather3A_797, %get3A_7 : vector<16xf32>
      %mul3A_813 = arith.mulf %mul3A_812, %get3A_805 : vector<16xf32>
      %mul3A_814 = arith.mulf %gather3A_801, %get3A_9 : vector<16xf32>
      %mul3A_815 = arith.mulf %mul3A_814, %get3A_811 : vector<16xf32>
      %add3A_816 = arith.addf %mul3A_813, %mul3A_815 : vector<16xf32>
      %broadcast_in_dim3A_817 = arith.constant true
      %broadcast_in_dim3A_818 = vector.broadcast %broadcast_in_dim3A_817 : i1 to vector<16xi1>
      %masked_cumsum3A_819 = tpu.scan <sum>, %add3A_816 masked %broadcast_in_dim3A_818 : vector<16xf32>, vector<16xi1> -> vector<16xf32>
      %mul3A_820 = arith.constant 32 : i32
      %mul3A_821 = arith.muli %add3A_773, %mul3A_820 : i32
      %swap3A_822 = arith.index_cast %mul3A_821 : i32 to index
      %swap3A_823 = tpu.vector_load %arg10[%swap3A_822] {strides = array<i32>} : memref<16384xf32, #tpu.memory_space<vmem>>, vector<16xf32>,
      tpu.vector_store %arg10[%swap3A_822], %masked_cumsum3A_819 {strides = array<i32>} : memref<16384xf32, #tpu.memory_space<vmem>>, vector<16xf32>,
      %add3A_824 = arith.constant 1 : i32
      %add3A_825 = arith.addi %scan3A_359, %add3A_824 : i32
      %lt3A_826 = arith.constant 32 : i32
      %lt3A_827 = arith.cmpi slt, %add3A_825, %lt3A_826 : i32
      %convert_element_type3A_828 = arith.extui %lt3A_827 : i1 to i32
      %cond3A_829 = arith.constant 0 : i32
      %cond3A_830 = arith.cmpi ne, %convert_element_type3A_828, %cond3A_829 : i32
      scf.if %cond3A_830 {
        %add3A_1399 = arith.constant 1 : i32
        %add3A_1400 = arith.addi %scan3A_359, %add3A_1399 : i32
        %min3A = arith.constant 31 : i32
        %min3A_1401 = arith.minsi %add3A_1400, %min3A : i32
        %jit3A_1402 = arith.constant 8 : i32
        %div3A_1403 = arith.divsi %min3A_1401, %jit3A_1402 : i32
        %sign3A_1404 = arith.constant 0 : i32
        %sign3A_1405 = arith.cmpi sgt, %min3A_1401, %sign3A_1404 : i32
        %sign3A_1406 = arith.extui %sign3A_1405 : i1 to i32
        %sign3A_1407 = arith.constant 0 : i32
        %sign3A_1408 = arith.cmpi slt, %min3A_1401, %sign3A_1407 : i32
        %sign3A_1409 = arith.extui %sign3A_1408 : i1 to i32
        %sign3A_1410 = arith.subi %sign3A_1406, %sign3A_1409 : i32
        %sign3A_1411 = arith.constant 0 : i32
        %sign3A_1412 = arith.cmpi sgt, %jit3A_1402, %sign3A_1411 : i32
        %sign3A_1413 = arith.extui %sign3A_1412 : i1 to i32
        %sign3A_1414 = arith.constant 0 : i32
        %sign3A_1415 = arith.cmpi slt, %jit3A_1402, %sign3A_1414 : i32
        %sign3A_1416 = arith.extui %sign3A_1415 : i1 to i32
        %sign3A_1417 = arith.subi %sign3A_1413, %sign3A_1416 : i32
        %ne3A_1418 = arith.cmpi ne, %sign3A_1410, %sign3A_1417 : i32
        %rem3A_1419 = arith.remsi %min3A_1401, %jit3A_1402 : i32
        %ne3A_1420 = arith.constant 0 : i32
        %ne3A_1421 = arith.cmpi ne, %rem3A_1419, %ne3A_1420 : i32
        %and3A_1422 = arith.andi %ne3A_1418, %ne3A_1421 : i1
        %sub3A_1423 = arith.constant 1 : i32
        %sub3A_1424 = arith.subi %div3A_1403, %sub3A_1423 : i32
        %select_n3A_1425 = arith.select %and3A_1422, %sub3A_1424, %div3A_1403 : i32
        %jit3A_1426 = arith.constant 8 : i32
        %eq3A_1427 = arith.constant 0 : i32
        %eq3A_1428 = arith.cmpi eq, %jit3A_1426, %eq3A_1427 : i32
        %jit3A_1429 = arith.constant 1 : i32
        %select_n3A_1430 = arith.select %eq3A_1428, %jit3A_1429, %jit3A_1426 : i32
        %rem3A_1431 = arith.remsi %min3A_1401, %select_n3A_1430 : i32
        %ne3A_1432 = arith.constant 0 : i32
        %ne3A_1433 = arith.cmpi ne, %rem3A_1431, %ne3A_1432 : i32
        %lt3A_1434 = arith.constant 0 : i32
        %lt3A_1435 = arith.cmpi slt, %rem3A_1431, %lt3A_1434 : i32
        %lt3A_1436 = arith.constant 0 : i32
        %lt3A_1437 = arith.cmpi slt, %select_n3A_1430, %lt3A_1436 : i32
        %ne3A_1438 = arith.xori %lt3A_1435, %lt3A_1437 : i1
        %and3A_1439 = arith.andi %ne3A_1438, %ne3A_1433 : i1
        %add3A_1440 = arith.addi %rem3A_1431, %select_n3A_1430 : i32
        %select_n3A_1441 = arith.select %and3A_1439, %add3A_1440, %rem3A_1431 : i32
        %mul3A_1442 = arith.constant 16 : i32
        %mul3A_1443 = arith.muli %select_n3A_1441, %mul3A_1442 : i32
        %get3A_1444 = arith.index_cast %select_n3A_1425 : i32 to index
        %get3A_1445 = arith.index_cast %mul3A_1443 : i32 to index
        %get3A_1446 = tpu.vector_load %arg8[%get3A_1444, %get3A_1445] {strides = array<i32>} : memref<4x128xi32, #tpu.memory_space<vmem>>, vector<16xi32>,
        %slice3A_1447 = vector.extract_strided_slice %get3A_1446 {offsets = [6], sizes = [1], strides = [1]} : vector<16xi32> to vector<1xi32>
        %squeeze3A_1448 = vector.extract %slice3A_1447[0] : i32 from vector<1xi32>
        %shift_right_arithmetic3A_1449 = arith.constant 7 : i32
        %shift_right_arithmetic3A_1450 = arith.shrsi %squeeze3A_1448, %shift_right_arithmetic3A_1449 : i32
        %mul3A_1451 = arith.constant 128 : i32
        %mul3A_1452 = arith.muli %shift_right_arithmetic3A_1450, %mul3A_1451 : i32
        %multiple_of3A_1453 = tpu.assume_multiple %mul3A_1452, 128 : i32
        %dma_start3A_1454 = arith.constant 6 : i32
        %dma_start3A_1455 = arith.constant 0 : i32
        %dma_start3A_1456 = arith.constant 0 : i32
        %dma_start3A_1457 = tpu.memref_slice %arg11[%dma_start3A_1454, %dma_start3A_1455, %dma_start3A_1456] : memref<16x32x128xf32, #tpu.memory_space<vmem>> -> memref<1x32x128xf32, #tpu.memory_space<vmem>>
        %dma_start3A_1458 = tpu.memref_squeeze %dma_start3A_1457 : memref<1x32x128xf32, #tpu.memory_space<vmem>> -> memref<32x128xf32, #tpu.memory_space<vmem>>
        %dma_start3A_1459 = arith.constant 0 : i32
        %dma_start3A_1460 = tpu.memref_slice %arg4[%dma_start3A_1459, %multiple_of3A_1453] : memref<32x1000000xf32, #tpu.memory_space<hbm>> -> memref<32x128xf32, #tpu.memory_space<hbm>>
        %dma_start3A_1461 = arith.constant 0 : i32
        %dma_start3A_1462 = arith.constant 0 : i32
        %dma_start3A_1463 = tpu.memref_slice %arg11[%dma_start3A_1454, %dma_start3A_1461, %dma_start3A_1462] : memref<16x32x128xf32, #tpu.memory_space<vmem>> -> memref<1x32x128xf32, #tpu.memory_space<vmem>>
        %dma_start3A_1464 = tpu.memref_squeeze %dma_start3A_1463 : memref<1x32x128xf32, #tpu.memory_space<vmem>> -> memref<32x128xf32, #tpu.memory_space<vmem>>
        %dma_start3A_1465 = arith.constant 0 : i32
        %dma_start3A_1466 = tpu.memref_slice %arg4[%dma_start3A_1465, %multiple_of3A_1453] : memref<32x1000000xf32, #tpu.memory_space<hbm>> -> memref<32x128xf32, #tpu.memory_space<hbm>>
        tpu.enqueue_dma source(%dma_start3A_1466 : memref<32x128xf32, #tpu.memory_space<hbm>>) target(%dma_start3A_1464 : memref<32x128xf32, #tpu.memory_space<vmem>>) target_semaphore(%arg21 : memref<!tpu.dma_semaphore, #tpu.memory_space<semaphore_mem>>)
      } else {
      }
      %slice3A_831 = vector.extract_strided_slice %get3A_395 {offsets = [7], sizes = [1], strides = [1]} : vector<16xi32> to vector<1xi32>
      %squeeze3A_832 = vector.extract %slice3A_831[0] : i32 from vector<1xi32>
      %mul3A_833 = arith.constant 16 : i32
      %mul3A_834 = arith.muli %scan3A_359, %mul3A_833 : i32
      %add3A_835 = arith.constant 7 : i32
      %add3A_836 = arith.addi %mul3A_834, %add3A_835 : i32
      %and3A_837 = arith.constant 127 : i32
      %and3A_838 = arith.andi %squeeze3A_832, %and3A_837 : i32
      %broadcast_in_dim3A_839 = vector.broadcast %and3A_838 : i32 to vector<16xi32>
      %broadcast_in_dim3A_840 = arith.constant 7 : i32
      %broadcast_in_dim3A_841 = vector.broadcast %broadcast_in_dim3A_840 : i32 to vector<16xi32>
      %shift_right_arithmetic3A_842 = arith.constant 7 : i32
      %shift_right_arithmetic3A_843 = arith.shrsi %squeeze3A_832, %shift_right_arithmetic3A_842 : i32
      %mul3A_844 = arith.constant 128 : i32
      %mul3A_845 = arith.muli %shift_right_arithmetic3A_843, %mul3A_844 : i32
      %multiple_of3A_846 = tpu.assume_multiple %mul3A_845, 128 : i32
      %dma_wait3A_847 = arith.constant 7 : i32
      %dma_wait3A_848 = arith.constant 0 : i32
      %dma_wait3A_849 = arith.constant 0 : i32
      %dma_wait3A_850 = tpu.memref_slice %arg11[%dma_wait3A_847, %dma_wait3A_848, %dma_wait3A_849] : memref<16x32x128xf32, #tpu.memory_space<vmem>> -> memref<1x32x128xf32, #tpu.memory_space<vmem>>
      %dma_wait3A_851 = tpu.memref_squeeze %dma_wait3A_850 : memref<1x32x128xf32, #tpu.memory_space<vmem>> -> memref<32x128xf32, #tpu.memory_space<vmem>>
      %dma_wait3A_852 = arith.constant 0 : i32
      %dma_wait3A_853 = tpu.memref_slice %arg4[%dma_wait3A_852, %multiple_of3A_846] : memref<32x1000000xf32, #tpu.memory_space<hbm>> -> memref<32x128xf32, #tpu.memory_space<hbm>>
      %dma_wait3A_854 = arith.constant 0 : i32
      %dma_wait3A_855 = arith.constant 0 : i32
      %dma_wait3A_856 = tpu.memref_slice %arg11[%dma_wait3A_847, %dma_wait3A_854, %dma_wait3A_855] : memref<16x32x128xf32, #tpu.memory_space<vmem>> -> memref<1x32x128xf32, #tpu.memory_space<vmem>>
      %dma_wait3A_857 = tpu.memref_squeeze %dma_wait3A_856 : memref<1x32x128xf32, #tpu.memory_space<vmem>> -> memref<32x128xf32, #tpu.memory_space<vmem>>
      %dma_wait3A_858 = arith.constant 0 : i32
      %dma_wait3A_859 = tpu.memref_slice %arg4[%dma_wait3A_858, %multiple_of3A_846] : memref<32x1000000xf32, #tpu.memory_space<hbm>> -> memref<32x128xf32, #tpu.memory_space<hbm>>
      tpu.wait_dma2 semaphore(%arg22 : memref<!tpu.dma_semaphore, #tpu.memory_space<semaphore_mem>>) src(%dma_wait3A_859 : memref<32x128xf32, #tpu.memory_space<hbm>>) dst(%dma_wait3A_857 : memref<32x128xf32, #tpu.memory_space<vmem>>)
      %gather3A_860 = tpu.vector_load_idx %arg11[%broadcast_in_dim3A_841, %iota3A, %broadcast_in_dim3A_839] : memref<16x32x128xf32, #tpu.memory_space<vmem>>[vector<16xi32>, vector<16xi32>, vector<16xi32>], vector<16xf32>,
      %add3A_861 = arith.constant 16 : i32
      %add3A_862 = vector.broadcast %add3A_861 : i32 to vector<16xi32>
      %add3A_863 = arith.addi %iota3A, %add3A_862 : vector<16xi32>
      %gather3A_864 = tpu.vector_load_idx %arg11[%broadcast_in_dim3A_841, %add3A_863, %broadcast_in_dim3A_839] : memref<16x32x128xf32, #tpu.memory_space<vmem>>[vector<16xi32>, vector<16xi32>, vector<16xi32>], vector<16xf32>,
      %mul3A_865 = arith.constant 32 : i32
      %mul3A_866 = arith.muli %add3A_836, %mul3A_865 : i32
      %get3A_867 = arith.index_cast %mul3A_866 : i32 to index
      %get3A_868 = tpu.vector_load %arg10[%get3A_867] {strides = array<i32>} : memref<16384xf32, #tpu.memory_space<vmem>>, vector<16xf32>,
      %mul3A_869 = arith.constant 32 : i32
      %mul3A_870 = arith.muli %add3A_836, %mul3A_869 : i32
      %add3A_871 = arith.constant 16 : i32
      %add3A_872 = arith.addi %mul3A_870, %add3A_871 : i32
      %get3A_873 = arith.index_cast %add3A_872 : i32 to index
      %get3A_874 = tpu.vector_load %arg10[%get3A_873] {strides = array<i32>} : memref<16384xf32, #tpu.memory_space<vmem>>, vector<16xf32>,
      %mul3A_875 = arith.mulf %gather3A_860, %get3A_7 : vector<16xf32>
      %mul3A_876 = arith.mulf %mul3A_875, %get3A_868 : vector<16xf32>
      %mul3A_877 = arith.mulf %gather3A_864, %get3A_9 : vector<16xf32>
      %mul3A_878 = arith.mulf %mul3A_877, %get3A_874 : vector<16xf32>
      %add3A_879 = arith.addf %mul3A_876, %mul3A_878 : vector<16xf32>
      %broadcast_in_dim3A_880 = arith.constant true
      %broadcast_in_dim3A_881 = vector.broadcast %broadcast_in_dim3A_880 : i1 to vector<16xi1>
      %masked_cumsum3A_882 = tpu.scan <sum>, %add3A_879 masked %broadcast_in_dim3A_881 : vector<16xf32>, vector<16xi1> -> vector<16xf32>
      %mul3A_883 = arith.constant 32 : i32
      %mul3A_884 = arith.muli %add3A_836, %mul3A_883 : i32
      %swap3A_885 = arith.index_cast %mul3A_884 : i32 to index
      %swap3A_886 = tpu.vector_load %arg10[%swap3A_885] {strides = array<i32>} : memref<16384xf32, #tpu.memory_space<vmem>>, vector<16xf32>,
      tpu.vector_store %arg10[%swap3A_885], %masked_cumsum3A_882 {strides = array<i32>} : memref<16384xf32, #tpu.memory_space<vmem>>, vector<16xf32>,
      %add3A_887 = arith.constant 1 : i32
      %add3A_888 = arith.addi %scan3A_359, %add3A_887 : i32
      %lt3A_889 = arith.constant 32 : i32
      %lt3A_890 = arith.cmpi slt, %add3A_888, %lt3A_889 : i32
      %convert_element_type3A_891 = arith.extui %lt3A_890 : i1 to i32
      %cond3A_892 = arith.constant 0 : i32
      %cond3A_893 = arith.cmpi ne, %convert_element_type3A_891, %cond3A_892 : i32
      scf.if %cond3A_893 {
        %add3A_1399 = arith.constant 1 : i32
        %add3A_1400 = arith.addi %scan3A_359, %add3A_1399 : i32
        %min3A = arith.constant 31 : i32
        %min3A_1401 = arith.minsi %add3A_1400, %min3A : i32
        %jit3A_1402 = arith.constant 8 : i32
        %div3A_1403 = arith.divsi %min3A_1401, %jit3A_1402 : i32
        %sign3A_1404 = arith.constant 0 : i32
        %sign3A_1405 = arith.cmpi sgt, %min3A_1401, %sign3A_1404 : i32
        %sign3A_1406 = arith.extui %sign3A_1405 : i1 to i32
        %sign3A_1407 = arith.constant 0 : i32
        %sign3A_1408 = arith.cmpi slt, %min3A_1401, %sign3A_1407 : i32
        %sign3A_1409 = arith.extui %sign3A_1408 : i1 to i32
        %sign3A_1410 = arith.subi %sign3A_1406, %sign3A_1409 : i32
        %sign3A_1411 = arith.constant 0 : i32
        %sign3A_1412 = arith.cmpi sgt, %jit3A_1402, %sign3A_1411 : i32
        %sign3A_1413 = arith.extui %sign3A_1412 : i1 to i32
        %sign3A_1414 = arith.constant 0 : i32
        %sign3A_1415 = arith.cmpi slt, %jit3A_1402, %sign3A_1414 : i32
        %sign3A_1416 = arith.extui %sign3A_1415 : i1 to i32
        %sign3A_1417 = arith.subi %sign3A_1413, %sign3A_1416 : i32
        %ne3A_1418 = arith.cmpi ne, %sign3A_1410, %sign3A_1417 : i32
        %rem3A_1419 = arith.remsi %min3A_1401, %jit3A_1402 : i32
        %ne3A_1420 = arith.constant 0 : i32
        %ne3A_1421 = arith.cmpi ne, %rem3A_1419, %ne3A_1420 : i32
        %and3A_1422 = arith.andi %ne3A_1418, %ne3A_1421 : i1
        %sub3A_1423 = arith.constant 1 : i32
        %sub3A_1424 = arith.subi %div3A_1403, %sub3A_1423 : i32
        %select_n3A_1425 = arith.select %and3A_1422, %sub3A_1424, %div3A_1403 : i32
        %jit3A_1426 = arith.constant 8 : i32
        %eq3A_1427 = arith.constant 0 : i32
        %eq3A_1428 = arith.cmpi eq, %jit3A_1426, %eq3A_1427 : i32
        %jit3A_1429 = arith.constant 1 : i32
        %select_n3A_1430 = arith.select %eq3A_1428, %jit3A_1429, %jit3A_1426 : i32
        %rem3A_1431 = arith.remsi %min3A_1401, %select_n3A_1430 : i32
        %ne3A_1432 = arith.constant 0 : i32
        %ne3A_1433 = arith.cmpi ne, %rem3A_1431, %ne3A_1432 : i32
        %lt3A_1434 = arith.constant 0 : i32
        %lt3A_1435 = arith.cmpi slt, %rem3A_1431, %lt3A_1434 : i32
        %lt3A_1436 = arith.constant 0 : i32
        %lt3A_1437 = arith.cmpi slt, %select_n3A_1430, %lt3A_1436 : i32
        %ne3A_1438 = arith.xori %lt3A_1435, %lt3A_1437 : i1
        %and3A_1439 = arith.andi %ne3A_1438, %ne3A_1433 : i1
        %add3A_1440 = arith.addi %rem3A_1431, %select_n3A_1430 : i32
        %select_n3A_1441 = arith.select %and3A_1439, %add3A_1440, %rem3A_1431 : i32
        %mul3A_1442 = arith.constant 16 : i32
        %mul3A_1443 = arith.muli %select_n3A_1441, %mul3A_1442 : i32
        %get3A_1444 = arith.index_cast %select_n3A_1425 : i32 to index
        %get3A_1445 = arith.index_cast %mul3A_1443 : i32 to index
        %get3A_1446 = tpu.vector_load %arg8[%get3A_1444, %get3A_1445] {strides = array<i32>} : memref<4x128xi32, #tpu.memory_space<vmem>>, vector<16xi32>,
        %slice3A_1447 = vector.extract_strided_slice %get3A_1446 {offsets = [7], sizes = [1], strides = [1]} : vector<16xi32> to vector<1xi32>
        %squeeze3A_1448 = vector.extract %slice3A_1447[0] : i32 from vector<1xi32>
        %shift_right_arithmetic3A_1449 = arith.constant 7 : i32
        %shift_right_arithmetic3A_1450 = arith.shrsi %squeeze3A_1448, %shift_right_arithmetic3A_1449 : i32
        %mul3A_1451 = arith.constant 128 : i32
        %mul3A_1452 = arith.muli %shift_right_arithmetic3A_1450, %mul3A_1451 : i32
        %multiple_of3A_1453 = tpu.assume_multiple %mul3A_1452, 128 : i32
        %dma_start3A_1454 = arith.constant 7 : i32
        %dma_start3A_1455 = arith.constant 0 : i32
        %dma_start3A_1456 = arith.constant 0 : i32
        %dma_start3A_1457 = tpu.memref_slice %arg11[%dma_start3A_1454, %dma_start3A_1455, %dma_start3A_1456] : memref<16x32x128xf32, #tpu.memory_space<vmem>> -> memref<1x32x128xf32, #tpu.memory_space<vmem>>
        %dma_start3A_1458 = tpu.memref_squeeze %dma_start3A_1457 : memref<1x32x128xf32, #tpu.memory_space<vmem>> -> memref<32x128xf32, #tpu.memory_space<vmem>>
        %dma_start3A_1459 = arith.constant 0 : i32
        %dma_start3A_1460 = tpu.memref_slice %arg4[%dma_start3A_1459, %multiple_of3A_1453] : memref<32x1000000xf32, #tpu.memory_space<hbm>> -> memref<32x128xf32, #tpu.memory_space<hbm>>
        %dma_start3A_1461 = arith.constant 0 : i32
        %dma_start3A_1462 = arith.constant 0 : i32
        %dma_start3A_1463 = tpu.memref_slice %arg11[%dma_start3A_1454, %dma_start3A_1461, %dma_start3A_1462] : memref<16x32x128xf32, #tpu.memory_space<vmem>> -> memref<1x32x128xf32, #tpu.memory_space<vmem>>
        %dma_start3A_1464 = tpu.memref_squeeze %dma_start3A_1463 : memref<1x32x128xf32, #tpu.memory_space<vmem>> -> memref<32x128xf32, #tpu.memory_space<vmem>>
        %dma_start3A_1465 = arith.constant 0 : i32
        %dma_start3A_1466 = tpu.memref_slice %arg4[%dma_start3A_1465, %multiple_of3A_1453] : memref<32x1000000xf32, #tpu.memory_space<hbm>> -> memref<32x128xf32, #tpu.memory_space<hbm>>
        tpu.enqueue_dma source(%dma_start3A_1466 : memref<32x128xf32, #tpu.memory_space<hbm>>) target(%dma_start3A_1464 : memref<32x128xf32, #tpu.memory_space<vmem>>) target_semaphore(%arg22 : memref<!tpu.dma_semaphore, #tpu.memory_space<semaphore_mem>>)
      } else {
      }
      %slice3A_894 = vector.extract_strided_slice %get3A_395 {offsets = [8], sizes = [1], strides = [1]} : vector<16xi32> to vector<1xi32>
      %squeeze3A_895 = vector.extract %slice3A_894[0] : i32 from vector<1xi32>
      %mul3A_896 = arith.constant 16 : i32
      %mul3A_897 = arith.muli %scan3A_359, %mul3A_896 : i32
      %add3A_898 = arith.constant 8 : i32
      %add3A_899 = arith.addi %mul3A_897, %add3A_898 : i32
      %and3A_900 = arith.constant 127 : i32
      %and3A_901 = arith.andi %squeeze3A_895, %and3A_900 : i32
      %broadcast_in_dim3A_902 = vector.broadcast %and3A_901 : i32 to vector<16xi32>
      %broadcast_in_dim3A_903 = arith.constant 8 : i32
      %broadcast_in_dim3A_904 = vector.broadcast %broadcast_in_dim3A_903 : i32 to vector<16xi32>
      %shift_right_arithmetic3A_905 = arith.constant 7 : i32
      %shift_right_arithmetic3A_906 = arith.shrsi %squeeze3A_895, %shift_right_arithmetic3A_905 : i32
      %mul3A_907 = arith.constant 128 : i32
      %mul3A_908 = arith.muli %shift_right_arithmetic3A_906, %mul3A_907 : i32
      %multiple_of3A_909 = tpu.assume_multiple %mul3A_908, 128 : i32
      %dma_wait3A_910 = arith.constant 8 : i32
      %dma_wait3A_911 = arith.constant 0 : i32
      %dma_wait3A_912 = arith.constant 0 : i32
      %dma_wait3A_913 = tpu.memref_slice %arg11[%dma_wait3A_910, %dma_wait3A_911, %dma_wait3A_912] : memref<16x32x128xf32, #tpu.memory_space<vmem>> -> memref<1x32x128xf32, #tpu.memory_space<vmem>>
      %dma_wait3A_914 = tpu.memref_squeeze %dma_wait3A_913 : memref<1x32x128xf32, #tpu.memory_space<vmem>> -> memref<32x128xf32, #tpu.memory_space<vmem>>
      %dma_wait3A_915 = arith.constant 0 : i32
      %dma_wait3A_916 = tpu.memref_slice %arg4[%dma_wait3A_915, %multiple_of3A_909] : memref<32x1000000xf32, #tpu.memory_space<hbm>> -> memref<32x128xf32, #tpu.memory_space<hbm>>
      %dma_wait3A_917 = arith.constant 0 : i32
      %dma_wait3A_918 = arith.constant 0 : i32
      %dma_wait3A_919 = tpu.memref_slice %arg11[%dma_wait3A_910, %dma_wait3A_917, %dma_wait3A_918] : memref<16x32x128xf32, #tpu.memory_space<vmem>> -> memref<1x32x128xf32, #tpu.memory_space<vmem>>
      %dma_wait3A_920 = tpu.memref_squeeze %dma_wait3A_919 : memref<1x32x128xf32, #tpu.memory_space<vmem>> -> memref<32x128xf32, #tpu.memory_space<vmem>>
      %dma_wait3A_921 = arith.constant 0 : i32
      %dma_wait3A_922 = tpu.memref_slice %arg4[%dma_wait3A_921, %multiple_of3A_909] : memref<32x1000000xf32, #tpu.memory_space<hbm>> -> memref<32x128xf32, #tpu.memory_space<hbm>>
      tpu.wait_dma2 semaphore(%arg23 : memref<!tpu.dma_semaphore, #tpu.memory_space<semaphore_mem>>) src(%dma_wait3A_922 : memref<32x128xf32, #tpu.memory_space<hbm>>) dst(%dma_wait3A_920 : memref<32x128xf32, #tpu.memory_space<vmem>>)
      %gather3A_923 = tpu.vector_load_idx %arg11[%broadcast_in_dim3A_904, %iota3A, %broadcast_in_dim3A_902] : memref<16x32x128xf32, #tpu.memory_space<vmem>>[vector<16xi32>, vector<16xi32>, vector<16xi32>], vector<16xf32>,
      %add3A_924 = arith.constant 16 : i32
      %add3A_925 = vector.broadcast %add3A_924 : i32 to vector<16xi32>
      %add3A_926 = arith.addi %iota3A, %add3A_925 : vector<16xi32>
      %gather3A_927 = tpu.vector_load_idx %arg11[%broadcast_in_dim3A_904, %add3A_926, %broadcast_in_dim3A_902] : memref<16x32x128xf32, #tpu.memory_space<vmem>>[vector<16xi32>, vector<16xi32>, vector<16xi32>], vector<16xf32>,
      %mul3A_928 = arith.constant 32 : i32
      %mul3A_929 = arith.muli %add3A_899, %mul3A_928 : i32
      %get3A_930 = arith.index_cast %mul3A_929 : i32 to index
      %get3A_931 = tpu.vector_load %arg10[%get3A_930] {strides = array<i32>} : memref<16384xf32, #tpu.memory_space<vmem>>, vector<16xf32>,
      %mul3A_932 = arith.constant 32 : i32
      %mul3A_933 = arith.muli %add3A_899, %mul3A_932 : i32
      %add3A_934 = arith.constant 16 : i32
      %add3A_935 = arith.addi %mul3A_933, %add3A_934 : i32
      %get3A_936 = arith.index_cast %add3A_935 : i32 to index
      %get3A_937 = tpu.vector_load %arg10[%get3A_936] {strides = array<i32>} : memref<16384xf32, #tpu.memory_space<vmem>>, vector<16xf32>,
      %mul3A_938 = arith.mulf %gather3A_923, %get3A_7 : vector<16xf32>
      %mul3A_939 = arith.mulf %mul3A_938, %get3A_931 : vector<16xf32>
      %mul3A_940 = arith.mulf %gather3A_927, %get3A_9 : vector<16xf32>
      %mul3A_941 = arith.mulf %mul3A_940, %get3A_937 : vector<16xf32>
      %add3A_942 = arith.addf %mul3A_939, %mul3A_941 : vector<16xf32>
      %broadcast_in_dim3A_943 = arith.constant true
      %broadcast_in_dim3A_944 = vector.broadcast %broadcast_in_dim3A_943 : i1 to vector<16xi1>
      %masked_cumsum3A_945 = tpu.scan <sum>, %add3A_942 masked %broadcast_in_dim3A_944 : vector<16xf32>, vector<16xi1> -> vector<16xf32>
      %mul3A_946 = arith.constant 32 : i32
      %mul3A_947 = arith.muli %add3A_899, %mul3A_946 : i32
      %swap3A_948 = arith.index_cast %mul3A_947 : i32 to index
      %swap3A_949 = tpu.vector_load %arg10[%swap3A_948] {strides = array<i32>} : memref<16384xf32, #tpu.memory_space<vmem>>, vector<16xf32>,
      tpu.vector_store %arg10[%swap3A_948], %masked_cumsum3A_945 {strides = array<i32>} : memref<16384xf32, #tpu.memory_space<vmem>>, vector<16xf32>,
      %add3A_950 = arith.constant 1 : i32
      %add3A_951 = arith.addi %scan3A_359, %add3A_950 : i32
      %lt3A_952 = arith.constant 32 : i32
      %lt3A_953 = arith.cmpi slt, %add3A_951, %lt3A_952 : i32
      %convert_element_type3A_954 = arith.extui %lt3A_953 : i1 to i32
      %cond3A_955 = arith.constant 0 : i32
      %cond3A_956 = arith.cmpi ne, %convert_element_type3A_954, %cond3A_955 : i32
      scf.if %cond3A_956 {
        %add3A_1399 = arith.constant 1 : i32
        %add3A_1400 = arith.addi %scan3A_359, %add3A_1399 : i32
        %min3A = arith.constant 31 : i32
        %min3A_1401 = arith.minsi %add3A_1400, %min3A : i32
        %jit3A_1402 = arith.constant 8 : i32
        %div3A_1403 = arith.divsi %min3A_1401, %jit3A_1402 : i32
        %sign3A_1404 = arith.constant 0 : i32
        %sign3A_1405 = arith.cmpi sgt, %min3A_1401, %sign3A_1404 : i32
        %sign3A_1406 = arith.extui %sign3A_1405 : i1 to i32
        %sign3A_1407 = arith.constant 0 : i32
        %sign3A_1408 = arith.cmpi slt, %min3A_1401, %sign3A_1407 : i32
        %sign3A_1409 = arith.extui %sign3A_1408 : i1 to i32
        %sign3A_1410 = arith.subi %sign3A_1406, %sign3A_1409 : i32
        %sign3A_1411 = arith.constant 0 : i32
        %sign3A_1412 = arith.cmpi sgt, %jit3A_1402, %sign3A_1411 : i32
        %sign3A_1413 = arith.extui %sign3A_1412 : i1 to i32
        %sign3A_1414 = arith.constant 0 : i32
        %sign3A_1415 = arith.cmpi slt, %jit3A_1402, %sign3A_1414 : i32
        %sign3A_1416 = arith.extui %sign3A_1415 : i1 to i32
        %sign3A_1417 = arith.subi %sign3A_1413, %sign3A_1416 : i32
        %ne3A_1418 = arith.cmpi ne, %sign3A_1410, %sign3A_1417 : i32
        %rem3A_1419 = arith.remsi %min3A_1401, %jit3A_1402 : i32
        %ne3A_1420 = arith.constant 0 : i32
        %ne3A_1421 = arith.cmpi ne, %rem3A_1419, %ne3A_1420 : i32
        %and3A_1422 = arith.andi %ne3A_1418, %ne3A_1421 : i1
        %sub3A_1423 = arith.constant 1 : i32
        %sub3A_1424 = arith.subi %div3A_1403, %sub3A_1423 : i32
        %select_n3A_1425 = arith.select %and3A_1422, %sub3A_1424, %div3A_1403 : i32
        %jit3A_1426 = arith.constant 8 : i32
        %eq3A_1427 = arith.constant 0 : i32
        %eq3A_1428 = arith.cmpi eq, %jit3A_1426, %eq3A_1427 : i32
        %jit3A_1429 = arith.constant 1 : i32
        %select_n3A_1430 = arith.select %eq3A_1428, %jit3A_1429, %jit3A_1426 : i32
        %rem3A_1431 = arith.remsi %min3A_1401, %select_n3A_1430 : i32
        %ne3A_1432 = arith.constant 0 : i32
        %ne3A_1433 = arith.cmpi ne, %rem3A_1431, %ne3A_1432 : i32
        %lt3A_1434 = arith.constant 0 : i32
        %lt3A_1435 = arith.cmpi slt, %rem3A_1431, %lt3A_1434 : i32
        %lt3A_1436 = arith.constant 0 : i32
        %lt3A_1437 = arith.cmpi slt, %select_n3A_1430, %lt3A_1436 : i32
        %ne3A_1438 = arith.xori %lt3A_1435, %lt3A_1437 : i1
        %and3A_1439 = arith.andi %ne3A_1438, %ne3A_1433 : i1
        %add3A_1440 = arith.addi %rem3A_1431, %select_n3A_1430 : i32
        %select_n3A_1441 = arith.select %and3A_1439, %add3A_1440, %rem3A_1431 : i32
        %mul3A_1442 = arith.constant 16 : i32
        %mul3A_1443 = arith.muli %select_n3A_1441, %mul3A_1442 : i32
        %get3A_1444 = arith.index_cast %select_n3A_1425 : i32 to index
        %get3A_1445 = arith.index_cast %mul3A_1443 : i32 to index
        %get3A_1446 = tpu.vector_load %arg8[%get3A_1444, %get3A_1445] {strides = array<i32>} : memref<4x128xi32, #tpu.memory_space<vmem>>, vector<16xi32>,
        %slice3A_1447 = vector.extract_strided_slice %get3A_1446 {offsets = [8], sizes = [1], strides = [1]} : vector<16xi32> to vector<1xi32>
        %squeeze3A_1448 = vector.extract %slice3A_1447[0] : i32 from vector<1xi32>
        %shift_right_arithmetic3A_1449 = arith.constant 7 : i32
        %shift_right_arithmetic3A_1450 = arith.shrsi %squeeze3A_1448, %shift_right_arithmetic3A_1449 : i32
        %mul3A_1451 = arith.constant 128 : i32
        %mul3A_1452 = arith.muli %shift_right_arithmetic3A_1450, %mul3A_1451 : i32
        %multiple_of3A_1453 = tpu.assume_multiple %mul3A_1452, 128 : i32
        %dma_start3A_1454 = arith.constant 8 : i32
        %dma_start3A_1455 = arith.constant 0 : i32
        %dma_start3A_1456 = arith.constant 0 : i32
        %dma_start3A_1457 = tpu.memref_slice %arg11[%dma_start3A_1454, %dma_start3A_1455, %dma_start3A_1456] : memref<16x32x128xf32, #tpu.memory_space<vmem>> -> memref<1x32x128xf32, #tpu.memory_space<vmem>>
        %dma_start3A_1458 = tpu.memref_squeeze %dma_start3A_1457 : memref<1x32x128xf32, #tpu.memory_space<vmem>> -> memref<32x128xf32, #tpu.memory_space<vmem>>
        %dma_start3A_1459 = arith.constant 0 : i32
        %dma_start3A_1460 = tpu.memref_slice %arg4[%dma_start3A_1459, %multiple_of3A_1453] : memref<32x1000000xf32, #tpu.memory_space<hbm>> -> memref<32x128xf32, #tpu.memory_space<hbm>>
        %dma_start3A_1461 = arith.constant 0 : i32
        %dma_start3A_1462 = arith.constant 0 : i32
        %dma_start3A_1463 = tpu.memref_slice %arg11[%dma_start3A_1454, %dma_start3A_1461, %dma_start3A_1462] : memref<16x32x128xf32, #tpu.memory_space<vmem>> -> memref<1x32x128xf32, #tpu.memory_space<vmem>>
        %dma_start3A_1464 = tpu.memref_squeeze %dma_start3A_1463 : memref<1x32x128xf32, #tpu.memory_space<vmem>> -> memref<32x128xf32, #tpu.memory_space<vmem>>
        %dma_start3A_1465 = arith.constant 0 : i32
        %dma_start3A_1466 = tpu.memref_slice %arg4[%dma_start3A_1465, %multiple_of3A_1453] : memref<32x1000000xf32, #tpu.memory_space<hbm>> -> memref<32x128xf32, #tpu.memory_space<hbm>>
        tpu.enqueue_dma source(%dma_start3A_1466 : memref<32x128xf32, #tpu.memory_space<hbm>>) target(%dma_start3A_1464 : memref<32x128xf32, #tpu.memory_space<vmem>>) target_semaphore(%arg23 : memref<!tpu.dma_semaphore, #tpu.memory_space<semaphore_mem>>)
      } else {
      }
      %slice3A_957 = vector.extract_strided_slice %get3A_395 {offsets = [9], sizes = [1], strides = [1]} : vector<16xi32> to vector<1xi32>
      %squeeze3A_958 = vector.extract %slice3A_957[0] : i32 from vector<1xi32>
      %mul3A_959 = arith.constant 16 : i32
      %mul3A_960 = arith.muli %scan3A_359, %mul3A_959 : i32
      %add3A_961 = arith.constant 9 : i32
      %add3A_962 = arith.addi %mul3A_960, %add3A_961 : i32
      %and3A_963 = arith.constant 127 : i32
      %and3A_964 = arith.andi %squeeze3A_958, %and3A_963 : i32
      %broadcast_in_dim3A_965 = vector.broadcast %and3A_964 : i32 to vector<16xi32>
      %broadcast_in_dim3A_966 = arith.constant 9 : i32
      %broadcast_in_dim3A_967 = vector.broadcast %broadcast_in_dim3A_966 : i32 to vector<16xi32>
      %shift_right_arithmetic3A_968 = arith.constant 7 : i32
      %shift_right_arithmetic3A_969 = arith.shrsi %squeeze3A_958, %shift_right_arithmetic3A_968 : i32
      %mul3A_970 = arith.constant 128 : i32
      %mul3A_971 = arith.muli %shift_right_arithmetic3A_969, %mul3A_970 : i32
      %multiple_of3A_972 = tpu.assume_multiple %mul3A_971, 128 : i32
      %dma_wait3A_973 = arith.constant 9 : i32
      %dma_wait3A_974 = arith.constant 0 : i32
      %dma_wait3A_975 = arith.constant 0 : i32
      %dma_wait3A_976 = tpu.memref_slice %arg11[%dma_wait3A_973, %dma_wait3A_974, %dma_wait3A_975] : memref<16x32x128xf32, #tpu.memory_space<vmem>> -> memref<1x32x128xf32, #tpu.memory_space<vmem>>
      %dma_wait3A_977 = tpu.memref_squeeze %dma_wait3A_976 : memref<1x32x128xf32, #tpu.memory_space<vmem>> -> memref<32x128xf32, #tpu.memory_space<vmem>>
      %dma_wait3A_978 = arith.constant 0 : i32
      %dma_wait3A_979 = tpu.memref_slice %arg4[%dma_wait3A_978, %multiple_of3A_972] : memref<32x1000000xf32, #tpu.memory_space<hbm>> -> memref<32x128xf32, #tpu.memory_space<hbm>>
      %dma_wait3A_980 = arith.constant 0 : i32
      %dma_wait3A_981 = arith.constant 0 : i32
      %dma_wait3A_982 = tpu.memref_slice %arg11[%dma_wait3A_973, %dma_wait3A_980, %dma_wait3A_981] : memref<16x32x128xf32, #tpu.memory_space<vmem>> -> memref<1x32x128xf32, #tpu.memory_space<vmem>>
      %dma_wait3A_983 = tpu.memref_squeeze %dma_wait3A_982 : memref<1x32x128xf32, #tpu.memory_space<vmem>> -> memref<32x128xf32, #tpu.memory_space<vmem>>
      %dma_wait3A_984 = arith.constant 0 : i32
      %dma_wait3A_985 = tpu.memref_slice %arg4[%dma_wait3A_984, %multiple_of3A_972] : memref<32x1000000xf32, #tpu.memory_space<hbm>> -> memref<32x128xf32, #tpu.memory_space<hbm>>
      tpu.wait_dma2 semaphore(%arg24 : memref<!tpu.dma_semaphore, #tpu.memory_space<semaphore_mem>>) src(%dma_wait3A_985 : memref<32x128xf32, #tpu.memory_space<hbm>>) dst(%dma_wait3A_983 : memref<32x128xf32, #tpu.memory_space<vmem>>)
      %gather3A_986 = tpu.vector_load_idx %arg11[%broadcast_in_dim3A_967, %iota3A, %broadcast_in_dim3A_965] : memref<16x32x128xf32, #tpu.memory_space<vmem>>[vector<16xi32>, vector<16xi32>, vector<16xi32>], vector<16xf32>,
      %add3A_987 = arith.constant 16 : i32
      %add3A_988 = vector.broadcast %add3A_987 : i32 to vector<16xi32>
      %add3A_989 = arith.addi %iota3A, %add3A_988 : vector<16xi32>
      %gather3A_990 = tpu.vector_load_idx %arg11[%broadcast_in_dim3A_967, %add3A_989, %broadcast_in_dim3A_965] : memref<16x32x128xf32, #tpu.memory_space<vmem>>[vector<16xi32>, vector<16xi32>, vector<16xi32>], vector<16xf32>,
      %mul3A_991 = arith.constant 32 : i32
      %mul3A_992 = arith.muli %add3A_962, %mul3A_991 : i32
      %get3A_993 = arith.index_cast %mul3A_992 : i32 to index
      %get3A_994 = tpu.vector_load %arg10[%get3A_993] {strides = array<i32>} : memref<16384xf32, #tpu.memory_space<vmem>>, vector<16xf32>,
      %mul3A_995 = arith.constant 32 : i32
      %mul3A_996 = arith.muli %add3A_962, %mul3A_995 : i32
      %add3A_997 = arith.constant 16 : i32
      %add3A_998 = arith.addi %mul3A_996, %add3A_997 : i32
      %get3A_999 = arith.index_cast %add3A_998 : i32 to index
      %get3A_1000 = tpu.vector_load %arg10[%get3A_999] {strides = array<i32>} : memref<16384xf32, #tpu.memory_space<vmem>>, vector<16xf32>,
      %mul3A_1001 = arith.mulf %gather3A_986, %get3A_7 : vector<16xf32>
      %mul3A_1002 = arith.mulf %mul3A_1001, %get3A_994 : vector<16xf32>
      %mul3A_1003 = arith.mulf %gather3A_990, %get3A_9 : vector<16xf32>
      %mul3A_1004 = arith.mulf %mul3A_1003, %get3A_1000 : vector<16xf32>
      %add3A_1005 = arith.addf %mul3A_1002, %mul3A_1004 : vector<16xf32>
      %broadcast_in_dim3A_1006 = arith.constant true
      %broadcast_in_dim3A_1007 = vector.broadcast %broadcast_in_dim3A_1006 : i1 to vector<16xi1>
      %masked_cumsum3A_1008 = tpu.scan <sum>, %add3A_1005 masked %broadcast_in_dim3A_1007 : vector<16xf32>, vector<16xi1> -> vector<16xf32>
      %mul3A_1009 = arith.constant 32 : i32
      %mul3A_1010 = arith.muli %add3A_962, %mul3A_1009 : i32
      %swap3A_1011 = arith.index_cast %mul3A_1010 : i32 to index
      %swap3A_1012 = tpu.vector_load %arg10[%swap3A_1011] {strides = array<i32>} : memref<16384xf32, #tpu.memory_space<vmem>>, vector<16xf32>,
      tpu.vector_store %arg10[%swap3A_1011], %masked_cumsum3A_1008 {strides = array<i32>} : memref<16384xf32, #tpu.memory_space<vmem>>, vector<16xf32>,
      %add3A_1013 = arith.constant 1 : i32
      %add3A_1014 = arith.addi %scan3A_359, %add3A_1013 : i32
      %lt3A_1015 = arith.constant 32 : i32
      %lt3A_1016 = arith.cmpi slt, %add3A_1014, %lt3A_1015 : i32
      %convert_element_type3A_1017 = arith.extui %lt3A_1016 : i1 to i32
      %cond3A_1018 = arith.constant 0 : i32
      %cond3A_1019 = arith.cmpi ne, %convert_element_type3A_1017, %cond3A_1018 : i32
      scf.if %cond3A_1019 {
        %add3A_1399 = arith.constant 1 : i32
        %add3A_1400 = arith.addi %scan3A_359, %add3A_1399 : i32
        %min3A = arith.constant 31 : i32
        %min3A_1401 = arith.minsi %add3A_1400, %min3A : i32
        %jit3A_1402 = arith.constant 8 : i32
        %div3A_1403 = arith.divsi %min3A_1401, %jit3A_1402 : i32
        %sign3A_1404 = arith.constant 0 : i32
        %sign3A_1405 = arith.cmpi sgt, %min3A_1401, %sign3A_1404 : i32
        %sign3A_1406 = arith.extui %sign3A_1405 : i1 to i32
        %sign3A_1407 = arith.constant 0 : i32
        %sign3A_1408 = arith.cmpi slt, %min3A_1401, %sign3A_1407 : i32
        %sign3A_1409 = arith.extui %sign3A_1408 : i1 to i32
        %sign3A_1410 = arith.subi %sign3A_1406, %sign3A_1409 : i32
        %sign3A_1411 = arith.constant 0 : i32
        %sign3A_1412 = arith.cmpi sgt, %jit3A_1402, %sign3A_1411 : i32
        %sign3A_1413 = arith.extui %sign3A_1412 : i1 to i32
        %sign3A_1414 = arith.constant 0 : i32
        %sign3A_1415 = arith.cmpi slt, %jit3A_1402, %sign3A_1414 : i32
        %sign3A_1416 = arith.extui %sign3A_1415 : i1 to i32
        %sign3A_1417 = arith.subi %sign3A_1413, %sign3A_1416 : i32
        %ne3A_1418 = arith.cmpi ne, %sign3A_1410, %sign3A_1417 : i32
        %rem3A_1419 = arith.remsi %min3A_1401, %jit3A_1402 : i32
        %ne3A_1420 = arith.constant 0 : i32
        %ne3A_1421 = arith.cmpi ne, %rem3A_1419, %ne3A_1420 : i32
        %and3A_1422 = arith.andi %ne3A_1418, %ne3A_1421 : i1
        %sub3A_1423 = arith.constant 1 : i32
        %sub3A_1424 = arith.subi %div3A_1403, %sub3A_1423 : i32
        %select_n3A_1425 = arith.select %and3A_1422, %sub3A_1424, %div3A_1403 : i32
        %jit3A_1426 = arith.constant 8 : i32
        %eq3A_1427 = arith.constant 0 : i32
        %eq3A_1428 = arith.cmpi eq, %jit3A_1426, %eq3A_1427 : i32
        %jit3A_1429 = arith.constant 1 : i32
        %select_n3A_1430 = arith.select %eq3A_1428, %jit3A_1429, %jit3A_1426 : i32
        %rem3A_1431 = arith.remsi %min3A_1401, %select_n3A_1430 : i32
        %ne3A_1432 = arith.constant 0 : i32
        %ne3A_1433 = arith.cmpi ne, %rem3A_1431, %ne3A_1432 : i32
        %lt3A_1434 = arith.constant 0 : i32
        %lt3A_1435 = arith.cmpi slt, %rem3A_1431, %lt3A_1434 : i32
        %lt3A_1436 = arith.constant 0 : i32
        %lt3A_1437 = arith.cmpi slt, %select_n3A_1430, %lt3A_1436 : i32
        %ne3A_1438 = arith.xori %lt3A_1435, %lt3A_1437 : i1
        %and3A_1439 = arith.andi %ne3A_1438, %ne3A_1433 : i1
        %add3A_1440 = arith.addi %rem3A_1431, %select_n3A_1430 : i32
        %select_n3A_1441 = arith.select %and3A_1439, %add3A_1440, %rem3A_1431 : i32
        %mul3A_1442 = arith.constant 16 : i32
        %mul3A_1443 = arith.muli %select_n3A_1441, %mul3A_1442 : i32
        %get3A_1444 = arith.index_cast %select_n3A_1425 : i32 to index
        %get3A_1445 = arith.index_cast %mul3A_1443 : i32 to index
        %get3A_1446 = tpu.vector_load %arg8[%get3A_1444, %get3A_1445] {strides = array<i32>} : memref<4x128xi32, #tpu.memory_space<vmem>>, vector<16xi32>,
        %slice3A_1447 = vector.extract_strided_slice %get3A_1446 {offsets = [9], sizes = [1], strides = [1]} : vector<16xi32> to vector<1xi32>
        %squeeze3A_1448 = vector.extract %slice3A_1447[0] : i32 from vector<1xi32>
        %shift_right_arithmetic3A_1449 = arith.constant 7 : i32
        %shift_right_arithmetic3A_1450 = arith.shrsi %squeeze3A_1448, %shift_right_arithmetic3A_1449 : i32
        %mul3A_1451 = arith.constant 128 : i32
        %mul3A_1452 = arith.muli %shift_right_arithmetic3A_1450, %mul3A_1451 : i32
        %multiple_of3A_1453 = tpu.assume_multiple %mul3A_1452, 128 : i32
        %dma_start3A_1454 = arith.constant 9 : i32
        %dma_start3A_1455 = arith.constant 0 : i32
        %dma_start3A_1456 = arith.constant 0 : i32
        %dma_start3A_1457 = tpu.memref_slice %arg11[%dma_start3A_1454, %dma_start3A_1455, %dma_start3A_1456] : memref<16x32x128xf32, #tpu.memory_space<vmem>> -> memref<1x32x128xf32, #tpu.memory_space<vmem>>
        %dma_start3A_1458 = tpu.memref_squeeze %dma_start3A_1457 : memref<1x32x128xf32, #tpu.memory_space<vmem>> -> memref<32x128xf32, #tpu.memory_space<vmem>>
        %dma_start3A_1459 = arith.constant 0 : i32
        %dma_start3A_1460 = tpu.memref_slice %arg4[%dma_start3A_1459, %multiple_of3A_1453] : memref<32x1000000xf32, #tpu.memory_space<hbm>> -> memref<32x128xf32, #tpu.memory_space<hbm>>
        %dma_start3A_1461 = arith.constant 0 : i32
        %dma_start3A_1462 = arith.constant 0 : i32
        %dma_start3A_1463 = tpu.memref_slice %arg11[%dma_start3A_1454, %dma_start3A_1461, %dma_start3A_1462] : memref<16x32x128xf32, #tpu.memory_space<vmem>> -> memref<1x32x128xf32, #tpu.memory_space<vmem>>
        %dma_start3A_1464 = tpu.memref_squeeze %dma_start3A_1463 : memref<1x32x128xf32, #tpu.memory_space<vmem>> -> memref<32x128xf32, #tpu.memory_space<vmem>>
        %dma_start3A_1465 = arith.constant 0 : i32
        %dma_start3A_1466 = tpu.memref_slice %arg4[%dma_start3A_1465, %multiple_of3A_1453] : memref<32x1000000xf32, #tpu.memory_space<hbm>> -> memref<32x128xf32, #tpu.memory_space<hbm>>
        tpu.enqueue_dma source(%dma_start3A_1466 : memref<32x128xf32, #tpu.memory_space<hbm>>) target(%dma_start3A_1464 : memref<32x128xf32, #tpu.memory_space<vmem>>) target_semaphore(%arg24 : memref<!tpu.dma_semaphore, #tpu.memory_space<semaphore_mem>>)
      } else {
      }
      %slice3A_1020 = vector.extract_strided_slice %get3A_395 {offsets = [10], sizes = [1], strides = [1]} : vector<16xi32> to vector<1xi32>
      %squeeze3A_1021 = vector.extract %slice3A_1020[0] : i32 from vector<1xi32>
      %mul3A_1022 = arith.constant 16 : i32
      %mul3A_1023 = arith.muli %scan3A_359, %mul3A_1022 : i32
      %add3A_1024 = arith.constant 10 : i32
      %add3A_1025 = arith.addi %mul3A_1023, %add3A_1024 : i32
      %and3A_1026 = arith.constant 127 : i32
      %and3A_1027 = arith.andi %squeeze3A_1021, %and3A_1026 : i32
      %broadcast_in_dim3A_1028 = vector.broadcast %and3A_1027 : i32 to vector<16xi32>
      %broadcast_in_dim3A_1029 = arith.constant 10 : i32
      %broadcast_in_dim3A_1030 = vector.broadcast %broadcast_in_dim3A_1029 : i32 to vector<16xi32>
      %shift_right_arithmetic3A_1031 = arith.constant 7 : i32
      %shift_right_arithmetic3A_1032 = arith.shrsi %squeeze3A_1021, %shift_right_arithmetic3A_1031 : i32
      %mul3A_1033 = arith.constant 128 : i32
      %mul3A_1034 = arith.muli %shift_right_arithmetic3A_1032, %mul3A_1033 : i32
      %multiple_of3A_1035 = tpu.assume_multiple %mul3A_1034, 128 : i32
      %dma_wait3A_1036 = arith.constant 10 : i32
      %dma_wait3A_1037 = arith.constant 0 : i32
      %dma_wait3A_1038 = arith.constant 0 : i32
      %dma_wait3A_1039 = tpu.memref_slice %arg11[%dma_wait3A_1036, %dma_wait3A_1037, %dma_wait3A_1038] : memref<16x32x128xf32, #tpu.memory_space<vmem>> -> memref<1x32x128xf32, #tpu.memory_space<vmem>>
      %dma_wait3A_1040 = tpu.memref_squeeze %dma_wait3A_1039 : memref<1x32x128xf32, #tpu.memory_space<vmem>> -> memref<32x128xf32, #tpu.memory_space<vmem>>
      %dma_wait3A_1041 = arith.constant 0 : i32
      %dma_wait3A_1042 = tpu.memref_slice %arg4[%dma_wait3A_1041, %multiple_of3A_1035] : memref<32x1000000xf32, #tpu.memory_space<hbm>> -> memref<32x128xf32, #tpu.memory_space<hbm>>
      %dma_wait3A_1043 = arith.constant 0 : i32
      %dma_wait3A_1044 = arith.constant 0 : i32
      %dma_wait3A_1045 = tpu.memref_slice %arg11[%dma_wait3A_1036, %dma_wait3A_1043, %dma_wait3A_1044] : memref<16x32x128xf32, #tpu.memory_space<vmem>> -> memref<1x32x128xf32, #tpu.memory_space<vmem>>
      %dma_wait3A_1046 = tpu.memref_squeeze %dma_wait3A_1045 : memref<1x32x128xf32, #tpu.memory_space<vmem>> -> memref<32x128xf32, #tpu.memory_space<vmem>>
      %dma_wait3A_1047 = arith.constant 0 : i32
      %dma_wait3A_1048 = tpu.memref_slice %arg4[%dma_wait3A_1047, %multiple_of3A_1035] : memref<32x1000000xf32, #tpu.memory_space<hbm>> -> memref<32x128xf32, #tpu.memory_space<hbm>>
      tpu.wait_dma2 semaphore(%arg25 : memref<!tpu.dma_semaphore, #tpu.memory_space<semaphore_mem>>) src(%dma_wait3A_1048 : memref<32x128xf32, #tpu.memory_space<hbm>>) dst(%dma_wait3A_1046 : memref<32x128xf32, #tpu.memory_space<vmem>>)
      %gather3A_1049 = tpu.vector_load_idx %arg11[%broadcast_in_dim3A_1030, %iota3A, %broadcast_in_dim3A_1028] : memref<16x32x128xf32, #tpu.memory_space<vmem>>[vector<16xi32>, vector<16xi32>, vector<16xi32>], vector<16xf32>,
      %add3A_1050 = arith.constant 16 : i32
      %add3A_1051 = vector.broadcast %add3A_1050 : i32 to vector<16xi32>
      %add3A_1052 = arith.addi %iota3A, %add3A_1051 : vector<16xi32>
      %gather3A_1053 = tpu.vector_load_idx %arg11[%broadcast_in_dim3A_1030, %add3A_1052, %broadcast_in_dim3A_1028] : memref<16x32x128xf32, #tpu.memory_space<vmem>>[vector<16xi32>, vector<16xi32>, vector<16xi32>], vector<16xf32>,
      %mul3A_1054 = arith.constant 32 : i32
      %mul3A_1055 = arith.muli %add3A_1025, %mul3A_1054 : i32
      %get3A_1056 = arith.index_cast %mul3A_1055 : i32 to index
      %get3A_1057 = tpu.vector_load %arg10[%get3A_1056] {strides = array<i32>} : memref<16384xf32, #tpu.memory_space<vmem>>, vector<16xf32>,
      %mul3A_1058 = arith.constant 32 : i32
      %mul3A_1059 = arith.muli %add3A_1025, %mul3A_1058 : i32
      %add3A_1060 = arith.constant 16 : i32
      %add3A_1061 = arith.addi %mul3A_1059, %add3A_1060 : i32
      %get3A_1062 = arith.index_cast %add3A_1061 : i32 to index
      %get3A_1063 = tpu.vector_load %arg10[%get3A_1062] {strides = array<i32>} : memref<16384xf32, #tpu.memory_space<vmem>>, vector<16xf32>,
      %mul3A_1064 = arith.mulf %gather3A_1049, %get3A_7 : vector<16xf32>
      %mul3A_1065 = arith.mulf %mul3A_1064, %get3A_1057 : vector<16xf32>
      %mul3A_1066 = arith.mulf %gather3A_1053, %get3A_9 : vector<16xf32>
      %mul3A_1067 = arith.mulf %mul3A_1066, %get3A_1063 : vector<16xf32>
      %add3A_1068 = arith.addf %mul3A_1065, %mul3A_1067 : vector<16xf32>
      %broadcast_in_dim3A_1069 = arith.constant true
      %broadcast_in_dim3A_1070 = vector.broadcast %broadcast_in_dim3A_1069 : i1 to vector<16xi1>
      %masked_cumsum3A_1071 = tpu.scan <sum>, %add3A_1068 masked %broadcast_in_dim3A_1070 : vector<16xf32>, vector<16xi1> -> vector<16xf32>
      %mul3A_1072 = arith.constant 32 : i32
      %mul3A_1073 = arith.muli %add3A_1025, %mul3A_1072 : i32
      %swap3A_1074 = arith.index_cast %mul3A_1073 : i32 to index
      %swap3A_1075 = tpu.vector_load %arg10[%swap3A_1074] {strides = array<i32>} : memref<16384xf32, #tpu.memory_space<vmem>>, vector<16xf32>,
      tpu.vector_store %arg10[%swap3A_1074], %masked_cumsum3A_1071 {strides = array<i32>} : memref<16384xf32, #tpu.memory_space<vmem>>, vector<16xf32>,
      %add3A_1076 = arith.constant 1 : i32
      %add3A_1077 = arith.addi %scan3A_359, %add3A_1076 : i32
      %lt3A_1078 = arith.constant 32 : i32
      %lt3A_1079 = arith.cmpi slt, %add3A_1077, %lt3A_1078 : i32
      %convert_element_type3A_1080 = arith.extui %lt3A_1079 : i1 to i32
      %cond3A_1081 = arith.constant 0 : i32
      %cond3A_1082 = arith.cmpi ne, %convert_element_type3A_1080, %cond3A_1081 : i32
      scf.if %cond3A_1082 {
        %add3A_1399 = arith.constant 1 : i32
        %add3A_1400 = arith.addi %scan3A_359, %add3A_1399 : i32
        %min3A = arith.constant 31 : i32
        %min3A_1401 = arith.minsi %add3A_1400, %min3A : i32
        %jit3A_1402 = arith.constant 8 : i32
        %div3A_1403 = arith.divsi %min3A_1401, %jit3A_1402 : i32
        %sign3A_1404 = arith.constant 0 : i32
        %sign3A_1405 = arith.cmpi sgt, %min3A_1401, %sign3A_1404 : i32
        %sign3A_1406 = arith.extui %sign3A_1405 : i1 to i32
        %sign3A_1407 = arith.constant 0 : i32
        %sign3A_1408 = arith.cmpi slt, %min3A_1401, %sign3A_1407 : i32
        %sign3A_1409 = arith.extui %sign3A_1408 : i1 to i32
        %sign3A_1410 = arith.subi %sign3A_1406, %sign3A_1409 : i32
        %sign3A_1411 = arith.constant 0 : i32
        %sign3A_1412 = arith.cmpi sgt, %jit3A_1402, %sign3A_1411 : i32
        %sign3A_1413 = arith.extui %sign3A_1412 : i1 to i32
        %sign3A_1414 = arith.constant 0 : i32
        %sign3A_1415 = arith.cmpi slt, %jit3A_1402, %sign3A_1414 : i32
        %sign3A_1416 = arith.extui %sign3A_1415 : i1 to i32
        %sign3A_1417 = arith.subi %sign3A_1413, %sign3A_1416 : i32
        %ne3A_1418 = arith.cmpi ne, %sign3A_1410, %sign3A_1417 : i32
        %rem3A_1419 = arith.remsi %min3A_1401, %jit3A_1402 : i32
        %ne3A_1420 = arith.constant 0 : i32
        %ne3A_1421 = arith.cmpi ne, %rem3A_1419, %ne3A_1420 : i32
        %and3A_1422 = arith.andi %ne3A_1418, %ne3A_1421 : i1
        %sub3A_1423 = arith.constant 1 : i32
        %sub3A_1424 = arith.subi %div3A_1403, %sub3A_1423 : i32
        %select_n3A_1425 = arith.select %and3A_1422, %sub3A_1424, %div3A_1403 : i32
        %jit3A_1426 = arith.constant 8 : i32
        %eq3A_1427 = arith.constant 0 : i32
        %eq3A_1428 = arith.cmpi eq, %jit3A_1426, %eq3A_1427 : i32
        %jit3A_1429 = arith.constant 1 : i32
        %select_n3A_1430 = arith.select %eq3A_1428, %jit3A_1429, %jit3A_1426 : i32
        %rem3A_1431 = arith.remsi %min3A_1401, %select_n3A_1430 : i32
        %ne3A_1432 = arith.constant 0 : i32
        %ne3A_1433 = arith.cmpi ne, %rem3A_1431, %ne3A_1432 : i32
        %lt3A_1434 = arith.constant 0 : i32
        %lt3A_1435 = arith.cmpi slt, %rem3A_1431, %lt3A_1434 : i32
        %lt3A_1436 = arith.constant 0 : i32
        %lt3A_1437 = arith.cmpi slt, %select_n3A_1430, %lt3A_1436 : i32
        %ne3A_1438 = arith.xori %lt3A_1435, %lt3A_1437 : i1
        %and3A_1439 = arith.andi %ne3A_1438, %ne3A_1433 : i1
        %add3A_1440 = arith.addi %rem3A_1431, %select_n3A_1430 : i32
        %select_n3A_1441 = arith.select %and3A_1439, %add3A_1440, %rem3A_1431 : i32
        %mul3A_1442 = arith.constant 16 : i32
        %mul3A_1443 = arith.muli %select_n3A_1441, %mul3A_1442 : i32
        %get3A_1444 = arith.index_cast %select_n3A_1425 : i32 to index
        %get3A_1445 = arith.index_cast %mul3A_1443 : i32 to index
        %get3A_1446 = tpu.vector_load %arg8[%get3A_1444, %get3A_1445] {strides = array<i32>} : memref<4x128xi32, #tpu.memory_space<vmem>>, vector<16xi32>,
        %slice3A_1447 = vector.extract_strided_slice %get3A_1446 {offsets = [10], sizes = [1], strides = [1]} : vector<16xi32> to vector<1xi32>
        %squeeze3A_1448 = vector.extract %slice3A_1447[0] : i32 from vector<1xi32>
        %shift_right_arithmetic3A_1449 = arith.constant 7 : i32
        %shift_right_arithmetic3A_1450 = arith.shrsi %squeeze3A_1448, %shift_right_arithmetic3A_1449 : i32
        %mul3A_1451 = arith.constant 128 : i32
        %mul3A_1452 = arith.muli %shift_right_arithmetic3A_1450, %mul3A_1451 : i32
        %multiple_of3A_1453 = tpu.assume_multiple %mul3A_1452, 128 : i32
        %dma_start3A_1454 = arith.constant 10 : i32
        %dma_start3A_1455 = arith.constant 0 : i32
        %dma_start3A_1456 = arith.constant 0 : i32
        %dma_start3A_1457 = tpu.memref_slice %arg11[%dma_start3A_1454, %dma_start3A_1455, %dma_start3A_1456] : memref<16x32x128xf32, #tpu.memory_space<vmem>> -> memref<1x32x128xf32, #tpu.memory_space<vmem>>
        %dma_start3A_1458 = tpu.memref_squeeze %dma_start3A_1457 : memref<1x32x128xf32, #tpu.memory_space<vmem>> -> memref<32x128xf32, #tpu.memory_space<vmem>>
        %dma_start3A_1459 = arith.constant 0 : i32
        %dma_start3A_1460 = tpu.memref_slice %arg4[%dma_start3A_1459, %multiple_of3A_1453] : memref<32x1000000xf32, #tpu.memory_space<hbm>> -> memref<32x128xf32, #tpu.memory_space<hbm>>
        %dma_start3A_1461 = arith.constant 0 : i32
        %dma_start3A_1462 = arith.constant 0 : i32
        %dma_start3A_1463 = tpu.memref_slice %arg11[%dma_start3A_1454, %dma_start3A_1461, %dma_start3A_1462] : memref<16x32x128xf32, #tpu.memory_space<vmem>> -> memref<1x32x128xf32, #tpu.memory_space<vmem>>
        %dma_start3A_1464 = tpu.memref_squeeze %dma_start3A_1463 : memref<1x32x128xf32, #tpu.memory_space<vmem>> -> memref<32x128xf32, #tpu.memory_space<vmem>>
        %dma_start3A_1465 = arith.constant 0 : i32
        %dma_start3A_1466 = tpu.memref_slice %arg4[%dma_start3A_1465, %multiple_of3A_1453] : memref<32x1000000xf32, #tpu.memory_space<hbm>> -> memref<32x128xf32, #tpu.memory_space<hbm>>
        tpu.enqueue_dma source(%dma_start3A_1466 : memref<32x128xf32, #tpu.memory_space<hbm>>) target(%dma_start3A_1464 : memref<32x128xf32, #tpu.memory_space<vmem>>) target_semaphore(%arg25 : memref<!tpu.dma_semaphore, #tpu.memory_space<semaphore_mem>>)
      } else {
      }
      %slice3A_1083 = vector.extract_strided_slice %get3A_395 {offsets = [11], sizes = [1], strides = [1]} : vector<16xi32> to vector<1xi32>
      %squeeze3A_1084 = vector.extract %slice3A_1083[0] : i32 from vector<1xi32>
      %mul3A_1085 = arith.constant 16 : i32
      %mul3A_1086 = arith.muli %scan3A_359, %mul3A_1085 : i32
      %add3A_1087 = arith.constant 11 : i32
      %add3A_1088 = arith.addi %mul3A_1086, %add3A_1087 : i32
      %and3A_1089 = arith.constant 127 : i32
      %and3A_1090 = arith.andi %squeeze3A_1084, %and3A_1089 : i32
      %broadcast_in_dim3A_1091 = vector.broadcast %and3A_1090 : i32 to vector<16xi32>
      %broadcast_in_dim3A_1092 = arith.constant 11 : i32
      %broadcast_in_dim3A_1093 = vector.broadcast %broadcast_in_dim3A_1092 : i32 to vector<16xi32>
      %shift_right_arithmetic3A_1094 = arith.constant 7 : i32
      %shift_right_arithmetic3A_1095 = arith.shrsi %squeeze3A_1084, %shift_right_arithmetic3A_1094 : i32
      %mul3A_1096 = arith.constant 128 : i32
      %mul3A_1097 = arith.muli %shift_right_arithmetic3A_1095, %mul3A_1096 : i32
      %multiple_of3A_1098 = tpu.assume_multiple %mul3A_1097, 128 : i32
      %dma_wait3A_1099 = arith.constant 11 : i32
      %dma_wait3A_1100 = arith.constant 0 : i32
      %dma_wait3A_1101 = arith.constant 0 : i32
      %dma_wait3A_1102 = tpu.memref_slice %arg11[%dma_wait3A_1099, %dma_wait3A_1100, %dma_wait3A_1101] : memref<16x32x128xf32, #tpu.memory_space<vmem>> -> memref<1x32x128xf32, #tpu.memory_space<vmem>>
      %dma_wait3A_1103 = tpu.memref_squeeze %dma_wait3A_1102 : memref<1x32x128xf32, #tpu.memory_space<vmem>> -> memref<32x128xf32, #tpu.memory_space<vmem>>
      %dma_wait3A_1104 = arith.constant 0 : i32
      %dma_wait3A_1105 = tpu.memref_slice %arg4[%dma_wait3A_1104, %multiple_of3A_1098] : memref<32x1000000xf32, #tpu.memory_space<hbm>> -> memref<32x128xf32, #tpu.memory_space<hbm>>
      %dma_wait3A_1106 = arith.constant 0 : i32
      %dma_wait3A_1107 = arith.constant 0 : i32
      %dma_wait3A_1108 = tpu.memref_slice %arg11[%dma_wait3A_1099, %dma_wait3A_1106, %dma_wait3A_1107] : memref<16x32x128xf32, #tpu.memory_space<vmem>> -> memref<1x32x128xf32, #tpu.memory_space<vmem>>
      %dma_wait3A_1109 = tpu.memref_squeeze %dma_wait3A_1108 : memref<1x32x128xf32, #tpu.memory_space<vmem>> -> memref<32x128xf32, #tpu.memory_space<vmem>>
      %dma_wait3A_1110 = arith.constant 0 : i32
      %dma_wait3A_1111 = tpu.memref_slice %arg4[%dma_wait3A_1110, %multiple_of3A_1098] : memref<32x1000000xf32, #tpu.memory_space<hbm>> -> memref<32x128xf32, #tpu.memory_space<hbm>>
      tpu.wait_dma2 semaphore(%arg26 : memref<!tpu.dma_semaphore, #tpu.memory_space<semaphore_mem>>) src(%dma_wait3A_1111 : memref<32x128xf32, #tpu.memory_space<hbm>>) dst(%dma_wait3A_1109 : memref<32x128xf32, #tpu.memory_space<vmem>>)
      %gather3A_1112 = tpu.vector_load_idx %arg11[%broadcast_in_dim3A_1093, %iota3A, %broadcast_in_dim3A_1091] : memref<16x32x128xf32, #tpu.memory_space<vmem>>[vector<16xi32>, vector<16xi32>, vector<16xi32>], vector<16xf32>,
      %add3A_1113 = arith.constant 16 : i32
      %add3A_1114 = vector.broadcast %add3A_1113 : i32 to vector<16xi32>
      %add3A_1115 = arith.addi %iota3A, %add3A_1114 : vector<16xi32>
      %gather3A_1116 = tpu.vector_load_idx %arg11[%broadcast_in_dim3A_1093, %add3A_1115, %broadcast_in_dim3A_1091] : memref<16x32x128xf32, #tpu.memory_space<vmem>>[vector<16xi32>, vector<16xi32>, vector<16xi32>], vector<16xf32>,
      %mul3A_1117 = arith.constant 32 : i32
      %mul3A_1118 = arith.muli %add3A_1088, %mul3A_1117 : i32
      %get3A_1119 = arith.index_cast %mul3A_1118 : i32 to index
      %get3A_1120 = tpu.vector_load %arg10[%get3A_1119] {strides = array<i32>} : memref<16384xf32, #tpu.memory_space<vmem>>, vector<16xf32>,
      %mul3A_1121 = arith.constant 32 : i32
      %mul3A_1122 = arith.muli %add3A_1088, %mul3A_1121 : i32
      %add3A_1123 = arith.constant 16 : i32
      %add3A_1124 = arith.addi %mul3A_1122, %add3A_1123 : i32
      %get3A_1125 = arith.index_cast %add3A_1124 : i32 to index
      %get3A_1126 = tpu.vector_load %arg10[%get3A_1125] {strides = array<i32>} : memref<16384xf32, #tpu.memory_space<vmem>>, vector<16xf32>,
      %mul3A_1127 = arith.mulf %gather3A_1112, %get3A_7 : vector<16xf32>
      %mul3A_1128 = arith.mulf %mul3A_1127, %get3A_1120 : vector<16xf32>
      %mul3A_1129 = arith.mulf %gather3A_1116, %get3A_9 : vector<16xf32>
      %mul3A_1130 = arith.mulf %mul3A_1129, %get3A_1126 : vector<16xf32>
      %add3A_1131 = arith.addf %mul3A_1128, %mul3A_1130 : vector<16xf32>
      %broadcast_in_dim3A_1132 = arith.constant true
      %broadcast_in_dim3A_1133 = vector.broadcast %broadcast_in_dim3A_1132 : i1 to vector<16xi1>
      %masked_cumsum3A_1134 = tpu.scan <sum>, %add3A_1131 masked %broadcast_in_dim3A_1133 : vector<16xf32>, vector<16xi1> -> vector<16xf32>
      %mul3A_1135 = arith.constant 32 : i32
      %mul3A_1136 = arith.muli %add3A_1088, %mul3A_1135 : i32
      %swap3A_1137 = arith.index_cast %mul3A_1136 : i32 to index
      %swap3A_1138 = tpu.vector_load %arg10[%swap3A_1137] {strides = array<i32>} : memref<16384xf32, #tpu.memory_space<vmem>>, vector<16xf32>,
      tpu.vector_store %arg10[%swap3A_1137], %masked_cumsum3A_1134 {strides = array<i32>} : memref<16384xf32, #tpu.memory_space<vmem>>, vector<16xf32>,
      %add3A_1139 = arith.constant 1 : i32
      %add3A_1140 = arith.addi %scan3A_359, %add3A_1139 : i32
      %lt3A_1141 = arith.constant 32 : i32
      %lt3A_1142 = arith.cmpi slt, %add3A_1140, %lt3A_1141 : i32
      %convert_element_type3A_1143 = arith.extui %lt3A_1142 : i1 to i32
      %cond3A_1144 = arith.constant 0 : i32
      %cond3A_1145 = arith.cmpi ne, %convert_element_type3A_1143, %cond3A_1144 : i32
      scf.if %cond3A_1145 {
        %add3A_1399 = arith.constant 1 : i32
        %add3A_1400 = arith.addi %scan3A_359, %add3A_1399 : i32
        %min3A = arith.constant 31 : i32
        %min3A_1401 = arith.minsi %add3A_1400, %min3A : i32
        %jit3A_1402 = arith.constant 8 : i32
        %div3A_1403 = arith.divsi %min3A_1401, %jit3A_1402 : i32
        %sign3A_1404 = arith.constant 0 : i32
        %sign3A_1405 = arith.cmpi sgt, %min3A_1401, %sign3A_1404 : i32
        %sign3A_1406 = arith.extui %sign3A_1405 : i1 to i32
        %sign3A_1407 = arith.constant 0 : i32
        %sign3A_1408 = arith.cmpi slt, %min3A_1401, %sign3A_1407 : i32
        %sign3A_1409 = arith.extui %sign3A_1408 : i1 to i32
        %sign3A_1410 = arith.subi %sign3A_1406, %sign3A_1409 : i32
        %sign3A_1411 = arith.constant 0 : i32
        %sign3A_1412 = arith.cmpi sgt, %jit3A_1402, %sign3A_1411 : i32
        %sign3A_1413 = arith.extui %sign3A_1412 : i1 to i32
        %sign3A_1414 = arith.constant 0 : i32
        %sign3A_1415 = arith.cmpi slt, %jit3A_1402, %sign3A_1414 : i32
        %sign3A_1416 = arith.extui %sign3A_1415 : i1 to i32
        %sign3A_1417 = arith.subi %sign3A_1413, %sign3A_1416 : i32
        %ne3A_1418 = arith.cmpi ne, %sign3A_1410, %sign3A_1417 : i32
        %rem3A_1419 = arith.remsi %min3A_1401, %jit3A_1402 : i32
        %ne3A_1420 = arith.constant 0 : i32
        %ne3A_1421 = arith.cmpi ne, %rem3A_1419, %ne3A_1420 : i32
        %and3A_1422 = arith.andi %ne3A_1418, %ne3A_1421 : i1
        %sub3A_1423 = arith.constant 1 : i32
        %sub3A_1424 = arith.subi %div3A_1403, %sub3A_1423 : i32
        %select_n3A_1425 = arith.select %and3A_1422, %sub3A_1424, %div3A_1403 : i32
        %jit3A_1426 = arith.constant 8 : i32
        %eq3A_1427 = arith.constant 0 : i32
        %eq3A_1428 = arith.cmpi eq, %jit3A_1426, %eq3A_1427 : i32
        %jit3A_1429 = arith.constant 1 : i32
        %select_n3A_1430 = arith.select %eq3A_1428, %jit3A_1429, %jit3A_1426 : i32
        %rem3A_1431 = arith.remsi %min3A_1401, %select_n3A_1430 : i32
        %ne3A_1432 = arith.constant 0 : i32
        %ne3A_1433 = arith.cmpi ne, %rem3A_1431, %ne3A_1432 : i32
        %lt3A_1434 = arith.constant 0 : i32
        %lt3A_1435 = arith.cmpi slt, %rem3A_1431, %lt3A_1434 : i32
        %lt3A_1436 = arith.constant 0 : i32
        %lt3A_1437 = arith.cmpi slt, %select_n3A_1430, %lt3A_1436 : i32
        %ne3A_1438 = arith.xori %lt3A_1435, %lt3A_1437 : i1
        %and3A_1439 = arith.andi %ne3A_1438, %ne3A_1433 : i1
        %add3A_1440 = arith.addi %rem3A_1431, %select_n3A_1430 : i32
        %select_n3A_1441 = arith.select %and3A_1439, %add3A_1440, %rem3A_1431 : i32
        %mul3A_1442 = arith.constant 16 : i32
        %mul3A_1443 = arith.muli %select_n3A_1441, %mul3A_1442 : i32
        %get3A_1444 = arith.index_cast %select_n3A_1425 : i32 to index
        %get3A_1445 = arith.index_cast %mul3A_1443 : i32 to index
        %get3A_1446 = tpu.vector_load %arg8[%get3A_1444, %get3A_1445] {strides = array<i32>} : memref<4x128xi32, #tpu.memory_space<vmem>>, vector<16xi32>,
        %slice3A_1447 = vector.extract_strided_slice %get3A_1446 {offsets = [11], sizes = [1], strides = [1]} : vector<16xi32> to vector<1xi32>
        %squeeze3A_1448 = vector.extract %slice3A_1447[0] : i32 from vector<1xi32>
        %shift_right_arithmetic3A_1449 = arith.constant 7 : i32
        %shift_right_arithmetic3A_1450 = arith.shrsi %squeeze3A_1448, %shift_right_arithmetic3A_1449 : i32
        %mul3A_1451 = arith.constant 128 : i32
        %mul3A_1452 = arith.muli %shift_right_arithmetic3A_1450, %mul3A_1451 : i32
        %multiple_of3A_1453 = tpu.assume_multiple %mul3A_1452, 128 : i32
        %dma_start3A_1454 = arith.constant 11 : i32
        %dma_start3A_1455 = arith.constant 0 : i32
        %dma_start3A_1456 = arith.constant 0 : i32
        %dma_start3A_1457 = tpu.memref_slice %arg11[%dma_start3A_1454, %dma_start3A_1455, %dma_start3A_1456] : memref<16x32x128xf32, #tpu.memory_space<vmem>> -> memref<1x32x128xf32, #tpu.memory_space<vmem>>
        %dma_start3A_1458 = tpu.memref_squeeze %dma_start3A_1457 : memref<1x32x128xf32, #tpu.memory_space<vmem>> -> memref<32x128xf32, #tpu.memory_space<vmem>>
        %dma_start3A_1459 = arith.constant 0 : i32
        %dma_start3A_1460 = tpu.memref_slice %arg4[%dma_start3A_1459, %multiple_of3A_1453] : memref<32x1000000xf32, #tpu.memory_space<hbm>> -> memref<32x128xf32, #tpu.memory_space<hbm>>
        %dma_start3A_1461 = arith.constant 0 : i32
        %dma_start3A_1462 = arith.constant 0 : i32
        %dma_start3A_1463 = tpu.memref_slice %arg11[%dma_start3A_1454, %dma_start3A_1461, %dma_start3A_1462] : memref<16x32x128xf32, #tpu.memory_space<vmem>> -> memref<1x32x128xf32, #tpu.memory_space<vmem>>
        %dma_start3A_1464 = tpu.memref_squeeze %dma_start3A_1463 : memref<1x32x128xf32, #tpu.memory_space<vmem>> -> memref<32x128xf32, #tpu.memory_space<vmem>>
        %dma_start3A_1465 = arith.constant 0 : i32
        %dma_start3A_1466 = tpu.memref_slice %arg4[%dma_start3A_1465, %multiple_of3A_1453] : memref<32x1000000xf32, #tpu.memory_space<hbm>> -> memref<32x128xf32, #tpu.memory_space<hbm>>
        tpu.enqueue_dma source(%dma_start3A_1466 : memref<32x128xf32, #tpu.memory_space<hbm>>) target(%dma_start3A_1464 : memref<32x128xf32, #tpu.memory_space<vmem>>) target_semaphore(%arg26 : memref<!tpu.dma_semaphore, #tpu.memory_space<semaphore_mem>>)
      } else {
      }
      %slice3A_1146 = vector.extract_strided_slice %get3A_395 {offsets = [12], sizes = [1], strides = [1]} : vector<16xi32> to vector<1xi32>
      %squeeze3A_1147 = vector.extract %slice3A_1146[0] : i32 from vector<1xi32>
      %mul3A_1148 = arith.constant 16 : i32
      %mul3A_1149 = arith.muli %scan3A_359, %mul3A_1148 : i32
      %add3A_1150 = arith.constant 12 : i32
      %add3A_1151 = arith.addi %mul3A_1149, %add3A_1150 : i32
      %and3A_1152 = arith.constant 127 : i32
      %and3A_1153 = arith.andi %squeeze3A_1147, %and3A_1152 : i32
      %broadcast_in_dim3A_1154 = vector.broadcast %and3A_1153 : i32 to vector<16xi32>
      %broadcast_in_dim3A_1155 = arith.constant 12 : i32
      %broadcast_in_dim3A_1156 = vector.broadcast %broadcast_in_dim3A_1155 : i32 to vector<16xi32>
      %shift_right_arithmetic3A_1157 = arith.constant 7 : i32
      %shift_right_arithmetic3A_1158 = arith.shrsi %squeeze3A_1147, %shift_right_arithmetic3A_1157 : i32
      %mul3A_1159 = arith.constant 128 : i32
      %mul3A_1160 = arith.muli %shift_right_arithmetic3A_1158, %mul3A_1159 : i32
      %multiple_of3A_1161 = tpu.assume_multiple %mul3A_1160, 128 : i32
      %dma_wait3A_1162 = arith.constant 12 : i32
      %dma_wait3A_1163 = arith.constant 0 : i32
      %dma_wait3A_1164 = arith.constant 0 : i32
      %dma_wait3A_1165 = tpu.memref_slice %arg11[%dma_wait3A_1162, %dma_wait3A_1163, %dma_wait3A_1164] : memref<16x32x128xf32, #tpu.memory_space<vmem>> -> memref<1x32x128xf32, #tpu.memory_space<vmem>>
      %dma_wait3A_1166 = tpu.memref_squeeze %dma_wait3A_1165 : memref<1x32x128xf32, #tpu.memory_space<vmem>> -> memref<32x128xf32, #tpu.memory_space<vmem>>
      %dma_wait3A_1167 = arith.constant 0 : i32
      %dma_wait3A_1168 = tpu.memref_slice %arg4[%dma_wait3A_1167, %multiple_of3A_1161] : memref<32x1000000xf32, #tpu.memory_space<hbm>> -> memref<32x128xf32, #tpu.memory_space<hbm>>
      %dma_wait3A_1169 = arith.constant 0 : i32
      %dma_wait3A_1170 = arith.constant 0 : i32
      %dma_wait3A_1171 = tpu.memref_slice %arg11[%dma_wait3A_1162, %dma_wait3A_1169, %dma_wait3A_1170] : memref<16x32x128xf32, #tpu.memory_space<vmem>> -> memref<1x32x128xf32, #tpu.memory_space<vmem>>
      %dma_wait3A_1172 = tpu.memref_squeeze %dma_wait3A_1171 : memref<1x32x128xf32, #tpu.memory_space<vmem>> -> memref<32x128xf32, #tpu.memory_space<vmem>>
      %dma_wait3A_1173 = arith.constant 0 : i32
      %dma_wait3A_1174 = tpu.memref_slice %arg4[%dma_wait3A_1173, %multiple_of3A_1161] : memref<32x1000000xf32, #tpu.memory_space<hbm>> -> memref<32x128xf32, #tpu.memory_space<hbm>>
      tpu.wait_dma2 semaphore(%arg27 : memref<!tpu.dma_semaphore, #tpu.memory_space<semaphore_mem>>) src(%dma_wait3A_1174 : memref<32x128xf32, #tpu.memory_space<hbm>>) dst(%dma_wait3A_1172 : memref<32x128xf32, #tpu.memory_space<vmem>>)
      %gather3A_1175 = tpu.vector_load_idx %arg11[%broadcast_in_dim3A_1156, %iota3A, %broadcast_in_dim3A_1154] : memref<16x32x128xf32, #tpu.memory_space<vmem>>[vector<16xi32>, vector<16xi32>, vector<16xi32>], vector<16xf32>,
      %add3A_1176 = arith.constant 16 : i32
      %add3A_1177 = vector.broadcast %add3A_1176 : i32 to vector<16xi32>
      %add3A_1178 = arith.addi %iota3A, %add3A_1177 : vector<16xi32>
      %gather3A_1179 = tpu.vector_load_idx %arg11[%broadcast_in_dim3A_1156, %add3A_1178, %broadcast_in_dim3A_1154] : memref<16x32x128xf32, #tpu.memory_space<vmem>>[vector<16xi32>, vector<16xi32>, vector<16xi32>], vector<16xf32>,
      %mul3A_1180 = arith.constant 32 : i32
      %mul3A_1181 = arith.muli %add3A_1151, %mul3A_1180 : i32
      %get3A_1182 = arith.index_cast %mul3A_1181 : i32 to index
      %get3A_1183 = tpu.vector_load %arg10[%get3A_1182] {strides = array<i32>} : memref<16384xf32, #tpu.memory_space<vmem>>, vector<16xf32>,
      %mul3A_1184 = arith.constant 32 : i32
      %mul3A_1185 = arith.muli %add3A_1151, %mul3A_1184 : i32
      %add3A_1186 = arith.constant 16 : i32
      %add3A_1187 = arith.addi %mul3A_1185, %add3A_1186 : i32
      %get3A_1188 = arith.index_cast %add3A_1187 : i32 to index
      %get3A_1189 = tpu.vector_load %arg10[%get3A_1188] {strides = array<i32>} : memref<16384xf32, #tpu.memory_space<vmem>>, vector<16xf32>,
      %mul3A_1190 = arith.mulf %gather3A_1175, %get3A_7 : vector<16xf32>
      %mul3A_1191 = arith.mulf %mul3A_1190, %get3A_1183 : vector<16xf32>
      %mul3A_1192 = arith.mulf %gather3A_1179, %get3A_9 : vector<16xf32>
      %mul3A_1193 = arith.mulf %mul3A_1192, %get3A_1189 : vector<16xf32>
      %add3A_1194 = arith.addf %mul3A_1191, %mul3A_1193 : vector<16xf32>
      %broadcast_in_dim3A_1195 = arith.constant true
      %broadcast_in_dim3A_1196 = vector.broadcast %broadcast_in_dim3A_1195 : i1 to vector<16xi1>
      %masked_cumsum3A_1197 = tpu.scan <sum>, %add3A_1194 masked %broadcast_in_dim3A_1196 : vector<16xf32>, vector<16xi1> -> vector<16xf32>
      %mul3A_1198 = arith.constant 32 : i32
      %mul3A_1199 = arith.muli %add3A_1151, %mul3A_1198 : i32
      %swap3A_1200 = arith.index_cast %mul3A_1199 : i32 to index
      %swap3A_1201 = tpu.vector_load %arg10[%swap3A_1200] {strides = array<i32>} : memref<16384xf32, #tpu.memory_space<vmem>>, vector<16xf32>,
      tpu.vector_store %arg10[%swap3A_1200], %masked_cumsum3A_1197 {strides = array<i32>} : memref<16384xf32, #tpu.memory_space<vmem>>, vector<16xf32>,
      %add3A_1202 = arith.constant 1 : i32
      %add3A_1203 = arith.addi %scan3A_359, %add3A_1202 : i32
      %lt3A_1204 = arith.constant 32 : i32
      %lt3A_1205 = arith.cmpi slt, %add3A_1203, %lt3A_1204 : i32
      %convert_element_type3A_1206 = arith.extui %lt3A_1205 : i1 to i32
      %cond3A_1207 = arith.constant 0 : i32
      %cond3A_1208 = arith.cmpi ne, %convert_element_type3A_1206, %cond3A_1207 : i32
      scf.if %cond3A_1208 {
        %add3A_1399 = arith.constant 1 : i32
        %add3A_1400 = arith.addi %scan3A_359, %add3A_1399 : i32
        %min3A = arith.constant 31 : i32
        %min3A_1401 = arith.minsi %add3A_1400, %min3A : i32
        %jit3A_1402 = arith.constant 8 : i32
        %div3A_1403 = arith.divsi %min3A_1401, %jit3A_1402 : i32
        %sign3A_1404 = arith.constant 0 : i32
        %sign3A_1405 = arith.cmpi sgt, %min3A_1401, %sign3A_1404 : i32
        %sign3A_1406 = arith.extui %sign3A_1405 : i1 to i32
        %sign3A_1407 = arith.constant 0 : i32
        %sign3A_1408 = arith.cmpi slt, %min3A_1401, %sign3A_1407 : i32
        %sign3A_1409 = arith.extui %sign3A_1408 : i1 to i32
        %sign3A_1410 = arith.subi %sign3A_1406, %sign3A_1409 : i32
        %sign3A_1411 = arith.constant 0 : i32
        %sign3A_1412 = arith.cmpi sgt, %jit3A_1402, %sign3A_1411 : i32
        %sign3A_1413 = arith.extui %sign3A_1412 : i1 to i32
        %sign3A_1414 = arith.constant 0 : i32
        %sign3A_1415 = arith.cmpi slt, %jit3A_1402, %sign3A_1414 : i32
        %sign3A_1416 = arith.extui %sign3A_1415 : i1 to i32
        %sign3A_1417 = arith.subi %sign3A_1413, %sign3A_1416 : i32
        %ne3A_1418 = arith.cmpi ne, %sign3A_1410, %sign3A_1417 : i32
        %rem3A_1419 = arith.remsi %min3A_1401, %jit3A_1402 : i32
        %ne3A_1420 = arith.constant 0 : i32
        %ne3A_1421 = arith.cmpi ne, %rem3A_1419, %ne3A_1420 : i32
        %and3A_1422 = arith.andi %ne3A_1418, %ne3A_1421 : i1
        %sub3A_1423 = arith.constant 1 : i32
        %sub3A_1424 = arith.subi %div3A_1403, %sub3A_1423 : i32
        %select_n3A_1425 = arith.select %and3A_1422, %sub3A_1424, %div3A_1403 : i32
        %jit3A_1426 = arith.constant 8 : i32
        %eq3A_1427 = arith.constant 0 : i32
        %eq3A_1428 = arith.cmpi eq, %jit3A_1426, %eq3A_1427 : i32
        %jit3A_1429 = arith.constant 1 : i32
        %select_n3A_1430 = arith.select %eq3A_1428, %jit3A_1429, %jit3A_1426 : i32
        %rem3A_1431 = arith.remsi %min3A_1401, %select_n3A_1430 : i32
        %ne3A_1432 = arith.constant 0 : i32
        %ne3A_1433 = arith.cmpi ne, %rem3A_1431, %ne3A_1432 : i32
        %lt3A_1434 = arith.constant 0 : i32
        %lt3A_1435 = arith.cmpi slt, %rem3A_1431, %lt3A_1434 : i32
        %lt3A_1436 = arith.constant 0 : i32
        %lt3A_1437 = arith.cmpi slt, %select_n3A_1430, %lt3A_1436 : i32
        %ne3A_1438 = arith.xori %lt3A_1435, %lt3A_1437 : i1
        %and3A_1439 = arith.andi %ne3A_1438, %ne3A_1433 : i1
        %add3A_1440 = arith.addi %rem3A_1431, %select_n3A_1430 : i32
        %select_n3A_1441 = arith.select %and3A_1439, %add3A_1440, %rem3A_1431 : i32
        %mul3A_1442 = arith.constant 16 : i32
        %mul3A_1443 = arith.muli %select_n3A_1441, %mul3A_1442 : i32
        %get3A_1444 = arith.index_cast %select_n3A_1425 : i32 to index
        %get3A_1445 = arith.index_cast %mul3A_1443 : i32 to index
        %get3A_1446 = tpu.vector_load %arg8[%get3A_1444, %get3A_1445] {strides = array<i32>} : memref<4x128xi32, #tpu.memory_space<vmem>>, vector<16xi32>,
        %slice3A_1447 = vector.extract_strided_slice %get3A_1446 {offsets = [12], sizes = [1], strides = [1]} : vector<16xi32> to vector<1xi32>
        %squeeze3A_1448 = vector.extract %slice3A_1447[0] : i32 from vector<1xi32>
        %shift_right_arithmetic3A_1449 = arith.constant 7 : i32
        %shift_right_arithmetic3A_1450 = arith.shrsi %squeeze3A_1448, %shift_right_arithmetic3A_1449 : i32
        %mul3A_1451 = arith.constant 128 : i32
        %mul3A_1452 = arith.muli %shift_right_arithmetic3A_1450, %mul3A_1451 : i32
        %multiple_of3A_1453 = tpu.assume_multiple %mul3A_1452, 128 : i32
        %dma_start3A_1454 = arith.constant 12 : i32
        %dma_start3A_1455 = arith.constant 0 : i32
        %dma_start3A_1456 = arith.constant 0 : i32
        %dma_start3A_1457 = tpu.memref_slice %arg11[%dma_start3A_1454, %dma_start3A_1455, %dma_start3A_1456] : memref<16x32x128xf32, #tpu.memory_space<vmem>> -> memref<1x32x128xf32, #tpu.memory_space<vmem>>
        %dma_start3A_1458 = tpu.memref_squeeze %dma_start3A_1457 : memref<1x32x128xf32, #tpu.memory_space<vmem>> -> memref<32x128xf32, #tpu.memory_space<vmem>>
        %dma_start3A_1459 = arith.constant 0 : i32
        %dma_start3A_1460 = tpu.memref_slice %arg4[%dma_start3A_1459, %multiple_of3A_1453] : memref<32x1000000xf32, #tpu.memory_space<hbm>> -> memref<32x128xf32, #tpu.memory_space<hbm>>
        %dma_start3A_1461 = arith.constant 0 : i32
        %dma_start3A_1462 = arith.constant 0 : i32
        %dma_start3A_1463 = tpu.memref_slice %arg11[%dma_start3A_1454, %dma_start3A_1461, %dma_start3A_1462] : memref<16x32x128xf32, #tpu.memory_space<vmem>> -> memref<1x32x128xf32, #tpu.memory_space<vmem>>
        %dma_start3A_1464 = tpu.memref_squeeze %dma_start3A_1463 : memref<1x32x128xf32, #tpu.memory_space<vmem>> -> memref<32x128xf32, #tpu.memory_space<vmem>>
        %dma_start3A_1465 = arith.constant 0 : i32
        %dma_start3A_1466 = tpu.memref_slice %arg4[%dma_start3A_1465, %multiple_of3A_1453] : memref<32x1000000xf32, #tpu.memory_space<hbm>> -> memref<32x128xf32, #tpu.memory_space<hbm>>
        tpu.enqueue_dma source(%dma_start3A_1466 : memref<32x128xf32, #tpu.memory_space<hbm>>) target(%dma_start3A_1464 : memref<32x128xf32, #tpu.memory_space<vmem>>) target_semaphore(%arg27 : memref<!tpu.dma_semaphore, #tpu.memory_space<semaphore_mem>>)
      } else {
      }
      %slice3A_1209 = vector.extract_strided_slice %get3A_395 {offsets = [13], sizes = [1], strides = [1]} : vector<16xi32> to vector<1xi32>
      %squeeze3A_1210 = vector.extract %slice3A_1209[0] : i32 from vector<1xi32>
      %mul3A_1211 = arith.constant 16 : i32
      %mul3A_1212 = arith.muli %scan3A_359, %mul3A_1211 : i32
      %add3A_1213 = arith.constant 13 : i32
      %add3A_1214 = arith.addi %mul3A_1212, %add3A_1213 : i32
      %and3A_1215 = arith.constant 127 : i32
      %and3A_1216 = arith.andi %squeeze3A_1210, %and3A_1215 : i32
      %broadcast_in_dim3A_1217 = vector.broadcast %and3A_1216 : i32 to vector<16xi32>
      %broadcast_in_dim3A_1218 = arith.constant 13 : i32
      %broadcast_in_dim3A_1219 = vector.broadcast %broadcast_in_dim3A_1218 : i32 to vector<16xi32>
      %shift_right_arithmetic3A_1220 = arith.constant 7 : i32
      %shift_right_arithmetic3A_1221 = arith.shrsi %squeeze3A_1210, %shift_right_arithmetic3A_1220 : i32
      %mul3A_1222 = arith.constant 128 : i32
      %mul3A_1223 = arith.muli %shift_right_arithmetic3A_1221, %mul3A_1222 : i32
      %multiple_of3A_1224 = tpu.assume_multiple %mul3A_1223, 128 : i32
      %dma_wait3A_1225 = arith.constant 13 : i32
      %dma_wait3A_1226 = arith.constant 0 : i32
      %dma_wait3A_1227 = arith.constant 0 : i32
      %dma_wait3A_1228 = tpu.memref_slice %arg11[%dma_wait3A_1225, %dma_wait3A_1226, %dma_wait3A_1227] : memref<16x32x128xf32, #tpu.memory_space<vmem>> -> memref<1x32x128xf32, #tpu.memory_space<vmem>>
      %dma_wait3A_1229 = tpu.memref_squeeze %dma_wait3A_1228 : memref<1x32x128xf32, #tpu.memory_space<vmem>> -> memref<32x128xf32, #tpu.memory_space<vmem>>
      %dma_wait3A_1230 = arith.constant 0 : i32
      %dma_wait3A_1231 = tpu.memref_slice %arg4[%dma_wait3A_1230, %multiple_of3A_1224] : memref<32x1000000xf32, #tpu.memory_space<hbm>> -> memref<32x128xf32, #tpu.memory_space<hbm>>
      %dma_wait3A_1232 = arith.constant 0 : i32
      %dma_wait3A_1233 = arith.constant 0 : i32
      %dma_wait3A_1234 = tpu.memref_slice %arg11[%dma_wait3A_1225, %dma_wait3A_1232, %dma_wait3A_1233] : memref<16x32x128xf32, #tpu.memory_space<vmem>> -> memref<1x32x128xf32, #tpu.memory_space<vmem>>
      %dma_wait3A_1235 = tpu.memref_squeeze %dma_wait3A_1234 : memref<1x32x128xf32, #tpu.memory_space<vmem>> -> memref<32x128xf32, #tpu.memory_space<vmem>>
      %dma_wait3A_1236 = arith.constant 0 : i32
      %dma_wait3A_1237 = tpu.memref_slice %arg4[%dma_wait3A_1236, %multiple_of3A_1224] : memref<32x1000000xf32, #tpu.memory_space<hbm>> -> memref<32x128xf32, #tpu.memory_space<hbm>>
      tpu.wait_dma2 semaphore(%arg28 : memref<!tpu.dma_semaphore, #tpu.memory_space<semaphore_mem>>) src(%dma_wait3A_1237 : memref<32x128xf32, #tpu.memory_space<hbm>>) dst(%dma_wait3A_1235 : memref<32x128xf32, #tpu.memory_space<vmem>>)
      %gather3A_1238 = tpu.vector_load_idx %arg11[%broadcast_in_dim3A_1219, %iota3A, %broadcast_in_dim3A_1217] : memref<16x32x128xf32, #tpu.memory_space<vmem>>[vector<16xi32>, vector<16xi32>, vector<16xi32>], vector<16xf32>,
      %add3A_1239 = arith.constant 16 : i32
      %add3A_1240 = vector.broadcast %add3A_1239 : i32 to vector<16xi32>
      %add3A_1241 = arith.addi %iota3A, %add3A_1240 : vector<16xi32>
      %gather3A_1242 = tpu.vector_load_idx %arg11[%broadcast_in_dim3A_1219, %add3A_1241, %broadcast_in_dim3A_1217] : memref<16x32x128xf32, #tpu.memory_space<vmem>>[vector<16xi32>, vector<16xi32>, vector<16xi32>], vector<16xf32>,
      %mul3A_1243 = arith.constant 32 : i32
      %mul3A_1244 = arith.muli %add3A_1214, %mul3A_1243 : i32
      %get3A_1245 = arith.index_cast %mul3A_1244 : i32 to index
      %get3A_1246 = tpu.vector_load %arg10[%get3A_1245] {strides = array<i32>} : memref<16384xf32, #tpu.memory_space<vmem>>, vector<16xf32>,
      %mul3A_1247 = arith.constant 32 : i32
      %mul3A_1248 = arith.muli %add3A_1214, %mul3A_1247 : i32
      %add3A_1249 = arith.constant 16 : i32
      %add3A_1250 = arith.addi %mul3A_1248, %add3A_1249 : i32
      %get3A_1251 = arith.index_cast %add3A_1250 : i32 to index
      %get3A_1252 = tpu.vector_load %arg10[%get3A_1251] {strides = array<i32>} : memref<16384xf32, #tpu.memory_space<vmem>>, vector<16xf32>,
      %mul3A_1253 = arith.mulf %gather3A_1238, %get3A_7 : vector<16xf32>
      %mul3A_1254 = arith.mulf %mul3A_1253, %get3A_1246 : vector<16xf32>
      %mul3A_1255 = arith.mulf %gather3A_1242, %get3A_9 : vector<16xf32>
      %mul3A_1256 = arith.mulf %mul3A_1255, %get3A_1252 : vector<16xf32>
      %add3A_1257 = arith.addf %mul3A_1254, %mul3A_1256 : vector<16xf32>
      %broadcast_in_dim3A_1258 = arith.constant true
      %broadcast_in_dim3A_1259 = vector.broadcast %broadcast_in_dim3A_1258 : i1 to vector<16xi1>
      %masked_cumsum3A_1260 = tpu.scan <sum>, %add3A_1257 masked %broadcast_in_dim3A_1259 : vector<16xf32>, vector<16xi1> -> vector<16xf32>
      %mul3A_1261 = arith.constant 32 : i32
      %mul3A_1262 = arith.muli %add3A_1214, %mul3A_1261 : i32
      %swap3A_1263 = arith.index_cast %mul3A_1262 : i32 to index
      %swap3A_1264 = tpu.vector_load %arg10[%swap3A_1263] {strides = array<i32>} : memref<16384xf32, #tpu.memory_space<vmem>>, vector<16xf32>,
      tpu.vector_store %arg10[%swap3A_1263], %masked_cumsum3A_1260 {strides = array<i32>} : memref<16384xf32, #tpu.memory_space<vmem>>, vector<16xf32>,
      %add3A_1265 = arith.constant 1 : i32
      %add3A_1266 = arith.addi %scan3A_359, %add3A_1265 : i32
      %lt3A_1267 = arith.constant 32 : i32
      %lt3A_1268 = arith.cmpi slt, %add3A_1266, %lt3A_1267 : i32
      %convert_element_type3A_1269 = arith.extui %lt3A_1268 : i1 to i32
      %cond3A_1270 = arith.constant 0 : i32
      %cond3A_1271 = arith.cmpi ne, %convert_element_type3A_1269, %cond3A_1270 : i32
      scf.if %cond3A_1271 {
        %add3A_1399 = arith.constant 1 : i32
        %add3A_1400 = arith.addi %scan3A_359, %add3A_1399 : i32
        %min3A = arith.constant 31 : i32
        %min3A_1401 = arith.minsi %add3A_1400, %min3A : i32
        %jit3A_1402 = arith.constant 8 : i32
        %div3A_1403 = arith.divsi %min3A_1401, %jit3A_1402 : i32
        %sign3A_1404 = arith.constant 0 : i32
        %sign3A_1405 = arith.cmpi sgt, %min3A_1401, %sign3A_1404 : i32
        %sign3A_1406 = arith.extui %sign3A_1405 : i1 to i32
        %sign3A_1407 = arith.constant 0 : i32
        %sign3A_1408 = arith.cmpi slt, %min3A_1401, %sign3A_1407 : i32
        %sign3A_1409 = arith.extui %sign3A_1408 : i1 to i32
        %sign3A_1410 = arith.subi %sign3A_1406, %sign3A_1409 : i32
        %sign3A_1411 = arith.constant 0 : i32
        %sign3A_1412 = arith.cmpi sgt, %jit3A_1402, %sign3A_1411 : i32
        %sign3A_1413 = arith.extui %sign3A_1412 : i1 to i32
        %sign3A_1414 = arith.constant 0 : i32
        %sign3A_1415 = arith.cmpi slt, %jit3A_1402, %sign3A_1414 : i32
        %sign3A_1416 = arith.extui %sign3A_1415 : i1 to i32
        %sign3A_1417 = arith.subi %sign3A_1413, %sign3A_1416 : i32
        %ne3A_1418 = arith.cmpi ne, %sign3A_1410, %sign3A_1417 : i32
        %rem3A_1419 = arith.remsi %min3A_1401, %jit3A_1402 : i32
        %ne3A_1420 = arith.constant 0 : i32
        %ne3A_1421 = arith.cmpi ne, %rem3A_1419, %ne3A_1420 : i32
        %and3A_1422 = arith.andi %ne3A_1418, %ne3A_1421 : i1
        %sub3A_1423 = arith.constant 1 : i32
        %sub3A_1424 = arith.subi %div3A_1403, %sub3A_1423 : i32
        %select_n3A_1425 = arith.select %and3A_1422, %sub3A_1424, %div3A_1403 : i32
        %jit3A_1426 = arith.constant 8 : i32
        %eq3A_1427 = arith.constant 0 : i32
        %eq3A_1428 = arith.cmpi eq, %jit3A_1426, %eq3A_1427 : i32
        %jit3A_1429 = arith.constant 1 : i32
        %select_n3A_1430 = arith.select %eq3A_1428, %jit3A_1429, %jit3A_1426 : i32
        %rem3A_1431 = arith.remsi %min3A_1401, %select_n3A_1430 : i32
        %ne3A_1432 = arith.constant 0 : i32
        %ne3A_1433 = arith.cmpi ne, %rem3A_1431, %ne3A_1432 : i32
        %lt3A_1434 = arith.constant 0 : i32
        %lt3A_1435 = arith.cmpi slt, %rem3A_1431, %lt3A_1434 : i32
        %lt3A_1436 = arith.constant 0 : i32
        %lt3A_1437 = arith.cmpi slt, %select_n3A_1430, %lt3A_1436 : i32
        %ne3A_1438 = arith.xori %lt3A_1435, %lt3A_1437 : i1
        %and3A_1439 = arith.andi %ne3A_1438, %ne3A_1433 : i1
        %add3A_1440 = arith.addi %rem3A_1431, %select_n3A_1430 : i32
        %select_n3A_1441 = arith.select %and3A_1439, %add3A_1440, %rem3A_1431 : i32
        %mul3A_1442 = arith.constant 16 : i32
        %mul3A_1443 = arith.muli %select_n3A_1441, %mul3A_1442 : i32
        %get3A_1444 = arith.index_cast %select_n3A_1425 : i32 to index
        %get3A_1445 = arith.index_cast %mul3A_1443 : i32 to index
        %get3A_1446 = tpu.vector_load %arg8[%get3A_1444, %get3A_1445] {strides = array<i32>} : memref<4x128xi32, #tpu.memory_space<vmem>>, vector<16xi32>,
        %slice3A_1447 = vector.extract_strided_slice %get3A_1446 {offsets = [13], sizes = [1], strides = [1]} : vector<16xi32> to vector<1xi32>
        %squeeze3A_1448 = vector.extract %slice3A_1447[0] : i32 from vector<1xi32>
        %shift_right_arithmetic3A_1449 = arith.constant 7 : i32
        %shift_right_arithmetic3A_1450 = arith.shrsi %squeeze3A_1448, %shift_right_arithmetic3A_1449 : i32
        %mul3A_1451 = arith.constant 128 : i32
        %mul3A_1452 = arith.muli %shift_right_arithmetic3A_1450, %mul3A_1451 : i32
        %multiple_of3A_1453 = tpu.assume_multiple %mul3A_1452, 128 : i32
        %dma_start3A_1454 = arith.constant 13 : i32
        %dma_start3A_1455 = arith.constant 0 : i32
        %dma_start3A_1456 = arith.constant 0 : i32
        %dma_start3A_1457 = tpu.memref_slice %arg11[%dma_start3A_1454, %dma_start3A_1455, %dma_start3A_1456] : memref<16x32x128xf32, #tpu.memory_space<vmem>> -> memref<1x32x128xf32, #tpu.memory_space<vmem>>
        %dma_start3A_1458 = tpu.memref_squeeze %dma_start3A_1457 : memref<1x32x128xf32, #tpu.memory_space<vmem>> -> memref<32x128xf32, #tpu.memory_space<vmem>>
        %dma_start3A_1459 = arith.constant 0 : i32
        %dma_start3A_1460 = tpu.memref_slice %arg4[%dma_start3A_1459, %multiple_of3A_1453] : memref<32x1000000xf32, #tpu.memory_space<hbm>> -> memref<32x128xf32, #tpu.memory_space<hbm>>
        %dma_start3A_1461 = arith.constant 0 : i32
        %dma_start3A_1462 = arith.constant 0 : i32
        %dma_start3A_1463 = tpu.memref_slice %arg11[%dma_start3A_1454, %dma_start3A_1461, %dma_start3A_1462] : memref<16x32x128xf32, #tpu.memory_space<vmem>> -> memref<1x32x128xf32, #tpu.memory_space<vmem>>
        %dma_start3A_1464 = tpu.memref_squeeze %dma_start3A_1463 : memref<1x32x128xf32, #tpu.memory_space<vmem>> -> memref<32x128xf32, #tpu.memory_space<vmem>>
        %dma_start3A_1465 = arith.constant 0 : i32
        %dma_start3A_1466 = tpu.memref_slice %arg4[%dma_start3A_1465, %multiple_of3A_1453] : memref<32x1000000xf32, #tpu.memory_space<hbm>> -> memref<32x128xf32, #tpu.memory_space<hbm>>
        tpu.enqueue_dma source(%dma_start3A_1466 : memref<32x128xf32, #tpu.memory_space<hbm>>) target(%dma_start3A_1464 : memref<32x128xf32, #tpu.memory_space<vmem>>) target_semaphore(%arg28 : memref<!tpu.dma_semaphore, #tpu.memory_space<semaphore_mem>>)
      } else {
      }
      %slice3A_1272 = vector.extract_strided_slice %get3A_395 {offsets = [14], sizes = [1], strides = [1]} : vector<16xi32> to vector<1xi32>
      %squeeze3A_1273 = vector.extract %slice3A_1272[0] : i32 from vector<1xi32>
      %mul3A_1274 = arith.constant 16 : i32
      %mul3A_1275 = arith.muli %scan3A_359, %mul3A_1274 : i32
      %add3A_1276 = arith.constant 14 : i32
      %add3A_1277 = arith.addi %mul3A_1275, %add3A_1276 : i32
      %and3A_1278 = arith.constant 127 : i32
      %and3A_1279 = arith.andi %squeeze3A_1273, %and3A_1278 : i32
      %broadcast_in_dim3A_1280 = vector.broadcast %and3A_1279 : i32 to vector<16xi32>
      %broadcast_in_dim3A_1281 = arith.constant 14 : i32
      %broadcast_in_dim3A_1282 = vector.broadcast %broadcast_in_dim3A_1281 : i32 to vector<16xi32>
      %shift_right_arithmetic3A_1283 = arith.constant 7 : i32
      %shift_right_arithmetic3A_1284 = arith.shrsi %squeeze3A_1273, %shift_right_arithmetic3A_1283 : i32
      %mul3A_1285 = arith.constant 128 : i32
      %mul3A_1286 = arith.muli %shift_right_arithmetic3A_1284, %mul3A_1285 : i32
      %multiple_of3A_1287 = tpu.assume_multiple %mul3A_1286, 128 : i32
      %dma_wait3A_1288 = arith.constant 14 : i32
      %dma_wait3A_1289 = arith.constant 0 : i32
      %dma_wait3A_1290 = arith.constant 0 : i32
      %dma_wait3A_1291 = tpu.memref_slice %arg11[%dma_wait3A_1288, %dma_wait3A_1289, %dma_wait3A_1290] : memref<16x32x128xf32, #tpu.memory_space<vmem>> -> memref<1x32x128xf32, #tpu.memory_space<vmem>>
      %dma_wait3A_1292 = tpu.memref_squeeze %dma_wait3A_1291 : memref<1x32x128xf32, #tpu.memory_space<vmem>> -> memref<32x128xf32, #tpu.memory_space<vmem>>
      %dma_wait3A_1293 = arith.constant 0 : i32
      %dma_wait3A_1294 = tpu.memref_slice %arg4[%dma_wait3A_1293, %multiple_of3A_1287] : memref<32x1000000xf32, #tpu.memory_space<hbm>> -> memref<32x128xf32, #tpu.memory_space<hbm>>
      %dma_wait3A_1295 = arith.constant 0 : i32
      %dma_wait3A_1296 = arith.constant 0 : i32
      %dma_wait3A_1297 = tpu.memref_slice %arg11[%dma_wait3A_1288, %dma_wait3A_1295, %dma_wait3A_1296] : memref<16x32x128xf32, #tpu.memory_space<vmem>> -> memref<1x32x128xf32, #tpu.memory_space<vmem>>
      %dma_wait3A_1298 = tpu.memref_squeeze %dma_wait3A_1297 : memref<1x32x128xf32, #tpu.memory_space<vmem>> -> memref<32x128xf32, #tpu.memory_space<vmem>>
      %dma_wait3A_1299 = arith.constant 0 : i32
      %dma_wait3A_1300 = tpu.memref_slice %arg4[%dma_wait3A_1299, %multiple_of3A_1287] : memref<32x1000000xf32, #tpu.memory_space<hbm>> -> memref<32x128xf32, #tpu.memory_space<hbm>>
      tpu.wait_dma2 semaphore(%arg29 : memref<!tpu.dma_semaphore, #tpu.memory_space<semaphore_mem>>) src(%dma_wait3A_1300 : memref<32x128xf32, #tpu.memory_space<hbm>>) dst(%dma_wait3A_1298 : memref<32x128xf32, #tpu.memory_space<vmem>>)
      %gather3A_1301 = tpu.vector_load_idx %arg11[%broadcast_in_dim3A_1282, %iota3A, %broadcast_in_dim3A_1280] : memref<16x32x128xf32, #tpu.memory_space<vmem>>[vector<16xi32>, vector<16xi32>, vector<16xi32>], vector<16xf32>,
      %add3A_1302 = arith.constant 16 : i32
      %add3A_1303 = vector.broadcast %add3A_1302 : i32 to vector<16xi32>
      %add3A_1304 = arith.addi %iota3A, %add3A_1303 : vector<16xi32>
      %gather3A_1305 = tpu.vector_load_idx %arg11[%broadcast_in_dim3A_1282, %add3A_1304, %broadcast_in_dim3A_1280] : memref<16x32x128xf32, #tpu.memory_space<vmem>>[vector<16xi32>, vector<16xi32>, vector<16xi32>], vector<16xf32>,
      %mul3A_1306 = arith.constant 32 : i32
      %mul3A_1307 = arith.muli %add3A_1277, %mul3A_1306 : i32
      %get3A_1308 = arith.index_cast %mul3A_1307 : i32 to index
      %get3A_1309 = tpu.vector_load %arg10[%get3A_1308] {strides = array<i32>} : memref<16384xf32, #tpu.memory_space<vmem>>, vector<16xf32>,
      %mul3A_1310 = arith.constant 32 : i32
      %mul3A_1311 = arith.muli %add3A_1277, %mul3A_1310 : i32
      %add3A_1312 = arith.constant 16 : i32
      %add3A_1313 = arith.addi %mul3A_1311, %add3A_1312 : i32
      %get3A_1314 = arith.index_cast %add3A_1313 : i32 to index
      %get3A_1315 = tpu.vector_load %arg10[%get3A_1314] {strides = array<i32>} : memref<16384xf32, #tpu.memory_space<vmem>>, vector<16xf32>,
      %mul3A_1316 = arith.mulf %gather3A_1301, %get3A_7 : vector<16xf32>
      %mul3A_1317 = arith.mulf %mul3A_1316, %get3A_1309 : vector<16xf32>
      %mul3A_1318 = arith.mulf %gather3A_1305, %get3A_9 : vector<16xf32>
      %mul3A_1319 = arith.mulf %mul3A_1318, %get3A_1315 : vector<16xf32>
      %add3A_1320 = arith.addf %mul3A_1317, %mul3A_1319 : vector<16xf32>
      %broadcast_in_dim3A_1321 = arith.constant true
      %broadcast_in_dim3A_1322 = vector.broadcast %broadcast_in_dim3A_1321 : i1 to vector<16xi1>
      %masked_cumsum3A_1323 = tpu.scan <sum>, %add3A_1320 masked %broadcast_in_dim3A_1322 : vector<16xf32>, vector<16xi1> -> vector<16xf32>
      %mul3A_1324 = arith.constant 32 : i32
      %mul3A_1325 = arith.muli %add3A_1277, %mul3A_1324 : i32
      %swap3A_1326 = arith.index_cast %mul3A_1325 : i32 to index
      %swap3A_1327 = tpu.vector_load %arg10[%swap3A_1326] {strides = array<i32>} : memref<16384xf32, #tpu.memory_space<vmem>>, vector<16xf32>,
      tpu.vector_store %arg10[%swap3A_1326], %masked_cumsum3A_1323 {strides = array<i32>} : memref<16384xf32, #tpu.memory_space<vmem>>, vector<16xf32>,
      %add3A_1328 = arith.constant 1 : i32
      %add3A_1329 = arith.addi %scan3A_359, %add3A_1328 : i32
      %lt3A_1330 = arith.constant 32 : i32
      %lt3A_1331 = arith.cmpi slt, %add3A_1329, %lt3A_1330 : i32
      %convert_element_type3A_1332 = arith.extui %lt3A_1331 : i1 to i32
      %cond3A_1333 = arith.constant 0 : i32
      %cond3A_1334 = arith.cmpi ne, %convert_element_type3A_1332, %cond3A_1333 : i32
      scf.if %cond3A_1334 {
        %add3A_1399 = arith.constant 1 : i32
        %add3A_1400 = arith.addi %scan3A_359, %add3A_1399 : i32
        %min3A = arith.constant 31 : i32
        %min3A_1401 = arith.minsi %add3A_1400, %min3A : i32
        %jit3A_1402 = arith.constant 8 : i32
        %div3A_1403 = arith.divsi %min3A_1401, %jit3A_1402 : i32
        %sign3A_1404 = arith.constant 0 : i32
        %sign3A_1405 = arith.cmpi sgt, %min3A_1401, %sign3A_1404 : i32
        %sign3A_1406 = arith.extui %sign3A_1405 : i1 to i32
        %sign3A_1407 = arith.constant 0 : i32
        %sign3A_1408 = arith.cmpi slt, %min3A_1401, %sign3A_1407 : i32
        %sign3A_1409 = arith.extui %sign3A_1408 : i1 to i32
        %sign3A_1410 = arith.subi %sign3A_1406, %sign3A_1409 : i32
        %sign3A_1411 = arith.constant 0 : i32
        %sign3A_1412 = arith.cmpi sgt, %jit3A_1402, %sign3A_1411 : i32
        %sign3A_1413 = arith.extui %sign3A_1412 : i1 to i32
        %sign3A_1414 = arith.constant 0 : i32
        %sign3A_1415 = arith.cmpi slt, %jit3A_1402, %sign3A_1414 : i32
        %sign3A_1416 = arith.extui %sign3A_1415 : i1 to i32
        %sign3A_1417 = arith.subi %sign3A_1413, %sign3A_1416 : i32
        %ne3A_1418 = arith.cmpi ne, %sign3A_1410, %sign3A_1417 : i32
        %rem3A_1419 = arith.remsi %min3A_1401, %jit3A_1402 : i32
        %ne3A_1420 = arith.constant 0 : i32
        %ne3A_1421 = arith.cmpi ne, %rem3A_1419, %ne3A_1420 : i32
        %and3A_1422 = arith.andi %ne3A_1418, %ne3A_1421 : i1
        %sub3A_1423 = arith.constant 1 : i32
        %sub3A_1424 = arith.subi %div3A_1403, %sub3A_1423 : i32
        %select_n3A_1425 = arith.select %and3A_1422, %sub3A_1424, %div3A_1403 : i32
        %jit3A_1426 = arith.constant 8 : i32
        %eq3A_1427 = arith.constant 0 : i32
        %eq3A_1428 = arith.cmpi eq, %jit3A_1426, %eq3A_1427 : i32
        %jit3A_1429 = arith.constant 1 : i32
        %select_n3A_1430 = arith.select %eq3A_1428, %jit3A_1429, %jit3A_1426 : i32
        %rem3A_1431 = arith.remsi %min3A_1401, %select_n3A_1430 : i32
        %ne3A_1432 = arith.constant 0 : i32
        %ne3A_1433 = arith.cmpi ne, %rem3A_1431, %ne3A_1432 : i32
        %lt3A_1434 = arith.constant 0 : i32
        %lt3A_1435 = arith.cmpi slt, %rem3A_1431, %lt3A_1434 : i32
        %lt3A_1436 = arith.constant 0 : i32
        %lt3A_1437 = arith.cmpi slt, %select_n3A_1430, %lt3A_1436 : i32
        %ne3A_1438 = arith.xori %lt3A_1435, %lt3A_1437 : i1
        %and3A_1439 = arith.andi %ne3A_1438, %ne3A_1433 : i1
        %add3A_1440 = arith.addi %rem3A_1431, %select_n3A_1430 : i32
        %select_n3A_1441 = arith.select %and3A_1439, %add3A_1440, %rem3A_1431 : i32
        %mul3A_1442 = arith.constant 16 : i32
        %mul3A_1443 = arith.muli %select_n3A_1441, %mul3A_1442 : i32
        %get3A_1444 = arith.index_cast %select_n3A_1425 : i32 to index
        %get3A_1445 = arith.index_cast %mul3A_1443 : i32 to index
        %get3A_1446 = tpu.vector_load %arg8[%get3A_1444, %get3A_1445] {strides = array<i32>} : memref<4x128xi32, #tpu.memory_space<vmem>>, vector<16xi32>,
        %slice3A_1447 = vector.extract_strided_slice %get3A_1446 {offsets = [14], sizes = [1], strides = [1]} : vector<16xi32> to vector<1xi32>
        %squeeze3A_1448 = vector.extract %slice3A_1447[0] : i32 from vector<1xi32>
        %shift_right_arithmetic3A_1449 = arith.constant 7 : i32
        %shift_right_arithmetic3A_1450 = arith.shrsi %squeeze3A_1448, %shift_right_arithmetic3A_1449 : i32
        %mul3A_1451 = arith.constant 128 : i32
        %mul3A_1452 = arith.muli %shift_right_arithmetic3A_1450, %mul3A_1451 : i32
        %multiple_of3A_1453 = tpu.assume_multiple %mul3A_1452, 128 : i32
        %dma_start3A_1454 = arith.constant 14 : i32
        %dma_start3A_1455 = arith.constant 0 : i32
        %dma_start3A_1456 = arith.constant 0 : i32
        %dma_start3A_1457 = tpu.memref_slice %arg11[%dma_start3A_1454, %dma_start3A_1455, %dma_start3A_1456] : memref<16x32x128xf32, #tpu.memory_space<vmem>> -> memref<1x32x128xf32, #tpu.memory_space<vmem>>
        %dma_start3A_1458 = tpu.memref_squeeze %dma_start3A_1457 : memref<1x32x128xf32, #tpu.memory_space<vmem>> -> memref<32x128xf32, #tpu.memory_space<vmem>>
        %dma_start3A_1459 = arith.constant 0 : i32
        %dma_start3A_1460 = tpu.memref_slice %arg4[%dma_start3A_1459, %multiple_of3A_1453] : memref<32x1000000xf32, #tpu.memory_space<hbm>> -> memref<32x128xf32, #tpu.memory_space<hbm>>
        %dma_start3A_1461 = arith.constant 0 : i32
        %dma_start3A_1462 = arith.constant 0 : i32
        %dma_start3A_1463 = tpu.memref_slice %arg11[%dma_start3A_1454, %dma_start3A_1461, %dma_start3A_1462] : memref<16x32x128xf32, #tpu.memory_space<vmem>> -> memref<1x32x128xf32, #tpu.memory_space<vmem>>
        %dma_start3A_1464 = tpu.memref_squeeze %dma_start3A_1463 : memref<1x32x128xf32, #tpu.memory_space<vmem>> -> memref<32x128xf32, #tpu.memory_space<vmem>>
        %dma_start3A_1465 = arith.constant 0 : i32
        %dma_start3A_1466 = tpu.memref_slice %arg4[%dma_start3A_1465, %multiple_of3A_1453] : memref<32x1000000xf32, #tpu.memory_space<hbm>> -> memref<32x128xf32, #tpu.memory_space<hbm>>
        tpu.enqueue_dma source(%dma_start3A_1466 : memref<32x128xf32, #tpu.memory_space<hbm>>) target(%dma_start3A_1464 : memref<32x128xf32, #tpu.memory_space<vmem>>) target_semaphore(%arg29 : memref<!tpu.dma_semaphore, #tpu.memory_space<semaphore_mem>>)
      } else {
      }
      %slice3A_1335 = vector.extract_strided_slice %get3A_395 {offsets = [15], sizes = [1], strides = [1]} : vector<16xi32> to vector<1xi32>
      %squeeze3A_1336 = vector.extract %slice3A_1335[0] : i32 from vector<1xi32>
      %mul3A_1337 = arith.constant 16 : i32
      %mul3A_1338 = arith.muli %scan3A_359, %mul3A_1337 : i32
      %add3A_1339 = arith.constant 15 : i32
      %add3A_1340 = arith.addi %mul3A_1338, %add3A_1339 : i32
      %and3A_1341 = arith.constant 127 : i32
      %and3A_1342 = arith.andi %squeeze3A_1336, %and3A_1341 : i32
      %broadcast_in_dim3A_1343 = vector.broadcast %and3A_1342 : i32 to vector<16xi32>
      %broadcast_in_dim3A_1344 = arith.constant 15 : i32
      %broadcast_in_dim3A_1345 = vector.broadcast %broadcast_in_dim3A_1344 : i32 to vector<16xi32>
      %shift_right_arithmetic3A_1346 = arith.constant 7 : i32
      %shift_right_arithmetic3A_1347 = arith.shrsi %squeeze3A_1336, %shift_right_arithmetic3A_1346 : i32
      %mul3A_1348 = arith.constant 128 : i32
      %mul3A_1349 = arith.muli %shift_right_arithmetic3A_1347, %mul3A_1348 : i32
      %multiple_of3A_1350 = tpu.assume_multiple %mul3A_1349, 128 : i32
      %dma_wait3A_1351 = arith.constant 15 : i32
      %dma_wait3A_1352 = arith.constant 0 : i32
      %dma_wait3A_1353 = arith.constant 0 : i32
      %dma_wait3A_1354 = tpu.memref_slice %arg11[%dma_wait3A_1351, %dma_wait3A_1352, %dma_wait3A_1353] : memref<16x32x128xf32, #tpu.memory_space<vmem>> -> memref<1x32x128xf32, #tpu.memory_space<vmem>>
      %dma_wait3A_1355 = tpu.memref_squeeze %dma_wait3A_1354 : memref<1x32x128xf32, #tpu.memory_space<vmem>> -> memref<32x128xf32, #tpu.memory_space<vmem>>
      %dma_wait3A_1356 = arith.constant 0 : i32
      %dma_wait3A_1357 = tpu.memref_slice %arg4[%dma_wait3A_1356, %multiple_of3A_1350] : memref<32x1000000xf32, #tpu.memory_space<hbm>> -> memref<32x128xf32, #tpu.memory_space<hbm>>
      %dma_wait3A_1358 = arith.constant 0 : i32
      %dma_wait3A_1359 = arith.constant 0 : i32
      %dma_wait3A_1360 = tpu.memref_slice %arg11[%dma_wait3A_1351, %dma_wait3A_1358, %dma_wait3A_1359] : memref<16x32x128xf32, #tpu.memory_space<vmem>> -> memref<1x32x128xf32, #tpu.memory_space<vmem>>
      %dma_wait3A_1361 = tpu.memref_squeeze %dma_wait3A_1360 : memref<1x32x128xf32, #tpu.memory_space<vmem>> -> memref<32x128xf32, #tpu.memory_space<vmem>>
      %dma_wait3A_1362 = arith.constant 0 : i32
      %dma_wait3A_1363 = tpu.memref_slice %arg4[%dma_wait3A_1362, %multiple_of3A_1350] : memref<32x1000000xf32, #tpu.memory_space<hbm>> -> memref<32x128xf32, #tpu.memory_space<hbm>>
      tpu.wait_dma2 semaphore(%arg30 : memref<!tpu.dma_semaphore, #tpu.memory_space<semaphore_mem>>) src(%dma_wait3A_1363 : memref<32x128xf32, #tpu.memory_space<hbm>>) dst(%dma_wait3A_1361 : memref<32x128xf32, #tpu.memory_space<vmem>>)
      %gather3A_1364 = tpu.vector_load_idx %arg11[%broadcast_in_dim3A_1345, %iota3A, %broadcast_in_dim3A_1343] : memref<16x32x128xf32, #tpu.memory_space<vmem>>[vector<16xi32>, vector<16xi32>, vector<16xi32>], vector<16xf32>,
      %add3A_1365 = arith.constant 16 : i32
      %add3A_1366 = vector.broadcast %add3A_1365 : i32 to vector<16xi32>
      %add3A_1367 = arith.addi %iota3A, %add3A_1366 : vector<16xi32>
      %gather3A_1368 = tpu.vector_load_idx %arg11[%broadcast_in_dim3A_1345, %add3A_1367, %broadcast_in_dim3A_1343] : memref<16x32x128xf32, #tpu.memory_space<vmem>>[vector<16xi32>, vector<16xi32>, vector<16xi32>], vector<16xf32>,
      %mul3A_1369 = arith.constant 32 : i32
      %mul3A_1370 = arith.muli %add3A_1340, %mul3A_1369 : i32
      %get3A_1371 = arith.index_cast %mul3A_1370 : i32 to index
      %get3A_1372 = tpu.vector_load %arg10[%get3A_1371] {strides = array<i32>} : memref<16384xf32, #tpu.memory_space<vmem>>, vector<16xf32>,
      %mul3A_1373 = arith.constant 32 : i32
      %mul3A_1374 = arith.muli %add3A_1340, %mul3A_1373 : i32
      %add3A_1375 = arith.constant 16 : i32
      %add3A_1376 = arith.addi %mul3A_1374, %add3A_1375 : i32
      %get3A_1377 = arith.index_cast %add3A_1376 : i32 to index
      %get3A_1378 = tpu.vector_load %arg10[%get3A_1377] {strides = array<i32>} : memref<16384xf32, #tpu.memory_space<vmem>>, vector<16xf32>,
      %mul3A_1379 = arith.mulf %gather3A_1364, %get3A_7 : vector<16xf32>
      %mul3A_1380 = arith.mulf %mul3A_1379, %get3A_1372 : vector<16xf32>
      %mul3A_1381 = arith.mulf %gather3A_1368, %get3A_9 : vector<16xf32>
      %mul3A_1382 = arith.mulf %mul3A_1381, %get3A_1378 : vector<16xf32>
      %add3A_1383 = arith.addf %mul3A_1380, %mul3A_1382 : vector<16xf32>
      %broadcast_in_dim3A_1384 = arith.constant true
      %broadcast_in_dim3A_1385 = vector.broadcast %broadcast_in_dim3A_1384 : i1 to vector<16xi1>
      %masked_cumsum3A_1386 = tpu.scan <sum>, %add3A_1383 masked %broadcast_in_dim3A_1385 : vector<16xf32>, vector<16xi1> -> vector<16xf32>
      %mul3A_1387 = arith.constant 32 : i32
      %mul3A_1388 = arith.muli %add3A_1340, %mul3A_1387 : i32
      %swap3A_1389 = arith.index_cast %mul3A_1388 : i32 to index
      %swap3A_1390 = tpu.vector_load %arg10[%swap3A_1389] {strides = array<i32>} : memref<16384xf32, #tpu.memory_space<vmem>>, vector<16xf32>,
      tpu.vector_store %arg10[%swap3A_1389], %masked_cumsum3A_1386 {strides = array<i32>} : memref<16384xf32, #tpu.memory_space<vmem>>, vector<16xf32>,
      %add3A_1391 = arith.constant 1 : i32
      %add3A_1392 = arith.addi %scan3A_359, %add3A_1391 : i32
      %lt3A_1393 = arith.constant 32 : i32
      %lt3A_1394 = arith.cmpi slt, %add3A_1392, %lt3A_1393 : i32
      %convert_element_type3A_1395 = arith.extui %lt3A_1394 : i1 to i32
      %cond3A_1396 = arith.constant 0 : i32
      %cond3A_1397 = arith.cmpi ne, %convert_element_type3A_1395, %cond3A_1396 : i32
      scf.if %cond3A_1397 {
        %add3A_1399 = arith.constant 1 : i32
        %add3A_1400 = arith.addi %scan3A_359, %add3A_1399 : i32
        %min3A = arith.constant 31 : i32
        %min3A_1401 = arith.minsi %add3A_1400, %min3A : i32
        %jit3A_1402 = arith.constant 8 : i32
        %div3A_1403 = arith.divsi %min3A_1401, %jit3A_1402 : i32
        %sign3A_1404 = arith.constant 0 : i32
        %sign3A_1405 = arith.cmpi sgt, %min3A_1401, %sign3A_1404 : i32
        %sign3A_1406 = arith.extui %sign3A_1405 : i1 to i32
        %sign3A_1407 = arith.constant 0 : i32
        %sign3A_1408 = arith.cmpi slt, %min3A_1401, %sign3A_1407 : i32
        %sign3A_1409 = arith.extui %sign3A_1408 : i1 to i32
        %sign3A_1410 = arith.subi %sign3A_1406, %sign3A_1409 : i32
        %sign3A_1411 = arith.constant 0 : i32
        %sign3A_1412 = arith.cmpi sgt, %jit3A_1402, %sign3A_1411 : i32
        %sign3A_1413 = arith.extui %sign3A_1412 : i1 to i32
        %sign3A_1414 = arith.constant 0 : i32
        %sign3A_1415 = arith.cmpi slt, %jit3A_1402, %sign3A_1414 : i32
        %sign3A_1416 = arith.extui %sign3A_1415 : i1 to i32
        %sign3A_1417 = arith.subi %sign3A_1413, %sign3A_1416 : i32
        %ne3A_1418 = arith.cmpi ne, %sign3A_1410, %sign3A_1417 : i32
        %rem3A_1419 = arith.remsi %min3A_1401, %jit3A_1402 : i32
        %ne3A_1420 = arith.constant 0 : i32
        %ne3A_1421 = arith.cmpi ne, %rem3A_1419, %ne3A_1420 : i32
        %and3A_1422 = arith.andi %ne3A_1418, %ne3A_1421 : i1
        %sub3A_1423 = arith.constant 1 : i32
        %sub3A_1424 = arith.subi %div3A_1403, %sub3A_1423 : i32
        %select_n3A_1425 = arith.select %and3A_1422, %sub3A_1424, %div3A_1403 : i32
        %jit3A_1426 = arith.constant 8 : i32
        %eq3A_1427 = arith.constant 0 : i32
        %eq3A_1428 = arith.cmpi eq, %jit3A_1426, %eq3A_1427 : i32
        %jit3A_1429 = arith.constant 1 : i32
        %select_n3A_1430 = arith.select %eq3A_1428, %jit3A_1429, %jit3A_1426 : i32
        %rem3A_1431 = arith.remsi %min3A_1401, %select_n3A_1430 : i32
        %ne3A_1432 = arith.constant 0 : i32
        %ne3A_1433 = arith.cmpi ne, %rem3A_1431, %ne3A_1432 : i32
        %lt3A_1434 = arith.constant 0 : i32
        %lt3A_1435 = arith.cmpi slt, %rem3A_1431, %lt3A_1434 : i32
        %lt3A_1436 = arith.constant 0 : i32
        %lt3A_1437 = arith.cmpi slt, %select_n3A_1430, %lt3A_1436 : i32
        %ne3A_1438 = arith.xori %lt3A_1435, %lt3A_1437 : i1
        %and3A_1439 = arith.andi %ne3A_1438, %ne3A_1433 : i1
        %add3A_1440 = arith.addi %rem3A_1431, %select_n3A_1430 : i32
        %select_n3A_1441 = arith.select %and3A_1439, %add3A_1440, %rem3A_1431 : i32
        %mul3A_1442 = arith.constant 16 : i32
        %mul3A_1443 = arith.muli %select_n3A_1441, %mul3A_1442 : i32
        %get3A_1444 = arith.index_cast %select_n3A_1425 : i32 to index
        %get3A_1445 = arith.index_cast %mul3A_1443 : i32 to index
        %get3A_1446 = tpu.vector_load %arg8[%get3A_1444, %get3A_1445] {strides = array<i32>} : memref<4x128xi32, #tpu.memory_space<vmem>>, vector<16xi32>,
        %slice3A_1447 = vector.extract_strided_slice %get3A_1446 {offsets = [15], sizes = [1], strides = [1]} : vector<16xi32> to vector<1xi32>
        %squeeze3A_1448 = vector.extract %slice3A_1447[0] : i32 from vector<1xi32>
        %shift_right_arithmetic3A_1449 = arith.constant 7 : i32
        %shift_right_arithmetic3A_1450 = arith.shrsi %squeeze3A_1448, %shift_right_arithmetic3A_1449 : i32
        %mul3A_1451 = arith.constant 128 : i32
        %mul3A_1452 = arith.muli %shift_right_arithmetic3A_1450, %mul3A_1451 : i32
        %multiple_of3A_1453 = tpu.assume_multiple %mul3A_1452, 128 : i32
        %dma_start3A_1454 = arith.constant 15 : i32
        %dma_start3A_1455 = arith.constant 0 : i32
        %dma_start3A_1456 = arith.constant 0 : i32
        %dma_start3A_1457 = tpu.memref_slice %arg11[%dma_start3A_1454, %dma_start3A_1455, %dma_start3A_1456] : memref<16x32x128xf32, #tpu.memory_space<vmem>> -> memref<1x32x128xf32, #tpu.memory_space<vmem>>
        %dma_start3A_1458 = tpu.memref_squeeze %dma_start3A_1457 : memref<1x32x128xf32, #tpu.memory_space<vmem>> -> memref<32x128xf32, #tpu.memory_space<vmem>>
        %dma_start3A_1459 = arith.constant 0 : i32
        %dma_start3A_1460 = tpu.memref_slice %arg4[%dma_start3A_1459, %multiple_of3A_1453] : memref<32x1000000xf32, #tpu.memory_space<hbm>> -> memref<32x128xf32, #tpu.memory_space<hbm>>
        %dma_start3A_1461 = arith.constant 0 : i32
        %dma_start3A_1462 = arith.constant 0 : i32
        %dma_start3A_1463 = tpu.memref_slice %arg11[%dma_start3A_1454, %dma_start3A_1461, %dma_start3A_1462] : memref<16x32x128xf32, #tpu.memory_space<vmem>> -> memref<1x32x128xf32, #tpu.memory_space<vmem>>
        %dma_start3A_1464 = tpu.memref_squeeze %dma_start3A_1463 : memref<1x32x128xf32, #tpu.memory_space<vmem>> -> memref<32x128xf32, #tpu.memory_space<vmem>>
        %dma_start3A_1465 = arith.constant 0 : i32
        %dma_start3A_1466 = tpu.memref_slice %arg4[%dma_start3A_1465, %multiple_of3A_1453] : memref<32x1000000xf32, #tpu.memory_space<hbm>> -> memref<32x128xf32, #tpu.memory_space<hbm>>
        tpu.enqueue_dma source(%dma_start3A_1466 : memref<32x128xf32, #tpu.memory_space<hbm>>) target(%dma_start3A_1464 : memref<32x128xf32, #tpu.memory_space<vmem>>) target_semaphore(%arg30 : memref<!tpu.dma_semaphore, #tpu.memory_space<semaphore_mem>>)
      } else {
      }
      %scan3A_1398 = arith.constant 0 : i32
      scf.yield %scan3A_1398 : i32
    }
    %scan3A_350 = arith.constant 32 : i32
    %iota3A_351 = tpu.iota {dimensions = array<i32: 0>} : vector<16xi32>
    %scan3A_352 = arith.constant 0 : i32
    %scan3A_353 = arith.constant 0 : i32
    %scan3A_354 = arith.constant 32 : i32
    %scan3A_355 = arith.addi %scan3A_353, %scan3A_354 : i32
    %scan3A_356 = arith.constant 4 : i32
    %scan3A_357 = scf.for %scan3A_359 = %scan3A_353 to %scan3A_355 step %scan3A_356 iter_args(%scan3A_360 = %scan3A_352) -> (i32)  : i32 {
      %mul3A_361 = arith.constant 16 : i32
      %mul3A_362 = arith.muli %scan3A_359, %mul3A_361 : i32
      %add3A_363 = vector.broadcast %mul3A_362 : i32 to vector<16xi32>
      %add3A_364 = arith.addi %add3A_363, %iota3A_351 : vector<16xi32>
      %mul3A_365 = arith.constant 32 : i32
      %mul3A_366 = vector.broadcast %mul3A_365 : i32 to vector<16xi32>
      %mul3A_367 = arith.muli %add3A_364, %mul3A_366 : vector<16xi32>
      %add3A_368 = arith.constant 15 : i32
      %add3A_369 = vector.broadcast %add3A_368 : i32 to vector<16xi32>
      %add3A_370 = arith.addi %mul3A_367, %add3A_369 : vector<16xi32>
      %gather3A = tpu.vector_load_idx %arg10[%add3A_370] : memref<16384xf32, #tpu.memory_space<vmem>>[vector<16xi32>], vector<16xf32>,
      %add3A_371 = arith.addf %gather3A, %get3A_11 : vector<16xf32>
      %mul3A_372 = arith.constant 16 : i32
      %mul3A_373 = arith.muli %scan3A_359, %mul3A_372 : i32
      %swap3A = arith.index_cast %mul3A_373 : i32 to index
      %swap3A_374 = tpu.vector_load %arg13[%swap3A] {strides = array<i32>} : memref<512xf32, #tpu.memory_space<vmem>>, vector<16xf32>,
      tpu.vector_store %arg13[%swap3A], %add3A_371 {strides = array<i32>} : memref<512xf32, #tpu.memory_space<vmem>>, vector<16xf32>,
      %scan3A_375 = arith.constant 0 : i32
      %scan3A_376 = arith.constant 1 : i32
      %scan3A_377 = arith.addi %scan3A_359, %scan3A_376 : i32
      %mul3A_378 = arith.constant 16 : i32
      %mul3A_379 = arith.muli %scan3A_377, %mul3A_378 : i32
      %add3A_380 = vector.broadcast %mul3A_379 : i32 to vector<16xi32>
      %add3A_381 = arith.addi %add3A_380, %iota3A_351 : vector<16xi32>
      %mul3A_382 = arith.constant 32 : i32
      %mul3A_383 = vector.broadcast %mul3A_382 : i32 to vector<16xi32>
      %mul3A_384 = arith.muli %add3A_381, %mul3A_383 : vector<16xi32>
      %add3A_385 = arith.constant 15 : i32
      %add3A_386 = vector.broadcast %add3A_385 : i32 to vector<16xi32>
      %add3A_387 = arith.addi %mul3A_384, %add3A_386 : vector<16xi32>
      %gather3A_388 = tpu.vector_load_idx %arg10[%add3A_387] : memref<16384xf32, #tpu.memory_space<vmem>>[vector<16xi32>], vector<16xf32>,
      %add3A_389 = arith.addf %gather3A_388, %get3A_11 : vector<16xf32>
      %mul3A_390 = arith.constant 16 : i32
      %mul3A_391 = arith.muli %scan3A_377, %mul3A_390 : i32
      %swap3A_392 = arith.index_cast %mul3A_391 : i32 to index
      %swap3A_393 = tpu.vector_load %arg13[%swap3A_392] {strides = array<i32>} : memref<512xf32, #tpu.memory_space<vmem>>, vector<16xf32>,
      tpu.vector_store %arg13[%swap3A_392], %add3A_389 {strides = array<i32>} : memref<512xf32, #tpu.memory_space<vmem>>, vector<16xf32>,
      %scan3A_394 = arith.constant 0 : i32
      %scan3A_395 = arith.constant 2 : i32
      %scan3A_396 = arith.addi %scan3A_359, %scan3A_395 : i32
      %mul3A_397 = arith.constant 16 : i32
      %mul3A_398 = arith.muli %scan3A_396, %mul3A_397 : i32
      %add3A_399 = vector.broadcast %mul3A_398 : i32 to vector<16xi32>
      %add3A_400 = arith.addi %add3A_399, %iota3A_351 : vector<16xi32>
      %mul3A_401 = arith.constant 32 : i32
      %mul3A_402 = vector.broadcast %mul3A_401 : i32 to vector<16xi32>
      %mul3A_403 = arith.muli %add3A_400, %mul3A_402 : vector<16xi32>
      %add3A_404 = arith.constant 15 : i32
      %add3A_405 = vector.broadcast %add3A_404 : i32 to vector<16xi32>
      %add3A_406 = arith.addi %mul3A_403, %add3A_405 : vector<16xi32>
      %gather3A_407 = tpu.vector_load_idx %arg10[%add3A_406] : memref<16384xf32, #tpu.memory_space<vmem>>[vector<16xi32>], vector<16xf32>,
      %add3A_408 = arith.addf %gather3A_407, %get3A_11 : vector<16xf32>
      %mul3A_409 = arith.constant 16 : i32
      %mul3A_410 = arith.muli %scan3A_396, %mul3A_409 : i32
      %swap3A_411 = arith.index_cast %mul3A_410 : i32 to index
      %swap3A_412 = tpu.vector_load %arg13[%swap3A_411] {strides = array<i32>} : memref<512xf32, #tpu.memory_space<vmem>>, vector<16xf32>,
      tpu.vector_store %arg13[%swap3A_411], %add3A_408 {strides = array<i32>} : memref<512xf32, #tpu.memory_space<vmem>>, vector<16xf32>,
      %scan3A_413 = arith.constant 0 : i32
      %scan3A_414 = arith.constant 3 : i32
      %scan3A_415 = arith.addi %scan3A_359, %scan3A_414 : i32
      %mul3A_416 = arith.constant 16 : i32
      %mul3A_417 = arith.muli %scan3A_415, %mul3A_416 : i32
      %add3A_418 = vector.broadcast %mul3A_417 : i32 to vector<16xi32>
      %add3A_419 = arith.addi %add3A_418, %iota3A_351 : vector<16xi32>
      %mul3A_420 = arith.constant 32 : i32
      %mul3A_421 = vector.broadcast %mul3A_420 : i32 to vector<16xi32>
      %mul3A_422 = arith.muli %add3A_419, %mul3A_421 : vector<16xi32>
      %add3A_423 = arith.constant 15 : i32
      %add3A_424 = vector.broadcast %add3A_423 : i32 to vector<16xi32>
      %add3A_425 = arith.addi %mul3A_422, %add3A_424 : vector<16xi32>
      %gather3A_426 = tpu.vector_load_idx %arg10[%add3A_425] : memref<16384xf32, #tpu.memory_space<vmem>>[vector<16xi32>], vector<16xf32>,
      %add3A_427 = arith.addf %gather3A_426, %get3A_11 : vector<16xf32>
      %mul3A_428 = arith.constant 16 : i32
      %mul3A_429 = arith.muli %scan3A_415, %mul3A_428 : i32
      %swap3A_430 = arith.index_cast %mul3A_429 : i32 to index
      %swap3A_431 = tpu.vector_load %arg13[%swap3A_430] {strides = array<i32>} : memref<512xf32, #tpu.memory_space<vmem>>, vector<16xf32>,
      tpu.vector_store %arg13[%swap3A_430], %add3A_427 {strides = array<i32>} : memref<512xf32, #tpu.memory_space<vmem>>, vector<16xf32>,
      %scan3A_432 = arith.constant 0 : i32
      scf.yield %scan3A_432 : i32
    }
    %scan3A_358 = arith.constant 32 : i32
    "tpu.region"() ({
      %run_scoped3A = tpu.sem_alloc : memref<!tpu.dma_semaphore, #tpu.memory_space<semaphore_mem>>
      %dma_start3A_359 = tpu.memref_slice %arg7[%mul3A_2] : memref<16384xf32, #tpu.memory_space<hbm>> -> memref<512xf32, #tpu.memory_space<hbm>>
      %dma_start3A_360 = tpu.memref_slice %arg7[%mul3A_2] : memref<16384xf32, #tpu.memory_space<hbm>> -> memref<512xf32, #tpu.memory_space<hbm>>
      tpu.enqueue_dma source(%arg13 : memref<512xf32, #tpu.memory_space<vmem>>) target(%dma_start3A_360 : memref<512xf32, #tpu.memory_space<hbm>>) target_semaphore(%run_scoped3A : memref<!tpu.dma_semaphore, #tpu.memory_space<semaphore_mem>>)
      %dma_wait3A_361 = tpu.memref_slice %arg7[%mul3A_2] : memref<16384xf32, #tpu.memory_space<hbm>> -> memref<512xf32, #tpu.memory_space<hbm>>
      %dma_wait3A_362 = tpu.memref_slice %arg7[%mul3A_2] : memref<16384xf32, #tpu.memory_space<hbm>> -> memref<512xf32, #tpu.memory_space<hbm>>
      tpu.wait_dma2 semaphore(%run_scoped3A : memref<!tpu.dma_semaphore, #tpu.memory_space<semaphore_mem>>) src(%arg13 : memref<512xf32, #tpu.memory_space<vmem>>) dst(%dma_wait3A_362 : memref<512xf32, #tpu.memory_space<hbm>>)
      tpu.yield
    }) : () -> ()
    return
  }
}

</mosaic_0001>

<sc_bundles>
// kernel: _run.3.cloned.1.call-start
scs
__scs_entry_jumppad:
0x0: {  	(pc) =	sbr.rel $0x88, $3  }
0x1: {  	(tag) =	ssettag $0x0;
	lr =	simm.s32 $0x1  }
0x2: {  	[smem:$0x3F9C] =	sst lr;
	_ =	strace $0xD0000000  }
0x3: {  	_ = 	snop  }
0x4: {  	_ = 	snop  }
0x5: {  	_ = 	snop  }
0x6: {  	_ = 	snop  }
0x7: {  	_ = 	snop  }
__scs_overlays_trampoline_lowered:
0x8: {  	[smem:$0x3FAB] =	sst s0  }
0x9: {  	[smem:$0x3FAC] =	sst s1  }
0xa: {  	[smem:$0x3FAD] =	sst s2  }
0xb: {  	[smem:$0x3FAE] =	sst s3  }
0xc: {  	[smem:$0x3FAF] =	sst s4  }
0xd: {  	[smem:$0x3FB0] =	sst s5  }
0xe: {  	[smem:$0x3FB1] =	sst s6  }
0xf: {  	[smem:$0x3FB2] =	sst s7  }
0x10: {  	[smem:$0x3FB3] =	sst s8  }
0x11: {  	[smem:$0x3FB4] =	sst s9;
	s0 =	simm.s32 @!p0 $0x0  }
0x12: {  	s1 =	sld [smem:$0x3F9A];
	s0 =	simm.s32 @p0 $0x1  }
0x13: {  	[smem:$0x3FB5] =	sst s0;
	s0 =	simm.s32 @!p1 $0x0  }
0x14: {  	s2 =	sld [smem:$0x3F99];
	s0 =	simm.s32 @p1 $0x1  }
0x15: {  	[smem:$0x3FB6] =	sst s0;
	s0 =	simm.s32 @!p2 $0x0  }
0x16: {  	s3 =	sld [smem:$0x3FDB];
	s0 =	simm.s32 @p2 $0x1  }
0x17: {  	s4 =	simm.s32 $0x1BF5;
	[smem:$0x3FB8] =	sst s0  }
0x18: {  	s0 =	sld [smem:$0x3F9B];
	_ =	swait.ge [sflag:s4], $0x0  }
0x19: {  	s7 =	sld [smem:$0x3F9C]  }
0x1a: {  	s8 =	sadd.s32 $0xFFFFE003, lr  }
0x1b: {  	s9 =	sadd.s32 $0xFFFFFEF7, lr;
	s5 =	simm.s32 $0xFFFFFFFF;
	p2 =	slt.u32 s8, $0xFFFFF086  }
0x1c: {  	p1 =	slt.u32 s9, $0xF7A;
	s5 =	simm.s32 @!p2 $0x0  }
0x1d: {  	s5 =	simm.s32 @p1 $0x1;
	p0 =	seq.s32 s7, s2  }
0x1e: {  	s7 =	smul.u32 @!p0 $0xF7A, s2;
	p2 =	seq.s32 @!p0 s5, $0x0  }
0x1f: {  	s9 =	smul.u32 $0xF7A, s1;
	s8 =	simm.s32 @!p0 $0x1BF5;
	p2 =	por !p2, p0  }
0x20: {  	[sflag:s8] =	ssyncset.s32 @!p0 $0xFFFFF086;
	s6 =	sadd.s32 @!p0 s3, s7;
	s7 =	simm.s32 @!p0 $0x108  }
0x21: {  	s3 =	sadd.s32 s3, s9;
	s6 =	sadd.s32 @!p0 $0x88, s6;
	s7 =	simm.s32 @p2 $0x1082  }
0x22: {  	[simem:s7], [sflag:s8] =	dma.local @!p0 [hbm:s6], $0xF7A  }
0x23: {  	s9 =	sor.u32 $0xD0000000, s2;
	s6 =	simm.s32 $0x108;
	_ =	swait.ge @!p0 [sflag:s8], $0x0  }
0x24: {  	s3 =	sadd.s32 $0x88, s3;
	s6 =	simm.s32 @!p1 $0x1082;
	[sflag:s4] =	ssyncset.s32 $0xFFFFF086  }
0x25: {  	[simem:s6], [sflag:s4] =	dma.local [hbm:s3], $0xF7A  }
0x26: {  	[smem:$0x3F9C] =	sst s1;
	(tag) =	ssettag s2;
	_ =	strace s9  }
0x27: {  	s1 =	sld [smem:$0x3FAC]  }
0x28: {  	s2 =	sld [smem:$0x3FAD]  }
0x29: {  	s4 =	sld [smem:$0x3FAF]  }
0x2a: {  	p0 =	seq.s32 s5, $0x0;
	s5 =	sld [smem:$0x3FB0]  }
0x2b: {  	s6 =	sld [smem:$0x3FB1]  }
0x2c: {  	s7 =	sld [smem:$0x3FB2]  }
0x2d: {  	s3 =	simm.s32 $0x108;
	s8 =	sld [smem:$0x3FB3]  }
0x2e: {  	s3 =	simm.s32 @!p0 $0x1082;
	s9 =	sld [smem:$0x3FB4]  }
0x2f: {  	lr =	sadd.s32 s0, s3;
	s0 =	sld [smem:$0x3FAB]  }
0x30: {  	s3 =	sld [smem:$0x3FAE]  }
0x31: {  	[smem:$0x3FB7] =	sst s10  }
0x32: {  	s10 =	sld [smem:$0x3FB5];
	_ =	sdelay $0x3  }
0x33: {  	p0 =	seq.s32 s10, $0x1;
	s10 =	sld [smem:$0x3FB7];
	_ =	sdelay $0x3  }
0x34: {  	[smem:$0x3FB7] =	sst s10  }
0x35: {  	s10 =	sld [smem:$0x3FB6];
	_ =	sdelay $0x3  }
0x36: {  	p1 =	seq.s32 s10, $0x1;
	s10 =	sld [smem:$0x3FB7];
	_ =	sdelay $0x3  }
0x37: {  	[smem:$0x3FB7] =	sst s10  }
0x38: {  	s10 =	sld [smem:$0x3FB8]  }
0x39: {  	_ = 	snop;
	(pc) =	sbr.ind lr, $3  }
0x3a: {  	_ = 	snop  }
0x3b: {  	_ = 	snop  }
0x3c: {  	p2 =	seq.s32 s10, $0x1;
	s10 =	sld [smem:$0x3FB7]  }
0x3d: {  	_ =	shalt  }
0x3e: {  	_ =	shalt  }
0x3f: {  	_ =	shalt  }
0x40: {  	_ =	shalt  }
0x41: {  	_ =	shalt  }
0x42: {  	_ =	shalt  }
0x43: {  	_ =	shalt  }
0x44: {  	_ =	shalt  }
0x45: {  	_ =	shalt  }
0x46: {  	_ =	shalt  }
0x47: {  	_ =	shalt  }
0x48: {  	_ =	shalt  }
0x49: {  	_ =	shalt  }
0x4a: {  	_ =	shalt  }
0x4b: {  	_ =	shalt  }
0x4c: {  	_ =	shalt  }
0x4d: {  	_ =	shalt  }
0x4e: {  	_ =	shalt  }
0x4f: {  	_ =	shalt  }
0x50: {  	_ =	shalt  }
0x51: {  	_ =	shalt  }
0x52: {  	_ =	shalt  }
0x53: {  	_ =	shalt  }
0x54: {  	_ =	shalt  }
0x55: {  	_ =	shalt  }
0x56: {  	_ =	shalt  }
0x57: {  	_ =	shalt  }
0x58: {  	_ =	shalt  }
0x59: {  	_ =	shalt  }
0x5a: {  	_ =	shalt  }
0x5b: {  	_ =	shalt  }
0x5c: {  	_ =	shalt  }
0x5d: {  	_ =	shalt  }
0x5e: {  	_ =	shalt  }
0x5f: {  	_ =	shalt  }
0x60: {  	_ =	shalt  }
0x61: {  	_ =	shalt  }
0x62: {  	_ =	shalt  }
0x63: {  	_ =	shalt  }
0x64: {  	_ =	shalt  }
0x65: {  	_ =	shalt  }
0x66: {  	_ =	shalt  }
0x67: {  	_ =	shalt  }
0x68: {  	_ =	shalt  }
0x69: {  	_ =	shalt  }
0x6a: {  	_ =	shalt  }
0x6b: {  	_ =	shalt  }
0x6c: {  	_ =	shalt  }
0x6d: {  	_ =	shalt  }
0x6e: {  	_ =	shalt  }
0x6f: {  	_ =	shalt  }
0x70: {  	_ =	shalt  }
0x71: {  	_ =	shalt  }
0x72: {  	_ =	shalt  }
0x73: {  	_ =	shalt  }
0x74: {  	_ =	shalt  }
0x75: {  	_ =	shalt  }
0x76: {  	_ =	shalt  }
0x77: {  	_ =	shalt  }
0x78: {  	_ =	shalt  }
0x79: {  	_ =	shalt  }
0x7a: {  	_ =	shalt  }
0x7b: {  	_ =	shalt  }
0x7c: {  	_ =	shalt  }
0x7d: {  	_ =	shalt  }
0x7e: {  	_ =	shalt  }
0x7f: {  	_ =	shalt  }
0x80: {  	_ =	shalt  }
0x81: {  	_ =	shalt  }
0x82: {  	_ =	shalt  }
0x83: {  	_ =	shalt  }
0x84: {  	_ =	shalt  }
0x85: {  	_ =	shalt  }
0x86: {  	_ =	shalt  }
0x87: {  	_ =	shalt  }
.Lfunc_end0:
.L_simem_size_0:
called_computation_lowered:
.L_overlay_start_0:
0x88: {  	s2 =	sld [smem:$0x3FD9]  }
0x89: {  	s3 =	sld [smem:$0x3FFE];
	_ =	sdelay $0x1  }
0x8a: {  	s1 =	srdreg.scid  }
0x8b: {  	s0 =	sand.u32 $0x1, s1  }
0x8c: {  	s18 =	sshll.u32 s0, $0xA;
	s2 =	sadd.s32 s3, s2  }
0x8d: {  	s2 =	sadd.s32 s2, s18  }
0x8e: {  	[smem:$0x3FC3] =	sst s2  }
0x8f: {  	_ = 	snop  }
0x90: {  	s2 =	sld [smem:$0x3FC9]  }
0x91: {  	s19 =	sld [smem:$0x3FC8]  }
0x92: {  	s4 =	sld [smem:$0x3FC7]  }
0x93: {  	s5 =	sld [smem:$0x3FC6]  }
0x94: {  	s6 =	sld [smem:$0x3FC5]  }
0x95: {  	s7 =	sld [smem:$0x3FD0];
	(tm) =	ssettm $0x1  }
0x96: {  	s8 =	sld [smem:$0x3FFB];
	_ =	sdelay $0x3  }
0x97: {  	_ =	strace s8  }
0x98: {  	s8 =	sld [smem:$0x3FFC];
	_ =	sdelay $0x3  }
0x99: {  	_ =	strace s8  }
0x9a: {  	s8 =	sld [smem:$0x3FFD];
	_ =	sdelay $0x3  }
0x9b: {  	_ =	strace s8  }
0x9c: {  	_ =	strace $0x8FFFFFFF  }
0x9d: {  	s20 =	sld [smem:$0x3FDB];
	_ =	sdelay $0x1  }
0x9e: {  	s9 =	simm.s32 $_scs_section_size  }
0x9f: {  	s10 =	simm.s32 $_size__tile_overlayer_lowered;
	s11 =	simm.s32 $_tile_overlayer_lowered  }
0xa0: {  	s23 =	simm.s32 $0x1BFF;
	s22 =	sshll.u32 s11, $0x1;
	s8 =	sadd.s32 s9, s20  }
0xa1: {  	s12 =	simm.s32 $0x0;
	s21 =	sshll.u32 s10, $0x1;
	s10 =	sadd.s32 s22, s8  }
0xa2: {  	[timem:s12], [sflag:s23] =	dma.local [hbm:s10], s21  }
0xa3: {  	_ =	swait.ge [sflag:s23], s21  }
0xa4: {  	s9 =	ssub.s32 $0x0, s21;
	[sflag:s23] =	ssyncset.done $0x0  }
0xa5: {  	[sflag:s23] =	ssyncadd.s32 s9;
	_ =	sdelay $0x1  }
0xa6: {  	s24 =	simm.s32 $0x1B8B  }
0xa7: {  	_ =	swait.ge [sflag:s24], $0x1  }
0xa8: {  	[sflag:s24] =	ssyncset.done $0x0  }
0xa9: {  	s25 =	simm.s32 $0x1B8E;
	[sflag:s24] =	ssyncadd.s32 $0xFFFFFFFF  }
0xaa: {  	s26 =	simm.s32 $execute0_lowered;
	[smem:$0x3FD2] =	sst s25  }
0xab: {  	s9 =	sshll.u32 s26, $0x1;
	_ =	strace $0x80000046;
	[dreg:$0x1] =	wrdreg $0xFFFFFFFF  }
0xac: {  	s28 =	simm.s32 $_size_execute0_lowered;
	s8 =	sadd.s32 s8, s9;
	[dreg:$0x0] =	wrdreg $0x0  }
0xad: {  	s9 =	sshll.u32 s28, $0x1;
	[dreg:$0x2] =	wrdreg s8  }
0xae: {  	[dreg:$0x3] =	wrdreg s9  }
0xaf: {  	[dreg:$0x4] =	wrdreg $0xC0  }
0xb0: {  	_ =	task [dreg:s12], $0x5FFFF  }
0xb1: {  	[dreg:$0x1] =	wrdreg $0xFFFFFFFF  }
0xb2: {  	[dreg:$0x0] =	wrdreg $0x60  }
0xb3: {  	[dreg:$0x2] =	wrdreg s2  }
0xb4: {  	[dreg:$0x3] =	wrdreg s19  }
0xb5: {  	[dreg:$0x4] =	wrdreg s4  }
0xb6: {  	[dreg:$0x5] =	wrdreg s5  }
0xb7: {  	[dreg:$0x6] =	wrdreg s6  }
0xb8: {  	[dreg:$0x7] =	wrdreg s7  }
0xb9: {  	[dreg:$0x8] =	wrdreg $0x9  }
0xba: {  	_ =	task.clear_ibuf [dreg:s12], $0x9FFFF;
	_ =	strace $0x90000046  }
0xbb: {  	s29 =	simm.s32 $0x9;
	_ =	strace $0x80000048  }
0xbc: {  	_ =	swait.ge [sflag:s29], $0x1  }
0xbd: {  	[sflag:s29] =	ssyncadd.s32 $0xFFFFFFFF  }
0xbe: {  	_ =	strace $0x90000048  }
0xbf: {  	_ =	sfence  }
0xc0: {  	s30 =	sld [smem:$0x0];
	_ =	sdelay $0x2  }
0xc1: {  	s31 =	sshll.u32 s1, $0xD;
	s1 =	sshrl.u32 s1, $0x2  }
0xc2: {  	s3 =	sand.u32 $0x4000, s31;
	s1 =	sadd.s32 s1, s30  }
0xc3: {  	s0 =	sor.u32 s3, s0;
	s1 =	sshll.u32 s1, $0x11  }
0xc4: {  	s0 =	sor.u32 s1, s0  }
0xc5: {  	s0 =	sadd.s32 $0x8F2B, s0  }
0xc6: {  	[sflag:s0] =	ssyncadd.remote.s32 $0x1  }
0xc7: {  	_ =	sfence.sel $0xFFFF  }
0xc8: {  	[dreg:$0x0] =	wrdreg $0xFFFFFFFF;
	(pc) =	sbr.abs _section_cstart, $3  }
0xc9: {  	[dreg:$0x1] =	wrdreg $0xFFFFFFFF  }
0xca: {  	_ =	task.clear_ibuf [dreg:s12], $0x2FFFF;
	_ =	strace $0x9FFFFFFF  }
0xcb: {  	(tm) =	ssettm $0x7FFFFFFF  }
tec
execute0_lowered:
.L_overlay_start_1:
0x0: {  	(tag) =	ssettag $0x1  }
0x1: {  	v32 =	vlaneseq.u32  }
0x2: {  	s0 =	rddreg [dreg:$0x0];
	v0 =	vmul.u32 $0x80, v32  }
0x3: {  	s3 =	rddreg [dreg:$0x1]  }
0x4: {  	s10 =	rddreg [dreg:$0x2];
	v32 =	vmul.u32 $0x20, v32;
	v1 =	vor.u32 $0x800, v0  }
0x5: {  	s2 =	rddreg [dreg:$0x3];
	v2 =	vor.u32 $0x1000, v0;
	v3 =	vor.u32 $0x1800, v0;
	v4 =	vor.u32 $0x2000, v0  }
0x6: {  	s4 =	rddreg [dreg:$0x5];
	s6 =	srdreg.scid;
	v5 =	vor.u32 $0x2800, v0;
	v6 =	vor.u32 $0x3000, v0;
	v7 =	vor.u32 $0x3800, v0  }
0x7: {  	s5 =	simm.s32 $0x0;
	s1 =	stileid.u32;
	s6 =	sand.u32 $0x1, s6;
	v8 =	vor.u32 $0x4000, v0;
	v9 =	vor.u32 $0x4800, v0;
	v10 =	vor.u32 $0x5000, v0  }
0x8: {  	s9 =	sshll.u32 s1, $0x7;
	s7 =	ssub.s32 $0x2, s6;
	s6 =	sshll.u32 s6, $0x6;
	v11 =	vor.u32 $0x5800, v0;
	v12 =	vor.u32 $0x6000, v0;
	v13 =	vor.u32 $0x6800, v0  }
0x9: {  	s13 =	simm.s32 $0x400;
	[smem:$0x7FF] =	sst s5;
	s28 =	sor.u32 s6, s9;
	v14 =	vor.u32 $0x7000, v0;
	v15 =	vor.u32 $0x7800, v0;
	v16 =	vor.u32 $0x8000, v0  }
0xa: {  	_ =	strace $0x80000047;
	s8 =	sshrl.u32 s7, $0x1;
	v17 =	vor.u32 $0x8800, v0;
	v18 =	vor.u32 $0x9000, v0;
	v19 =	vor.u32 $0x9800, v0;
	s0 =	sadd.s32 s0, s28  }
0xb: {  	s30 =	sadd.s32 s4, s6;
	v20 =	vor.u32 $0xA000, v0;
	v21 =	vor.u32 $0xA800, v0;
	v22 =	vor.u32 $0xB000, v0;
	s29 =	sadd.s32 s3, s28;
	[dreg:$0x7] =	wrdreg s0  }
0xc: {  	v23 =	vor.u32 $0xB800, v0;
	v24 =	vor.u32 $0xC000, v0;
	v25 =	vor.u32 $0xC800, v0;
	s7 =	ssub.s32 s7, s8;
	[dreg:$0x8] =	wrdreg s29;
	s0 =	sadd.s32 s9, s30  }
0xd: {  	s11 =	simm.s32 $0x4400;
	v26 =	vor.u32 $0xD000, v0;
	v27 =	vor.u32 $0xD800, v0;
	v28 =	vor.u32 $0xE000, v0;
	s31 =	smax.u32 s7, $0x1;
	[dreg:$0x9] =	wrdreg s0  }
0xe: {  	s1 =	simm.s32 $0x12;
	v29 =	vor.u32 $0xE800, v0;
	v30 =	vor.u32 $0xF000, v0;
	v31 =	vor.u32 $0xF800, v0;
	s3 =	simm.s32 $0x0;
	[dreg:$0xa] =	wrdreg s31  }
.LBB2_1:
0xf: {  	[dreg:$0xb] =	wrdreg s3  }
0x10: {  	s0 =	rddreg [dreg:$0x7]  }
0x11: {  	[tilespmem:s5], [sflag:$0x12] =	stream.linear.gather [hbm4b:s0+s5], $0x200, $0x38;
	[tilespmem:$0x14680] =	vst v63  }
0x12: {  	_ =	swait.ge [sflag:s1], $0x200  }
0x13: {  	[sflag:s1] =	ssyncset.done $0x0  }
0x14: {  	s15 =	simm.s32 $0x200;
	s14 =	rddreg [dreg:$0x8];
	[sflag:s1] =	ssyncadd.s32 $0xFFFFFE00  }
0x15: {  	[tilespmem:s15], [sflag:$0x12] =	stream.linear.gather [hbm4b:s14+s5], $0x200, $0x38;
	[tilespmem:$0x14680] =	vst v63  }
0x16: {  	_ =	swait.ge [sflag:s1], $0x200  }
0x17: {  	[sflag:s1] =	ssyncset.done $0x0  }
0x18: {  	[sflag:s1] =	ssyncadd.s32 $0xFFFFFE00  }
0x19: {  	s17 =	simm.s32 $0x14400;
	s16 =	rddreg [dreg:$0x4]  }
0x1a: {  	[tilespmem:s17], [sflag:$0x12] =	stream.linear.gather [hbm4b:s16+s5], $0x80, $0x38;
	[tilespmem:$0x14680] =	vst v63  }
0x1b: {  	_ =	swait.ge [sflag:s1], $0x80  }
0x1c: {  	[sflag:s1] =	ssyncset.done $0x0  }
0x1d: {  	[sflag:s1] =	ssyncadd.s32 $0xFFFFFF80  }
0x1e: {  	v36 =	vld [tilespmem:$0x0];
	_ =	sdelay $0x4  }
0x1f: {  	(v2sf) =	vpush v36, $0x0;
	_ =	sdelay $0x1  }
0x20: {  	(v2sf) =	vpush v36, $0x1;
	_ =	sdelay $0x1  }
0x21: {  	(v2sf) =	vpush v36, $0x2;
	_ =	sdelay $0x8  }
0x22: {  	(v2sf) =	vpush v36, $0x3;
	_ =	sdelay $0x1  }
0x23: {  	s18 =	spop (v2sf);
	(v2sf) =	vpush v36, $0x4;
	_ =	sdelay $0x1  }
0x24: {  	s19 =	spop (v2sf);
	(v2sf) =	vpush v36, $0x5;
	_ =	sdelay $0x1  }
0x25: {  	s21 =	spop (v2sf);
	(v2sf) =	vpush v36, $0x6;
	_ =	sdelay $0x1  }
0x26: {  	v34 =	vld [tilespmem:$0x14400];
	s0 =	sand.u32 $0xFFFFF80, s18  }
0x27: {  	s1 =	simm.s32 $0x7A1400;
	v35 =	vld [tilespmem:$0x14410];
	s0 =	sadd.s32 s10, s0;
	(v2sf) =	vpush v36, $0x7  }
0x28: {  	v33 =	vld [tilespmem:$0x14420];
	[tilespmem:s11], [sflag:$0x2] =	stream.strided.gather [hbm4b:s0+s13], $0x1000, s1, s13, $0x38  }
0x29: {  	s0 =	sand.u32 $0xFFFFF80, s19  }
0x2a: {  	s20 =	simm.s32 $0x5400;
	s0 =	sadd.s32 s10, s0  }
0x2b: {  	[tilespmem:s20], [sflag:$0x3] =	stream.strided.gather [hbm4b:s0+s13], $0x1000, s1, s13, $0x38;
	[tilespmem:$0x14680] =	vst v63  }
0x2c: {  	s0 =	sand.u32 $0xFFFFF80, s21  }
0x2d: {  	s22 =	simm.s32 $0x6400;
	s23 =	spop (v2sf);
	s0 =	sadd.s32 s10, s0  }
0x2e: {  	[tilespmem:s22], [sflag:$0x4] =	stream.strided.gather [hbm4b:s0+s13], $0x1000, s1, s13, $0x38;
	[tilespmem:$0x14680] =	vst v63  }
0x2f: {  	s25 =	spop (v2sf);
	(v2sf) =	vpush v36, $0x8  }
0x30: {  	s0 =	sand.u32 $0xFFFFF80, s23  }
0x31: {  	s24 =	simm.s32 $0x7400;
	s0 =	sadd.s32 s10, s0;
	s28 =	spop (v2sf);
	(v2sf) =	vpush v36, $0x9  }
0x32: {  	[tilespmem:s24], [sflag:$0x5] =	stream.strided.gather [hbm4b:s0+s13], $0x1000, s1, s13, $0x38;
	[tilespmem:$0x14680] =	vst v63  }
0x33: {  	s0 =	sand.u32 $0xFFFFF80, s25;
	s4 =	spop (v2sf);
	(v2sf) =	vpush v36, $0xA  }
0x34: {  	s26 =	simm.s32 $0x8400;
	s0 =	sadd.s32 s10, s0  }
0x35: {  	[tilespmem:s26], [sflag:$0x6] =	stream.strided.gather [hbm4b:s0+s13], $0x1000, s1, s13, $0x38;
	[tilespmem:$0x14680] =	vst v63  }
0x36: {  	s7 =	spop (v2sf);
	(v2sf) =	vpush v36, $0xB  }
0x37: {  	s0 =	sand.u32 $0xFFFFF80, s28  }
0x38: {  	s30 =	simm.s32 $0x9400;
	s0 =	sadd.s32 s10, s0  }
0x39: {  	[tilespmem:s30], [sflag:$0x7] =	stream.strided.gather [hbm4b:s0+s13], $0x1000, s1, s13, $0x38;
	[tilespmem:$0x14680] =	vst v63  }
0x3a: {  	s0 =	sand.u32 $0xFFFFF80, s4  }
0x3b: {  	s6 =	simm.s32 $0xA400;
	s0 =	sadd.s32 s10, s0  }
0x3c: {  	[tilespmem:s6], [sflag:$0x8] =	stream.strided.gather [hbm4b:s0+s13], $0x1000, s1, s13, $0x38;
	[tilespmem:$0x14680] =	vst v63  }
0x3d: {  	s0 =	sand.u32 $0xFFFFF80, s7  }
0x3e: {  	s8 =	simm.s32 $0xB400;
	s0 =	sadd.s32 s10, s0;
	s9 =	spop (v2sf);
	(v2sf) =	vpush v36, $0xC  }
0x3f: {  	[tilespmem:s8], [sflag:$0x9] =	stream.strided.gather [hbm4b:s0+s13], $0x1000, s1, s13, $0x38;
	[tilespmem:$0x14680] =	vst v63  }
0x40: {  	s12 =	spop (v2sf);
	(v2sf) =	vpush v36, $0xD  }
0x41: {  	s0 =	sand.u32 $0xFFFFF80, s9  }
0x42: {  	s11 =	simm.s32 $0xC400;
	s0 =	sadd.s32 s10, s0;
	s15 =	spop (v2sf)  }
0x43: {  	(v2sf) =	vpush v36, $0xE;
	[tilespmem:s11], [sflag:$0xA] =	stream.strided.gather [hbm4b:s0+s13], $0x1000, s1, s13, $0x38;
	[tilespmem:$0x14680] =	vst v63  }
0x44: {  	s0 =	sand.u32 $0xFFFFF80, s12  }
0x45: {  	s14 =	simm.s32 $0xD400;
	s17 =	spop (v2sf);
	s0 =	sadd.s32 s10, s0  }
0x46: {  	(v2sf) =	vpush v36, $0xF;
	[tilespmem:s14], [sflag:$0xB] =	stream.strided.gather [hbm4b:s0+s13], $0x1000, s1, s13, $0x38;
	[tilespmem:$0x14680] =	vst v63  }
0x47: {  	s0 =	sand.u32 $0xFFFFF80, s15  }
0x48: {  	s16 =	simm.s32 $0xE400;
	s0 =	sadd.s32 s10, s0  }
0x49: {  	[tilespmem:s16], [sflag:$0xC] =	stream.strided.gather [hbm4b:s0+s13], $0x1000, s1, s13, $0x38;
	[tilespmem:$0x14680] =	vst v63  }
0x4a: {  	s0 =	sand.u32 $0xFFFFF80, s17  }
0x4b: {  	s18 =	simm.s32 $0xF400;
	s0 =	sadd.s32 s10, s0  }
0x4c: {  	[tilespmem:s18], [sflag:$0xD] =	stream.strided.gather [hbm4b:s0+s13], $0x1000, s1, s13, $0x38;
	[tilespmem:$0x14680] =	vst v63  }
0x4d: {  	s19 =	spop (v2sf)  }
0x4e: {  	s0 =	sand.u32 $0xFFFFF80, s19  }
0x4f: {  	s20 =	simm.s32 $0x10400;
	s21 =	spop (v2sf);
	s0 =	sadd.s32 s10, s0  }
0x50: {  	[tilespmem:s20], [sflag:$0xE] =	stream.strided.gather [hbm4b:s0+s13], $0x1000, s1, s13, $0x38;
	[tilespmem:$0x14680] =	vst v63  }
0x51: {  	s0 =	sand.u32 $0xFFFFF80, s21  }
0x52: {  	s22 =	simm.s32 $0x11400;
	s23 =	spop (v2sf);
	s0 =	sadd.s32 s10, s0  }
0x53: {  	[tilespmem:s22], [sflag:$0xF] =	stream.strided.gather [hbm4b:s0+s13], $0x1000, s1, s13, $0x38;
	[tilespmem:$0x14680] =	vst v63  }
0x54: {  	s0 =	sand.u32 $0xFFFFF80, s23  }
0x55: {  	s24 =	simm.s32 $0x12400;
	s25 =	spop (v2sf);
	s0 =	sadd.s32 s10, s0  }
0x56: {  	[tilespmem:s24], [sflag:$0x10] =	stream.strided.gather [hbm4b:s0+s13], $0x1000, s1, s13, $0x38;
	[tilespmem:$0x14680] =	vst v63  }
0x57: {  	s0 =	sand.u32 $0xFFFFF80, s25  }
0x58: {  	s26 =	simm.s32 $0x13400;
	s28 =	sand.u32 $0x600, s5;
	s0 =	sadd.s32 s10, s0  }
0x59: {  	[tilespmem:s26], [sflag:$0x11] =	stream.strided.gather [hbm4b:s0+s13], $0x1000, s1, s13, $0x38;
	[tilespmem:$0x14680] =	vst v63  }
0x5a: {  	s30 =	sand.u32 $0x70, s5;
	s0 =	sshrl.u32 s28, $0x2  }
0x5b: {  	s0 =	sor.u32 s30, s0  }
0x5c: {  	v63 =	vld [tilespmem:s0+$0x200];
	_ =	sdelay $0x4  }
0x5d: {  	v36 =	vshll.u32 v63, $0x2  }
0x5e: {  	(v2sf) =	vpush v36, $0x1  }
0x5f: {  	(v2sf) =	vpush v36, $0x0  }
0x60: {  	s29 =	simm.s32 $0x40;
	s31 =	simm.s32 $0x1000;
	(v2sf) =	vpush v36, $0x3  }
0x61: {  	s7 =	simm.s32 $0x800;
	s6 =	simm.s32 $0x0;
	s8 =	simm.s32 $0x0;
	(v2sf) =	vpush v36, $0x2  }
0x62: {  	s9 =	simm.s32 $0x10;
	s10 =	sand.u32 $0x600, s29;
	s0 =	simm.s32 $0x20;
	(v2sf) =	vpush v36, $0x4  }
.LBB2_2:
0x63: {  	s21 =	sadd.s32 $0x420, s8;
	s4 =	sadd.s32 $0x560, s8  }
0x64: {  	s30 =	smov.u32 s7;
	s7 =	smov.u32 s31;
	s31 =	sadd.s32 $0x800, s31  }
0x65: {  	s17 =	sadd.s32 $0x4E0, s8;
	s3 =	sadd.s32 $0x580, s8;
	p0 =	sne.s32 s31, $0x10000  }
0x66: {  	s19 =	sadd.s32 $0x4A0, s8;
	s16 =	sadd.s32 $0x500, s8;
	s14 =	sadd.s32 $0x5A0, s8  }
0x67: {  	s22 =	sadd.s32 $0x400, s8;
	s23 =	sadd.s32 $0x480, s8;
	(v2sf) =	vpush v36, $0x5  }
0x68: {  	s20 =	sadd.s32 $0x4C0, s8  }
0x69: {  	s24 =	sadd.s32 $0x440, s8;
	s12 =	sadd.s32 $0x540, s8;
	(v2sf) =	vpush v36, $0x6  }
0x6a: {  	s18 =	sadd.s32 $0x520, s8  }
0x6b: {  	(v2sf) =	vpush v36, $0x7;
	_ =	sdelay $0x1  }
0x6c: {  	s25 =	sadd.s32 $0x460, s8;
	s26 =	spop (v2sf);
	(v2sf) =	vpush v36, $0x8  }
0x6d: {  	s11 =	sadd.s32 $0x5E0, s8;
	p1 =	slt.u32 s6, $0x4;
	s28 =	spop (v2sf)  }
0x6e: {  	s26 =	sand.u32 $0x1FFFFFFC, s26;
	s28 =	sand.u32 $0x1FFFFFFC, s28;
	s1 =	spop (v2sf);
	(v2sf) =	vpush v36, $0x9  }
0x6f: {  	s26 =	sadd.s32 s2, s26;
	s28 =	sadd.s32 s2, s28;
	s15 =	spop (v2sf)  }
0x70: {  	[tilespmem:s22], [sflag:$0x1] =	stream.linear.gather [hbm4b:s28+s5], $0x20, $0x38;
	(v2sf) =	vpush v36, $0xA;
	[tilespmem:$0x14680] =	vst v63  }
0x71: {  	s1 =	sand.u32 $0x1FFFFFFC, s1;
	s15 =	sand.u32 $0x1FFFFFFC, s15;
	s22 =	spop (v2sf)  }
0x72: {  	[tilespmem:s21], [sflag:$0x1] =	stream.linear.gather [hbm4b:s26+s5], $0x20, $0x38;
	(v2sf) =	vpush v36, $0xB;
	[tilespmem:$0x14680] =	vst v63  }
0x73: {  	s1 =	sadd.s32 s2, s1;
	s15 =	sadd.s32 s2, s15;
	s21 =	sand.u32 $0x1FFFFFFC, s22  }
0x74: {  	[tilespmem:s24], [sflag:$0x1] =	stream.linear.gather [hbm4b:s15+s5], $0x20, $0x38;
	(v2sf) =	vpush v36, $0xC;
	[tilespmem:$0x14680] =	vst v63  }
0x75: {  	s9 =	sand.u32 $0x70, s9;
	s10 =	sshrl.u32 s10, $0x2;
	s15 =	spop (v2sf)  }
0x76: {  	[tilespmem:s25], [sflag:$0x1] =	stream.linear.gather [hbm4b:s1+s5], $0x20, $0x38;
	(v2sf) =	vpush v36, $0xD;
	[tilespmem:$0x14680] =	vst v63  }
0x77: {  	s1 =	sadd.s32 s2, s21;
	s15 =	sand.u32 $0x1FFFFFFC, s15;
	s21 =	spop (v2sf)  }
0x78: {  	[tilespmem:s23], [sflag:$0x1] =	stream.linear.gather [hbm4b:s1+s5], $0x20, $0x38;
	(v2sf) =	vpush v36, $0xE;
	[tilespmem:$0x14680] =	vst v63  }
0x79: {  	s1 =	sadd.s32 s2, s15;
	s15 =	sand.u32 $0x1FFFFFFC, s21;
	s21 =	spop (v2sf)  }
0x7a: {  	[tilespmem:s19], [sflag:$0x1] =	stream.linear.gather [hbm4b:s1+s5], $0x20, $0x38;
	(v2sf) =	vpush v36, $0xF;
	[tilespmem:$0x14680] =	vst v63  }
0x7b: {  	s1 =	sadd.s32 s2, s15;
	s15 =	sand.u32 $0x1FFFFFFC, s21;
	s19 =	spop (v2sf)  }
0x7c: {  	[tilespmem:s20], [sflag:$0x1] =	stream.linear.gather [hbm4b:s1+s5], $0x20, $0x38;
	[tilespmem:$0x14680] =	vst v63  }
0x7d: {  	s1 =	sadd.s32 s2, s15;
	s15 =	sand.u32 $0x1FFFFFFC, s19;
	s19 =	spop (v2sf)  }
0x7e: {  	[tilespmem:s17], [sflag:$0x1] =	stream.linear.gather [hbm4b:s1+s5], $0x20, $0x38;
	[tilespmem:$0x14680] =	vst v63  }
0x7f: {  	s1 =	sadd.s32 s2, s15;
	s15 =	sand.u32 $0x1FFFFFFC, s19;
	s17 =	spop (v2sf)  }
0x80: {  	[tilespmem:s16], [sflag:$0x1] =	stream.linear.gather [hbm4b:s1+s5], $0x20, $0x38;
	[tilespmem:$0x14680] =	vst v63  }
0x81: {  	s1 =	sadd.s32 s2, s15;
	s15 =	sand.u32 $0x1FFFFFFC, s17;
	s16 =	spop (v2sf)  }
0x82: {  	[tilespmem:s18], [sflag:$0x1] =	stream.linear.gather [hbm4b:s1+s5], $0x20, $0x38;
	[tilespmem:$0x14680] =	vst v63  }
0x83: {  	s1 =	sadd.s32 s2, s15;
	s15 =	sand.u32 $0x1FFFFFFC, s16;
	s16 =	spop (v2sf)  }
0x84: {  	[tilespmem:s12], [sflag:$0x1] =	stream.linear.gather [hbm4b:s1+s5], $0x20, $0x38;
	[tilespmem:$0x14680] =	vst v63  }
0x85: {  	s1 =	sadd.s32 s2, s15;
	s12 =	sand.u32 $0x1FFFFFFC, s16;
	s15 =	spop (v2sf)  }
0x86: {  	[tilespmem:s4], [sflag:$0x1] =	stream.linear.gather [hbm4b:s1+s5], $0x20, $0x38;
	[tilespmem:$0x14680] =	vst v63  }
0x87: {  	s1 =	sadd.s32 s2, s12;
	s4 =	sand.u32 $0x1FFFFFFC, s15;
	s12 =	spop (v2sf)  }
0x88: {  	[tilespmem:s3], [sflag:$0x1] =	stream.linear.gather [hbm4b:s1+s5], $0x20, $0x38;
	[tilespmem:$0x14680] =	vst v63  }
0x89: {  	s1 =	sadd.s32 s2, s4;
	s3 =	sand.u32 $0x1FFFFFFC, s12;
	s4 =	spop (v2sf)  }
0x8a: {  	[tilespmem:s14], [sflag:$0x1] =	stream.linear.gather [hbm4b:s1+s5], $0x20, $0x38;
	[tilespmem:$0x14680] =	vst v63  }
0x8b: {  	s3 =	sadd.s32 s2, s3;
	s1 =	sadd.s32 $0x5C0, s8;
	s4 =	sand.u32 $0x1FFFFFFC, s4  }
0x8c: {  	[tilespmem:s1], [sflag:$0x1] =	stream.linear.gather [hbm4b:s3+s5], $0x20, $0x38;
	[tilespmem:$0x14680] =	vst v63  }
0x8d: {  	s1 =	sor.u32 s9, s10;
	s3 =	sadd.s32 s2, s4;
	s4 =	simm.s32 @!p1 $0x1  }
0x8e: {  	[tilespmem:s11], [sflag:$0x1] =	stream.linear.gather [hbm4b:s3+s5], $0x20, $0x38;
	[tilespmem:$0x14680] =	vst v63  }
0x8f: {  	s6 =	sadd.s32 $0x1, s6;
	s9 =	smov.u32 s0;
	_ =	swait.ge @!p1 [sflag:s4], $0x200  }
0x90: {  	[sflag:s4] =	ssyncset.done @!p1 $0x0  }
0x91: {  	[sflag:s4] =	ssyncadd.s32 @!p1 $0xFFFFFE00  }
0x92: {  	v36 =	vld [tilespmem:s1+$0x200];
	_ =	sdelay $0x4  }
0x93: {  	v36 =	vshll.u32 v36, $0x2  }
0x94: {  	(v2sf) =	vpush v36, $0x1  }
.Ltmp0:
0x95: {  	(v2sf) =	vpush v36, $0x0;
	(pc) =	sbr.rel @p0 .LBB2_2-.Ltmp0, $4  }
0x96: {  	(v2sf) =	vpush v36, $0x3  }
0x97: {  	(v2sf) =	vpush v36, $0x2  }
0x98: {  	s29 =	sadd.s32 $0x40, s29  }
0x99: {  	s8 =	sshra.s32 s30, $0x2;
	s10 =	sand.u32 $0x600, s29;
	s0 =	sadd.s32 $0x10, s0;
	(v2sf) =	vpush v36, $0x4  }
0x9a: {  	_ =	sdelay $0x8  }
0x9b: {  	s0 =	spop (v2sf)  }
0x9c: {  	s1 =	spop (v2sf);
	(v2sf) =	vpush v36, $0x5;
	_ =	sdelay $0x1  }
0x9d: {  	s21 =	spop (v2sf);
	(v2sf) =	vpush v36, $0x6;
	_ =	sdelay $0x1  }
0x9e: {  	(v2sf) =	vpush v36, $0x7  }
0x9f: {  	s3 =	sadd.s32 $0x400, s8;
	s1 =	sand.u32 $0x1FFFFFFC, s1  }
0xa0: {  	s0 =	sand.u32 $0x1FFFFFFC, s0;
	s1 =	sadd.s32 s2, s1;
	s22 =	spop (v2sf)  }
0xa1: {  	[tilespmem:s3], [sflag:$0x1] =	stream.linear.gather [hbm4b:s1+s5], $0x20, $0x38;
	[tilespmem:$0x14680] =	vst v63  }
0xa2: {  	s20 =	sadd.s32 $0x420, s8;
	s0 =	sadd.s32 s2, s0;
	s26 =	spop (v2sf)  }
0xa3: {  	(v2sf) =	vpush v36, $0x8;
	[tilespmem:s20], [sflag:$0x1] =	stream.linear.gather [hbm4b:s0+s5], $0x20, $0x38;
	[tilespmem:$0x14680] =	vst v63  }
0xa4: {  	s0 =	sand.u32 $0x1FFFFFFC, s22  }
0xa5: {  	s23 =	sadd.s32 $0x440, s8;
	s24 =	sand.u32 $0x1FFFFFFC, s21;
	s0 =	sadd.s32 s2, s0  }
0xa6: {  	[tilespmem:s23], [sflag:$0x1] =	stream.linear.gather [hbm4b:s0+s5], $0x20, $0x38;
	[tilespmem:$0x14680] =	vst v63  }
0xa7: {  	s25 =	sadd.s32 $0x460, s8;
	s0 =	sadd.s32 s2, s24  }
0xa8: {  	[tilespmem:s25], [sflag:$0x1] =	stream.linear.gather [hbm4b:s0+s5], $0x20, $0x38;
	[tilespmem:$0x14680] =	vst v63  }
0xa9: {  	s3 =	spop (v2sf);
	(v2sf) =	vpush v36, $0x9  }
0xaa: {  	s0 =	sand.u32 $0x1FFFFFFC, s26  }
0xab: {  	s30 =	sadd.s32 $0x480, s8;
	s0 =	sadd.s32 s2, s0;
	s11 =	spop (v2sf);
	(v2sf) =	vpush v36, $0xA  }
0xac: {  	[tilespmem:s30], [sflag:$0x1] =	stream.linear.gather [hbm4b:s0+s5], $0x20, $0x38;
	[tilespmem:$0x14680] =	vst v63  }
0xad: {  	s14 =	spop (v2sf);
	(v2sf) =	vpush v36, $0xB  }
0xae: {  	s0 =	sand.u32 $0x1FFFFFFC, s3  }
0xaf: {  	s4 =	sadd.s32 $0x4A0, s8;
	s0 =	sadd.s32 s2, s0  }
0xb0: {  	[tilespmem:s4], [sflag:$0x1] =	stream.linear.gather [hbm4b:s0+s5], $0x20, $0x38;
	[tilespmem:$0x14680] =	vst v63  }
0xb1: {  	s0 =	sand.u32 $0x1FFFFFFC, s11  }
0xb2: {  	s12 =	sadd.s32 $0x4C0, s8;
	s0 =	sadd.s32 s2, s0;
	s16 =	spop (v2sf)  }
0xb3: {  	(v2sf) =	vpush v36, $0xC;
	[tilespmem:s12], [sflag:$0x1] =	stream.linear.gather [hbm4b:s0+s5], $0x20, $0x38;
	[tilespmem:$0x14680] =	vst v63  }
0xb4: {  	s0 =	sand.u32 $0x1FFFFFFC, s14  }
0xb5: {  	s15 =	sadd.s32 $0x4E0, s8;
	s0 =	sadd.s32 s2, s0  }
0xb6: {  	[tilespmem:s15], [sflag:$0x1] =	stream.linear.gather [hbm4b:s0+s5], $0x20, $0x38;
	[tilespmem:$0x14680] =	vst v63  }
0xb7: {  	s0 =	sand.u32 $0x1FFFFFFC, s16  }
0xb8: {  	s17 =	sadd.s32 $0x500, s8;
	s0 =	sadd.s32 s2, s0;
	s18 =	spop (v2sf);
	(v2sf) =	vpush v36, $0xD  }
0xb9: {  	[tilespmem:s17], [sflag:$0x1] =	stream.linear.gather [hbm4b:s0+s5], $0x20, $0x38;
	[tilespmem:$0x14680] =	vst v63  }
0xba: {  	s20 =	spop (v2sf);
	(v2sf) =	vpush v36, $0xE  }
0xbb: {  	s0 =	sand.u32 $0x1FFFFFFC, s18  }
0xbc: {  	s19 =	sadd.s32 $0x520, s8;
	s0 =	sadd.s32 s2, s0;
	s22 =	spop (v2sf)  }
0xbd: {  	(v2sf) =	vpush v36, $0xF;
	[tilespmem:s19], [sflag:$0x1] =	stream.linear.gather [hbm4b:s0+s5], $0x20, $0x38;
	[tilespmem:$0x14680] =	vst v63  }
0xbe: {  	s0 =	sand.u32 $0x1FFFFFFC, s20  }
0xbf: {  	s21 =	sadd.s32 $0x540, s8;
	s0 =	sadd.s32 s2, s0  }
0xc0: {  	[tilespmem:s21], [sflag:$0x1] =	stream.linear.gather [hbm4b:s0+s5], $0x20, $0x38;
	[tilespmem:$0x14680] =	vst v63  }
0xc1: {  	s0 =	sand.u32 $0x1FFFFFFC, s22  }
0xc2: {  	s23 =	sadd.s32 $0x560, s8;
	s24 =	spop (v2sf);
	s0 =	sadd.s32 s2, s0  }
0xc3: {  	[tilespmem:s23], [sflag:$0x1] =	stream.linear.gather [hbm4b:s0+s5], $0x20, $0x38;
	[tilespmem:$0x14680] =	vst v63  }
0xc4: {  	s0 =	sand.u32 $0x1FFFFFFC, s24  }
0xc5: {  	s25 =	sadd.s32 $0x580, s8;
	s0 =	sadd.s32 s2, s0  }
0xc6: {  	[tilespmem:s25], [sflag:$0x1] =	stream.linear.gather [hbm4b:s0+s5], $0x20, $0x38;
	[tilespmem:$0x14680] =	vst v63  }
0xc7: {  	s26 =	spop (v2sf)  }
0xc8: {  	s0 =	sand.u32 $0x1FFFFFFC, s26  }
0xc9: {  	s30 =	sadd.s32 $0x5A0, s8;
	s3 =	spop (v2sf);
	s0 =	sadd.s32 s2, s0  }
0xca: {  	[tilespmem:s30], [sflag:$0x1] =	stream.linear.gather [hbm4b:s0+s5], $0x20, $0x38;
	[tilespmem:$0x14680] =	vst v63  }
0xcb: {  	s0 =	sand.u32 $0x1FFFFFFC, s3  }
0xcc: {  	s4 =	sadd.s32 $0x5C0, s8;
	s11 =	spop (v2sf);
	s0 =	sadd.s32 s2, s0  }
0xcd: {  	[tilespmem:s4], [sflag:$0x1] =	stream.linear.gather [hbm4b:s0+s5], $0x20, $0x38;
	[tilespmem:$0x14680] =	vst v63  }
0xce: {  	s0 =	sand.u32 $0x1FFFFFFC, s11  }
0xcf: {  	p0 =	slt.u32 s6, $0x4;
	s12 =	sadd.s32 $0x5E0, s8;
	s0 =	sadd.s32 s2, s0  }
0xd0: {  	[tilespmem:s12], [sflag:$0x1] =	stream.linear.gather [hbm4b:s0+s5], $0x20, $0x38;
	[tilespmem:$0x14680] =	vst v63  }
0xd1: {  	s0 =	simm.s32 @!p0 $0x1  }
0xd2: {  	_ =	swait.ge @!p0 [sflag:s0], $0x200  }
0xd3: {  	s14 =	sand.u32 $0x70, s9;
	s15 =	sshrl.u32 s10, $0x2;
	[sflag:s0] =	ssyncset.done @!p0 $0x0  }
0xd4: {  	s1 =	sor.u32 s14, s15;
	[sflag:s0] =	ssyncadd.s32 @!p0 $0xFFFFFE00  }
0xd5: {  	v63 =	vld [tilespmem:s1+$0x200];
	_ =	sdelay $0x4  }
0xd6: {  	v36 =	vshll.u32 v63, $0x2  }
0xd7: {  	(v2sf) =	vpush v36, $0x1;
	_ =	sdelay $0x1  }
0xd8: {  	(v2sf) =	vpush v36, $0x0;
	_ =	sdelay $0x1  }
0xd9: {  	(v2sf) =	vpush v36, $0x3;
	_ =	sdelay $0x3  }
0xda: {  	(v2sf) =	vpush v36, $0x2;
	_ =	sdelay $0x4  }
0xdb: {  	(v2sf) =	vpush v36, $0x4;
	_ =	sdelay $0x1  }
0xdc: {  	s16 =	spop (v2sf);
	(v2sf) =	vpush v36, $0x5;
	_ =	sdelay $0x1  }
0xdd: {  	s17 =	spop (v2sf);
	(v2sf) =	vpush v36, $0x6;
	_ =	sdelay $0x1  }
0xde: {  	s19 =	spop (v2sf);
	(v2sf) =	vpush v36, $0x7  }
0xdf: {  	s0 =	sshra.s32 s7, $0x2;
	s3 =	sand.u32 $0x1FFFFFFC, s17  }
0xe0: {  	s4 =	sadd.s32 $0x400, s0;
	s1 =	sand.u32 $0x1FFFFFFC, s16;
	s3 =	sadd.s32 s2, s3  }
0xe1: {  	[tilespmem:s4], [sflag:$0x1] =	stream.linear.gather [hbm4b:s3+s5], $0x20, $0x38;
	[tilespmem:$0x14680] =	vst v63  }
0xe2: {  	s18 =	sadd.s32 $0x420, s0;
	s1 =	sadd.s32 s2, s1;
	s20 =	spop (v2sf)  }
0xe3: {  	(v2sf) =	vpush v36, $0x8;
	[tilespmem:s18], [sflag:$0x1] =	stream.linear.gather [hbm4b:s1+s5], $0x20, $0x38;
	[tilespmem:$0x14680] =	vst v63  }
0xe4: {  	s1 =	sand.u32 $0x1FFFFFFC, s20  }
0xe5: {  	s21 =	sadd.s32 $0x440, s0;
	s22 =	sand.u32 $0x1FFFFFFC, s19;
	s1 =	sadd.s32 s2, s1  }
0xe6: {  	[tilespmem:s21], [sflag:$0x1] =	stream.linear.gather [hbm4b:s1+s5], $0x20, $0x38;
	[tilespmem:$0x14680] =	vst v63  }
0xe7: {  	s23 =	sadd.s32 $0x460, s0;
	s24 =	spop (v2sf);
	s1 =	sadd.s32 s2, s22  }
0xe8: {  	[tilespmem:s23], [sflag:$0x1] =	stream.linear.gather [hbm4b:s1+s5], $0x20, $0x38;
	[tilespmem:$0x14680] =	vst v63  }
0xe9: {  	s26 =	spop (v2sf);
	(v2sf) =	vpush v36, $0x9  }
0xea: {  	s1 =	sand.u32 $0x1FFFFFFC, s24  }
0xeb: {  	s25 =	sadd.s32 $0x480, s0;
	s1 =	sadd.s32 s2, s1;
	s3 =	spop (v2sf);
	(v2sf) =	vpush v36, $0xA  }
0xec: {  	[tilespmem:s25], [sflag:$0x1] =	stream.linear.gather [hbm4b:s1+s5], $0x20, $0x38;
	[tilespmem:$0x14680] =	vst v63  }
0xed: {  	s7 =	spop (v2sf);
	(v2sf) =	vpush v36, $0xB  }
0xee: {  	s1 =	sand.u32 $0x1FFFFFFC, s26  }
0xef: {  	s30 =	sadd.s32 $0x4A0, s0;
	s1 =	sadd.s32 s2, s1  }
0xf0: {  	[tilespmem:s30], [sflag:$0x1] =	stream.linear.gather [hbm4b:s1+s5], $0x20, $0x38;
	[tilespmem:$0x14680] =	vst v63  }
0xf1: {  	s1 =	sand.u32 $0x1FFFFFFC, s3  }
0xf2: {  	s4 =	sadd.s32 $0x4C0, s0;
	s9 =	spop (v2sf);
	s1 =	sadd.s32 s2, s1  }
0xf3: {  	(v2sf) =	vpush v36, $0xC;
	[tilespmem:s4], [sflag:$0x1] =	stream.linear.gather [hbm4b:s1+s5], $0x20, $0x38;
	[tilespmem:$0x14680] =	vst v63  }
0xf4: {  	s1 =	sand.u32 $0x1FFFFFFC, s7  }
0xf5: {  	s8 =	sadd.s32 $0x4E0, s0;
	s1 =	sadd.s32 s2, s1  }
0xf6: {  	[tilespmem:s8], [sflag:$0x1] =	stream.linear.gather [hbm4b:s1+s5], $0x20, $0x38;
	[tilespmem:$0x14680] =	vst v63  }
0xf7: {  	s1 =	sand.u32 $0x1FFFFFFC, s9  }
0xf8: {  	s10 =	sadd.s32 $0x500, s0;
	s1 =	sadd.s32 s2, s1;
	s11 =	spop (v2sf);
	(v2sf) =	vpush v36, $0xD  }
0xf9: {  	[tilespmem:s10], [sflag:$0x1] =	stream.linear.gather [hbm4b:s1+s5], $0x20, $0x38;
	[tilespmem:$0x14680] =	vst v63  }
0xfa: {  	s14 =	spop (v2sf);
	(v2sf) =	vpush v36, $0xE  }
0xfb: {  	s1 =	sand.u32 $0x1FFFFFFC, s11  }
0xfc: {  	s12 =	sadd.s32 $0x520, s0;
	s1 =	sadd.s32 s2, s1;
	s16 =	spop (v2sf);
	(v2sf) =	vpush v36, $0xF  }
0xfd: {  	[tilespmem:s12], [sflag:$0x1] =	stream.linear.gather [hbm4b:s1+s5], $0x20, $0x38;
	[tilespmem:$0x14680] =	vst v63  }
0xfe: {  	s1 =	sand.u32 $0x1FFFFFFC, s14  }
0xff: {  	s15 =	sadd.s32 $0x540, s0;
	s1 =	sadd.s32 s2, s1  }
0x100: {  	[tilespmem:s15], [sflag:$0x1] =	stream.linear.gather [hbm4b:s1+s5], $0x20, $0x38;
	[tilespmem:$0x14680] =	vst v63  }
0x101: {  	s31 =	simm.s32 $0x40;
	s1 =	sand.u32 $0x1FFFFFFC, s16  }
0x102: {  	s17 =	sadd.s32 $0x560, s0;
	s18 =	spop (v2sf);
	s1 =	sadd.s32 s2, s1  }
0x103: {  	[tilespmem:s17], [sflag:$0x1] =	stream.linear.gather [hbm4b:s1+s5], $0x20, $0x38;
	[tilespmem:$0x14680] =	vst v63  }
0x104: {  	s29 =	simm.s32 $0x10;
	s28 =	simm.s32 $0x11;
	s1 =	sand.u32 $0x1FFFFFFC, s18  }
0x105: {  	s19 =	sadd.s32 $0x580, s0;
	s21 =	sadd.s32 $0x5A0, s0;
	s1 =	sadd.s32 s2, s1  }
0x106: {  	[tilespmem:s19], [sflag:$0x1] =	stream.linear.gather [hbm4b:s1+s5], $0x20, $0x38;
	[tilespmem:$0x14680] =	vst v63  }
0x107: {  	s23 =	sadd.s32 $0x5C0, s0;
	s24 =	sadd.s32 $0x1, s6;
	s20 =	spop (v2sf)  }
0x108: {  	s0 =	sadd.s32 $0x5E0, s0;
	s6 =	simm.s32 $0x500;
	s1 =	sand.u32 $0x1FFFFFFC, s20  }
0x109: {  	p0 =	slt.u32 s24, $0x4;
	s22 =	spop (v2sf);
	s1 =	sadd.s32 s2, s1  }
0x10a: {  	[tilespmem:s21], [sflag:$0x1] =	stream.linear.gather [hbm4b:s1+s5], $0x20, $0x38;
	[tilespmem:$0x14680] =	vst v63  }
0x10b: {  	s24 =	simm.s32 $0xE;
	s25 =	spop (v2sf);
	s1 =	sand.u32 $0x1FFFFFFC, s22  }
0x10c: {  	s3 =	simm.s32 @!p0 $0x1;
	s26 =	sand.u32 $0x1FFFFFFC, s25;
	s1 =	sadd.s32 s2, s1  }
0x10d: {  	[tilespmem:s23], [sflag:$0x1] =	stream.linear.gather [hbm4b:s1+s5], $0x20, $0x38;
	[tilespmem:$0x14680] =	vst v63  }
0x10e: {  	s30 =	simm.s32 $0x1;
	s4 =	simm.s32 $0x2;
	s1 =	sadd.s32 s2, s26  }
0x10f: {  	[tilespmem:s0], [sflag:$0x1] =	stream.linear.gather [hbm4b:s1+s5], $0x20, $0x38;
	[tilespmem:$0x14680] =	vst v63  }
0x110: {  	s11 =	simm.s32 $0x4400;
	s12 =	simm.s32 $0x3;
	_ =	swait.ge @!p0 [sflag:s3], $0x200  }
0x111: {  	s14 =	simm.s32 $0x4;
	s15 =	simm.s32 $0x5;
	[sflag:s3] =	ssyncset.done @!p0 $0x0  }
0x112: {  	s16 =	simm.s32 $0x6;
	s17 =	simm.s32 $0x7;
	[sflag:s3] =	ssyncadd.s32 @!p0 $0xFFFFFE00  }
0x113: {  	s18 =	simm.s32 $0x8;
	s19 =	simm.s32 $0x9;
	_ =	swait.ge [sflag:s30], $0x800  }
0x114: {  	s20 =	simm.s32 $0xA;
	s21 =	simm.s32 $0xB;
	[sflag:s30] =	ssyncset.done $0x0  }
0x115: {  	s22 =	simm.s32 $0xC;
	s25 =	simm.s32 $0xF;
	[sflag:s30] =	ssyncadd.s32 $0xFFFFF800  }
0x116: {  	s23 =	simm.s32 $0xD;
	s26 =	simm.s32 $0x10;
	s10 =	rddreg [dreg:$0x2]  }
.LBB2_4:
0x117: {  	s0 =	sadd.s32 $0xFFFFFFC0, s31  }
0x118: {  	s1 =	sadd.s32 $0xFFFFFFF0, s29;
	s0 =	sand.u32 $0x600, s0  }
0x119: {  	s1 =	sand.u32 $0x70, s1;
	s0 =	sshrl.u32 s0, $0x2  }
0x11a: {  	s0 =	sor.u32 s1, s0  }
0x11b: {  	v36 =	vld [tilespmem:s0+$0x0];
	_ =	sdelay $0x4  }
0x11c: {  	(v2sf) =	vpush v36, $0x0;
	_ =	sdelay $0xe  }
0x11d: {  	s9 =	spop (v2sf)  }
0x11e: {  	s0 =	sand.u32 $0x7F, s9  }
0x11f: {  	v37 =	vor.u32 s0, v0  }
0x120: {  	v38 =	vor.u32 s0, v1  }
0x121: {  	_ =	swait.ge [sflag:s4], $0x1000  }
0x122: {  	[sflag:s4] =	ssyncset.done $0x0  }
0x123: {  	[sflag:s4] =	ssyncadd.s32 $0xFFFFF000  }
0x124: {  	v37 =	vld.idx.msk [tilespmem:v37+s11+$0x0], $0xffff  }
0x125: {  	v38 =	vld.idx.msk [tilespmem:v38+s11+$0x0], $0xffff  }
0x126: {  	v39 =	vld [tilespmem:s6+$0xFFFFFF00]  }
0x127: {  	v40 =	vld [tilespmem:s6+$0xFFFFFF10];
	_ =	sdelay $0x2  }
0x128: {  	v37 =	vmul.f32 v37, v34;
	v38 =	vmul.f32 v38, v35;
	_ =	sdelay $0x1  }
0x129: {  	v37 =	vmul.f32 v39, v37;
	v38 =	vmul.f32 v40, v38;
	_ =	sdelay $0x1  }
0x12a: {  	v37 =	vadd.f32 v38, v37;
	_ =	sdelay $0x1  }
0x12b: {  	(xrf2) =	vadd.scan.msk.f32 $0xffff, v37;
	_ =	sdelay $0x7  }
0x12c: {  	p0 =	seq.s32 s31, $0x800  }
0x12d: {  	s0 =	sand.u32 @!p0 $0xE00, s31  }
0x12e: {  	s1 =	sand.u32 @!p0 $0x70, s29;
	s0 =	sshrl.u32 @!p0 s0, $0x2;
	v37, _, _ =	vpop (xrf2)  }
0x12f: {  	s7 =	sor.u32 @!p0 s1, s0;
	[tilespmem:s6+$0xFFFFFF00] =	vst v37  }
0x130: {  	v37 =	vld @!p0 [tilespmem:s7+$0x0];
	_ =	sdelay $0x4  }
0x131: {  	(v2sf) =	vpush @!p0 v37, $0x0  }
0x132: {  	(v2sf) =	vpush v36, $0x1;
	_ =	sdelay $0xd  }
0x133: {  	s0 =	spop @!p0 (v2sf)  }
0x134: {  	s30 =	spop (v2sf)  }
0x135: {  	s8 =	simm.s32 @!p0 $0x400;
	s0 =	sand.u32 @!p0 $0xFFFFF80, s0;
	s1 =	sand.u32 $0x7F, s30  }
0x136: {  	s3 =	simm.s32 @!p0 $0x4400;
	s9 =	simm.s32 @!p0 $0x7A1400;
	s0 =	sadd.s32 @!p0 s10, s0;
	v44 =	vor.u32 s1, v2  }
0x137: {  	[tilespmem:s3], [sflag:$0x2] =	stream.strided.gather @!p0 [hbm4b:s0+s8], $0x1000, s9, s8, $0x38;
	v45 =	vor.u32 s1, v3;
	[tilespmem:$0x14680] =	vst v63  }
0x138: {  	_ =	swait.ge [sflag:s12], $0x1000  }
0x139: {  	[sflag:s12] =	ssyncset.done $0x0  }
0x13a: {  	[sflag:s12] =	ssyncadd.s32 $0xFFFFF000  }
0x13b: {  	v37 =	vld.idx.msk [tilespmem:v44+s11+$0x0], $0xffff  }
0x13c: {  	v38 =	vld.idx.msk [tilespmem:v45+s11+$0x0], $0xffff  }
0x13d: {  	v46 =	vld [tilespmem:s6+$0xFFFFFF20]  }
0x13e: {  	v47 =	vld [tilespmem:s6+$0xFFFFFF30];
	_ =	sdelay $0x2  }
0x13f: {  	v37 =	vmul.f32 v37, v34;
	v38 =	vmul.f32 v38, v35;
	_ =	sdelay $0x1  }
0x140: {  	v37 =	vmul.f32 v46, v37;
	v38 =	vmul.f32 v47, v38;
	_ =	sdelay $0x1  }
0x141: {  	v37 =	vadd.f32 v38, v37;
	_ =	sdelay $0x1  }
0x142: {  	(xrf2) =	vadd.scan.msk.f32 $0xffff, v37;
	_ =	sdelay $0x9  }
0x143: {  	v37, _, _ =	vpop (xrf2)  }
0x144: {  	[tilespmem:s6+$0xFFFFFF20] =	vst v37  }
0x145: {  	v37 =	vld @!p0 [tilespmem:s7+$0x0];
	_ =	sdelay $0x4  }
0x146: {  	(v2sf) =	vpush @!p0 v37, $0x1  }
0x147: {  	(v2sf) =	vpush v36, $0x2;
	_ =	sdelay $0xd  }
0x148: {  	s0 =	spop @!p0 (v2sf)  }
0x149: {  	s3 =	spop (v2sf)  }
0x14a: {  	s0 =	sand.u32 @!p0 $0xFFFFF80, s0;
	s1 =	sand.u32 $0x7F, s3  }
0x14b: {  	s0 =	sadd.s32 @!p0 s10, s0;
	s3 =	simm.s32 @!p0 $0x5400;
	v48 =	vor.u32 s1, v4  }
0x14c: {  	[tilespmem:s3], [sflag:$0x3] =	stream.strided.gather @!p0 [hbm4b:s0+s8], $0x1000, s9, s8, $0x38;
	v49 =	vor.u32 s1, v5;
	[tilespmem:$0x14680] =	vst v63  }
0x14d: {  	_ =	swait.ge [sflag:s14], $0x1000  }
0x14e: {  	[sflag:s14] =	ssyncset.done $0x0  }
0x14f: {  	[sflag:s14] =	ssyncadd.s32 $0xFFFFF000  }
0x150: {  	v37 =	vld.idx.msk [tilespmem:v48+s11+$0x0], $0xffff  }
0x151: {  	v38 =	vld.idx.msk [tilespmem:v49+s11+$0x0], $0xffff  }
0x152: {  	v50 =	vld [tilespmem:s6+$0xFFFFFF40]  }
0x153: {  	v51 =	vld [tilespmem:s6+$0xFFFFFF50];
	_ =	sdelay $0x2  }
0x154: {  	v37 =	vmul.f32 v37, v34;
	v38 =	vmul.f32 v38, v35;
	_ =	sdelay $0x1  }
0x155: {  	v37 =	vmul.f32 v50, v37;
	v38 =	vmul.f32 v51, v38;
	_ =	sdelay $0x1  }
0x156: {  	v37 =	vadd.f32 v38, v37;
	_ =	sdelay $0x1  }
0x157: {  	(xrf2) =	vadd.scan.msk.f32 $0xffff, v37;
	_ =	sdelay $0x9  }
0x158: {  	v37, _, _ =	vpop (xrf2)  }
0x159: {  	[tilespmem:s6+$0xFFFFFF40] =	vst v37  }
0x15a: {  	v37 =	vld @!p0 [tilespmem:s7+$0x0];
	_ =	sdelay $0x4  }
0x15b: {  	(v2sf) =	vpush @!p0 v37, $0x2  }
0x15c: {  	(v2sf) =	vpush v36, $0x3;
	_ =	sdelay $0xd  }
0x15d: {  	s0 =	spop @!p0 (v2sf)  }
0x15e: {  	s30 =	spop (v2sf)  }
0x15f: {  	s0 =	sand.u32 @!p0 $0xFFFFF80, s0;
	s1 =	sand.u32 $0x7F, s30  }
0x160: {  	s3 =	simm.s32 @!p0 $0x6400;
	s0 =	sadd.s32 @!p0 s10, s0;
	v52 =	vor.u32 s1, v6  }
0x161: {  	[tilespmem:s3], [sflag:$0x4] =	stream.strided.gather @!p0 [hbm4b:s0+s8], $0x1000, s9, s8, $0x38;
	v53 =	vor.u32 s1, v7;
	[tilespmem:$0x14680] =	vst v63  }
0x162: {  	_ =	swait.ge [sflag:s15], $0x1000  }
0x163: {  	[sflag:s15] =	ssyncset.done $0x0  }
0x164: {  	[sflag:s15] =	ssyncadd.s32 $0xFFFFF000  }
0x165: {  	v37 =	vld.idx.msk [tilespmem:v52+s11+$0x0], $0xffff  }
0x166: {  	v38 =	vld.idx.msk [tilespmem:v53+s11+$0x0], $0xffff  }
0x167: {  	v54 =	vld [tilespmem:s6+$0xFFFFFF60]  }
0x168: {  	v55 =	vld [tilespmem:s6+$0xFFFFFF70];
	_ =	sdelay $0x2  }
0x169: {  	v37 =	vmul.f32 v37, v34;
	v38 =	vmul.f32 v38, v35;
	_ =	sdelay $0x1  }
0x16a: {  	v37 =	vmul.f32 v54, v37;
	v38 =	vmul.f32 v55, v38;
	_ =	sdelay $0x1  }
0x16b: {  	v37 =	vadd.f32 v38, v37;
	_ =	sdelay $0x1  }
0x16c: {  	(xrf2) =	vadd.scan.msk.f32 $0xffff, v37;
	_ =	sdelay $0x9  }
0x16d: {  	v37, _, _ =	vpop (xrf2)  }
0x16e: {  	[tilespmem:s6+$0xFFFFFF60] =	vst v37  }
0x16f: {  	v37 =	vld @!p0 [tilespmem:s7+$0x0];
	_ =	sdelay $0x4  }
0x170: {  	(v2sf) =	vpush @!p0 v37, $0x3  }
0x171: {  	(v2sf) =	vpush v36, $0x4;
	_ =	sdelay $0xd  }
0x172: {  	s0 =	spop @!p0 (v2sf)  }
0x173: {  	s3 =	spop (v2sf)  }
0x174: {  	s0 =	sand.u32 @!p0 $0xFFFFF80, s0;
	s1 =	sand.u32 $0x7F, s3  }
0x175: {  	s0 =	sadd.s32 @!p0 s10, s0;
	s3 =	simm.s32 @!p0 $0x7400;
	v56 =	vor.u32 s1, v8  }
0x176: {  	[tilespmem:s3], [sflag:$0x5] =	stream.strided.gather @!p0 [hbm4b:s0+s8], $0x1000, s9, s8, $0x38;
	v57 =	vor.u32 s1, v9;
	[tilespmem:$0x14680] =	vst v63  }
0x177: {  	_ =	swait.ge [sflag:s16], $0x1000  }
0x178: {  	[sflag:s16] =	ssyncset.done $0x0  }
0x179: {  	[sflag:s16] =	ssyncadd.s32 $0xFFFFF000  }
0x17a: {  	v37 =	vld.idx.msk [tilespmem:v56+s11+$0x0], $0xffff  }
0x17b: {  	v38 =	vld.idx.msk [tilespmem:v57+s11+$0x0], $0xffff  }
0x17c: {  	v58 =	vld [tilespmem:s6+$0xFFFFFF80]  }
0x17d: {  	v59 =	vld [tilespmem:s6+$0xFFFFFF90];
	_ =	sdelay $0x2  }
0x17e: {  	v37 =	vmul.f32 v37, v34;
	v38 =	vmul.f32 v38, v35;
	_ =	sdelay $0x1  }
0x17f: {  	v37 =	vmul.f32 v58, v37;
	v38 =	vmul.f32 v59, v38;
	_ =	sdelay $0x1  }
0x180: {  	v37 =	vadd.f32 v38, v37;
	_ =	sdelay $0x1  }
0x181: {  	(xrf2) =	vadd.scan.msk.f32 $0xffff, v37;
	_ =	sdelay $0x9  }
0x182: {  	v37, _, _ =	vpop (xrf2)  }
0x183: {  	[tilespmem:s6+$0xFFFFFF80] =	vst v37  }
0x184: {  	v37 =	vld @!p0 [tilespmem:s7+$0x0];
	_ =	sdelay $0x4  }
0x185: {  	(v2sf) =	vpush @!p0 v37, $0x4  }
0x186: {  	(v2sf) =	vpush v36, $0x5;
	_ =	sdelay $0xd  }
0x187: {  	s0 =	spop @!p0 (v2sf)  }
0x188: {  	s30 =	spop (v2sf)  }
0x189: {  	s0 =	sand.u32 @!p0 $0xFFFFF80, s0;
	s1 =	sand.u32 $0x7F, s30  }
0x18a: {  	s3 =	simm.s32 @!p0 $0x8400;
	s0 =	sadd.s32 @!p0 s10, s0;
	v60 =	vor.u32 s1, v10  }
0x18b: {  	[tilespmem:s3], [sflag:$0x6] =	stream.strided.gather @!p0 [hbm4b:s0+s8], $0x1000, s9, s8, $0x38;
	v61 =	vor.u32 s1, v11;
	[tilespmem:$0x14680] =	vst v63  }
0x18c: {  	_ =	swait.ge [sflag:s17], $0x1000  }
0x18d: {  	[sflag:s17] =	ssyncset.done $0x0  }
0x18e: {  	[sflag:s17] =	ssyncadd.s32 $0xFFFFF000  }
0x18f: {  	v37 =	vld.idx.msk [tilespmem:v60+s11+$0x0], $0xffff  }
0x190: {  	v38 =	vld.idx.msk [tilespmem:v61+s11+$0x0], $0xffff  }
0x191: {  	v62 =	vld [tilespmem:s6+$0xFFFFFFA0]  }
0x192: {  	v63 =	vld [tilespmem:s6+$0xFFFFFFB0];
	_ =	sdelay $0x2  }
0x193: {  	v37 =	vmul.f32 v37, v34;
	v38 =	vmul.f32 v38, v35;
	_ =	sdelay $0x1  }
0x194: {  	v37 =	vmul.f32 v62, v37;
	v38 =	vmul.f32 v63, v38;
	_ =	sdelay $0x1  }
0x195: {  	v37 =	vadd.f32 v38, v37;
	_ =	sdelay $0x1  }
0x196: {  	(xrf2) =	vadd.scan.msk.f32 $0xffff, v37;
	_ =	sdelay $0x9  }
0x197: {  	v37, _, _ =	vpop (xrf2)  }
0x198: {  	[tilespmem:s6+$0xFFFFFFA0] =	vst v37  }
0x199: {  	v37 =	vld @!p0 [tilespmem:s7+$0x0];
	_ =	sdelay $0x4  }
0x19a: {  	(v2sf) =	vpush @!p0 v37, $0x5  }
0x19b: {  	(v2sf) =	vpush v36, $0x6;
	_ =	sdelay $0xd  }
0x19c: {  	s0 =	spop @!p0 (v2sf)  }
0x19d: {  	s3 =	spop (v2sf)  }
0x19e: {  	s0 =	sand.u32 @!p0 $0xFFFFF80, s0;
	s1 =	sand.u32 $0x7F, s3  }
0x19f: {  	s0 =	sadd.s32 @!p0 s10, s0;
	s3 =	simm.s32 @!p0 $0x9400;
	v44 =	vor.u32 s1, v12  }
0x1a0: {  	[tilespmem:s3], [sflag:$0x7] =	stream.strided.gather @!p0 [hbm4b:s0+s8], $0x1000, s9, s8, $0x38;
	v45 =	vor.u32 s1, v13;
	[tilespmem:$0x14680] =	vst v63  }
0x1a1: {  	_ =	swait.ge [sflag:s18], $0x1000  }
0x1a2: {  	[sflag:s18] =	ssyncset.done $0x0  }
0x1a3: {  	[sflag:s18] =	ssyncadd.s32 $0xFFFFF000  }
0x1a4: {  	v37 =	vld.idx.msk [tilespmem:v44+s11+$0x0], $0xffff  }
0x1a5: {  	v38 =	vld.idx.msk [tilespmem:v45+s11+$0x0], $0xffff  }
0x1a6: {  	v46 =	vld [tilespmem:s6+$0xFFFFFFC0]  }
0x1a7: {  	v47 =	vld [tilespmem:s6+$0xFFFFFFD0];
	_ =	sdelay $0x2  }
0x1a8: {  	v37 =	vmul.f32 v37, v34;
	v38 =	vmul.f32 v38, v35;
	_ =	sdelay $0x1  }
0x1a9: {  	v37 =	vmul.f32 v46, v37;
	v38 =	vmul.f32 v47, v38;
	_ =	sdelay $0x1  }
0x1aa: {  	v37 =	vadd.f32 v38, v37;
	_ =	sdelay $0x1  }
0x1ab: {  	(xrf2) =	vadd.scan.msk.f32 $0xffff, v37;
	_ =	sdelay $0x9  }
0x1ac: {  	v37, _, _ =	vpop (xrf2)  }
0x1ad: {  	[tilespmem:s6+$0xFFFFFFC0] =	vst v37  }
0x1ae: {  	v37 =	vld @!p0 [tilespmem:s7+$0x0];
	_ =	sdelay $0x4  }
0x1af: {  	(v2sf) =	vpush @!p0 v37, $0x6  }
0x1b0: {  	(v2sf) =	vpush v36, $0x7;
	_ =	sdelay $0xd  }
0x1b1: {  	s0 =	spop @!p0 (v2sf)  }
0x1b2: {  	s30 =	spop (v2sf)  }
0x1b3: {  	s0 =	sand.u32 @!p0 $0xFFFFF80, s0;
	s1 =	sand.u32 $0x7F, s30  }
0x1b4: {  	s3 =	simm.s32 @!p0 $0xA400;
	s0 =	sadd.s32 @!p0 s10, s0;
	v48 =	vor.u32 s1, v14  }
0x1b5: {  	[tilespmem:s3], [sflag:$0x8] =	stream.strided.gather @!p0 [hbm4b:s0+s8], $0x1000, s9, s8, $0x38;
	v49 =	vor.u32 s1, v15;
	[tilespmem:$0x14680] =	vst v63  }
0x1b6: {  	_ =	swait.ge [sflag:s19], $0x1000  }
0x1b7: {  	[sflag:s19] =	ssyncset.done $0x0  }
0x1b8: {  	[sflag:s19] =	ssyncadd.s32 $0xFFFFF000  }
0x1b9: {  	v37 =	vld.idx.msk [tilespmem:v48+s11+$0x0], $0xffff  }
0x1ba: {  	v38 =	vld.idx.msk [tilespmem:v49+s11+$0x0], $0xffff  }
0x1bb: {  	v50 =	vld [tilespmem:s6+$0xFFFFFFE0]  }
0x1bc: {  	v51 =	vld [tilespmem:s6+$0xFFFFFFF0];
	_ =	sdelay $0x2  }
0x1bd: {  	v37 =	vmul.f32 v37, v34;
	v38 =	vmul.f32 v38, v35;
	_ =	sdelay $0x1  }
0x1be: {  	v37 =	vmul.f32 v50, v37;
	v38 =	vmul.f32 v51, v38;
	_ =	sdelay $0x1  }
0x1bf: {  	v37 =	vadd.f32 v38, v37;
	_ =	sdelay $0x1  }
0x1c0: {  	(xrf2) =	vadd.scan.msk.f32 $0xffff, v37;
	_ =	sdelay $0x9  }
0x1c1: {  	v37, _, _ =	vpop (xrf2)  }
0x1c2: {  	[tilespmem:s6+$0xFFFFFFE0] =	vst v37  }
0x1c3: {  	v37 =	vld @!p0 [tilespmem:s7+$0x0];
	_ =	sdelay $0x4  }
0x1c4: {  	(v2sf) =	vpush @!p0 v37, $0x7  }
0x1c5: {  	(v2sf) =	vpush v36, $0x8;
	_ =	sdelay $0xd  }
0x1c6: {  	s0 =	spop @!p0 (v2sf)  }
0x1c7: {  	s3 =	spop (v2sf)  }
0x1c8: {  	s0 =	sand.u32 @!p0 $0xFFFFF80, s0;
	s1 =	sand.u32 $0x7F, s3  }
0x1c9: {  	s0 =	sadd.s32 @!p0 s10, s0;
	s3 =	simm.s32 @!p0 $0xB400;
	v52 =	vor.u32 s1, v16  }
0x1ca: {  	[tilespmem:s3], [sflag:$0x9] =	stream.strided.gather @!p0 [hbm4b:s0+s8], $0x1000, s9, s8, $0x38;
	v53 =	vor.u32 s1, v17;
	[tilespmem:$0x14680] =	vst v63  }
0x1cb: {  	_ =	swait.ge [sflag:s20], $0x1000  }
0x1cc: {  	[sflag:s20] =	ssyncset.done $0x0  }
0x1cd: {  	[sflag:s20] =	ssyncadd.s32 $0xFFFFF000  }
0x1ce: {  	v37 =	vld.idx.msk [tilespmem:v52+s11+$0x0], $0xffff  }
0x1cf: {  	v38 =	vld.idx.msk [tilespmem:v53+s11+$0x0], $0xffff  }
0x1d0: {  	v54 =	vld [tilespmem:s6+$0x0]  }
0x1d1: {  	v55 =	vld [tilespmem:s6+$0x10];
	_ =	sdelay $0x2  }
0x1d2: {  	v37 =	vmul.f32 v37, v34;
	v38 =	vmul.f32 v38, v35;
	_ =	sdelay $0x1  }
0x1d3: {  	v37 =	vmul.f32 v54, v37;
	v38 =	vmul.f32 v55, v38;
	_ =	sdelay $0x1  }
0x1d4: {  	v37 =	vadd.f32 v38, v37;
	_ =	sdelay $0x1  }
0x1d5: {  	(xrf2) =	vadd.scan.msk.f32 $0xffff, v37;
	_ =	sdelay $0x9  }
0x1d6: {  	v37, _, _ =	vpop (xrf2)  }
0x1d7: {  	[tilespmem:s6+$0x0] =	vst v37  }
0x1d8: {  	v37 =	vld @!p0 [tilespmem:s7+$0x0];
	_ =	sdelay $0x4  }
0x1d9: {  	(v2sf) =	vpush @!p0 v37, $0x8  }
0x1da: {  	(v2sf) =	vpush v36, $0x9;
	_ =	sdelay $0xd  }
0x1db: {  	s0 =	spop @!p0 (v2sf)  }
0x1dc: {  	s30 =	spop (v2sf)  }
0x1dd: {  	s0 =	sand.u32 @!p0 $0xFFFFF80, s0;
	s1 =	sand.u32 $0x7F, s30  }
0x1de: {  	s3 =	simm.s32 @!p0 $0xC400;
	s0 =	sadd.s32 @!p0 s10, s0;
	v56 =	vor.u32 s1, v18  }
0x1df: {  	[tilespmem:s3], [sflag:$0xA] =	stream.strided.gather @!p0 [hbm4b:s0+s8], $0x1000, s9, s8, $0x38;
	v57 =	vor.u32 s1, v19;
	[tilespmem:$0x14680] =	vst v63  }
0x1e0: {  	_ =	swait.ge [sflag:s21], $0x1000  }
0x1e1: {  	[sflag:s21] =	ssyncset.done $0x0  }
0x1e2: {  	[sflag:s21] =	ssyncadd.s32 $0xFFFFF000  }
0x1e3: {  	v37 =	vld.idx.msk [tilespmem:v56+s11+$0x0], $0xffff  }
0x1e4: {  	v38 =	vld.idx.msk [tilespmem:v57+s11+$0x0], $0xffff  }
0x1e5: {  	v58 =	vld [tilespmem:s6+$0x20]  }
0x1e6: {  	v59 =	vld [tilespmem:s6+$0x30];
	_ =	sdelay $0x2  }
0x1e7: {  	v37 =	vmul.f32 v37, v34;
	v38 =	vmul.f32 v38, v35;
	_ =	sdelay $0x1  }
0x1e8: {  	v37 =	vmul.f32 v58, v37;
	v38 =	vmul.f32 v59, v38;
	_ =	sdelay $0x1  }
0x1e9: {  	v37 =	vadd.f32 v38, v37;
	_ =	sdelay $0x1  }
0x1ea: {  	(xrf2) =	vadd.scan.msk.f32 $0xffff, v37;
	_ =	sdelay $0x9  }
0x1eb: {  	v37, _, _ =	vpop (xrf2)  }
0x1ec: {  	[tilespmem:s6+$0x20] =	vst v37  }
0x1ed: {  	v37 =	vld @!p0 [tilespmem:s7+$0x0];
	_ =	sdelay $0x4  }
0x1ee: {  	(v2sf) =	vpush @!p0 v37, $0x9  }
0x1ef: {  	(v2sf) =	vpush v36, $0xA;
	_ =	sdelay $0xd  }
0x1f0: {  	s0 =	spop @!p0 (v2sf)  }
0x1f1: {  	s3 =	spop (v2sf)  }
0x1f2: {  	s0 =	sand.u32 @!p0 $0xFFFFF80, s0;
	s1 =	sand.u32 $0x7F, s3  }
0x1f3: {  	s0 =	sadd.s32 @!p0 s10, s0;
	s3 =	simm.s32 @!p0 $0xD400;
	v60 =	vor.u32 s1, v20  }
0x1f4: {  	[tilespmem:s3], [sflag:$0xB] =	stream.strided.gather @!p0 [hbm4b:s0+s8], $0x1000, s9, s8, $0x38;
	v61 =	vor.u32 s1, v21;
	[tilespmem:$0x14680] =	vst v63  }
0x1f5: {  	_ =	swait.ge [sflag:s22], $0x1000  }
0x1f6: {  	[sflag:s22] =	ssyncset.done $0x0  }
0x1f7: {  	[sflag:s22] =	ssyncadd.s32 $0xFFFFF000  }
0x1f8: {  	v37 =	vld.idx.msk [tilespmem:v60+s11+$0x0], $0xffff  }
0x1f9: {  	v38 =	vld.idx.msk [tilespmem:v61+s11+$0x0], $0xffff  }
0x1fa: {  	v62 =	vld [tilespmem:s6+$0x40]  }
0x1fb: {  	v63 =	vld [tilespmem:s6+$0x50];
	_ =	sdelay $0x2  }
0x1fc: {  	v37 =	vmul.f32 v37, v34;
	v38 =	vmul.f32 v38, v35;
	_ =	sdelay $0x1  }
0x1fd: {  	v37 =	vmul.f32 v62, v37;
	v38 =	vmul.f32 v63, v38;
	_ =	sdelay $0x1  }
0x1fe: {  	v37 =	vadd.f32 v38, v37;
	_ =	sdelay $0x1  }
0x1ff: {  	(xrf2) =	vadd.scan.msk.f32 $0xffff, v37;
	_ =	sdelay $0x9  }
0x200: {  	v37, _, _ =	vpop (xrf2)  }
0x201: {  	[tilespmem:s6+$0x40] =	vst v37  }
0x202: {  	v37 =	vld @!p0 [tilespmem:s7+$0x0];
	_ =	sdelay $0x4  }
0x203: {  	(v2sf) =	vpush @!p0 v37, $0xA  }
0x204: {  	(v2sf) =	vpush v36, $0xB;
	_ =	sdelay $0xd  }
0x205: {  	s0 =	spop @!p0 (v2sf)  }
0x206: {  	s30 =	spop (v2sf)  }
0x207: {  	s0 =	sand.u32 @!p0 $0xFFFFF80, s0;
	s1 =	sand.u32 $0x7F, s30  }
0x208: {  	s3 =	simm.s32 @!p0 $0xE400;
	s0 =	sadd.s32 @!p0 s10, s0;
	v44 =	vor.u32 s1, v22  }
0x209: {  	[tilespmem:s3], [sflag:$0xC] =	stream.strided.gather @!p0 [hbm4b:s0+s8], $0x1000, s9, s8, $0x38;
	v45 =	vor.u32 s1, v23;
	[tilespmem:$0x14680] =	vst v63  }
0x20a: {  	_ =	swait.ge [sflag:s23], $0x1000  }
0x20b: {  	[sflag:s23] =	ssyncset.done $0x0  }
0x20c: {  	[sflag:s23] =	ssyncadd.s32 $0xFFFFF000  }
0x20d: {  	v37 =	vld.idx.msk [tilespmem:v44+s11+$0x0], $0xffff  }
0x20e: {  	v38 =	vld.idx.msk [tilespmem:v45+s11+$0x0], $0xffff  }
0x20f: {  	v46 =	vld [tilespmem:s6+$0x60]  }
0x210: {  	v47 =	vld [tilespmem:s6+$0x70];
	_ =	sdelay $0x2  }
0x211: {  	v37 =	vmul.f32 v37, v34;
	v38 =	vmul.f32 v38, v35;
	_ =	sdelay $0x1  }
0x212: {  	v37 =	vmul.f32 v46, v37;
	v38 =	vmul.f32 v47, v38;
	_ =	sdelay $0x1  }
0x213: {  	v37 =	vadd.f32 v38, v37;
	_ =	sdelay $0x1  }
0x214: {  	(xrf2) =	vadd.scan.msk.f32 $0xffff, v37;
	_ =	sdelay $0x9  }
0x215: {  	v37, _, _ =	vpop (xrf2)  }
0x216: {  	[tilespmem:s6+$0x60] =	vst v37  }
0x217: {  	v37 =	vld @!p0 [tilespmem:s7+$0x0];
	_ =	sdelay $0x4  }
0x218: {  	(v2sf) =	vpush @!p0 v37, $0xB  }
0x219: {  	(v2sf) =	vpush v36, $0xC;
	_ =	sdelay $0xd  }
0x21a: {  	s0 =	spop @!p0 (v2sf)  }
0x21b: {  	s3 =	spop (v2sf)  }
0x21c: {  	s0 =	sand.u32 @!p0 $0xFFFFF80, s0;
	s1 =	sand.u32 $0x7F, s3  }
0x21d: {  	s0 =	sadd.s32 @!p0 s10, s0;
	s3 =	simm.s32 @!p0 $0xF400;
	v48 =	vor.u32 s1, v24  }
0x21e: {  	[tilespmem:s3], [sflag:$0xD] =	stream.strided.gather @!p0 [hbm4b:s0+s8], $0x1000, s9, s8, $0x38;
	v49 =	vor.u32 s1, v25;
	[tilespmem:$0x14680] =	vst v63  }
0x21f: {  	_ =	swait.ge [sflag:s24], $0x1000  }
0x220: {  	[sflag:s24] =	ssyncset.done $0x0  }
0x221: {  	[sflag:s24] =	ssyncadd.s32 $0xFFFFF000  }
0x222: {  	v37 =	vld.idx.msk [tilespmem:v48+s11+$0x0], $0xffff  }
0x223: {  	v38 =	vld.idx.msk [tilespmem:v49+s11+$0x0], $0xffff  }
0x224: {  	v50 =	vld [tilespmem:s6+$0x80]  }
0x225: {  	v51 =	vld [tilespmem:s6+$0x90];
	_ =	sdelay $0x2  }
0x226: {  	v37 =	vmul.f32 v37, v34;
	v38 =	vmul.f32 v38, v35;
	_ =	sdelay $0x1  }
0x227: {  	v37 =	vmul.f32 v50, v37;
	v38 =	vmul.f32 v51, v38;
	_ =	sdelay $0x1  }
0x228: {  	v37 =	vadd.f32 v38, v37;
	_ =	sdelay $0x1  }
0x229: {  	(xrf2) =	vadd.scan.msk.f32 $0xffff, v37;
	_ =	sdelay $0x9  }
0x22a: {  	v37, _, _ =	vpop (xrf2)  }
0x22b: {  	[tilespmem:s6+$0x80] =	vst v37  }
0x22c: {  	v37 =	vld @!p0 [tilespmem:s7+$0x0];
	_ =	sdelay $0x4  }
0x22d: {  	(v2sf) =	vpush @!p0 v37, $0xC  }
0x22e: {  	(v2sf) =	vpush v36, $0xD;
	_ =	sdelay $0xd  }
0x22f: {  	s0 =	spop @!p0 (v2sf)  }
0x230: {  	s30 =	spop (v2sf)  }
0x231: {  	s0 =	sand.u32 @!p0 $0xFFFFF80, s0;
	s1 =	sand.u32 $0x7F, s30  }
0x232: {  	s3 =	simm.s32 @!p0 $0x10400;
	s0 =	sadd.s32 @!p0 s10, s0;
	v52 =	vor.u32 s1, v26  }
0x233: {  	[tilespmem:s3], [sflag:$0xE] =	stream.strided.gather @!p0 [hbm4b:s0+s8], $0x1000, s9, s8, $0x38;
	v53 =	vor.u32 s1, v27;
	[tilespmem:$0x14680] =	vst v63  }
0x234: {  	_ =	swait.ge [sflag:s25], $0x1000  }
0x235: {  	[sflag:s25] =	ssyncset.done $0x0  }
0x236: {  	[sflag:s25] =	ssyncadd.s32 $0xFFFFF000  }
0x237: {  	v37 =	vld.idx.msk [tilespmem:v52+s11+$0x0], $0xffff  }
0x238: {  	v38 =	vld.idx.msk [tilespmem:v53+s11+$0x0], $0xffff  }
0x239: {  	v54 =	vld [tilespmem:s6+$0xA0]  }
0x23a: {  	v55 =	vld [tilespmem:s6+$0xB0];
	_ =	sdelay $0x2  }
0x23b: {  	v37 =	vmul.f32 v37, v34;
	v38 =	vmul.f32 v38, v35;
	_ =	sdelay $0x1  }
0x23c: {  	v37 =	vmul.f32 v54, v37;
	v38 =	vmul.f32 v55, v38;
	_ =	sdelay $0x1  }
0x23d: {  	v37 =	vadd.f32 v38, v37;
	_ =	sdelay $0x1  }
0x23e: {  	(xrf2) =	vadd.scan.msk.f32 $0xffff, v37;
	_ =	sdelay $0x9  }
0x23f: {  	v37, _, _ =	vpop (xrf2)  }
0x240: {  	[tilespmem:s6+$0xA0] =	vst v37  }
0x241: {  	v37 =	vld @!p0 [tilespmem:s7+$0x0];
	_ =	sdelay $0x4  }
0x242: {  	(v2sf) =	vpush @!p0 v37, $0xD  }
0x243: {  	(v2sf) =	vpush v36, $0xE;
	_ =	sdelay $0xd  }
0x244: {  	s0 =	spop @!p0 (v2sf)  }
0x245: {  	s3 =	spop (v2sf)  }
0x246: {  	s0 =	sand.u32 @!p0 $0xFFFFF80, s0;
	s1 =	sand.u32 $0x7F, s3  }
0x247: {  	s0 =	sadd.s32 @!p0 s10, s0;
	s3 =	simm.s32 @!p0 $0x11400;
	v56 =	vor.u32 s1, v28  }
0x248: {  	[tilespmem:s3], [sflag:$0xF] =	stream.strided.gather @!p0 [hbm4b:s0+s8], $0x1000, s9, s8, $0x38;
	v57 =	vor.u32 s1, v29;
	[tilespmem:$0x14680] =	vst v63  }
0x249: {  	_ =	swait.ge [sflag:s26], $0x1000  }
0x24a: {  	[sflag:s26] =	ssyncset.done $0x0  }
0x24b: {  	[sflag:s26] =	ssyncadd.s32 $0xFFFFF000  }
0x24c: {  	v37 =	vld.idx.msk [tilespmem:v56+s11+$0x0], $0xffff  }
0x24d: {  	v38 =	vld.idx.msk [tilespmem:v57+s11+$0x0], $0xffff  }
0x24e: {  	v58 =	vld [tilespmem:s6+$0xC0]  }
0x24f: {  	v59 =	vld [tilespmem:s6+$0xD0];
	_ =	sdelay $0x2  }
0x250: {  	v37 =	vmul.f32 v37, v34;
	v38 =	vmul.f32 v38, v35;
	_ =	sdelay $0x1  }
0x251: {  	v37 =	vmul.f32 v58, v37;
	v38 =	vmul.f32 v59, v38;
	_ =	sdelay $0x1  }
0x252: {  	v37 =	vadd.f32 v38, v37;
	_ =	sdelay $0x1  }
0x253: {  	(xrf2) =	vadd.scan.msk.f32 $0xffff, v37;
	_ =	sdelay $0x9  }
0x254: {  	v37, _, _ =	vpop (xrf2)  }
0x255: {  	[tilespmem:s6+$0xC0] =	vst v37  }
0x256: {  	v37 =	vld @!p0 [tilespmem:s7+$0x0];
	_ =	sdelay $0x4  }
0x257: {  	(v2sf) =	vpush @!p0 v37, $0xE  }
0x258: {  	(v2sf) =	vpush v36, $0xF;
	_ =	sdelay $0xd  }
0x259: {  	s0 =	spop @!p0 (v2sf)  }
0x25a: {  	s30 =	spop (v2sf)  }
0x25b: {  	s0 =	sand.u32 @!p0 $0xFFFFF80, s0;
	s1 =	sand.u32 $0x7F, s30  }
0x25c: {  	s3 =	simm.s32 @!p0 $0x12400;
	s0 =	sadd.s32 @!p0 s10, s0;
	v60 =	vor.u32 s1, v30  }
0x25d: {  	[tilespmem:s3], [sflag:$0x10] =	stream.strided.gather @!p0 [hbm4b:s0+s8], $0x1000, s9, s8, $0x38;
	v61 =	vor.u32 s1, v31;
	[tilespmem:$0x14680] =	vst v63  }
0x25e: {  	_ =	swait.ge [sflag:s28], $0x1000  }
0x25f: {  	[sflag:s28] =	ssyncset.done $0x0  }
0x260: {  	[sflag:s28] =	ssyncadd.s32 $0xFFFFF000  }
0x261: {  	v36 =	vld.idx.msk [tilespmem:v60+s11+$0x0], $0xffff  }
0x262: {  	v37 =	vld.idx.msk [tilespmem:v61+s11+$0x0], $0xffff  }
0x263: {  	v62 =	vld [tilespmem:s6+$0xE0]  }
0x264: {  	v63 =	vld [tilespmem:s6+$0xF0];
	_ =	sdelay $0x2  }
0x265: {  	v36 =	vmul.f32 v36, v34;
	v37 =	vmul.f32 v37, v35;
	_ =	sdelay $0x1  }
0x266: {  	v36 =	vmul.f32 v62, v36;
	v37 =	vmul.f32 v63, v37;
	_ =	sdelay $0x1  }
0x267: {  	v36 =	vadd.f32 v37, v36;
	_ =	sdelay $0x1  }
0x268: {  	(xrf2) =	vadd.scan.msk.f32 $0xffff, v36;
	_ =	sdelay $0x9  }
0x269: {  	v36, _, _ =	vpop (xrf2)  }
0x26a: {  	[tilespmem:s6+$0xE0] =	vst v36  }
0x26b: {  	v36 =	vld @!p0 [tilespmem:s7+$0x0];
	_ =	sdelay $0x4  }
0x26c: {  	(v2sf) =	vpush @!p0 v36, $0xF;
	_ =	sdelay $0xa  }
0x26d: {  	s31 =	sadd.s32 @!p0 $0x40, s31  }
0x26e: {  	p1 =	sne.s32 @!p0 s31, $0x840  }
0x26f: {  	p1 =	por p0, !p1  }
.Ltmp1:
0x270: {  	_ = 	snop;
	(pc) =	sbr.rel @!p1 .LBB2_4-.Ltmp1, $4  }
0x271: {  	s0 =	spop @!p0 (v2sf)  }
0x272: {  	s29 =	sadd.s32 @!p0 $0x10, s29;
	s0 =	sand.u32 @!p0 $0xFFFFF80, s0  }
0x273: {  	s1 =	simm.s32 @!p0 $0x13400;
	s6 =	sadd.s32 @!p0 $0x200, s6;
	s0 =	sadd.s32 @!p0 s10, s0  }
0x274: {  	[tilespmem:s1], [sflag:$0x11] =	stream.strided.gather @!p0 [hbm4b:s0+s8], $0x1000, s9, s8, $0x38;
	[tilespmem:$0x14680] =	vst v63  }
0x275: {  	s0 =	simm.s32 $0x0  }
0x276: {  	v34 =	vmov s0  }
0x277: {  	v34 =	vshll.u32 v34, $0x5  }
0x278: {  	v34 =	vor.u32 v32, v34  }
0x279: {  	v34 =	vor.u32 $0xF, v34;
	_ =	sdelay $0x3  }
0x27a: {  	s30 =	simm.s32 $0x10  }
0x27b: {  	v35 =	vmov s30;
	v34 =	vld.idx.msk [tilespmem:v34+s13+$0x0], $0xffff  }
0x27c: {  	v35 =	vshll.u32 v35, $0x5  }
0x27d: {  	v35 =	vor.u32 v32, v35  }
0x27e: {  	v35 =	vor.u32 $0xF, v35;
	_ =	sdelay $0x1  }
0x27f: {  	v34 =	vadd.f32 v34, v33  }
0x280: {  	s0 =	simm.s32 $0x144A0  }
0x281: {  	s1 =	simm.s32 $0x20;
	[tilespmem:s0+$0xFFFFFFE0] =	vst v34  }
0x282: {  	v62 =	vmov s1;
	v34 =	vld.idx.msk [tilespmem:v35+s13+$0x0], $0xffff  }
0x283: {  	v35 =	vshll.u32 v62, $0x5  }
0x284: {  	v35 =	vor.u32 v32, v35  }
0x285: {  	v35 =	vor.u32 $0xF, v35;
	_ =	sdelay $0x1  }
0x286: {  	v34 =	vadd.f32 v34, v33;
	_ =	sdelay $0x1  }
0x287: {  	s31 =	simm.s32 $0x30;
	[tilespmem:s0+$0xFFFFFFF0] =	vst v34  }
0x288: {  	v63 =	vmov s31;
	v34 =	vld.idx.msk [tilespmem:v35+s13+$0x0], $0xffff  }
0x289: {  	v35 =	vshll.u32 v63, $0x5  }
0x28a: {  	v35 =	vor.u32 v32, v35  }
0x28b: {  	v35 =	vor.u32 $0xF, v35;
	_ =	sdelay $0x1  }
0x28c: {  	v34 =	vadd.f32 v34, v33;
	_ =	sdelay $0x1  }
0x28d: {  	[tilespmem:s0+$0x0] =	vst v34  }
0x28e: {  	s3 =	simm.s32 $0x0;
	s4 =	simm.s32 $0x40;
	v34 =	vld.idx.msk [tilespmem:v35+s13+$0x0], $0xffff  }
.LBB2_6:
0x28f: {  	v35 =	vmov s4;
	s3 =	sadd.s32 $0x4, s3  }
0x290: {  	v35 =	vshll.u32 v35, $0x5;
	p0 =	slt.u32 s3, $0x1C  }
0x291: {  	v35 =	vor.u32 v32, v35  }
0x292: {  	v35 =	vor.u32 $0xF, v35;
	_ =	sdelay $0x1  }
0x293: {  	v34 =	vadd.f32 v34, v33;
	_ =	sdelay $0x1  }
0x294: {  	[tilespmem:s0+$0x10] =	vst v34  }
0x295: {  	s1 =	sadd.s32 $0x10, s4;
	v34 =	vld.idx.msk [tilespmem:v35+s13+$0x0], $0xffff  }
0x296: {  	v35 =	vmov s1  }
0x297: {  	v35 =	vshll.u32 v35, $0x5  }
0x298: {  	v35 =	vor.u32 v32, v35  }
0x299: {  	v35 =	vor.u32 $0xF, v35;
	_ =	sdelay $0x1  }
0x29a: {  	v34 =	vadd.f32 v34, v33  }
0x29b: {  	s0 =	sadd.s32 $0x40, s0  }
0x29c: {  	[tilespmem:s0+$0xFFFFFFE0] =	vst v34  }
0x29d: {  	s1 =	sadd.s32 $0x20, s4;
	v34 =	vld.idx.msk [tilespmem:v35+s13+$0x0], $0xffff  }
0x29e: {  	v35 =	vmov s1  }
0x29f: {  	v35 =	vshll.u32 v35, $0x5  }
0x2a0: {  	v35 =	vor.u32 v32, v35  }
0x2a1: {  	v35 =	vor.u32 $0xF, v35;
	_ =	sdelay $0x1  }
0x2a2: {  	v34 =	vadd.f32 v34, v33;
	_ =	sdelay $0x1  }
0x2a3: {  	[tilespmem:s0+$0xFFFFFFF0] =	vst v34  }
0x2a4: {  	s1 =	sadd.s32 $0x30, s4;
	v34 =	vld.idx.msk [tilespmem:v35+s13+$0x0], $0xffff  }
0x2a5: {  	v35 =	vmov s1  }
0x2a6: {  	v35 =	vshll.u32 v35, $0x5  }
0x2a7: {  	v35 =	vor.u32 v32, v35  }
0x2a8: {  	v35 =	vor.u32 $0xF, v35  }
.Ltmp2:
0x2a9: {  	(pc) =	sbr.rel @p0 .LBB2_6-.Ltmp2, $3  }
0x2aa: {  	v34 =	vadd.f32 v34, v33;
	_ =	sdelay $0x1  }
0x2ab: {  	[tilespmem:s0+$0x0] =	vst v34  }
0x2ac: {  	s4 =	sadd.s32 $0x40, s4;
	v34 =	vld.idx.msk [tilespmem:v35+s13+$0x0], $0xffff  }
0x2ad: {  	_ =	sdelay $0x3  }
0x2ae: {  	v33 =	vadd.f32 v34, v33;
	_ =	sdelay $0x1  }
0x2af: {  	s30 =	rddreg [dreg:$0x9];
	s1 =	simm.s32 $0x14480;
	[tilespmem:s0+$0x10] =	vst v33  }
0x2b0: {  	[hbm4b:s30+s5] =	stream.linear.scatter [tilespmem:s1], [sflag:$0x12], $0x200, $0x38;
	[tilespmem:$0x14680] =	vst v63  }
0x2b1: {  	s1 =	simm.s32 $0x12  }
0x2b2: {  	_ =	swait.ge [sflag:s1], $0x200  }
0x2b3: {  	s3 =	rddreg [dreg:$0xb]  }
0x2b4: {  	s31 =	rddreg [dreg:$0xa];
	s3 =	sadd.s32 $0x1, s3  }
0x2b5: {  	p0 =	sne.s32 s3, s31  }
.Ltmp3:
0x2b6: {  	_ = 	snop;
	(pc) =	sbr.rel @p0 .LBB2_1-.Ltmp3, $3  }
0x2b7: {  	_ =	sdelay $0x1  }
0x2b8: {  	[sflag:s1] =	ssyncset.done $0x0  }
0x2b9: {  	[sflag:s1] =	ssyncadd.s32 $0xFFFFFE00  }
0x2ba: {  	_ =	sfence.sel $0x180000  }
0x2bb: {  	[bflag:$0x0] =	sbarrier.arrive $0xFFFF  }
0x2bc: {  	_ =	strace $0x90000047  }
0x2bd: {  	s0 =	stileid.u32;
	[bflag:$0x2] =	sbarrier.arrive $0xFFFF  }
0x2be: {  	p0 =	sne.s32 s0, $0x0;
	s0 =	rddreg [dreg:$0x6]  }
0x2bf: {  	s0 =	sadd.s32 @!p0 $0x100000, s0  }
0x2c0: {  	[sflag:s0] =	ssyncadd.tile.s32 @!p0 $0x1;
	_ =	shalt  }
.Lfunc_end2:
_tile_overlayer_lowered:
.L_overlay_start_2:
0x2c1: {  	(tag) =	ssettag $0x2  }
0x2c2: {  	s0 =	rddreg [dreg:$0x0];
	s2 =	stileid.u32  }
0x2c3: {  	s1 =	rddreg [dreg:$0x1];
	p0 =	sne.s32 s2, $0x0  }
0x2c4: {  	s3 =	rddreg [dreg:$0x2];
	[bflag:$0x3] =	sbarrier.arrive $0xFFFF;
	s2 =	simm.s32 @!p0 $0x1C12  }
0x2c5: {  	[timem:s3], [sflag:s2] =	dma.local @!p0 [hbm:s0], s1  }
0x2c6: {  	s0 =	simm.s32 @!p0 $0x12  }
0x2c7: {  	_ =	swait.ge @!p0 [sflag:s0], s1  }
0x2c8: {  	s1 =	ssub.s32 @!p0 $0x0, s1;
	[sflag:s0] =	ssyncset.done @!p0 $0x0  }
0x2c9: {  	[sflag:s0] =	ssyncadd.s32 @!p0 s1  }
0x2ca: {  	[bflag:$0x3] =	sbarrier.arrive $0xFFFF  }
0x2cb: {  	_ =	shalt  }

</sc_bundles>
